<compile_context>
chip_gen: v7x
topology: tpu7x:2x2x1
jax: 0.10.2.dev20260603
libtpu: 0.0.44.dev20260713+nightly
codegen_flags: <defaults>
</compile_context>

<pallas_src>
import jax
import jax.numpy as jnp
from jax import lax
from jax.experimental import pallas as pl
from jax.experimental.pallas import tpu as pltpu
from jax.experimental.pallas import tpu_sc as plsc

N = 10000
E = 320000
F = 128
FH = 64
HEADS = 4
CH = 32
NC = 2
NS = 16
ET = E // NS
K = 80
NCHUNK = ET // K
RPS = N // NS
BR = 2000
GRID = N // BR

_f32 = jnp.float32



def _scale_from_den(den):
    lane = lax.broadcasted_iota(jnp.int32, (1, F), 1)
    scale = jnp.zeros((den.shape[0], F), jnp.float32)
    for h in range(HEADS):
        r = 1.0 / (den[:, h:h + 1] + 1e-16)
        m = jnp.where((lane >= h * CH) & (lane < (h + 1) * CH), 1.0, 0.0)
        scale = scale + r * m
    return scale


def _store_split(h_ref, hn):
    h_ref[0] = hn[:, :FH]
    h_ref[1] = hn[:, FH:]


def _tc_prep_body(x_ref, w_ref, a_ref, h_ref, asd_ref):
    hn = jnp.dot(x_ref[:], w_ref[:], preferred_element_type=_f32)
    _store_split(h_ref, hn)
    asd_ref[:] = jnp.dot(hn, a_ref[:], preferred_element_type=_f32)


def _tc_comb_body(num_ref, den_ref, b_ref, x_ref, w_ref, a_ref, h_ref, asd_ref):
    num = jnp.concatenate([num_ref[0], num_ref[1]], axis=1)
    den = den_ref[0]
    g = num * _scale_from_den(den) + b_ref[:]
    y = jnp.maximum(g, 0.0) + x_ref[:]
    hn = jnp.dot(y, w_ref[:], preferred_element_type=_f32)
    _store_split(h_ref, hn)
    asd_ref[:] = jnp.dot(hn, a_ref[:], preferred_element_type=_f32)


def _tc_final_body(num_ref, den_ref, b_ref, x_ref, o_ref):
    num = jnp.concatenate([num_ref[0], num_ref[1]], axis=1)
    den = den_ref[0]
    g = num * _scale_from_den(den) + b_ref[:]
    o_ref[:] = jnp.maximum(g + x_ref[:], 0.0)


def _b3(i):
    return (0, i, 0)


def _b2(i):
    return (i, 0)


def _b0(i):
    return (0, 0)


_hsplit_spec = pl.BlockSpec((NC, BR, FH), _b3)
_asd_spec = pl.BlockSpec((BR, 8), _b2)
_num_spec = pl.BlockSpec((NC, BR, FH), _b3)
_den_spec = pl.BlockSpec((NC, BR, 8), _b3)
_x_spec = pl.BlockSpec((BR, F), _b2)
_w_spec = pl.BlockSpec((F, F), _b0)
_a_spec = pl.BlockSpec((F, 8), _b0)
_bias_spec = pl.BlockSpec((1, F), _b0)

_tc_prep = pl.pallas_call(
    _tc_prep_body,
    grid=(GRID,),
    in_specs=[_x_spec, _w_spec, _a_spec],
    out_specs=(_hsplit_spec, _asd_spec),
    out_shape=(jax.ShapeDtypeStruct((NC, N, FH), _f32),
               jax.ShapeDtypeStruct((N, 8), _f32)),
)

_tc_comb = pl.pallas_call(
    _tc_comb_body,
    grid=(GRID,),
    in_specs=[_num_spec, _den_spec, _bias_spec, _x_spec, _w_spec, _a_spec],
    out_specs=(_hsplit_spec, _asd_spec),
    out_shape=(jax.ShapeDtypeStruct((NC, N, FH), _f32),
               jax.ShapeDtypeStruct((N, 8), _f32)),
)

_tc_final = pl.pallas_call(
    _tc_final_body,
    grid=(GRID,),
    in_specs=[_num_spec, _den_spec, _bias_spec, _x_spec],
    out_specs=pl.BlockSpec((BR, F), _b2),
    out_shape=jax.ShapeDtypeStruct((N, F), _f32),
)



def _sc_edge_body(h_hbm, asd_hbm, src_hbm, dst_hbm, znum_hbm, zden_hbm,
                  num_hbm, den_hbm,
                  asd_v, srcb, srcb2, dstb, rows, exr, sem, num_s, den_s):
    c = lax.axis_index("c")
    s = lax.axis_index("s")

    pltpu.sync_copy(asd_hbm, asd_v)
    rs = s * RPS
    pltpu.sync_copy(znum_hbm, num_s.at[pl.ds(rs, RPS)])
    pltpu.sync_copy(zden_hbm, den_s.at[pl.ds(rs, RPS)])
    pltpu.sync_copy(zden_hbm.at[pl.ds(0, K)], exr)
    plsc.subcore_barrier()

    ebase = s * ET
    hsel0 = jnp.full((16,), 2 * c, jnp.int32)
    hsel1 = hsel0 + 1
    coff = jnp.full((16,), c * N, jnp.int32)

    def chunk(ci, carry):
        b = ebase + ci * K
        pltpu.sync_copy(src_hbm.at[pl.ds(b, K)], srcb)
        pltpu.sync_copy(dst_hbm.at[pl.ds(b, K)], dstb)
        for g in range(K // 16):
            sl = pl.ds(g * 16, 16)
            srcb2[sl] = srcb[sl] + coff
        pltpu.async_copy(h_hbm.at[srcb2], rows, sem).wait()

        for g in range(K // 16):
            s16 = srcb[pl.ds(g * 16, 16)] * 8
            d16 = dstb[pl.ds(g * 16, 16)] * 8
            eids = lax.iota(jnp.int32, 16) + g * 16
            for h in range(HEADS):
                av = plsc.load_gather(asd_v, [s16 + h])
                dv = plsc.load_gather(asd_v, [d16 + (HEADS + h)])
                e = av + dv
                e = jnp.where(e >= 0.0, e, 0.2 * e)
                ex = jnp.exp(e)
                plsc.store_scatter(
                    exr, [eids, jnp.full((16,), h, jnp.int32)], ex)

        def edge_body(i, carry2):
            iv = jnp.full((16,), i, jnp.int32)
            ex0 = plsc.load_gather(exr, [iv, hsel0])
            ex1 = plsc.load_gather(exr, [iv, hsel1])
            for j in range(CH // 16):
                sl0 = pl.ds(j * 16, 16)
                rows[i, sl0] = rows[i, sl0] * ex0
                sl1 = pl.ds(CH + j * 16, 16)
                rows[i, sl1] = rows[i, sl1] * ex1
            return carry2
        lax.fori_loop(0, K, edge_body, 0)

        pltpu.sync_copy(rows, num_s.at[dstb], add=True)
        pltpu.sync_copy(exr, den_s.at[dstb], add=True)
        return carry

    lax.fori_loop(0, NCHUNK, chunk, 0)
    plsc.subcore_barrier()

    ob = c * N + rs
    pltpu.sync_copy(num_s.at[pl.ds(rs, RPS)], num_hbm.at[pl.ds(ob, RPS)])
    pltpu.sync_copy(den_s.at[pl.ds(rs, RPS)], den_hbm.at[pl.ds(ob, RPS)])


_sc_edge = pl.kernel(
    _sc_edge_body,
    out_type=(jax.ShapeDtypeStruct((NC * N, FH), _f32),
              jax.ShapeDtypeStruct((NC * N, 8), _f32)),
    mesh=plsc.VectorSubcoreMesh(core_axis_name="c", subcore_axis_name="s",
                                num_cores=NC, num_subcores=NS),
    compiler_params=pltpu.CompilerParams(needs_layout_passes=False,
                                         use_tc_tiling_on_sc=False),
    scratch_types=[
        pltpu.VMEM((N * 8,), _f32),
        pltpu.VMEM((K,), jnp.int32),
        pltpu.VMEM((K,), jnp.int32),
        pltpu.VMEM((K,), jnp.int32),
        pltpu.VMEM((K, FH), _f32),
        pltpu.VMEM((K, 8), _f32),
        pltpu.SemaphoreType.DMA,
        pltpu.VMEM_SHARED((N, FH), _f32),
        pltpu.VMEM_SHARED((N, 8), _f32),
    ],
)



def _pack_att(att_s, att_d):
    eye = jnp.eye(HEADS, dtype=_f32)
    ms = (eye[:, None, :] * att_s[:, :, None]).reshape(F, HEADS)
    md = (eye[:, None, :] * att_d[:, :, None]).reshape(F, HEADS)
    return jnp.concatenate([ms, md], axis=1)


def kernel(x, edge_index, W1, as1, ad1, b1, W2, as2, ad2, b2,
           W3, as3, ad3, b3):
    src = edge_index[0]
    dst = edge_index[1]
    A1 = _pack_att(as1, ad1)
    A2 = _pack_att(as2, ad2)
    A3 = _pack_att(as3, ad3)
    znum = jnp.zeros((RPS, FH), _f32)
    zden = jnp.zeros((RPS, 8), _f32)

    def sc(h, asd):
        num, den = _sc_edge(h.reshape(NC * N, FH), asd.reshape(-1),
                            src, dst, znum, zden)
        return num.reshape(NC, N, FH), den.reshape(NC, N, 8)

    h1, asd1 = _tc_prep(x, W1, A1)
    num1, den1 = sc(h1, asd1)
    h2, asd2 = _tc_comb(num1, den1, b1.reshape(1, F), x, W2, A2)
    num2, den2 = sc(h2, asd2)
    h3, asd3 = _tc_comb(num2, den2, b2.reshape(1, F), x, W3, A3)
    num3, den3 = sc(h3, asd3)
    return _tc_final(num3, den3, b3.reshape(1, F), x)

# --- scband reference (transcript-rebuilt; emitter-appended) ---
"""Pipeline reference for scband-multi-gat-55035710931590 (READ-ONLY COPY).

The authoritative reference and input builder live on the scoring server;
editing this copy changes nothing except your own understanding.
"""

import jax, jax.numpy as jnp
import numpy as np

N = 10000
E = 320000
IN = 128
HID = 32
OUT = 32
HEADS = 4


def _glorot(key, shape):
    fan_in = shape[0] if len(shape) > 1 else shape[-1]
    return jax.random.normal(key, shape, dtype=jnp.float32) * (1.0 / np.sqrt(fan_in))


def setup_inputs(seed: int = 0) -> dict:
    key = jax.random.key(seed)
    ks = jax.random.split(key, 16)
    x = jax.random.normal(ks[0], (N, IN), dtype=jnp.float32)
    edge_index = jax.random.randint(ks[1], (2, E), 0, N, dtype=jnp.int32)
    # conv1: in=128 -> heads=4 x hid=32 (concat -> 128)
    W1 = _glorot(ks[2], (IN, HEADS * HID))
    as1 = _glorot(ks[3], (HEADS, HID))
    ad1 = _glorot(ks[4], (HEADS, HID))
    b1 = jnp.zeros((HEADS * HID,), dtype=jnp.float32)
    # conv2 (middle): 128 -> heads=4 x hid=32 (concat -> 128)
    W2 = _glorot(ks[5], (HEADS * HID, HEADS * HID))
    as2 = _glorot(ks[6], (HEADS, HID))
    ad2 = _glorot(ks[7], (HEADS, HID))
    b2 = jnp.zeros((HEADS * HID,), dtype=jnp.float32)
    # convN: 128 -> heads=4 x out=32 (concat -> 128)
    W3 = _glorot(ks[8], (HEADS * HID, HEADS * OUT))
    as3 = _glorot(ks[9], (HEADS, OUT))
    ad3 = _glorot(ks[10], (HEADS, OUT))
    b3 = jnp.zeros((HEADS * OUT,), dtype=jnp.float32)
    return {"x": x, "edge_index": edge_index,
            "W1": W1, "as1": as1, "ad1": ad1, "b1": b1,
            "W2": W2, "as2": as2, "ad2": ad2, "b2": b2,
            "W3": W3, "as3": as3, "ad3": ad3, "b3": b3}


def gat_conv(x, edge_index, W, att_src, att_dst, bias, heads, out_ch):
    Nn = x.shape[0]
    h = (x @ W).reshape(Nn, heads, out_ch)
    a_src = jnp.sum(h * att_src[None, :, :], axis=-1)  # [N, heads]
    a_dst = jnp.sum(h * att_dst[None, :, :], axis=-1)  # [N, heads]
    src = edge_index[0]
    dst = edge_index[1]
    e = a_src[src] + a_dst[dst]                         # [E, heads]
    e = jax.nn.leaky_relu(e, negative_slope=0.2)
    m = jax.ops.segment_max(e, dst, num_segments=Nn)
    ex = jnp.exp(e - m[dst])
    denom = jax.ops.segment_sum(ex, dst, num_segments=Nn)
    alpha = ex / (denom[dst] + 1e-16)                   # softmax over incoming edges
    msg = h[src] * alpha[:, :, None]                    # [E, heads, out_ch]
    out = jax.ops.segment_sum(msg, dst, num_segments=Nn)
    return out.reshape(Nn, heads * out_ch) + bias


def reference(x, edge_index, W1, as1, ad1, b1, W2, as2, ad2, b2, W3, as3, ad3, b3):
    inp = x
    h = jax.nn.relu(gat_conv(x, edge_index, W1, as1, ad1, b1, HEADS, HID))
    h = jax.nn.relu(gat_conv(h + inp, edge_index, W2, as2, ad2, b2, HEADS, HID))
    h = gat_conv(h + inp, edge_index, W3, as3, ad3, b3, HEADS, OUT)
    return jax.nn.relu(h + inp)

if __name__ == "__main__":
    import jax
    _d = setup_inputs()
    print(jax.jit(kernel)(*tuple(_d.values())))

</pallas_src>

<mosaic_0001>
#map = affine_map<(d0, d1) -> (0, 0)>
#map1 = affine_map<(d0, d1) -> (0)>
module attributes {stable_mosaic.version = 14 : i64} {
  func.func @_sc_edge_body(%arg0: i32, %arg1: i32, %arg2: memref<20000x64xf32, #tpu.memory_space<hbm>>, %arg3: memref<80000xf32, #tpu.memory_space<hbm>>, %arg4: memref<320000xi32, #tpu.memory_space<hbm>>, %arg5: memref<320000xi32, #tpu.memory_space<hbm>>, %arg6: memref<625x64xf32, #tpu.memory_space<hbm>>, %arg7: memref<625x8xf32, #tpu.memory_space<hbm>>, %arg8: memref<20000x64xf32, #tpu.memory_space<hbm>>, %arg9: memref<20000x8xf32, #tpu.memory_space<hbm>>, %arg10: memref<80000xf32, #tpu.memory_space<vmem>>, %arg11: memref<80xi32, #tpu.memory_space<vmem>>, %arg12: memref<80xi32, #tpu.memory_space<vmem>>, %arg13: memref<80xi32, #tpu.memory_space<vmem>>, %arg14: memref<80x64xf32, #tpu.memory_space<vmem>>, %arg15: memref<80x8xf32, #tpu.memory_space<vmem>>, %arg16: memref<!tpu.dma_semaphore, #tpu.memory_space<semaphore_mem>>, %arg17: memref<10000x64xf32, #tpu.memory_space<vmem_shared>>, %arg18: memref<10000x8xf32, #tpu.memory_space<vmem_shared>>) attributes {dimension_semantics = [#tpu.dimension_semantics<core_parallel>, #tpu.dimension_semantics<subcore_parallel>], iteration_bounds = array<i64: 2, 16>, scalar_prefetch = 0 : i64, scratch_operands = 9 : i64, tpu.core_type = #tpu.core_type<sc_vector_subcore>, window_params = [{transform_indices = #map}, {transform_indices = #map1}, {transform_indices = #map1}, {transform_indices = #map1}, {transform_indices = #map}, {transform_indices = #map}, {transform_indices = #map}, {transform_indices = #map}]} {
    "tpu.region"() ({
      %run_scoped3A = tpu.sem_alloc : memref<!tpu.dma_semaphore, #tpu.memory_space<semaphore_mem>>
      tpu.enqueue_dma source(%arg3 : memref<80000xf32, #tpu.memory_space<hbm>>) target(%arg10 : memref<80000xf32, #tpu.memory_space<vmem>>) target_semaphore(%run_scoped3A : memref<!tpu.dma_semaphore, #tpu.memory_space<semaphore_mem>>)
      tpu.wait_dma2 semaphore(%run_scoped3A : memref<!tpu.dma_semaphore, #tpu.memory_space<semaphore_mem>>) src(%arg3 : memref<80000xf32, #tpu.memory_space<hbm>>) dst(%arg10 : memref<80000xf32, #tpu.memory_space<vmem>>)
      tpu.yield
    }) : () -> ()
    %mul3A = arith.constant 625 : i32
    %mul3A_0 = arith.muli %arg1, %mul3A : i32
    "tpu.region"() ({
      %run_scoped3A = tpu.sem_alloc : memref<!tpu.dma_semaphore, #tpu.memory_space<semaphore_mem>>
      %dma_start3A = arith.constant 0 : i32
      %dma_start3A_19 = tpu.memref_slice %arg17[%mul3A_0, %dma_start3A] : memref<10000x64xf32, #tpu.memory_space<vmem_shared>> -> memref<625x64xf32, #tpu.memory_space<vmem_shared>>
      tpu.enqueue_dma source(%arg6 : memref<625x64xf32, #tpu.memory_space<hbm>>) target(%dma_start3A_19 : memref<625x64xf32, #tpu.memory_space<vmem_shared>>) target_semaphore(%run_scoped3A : memref<!tpu.dma_semaphore, #tpu.memory_space<semaphore_mem>>)
      %dma_wait3A = arith.constant 0 : i32
      %dma_wait3A_20 = tpu.memref_slice %arg17[%mul3A_0, %dma_wait3A] : memref<10000x64xf32, #tpu.memory_space<vmem_shared>> -> memref<625x64xf32, #tpu.memory_space<vmem_shared>>
      tpu.wait_dma2 semaphore(%run_scoped3A : memref<!tpu.dma_semaphore, #tpu.memory_space<semaphore_mem>>) src(%arg6 : memref<625x64xf32, #tpu.memory_space<hbm>>) dst(%dma_wait3A_20 : memref<625x64xf32, #tpu.memory_space<vmem_shared>>)
      tpu.yield
    }) : () -> ()
    "tpu.region"() ({
      %run_scoped3A = tpu.sem_alloc : memref<!tpu.dma_semaphore, #tpu.memory_space<semaphore_mem>>
      %dma_start3A = arith.constant 0 : i32
      %dma_start3A_19 = tpu.memref_slice %arg18[%mul3A_0, %dma_start3A] : memref<10000x8xf32, #tpu.memory_space<vmem_shared>> -> memref<625x8xf32, #tpu.memory_space<vmem_shared>>
      tpu.enqueue_dma source(%arg7 : memref<625x8xf32, #tpu.memory_space<hbm>>) target(%dma_start3A_19 : memref<625x8xf32, #tpu.memory_space<vmem_shared>>) target_semaphore(%run_scoped3A : memref<!tpu.dma_semaphore, #tpu.memory_space<semaphore_mem>>)
      %dma_wait3A = arith.constant 0 : i32
      %dma_wait3A_20 = tpu.memref_slice %arg18[%mul3A_0, %dma_wait3A] : memref<10000x8xf32, #tpu.memory_space<vmem_shared>> -> memref<625x8xf32, #tpu.memory_space<vmem_shared>>
      tpu.wait_dma2 semaphore(%run_scoped3A : memref<!tpu.dma_semaphore, #tpu.memory_space<semaphore_mem>>) src(%arg7 : memref<625x8xf32, #tpu.memory_space<hbm>>) dst(%dma_wait3A_20 : memref<625x8xf32, #tpu.memory_space<vmem_shared>>)
      tpu.yield
    }) : () -> ()
    "tpu.region"() ({
      %run_scoped3A = tpu.sem_alloc : memref<!tpu.dma_semaphore, #tpu.memory_space<semaphore_mem>>
      %dma_start3A = arith.constant 0 : i32
      %dma_start3A_19 = arith.constant 0 : i32
      %dma_start3A_20 = tpu.memref_slice %arg7[%dma_start3A, %dma_start3A_19] : memref<625x8xf32, #tpu.memory_space<hbm>> -> memref<80x8xf32, #tpu.memory_space<hbm>>
      %dma_start3A_21 = arith.constant 0 : i32
      %dma_start3A_22 = arith.constant 0 : i32
      %dma_start3A_23 = tpu.memref_slice %arg7[%dma_start3A_21, %dma_start3A_22] : memref<625x8xf32, #tpu.memory_space<hbm>> -> memref<80x8xf32, #tpu.memory_space<hbm>>
      tpu.enqueue_dma source(%dma_start3A_23 : memref<80x8xf32, #tpu.memory_space<hbm>>) target(%arg15 : memref<80x8xf32, #tpu.memory_space<vmem>>) target_semaphore(%run_scoped3A : memref<!tpu.dma_semaphore, #tpu.memory_space<semaphore_mem>>)
      %dma_wait3A = arith.constant 0 : i32
      %dma_wait3A_24 = arith.constant 0 : i32
      %dma_wait3A_25 = tpu.memref_slice %arg7[%dma_wait3A, %dma_wait3A_24] : memref<625x8xf32, #tpu.memory_space<hbm>> -> memref<80x8xf32, #tpu.memory_space<hbm>>
      %dma_wait3A_26 = arith.constant 0 : i32
      %dma_wait3A_27 = arith.constant 0 : i32
      %dma_wait3A_28 = tpu.memref_slice %arg7[%dma_wait3A_26, %dma_wait3A_27] : memref<625x8xf32, #tpu.memory_space<hbm>> -> memref<80x8xf32, #tpu.memory_space<hbm>>
      tpu.wait_dma2 semaphore(%run_scoped3A : memref<!tpu.dma_semaphore, #tpu.memory_space<semaphore_mem>>) src(%dma_wait3A_28 : memref<80x8xf32, #tpu.memory_space<hbm>>) dst(%arg15 : memref<80x8xf32, #tpu.memory_space<vmem>>)
      tpu.yield
    }) : () -> ()
    %barrier3A = arith.constant 0 : index
    tpu.barrier barrier_id(%barrier3A)
    %mul3A_1 = arith.constant 20000 : i32
    %mul3A_2 = arith.muli %arg1, %mul3A_1 : i32
    %mul3A_3 = arith.constant 2 : i32
    %mul3A_4 = arith.muli %mul3A_3, %arg0 : i32
    %broadcast_in_dim3A = vector.broadcast %mul3A_4 : i32 to vector<16xi32>
    %add3A = arith.constant 1 : i32
    %add3A_5 = vector.broadcast %add3A : i32 to vector<16xi32>
    %add3A_6 = arith.addi %broadcast_in_dim3A, %add3A_5 : vector<16xi32>
    %mul3A_7 = arith.constant 10000 : i32
    %mul3A_8 = arith.muli %arg0, %mul3A_7 : i32
    %broadcast_in_dim3A_9 = vector.broadcast %mul3A_8 : i32 to vector<16xi32>
    %scan3A = arith.constant 0 : i32
    %scan3A_10 = arith.constant 0 : i32
    %scan3A_11 = arith.constant 250 : i32
    %scan3A_12 = arith.addi %scan3A_10, %scan3A_11 : i32
    %scan3A_13 = arith.constant 1 : i32
    scf.for %scan3A_19 = %scan3A_10 to %scan3A_12 step %scan3A_13  : i32 {
      %mul3A_20 = arith.constant 80 : i32
      %mul3A_21 = arith.muli %scan3A_19, %mul3A_20 : i32
      %add3A_22 = arith.addi %mul3A_2, %mul3A_21 : i32
      "tpu.region"() ({
        %run_scoped3A = tpu.sem_alloc : memref<!tpu.dma_semaphore, #tpu.memory_space<semaphore_mem>>
        %dma_start3A_501 = tpu.memref_slice %arg4[%add3A_22] : memref<320000xi32, #tpu.memory_space<hbm>> -> memref<80xi32, #tpu.memory_space<hbm>>
        %dma_start3A_502 = tpu.memref_slice %arg4[%add3A_22] : memref<320000xi32, #tpu.memory_space<hbm>> -> memref<80xi32, #tpu.memory_space<hbm>>
        tpu.enqueue_dma source(%dma_start3A_502 : memref<80xi32, #tpu.memory_space<hbm>>) target(%arg11 : memref<80xi32, #tpu.memory_space<vmem>>) target_semaphore(%run_scoped3A : memref<!tpu.dma_semaphore, #tpu.memory_space<semaphore_mem>>)
        %dma_wait3A_503 = tpu.memref_slice %arg4[%add3A_22] : memref<320000xi32, #tpu.memory_space<hbm>> -> memref<80xi32, #tpu.memory_space<hbm>>
        %dma_wait3A_504 = tpu.memref_slice %arg4[%add3A_22] : memref<320000xi32, #tpu.memory_space<hbm>> -> memref<80xi32, #tpu.memory_space<hbm>>
        tpu.wait_dma2 semaphore(%run_scoped3A : memref<!tpu.dma_semaphore, #tpu.memory_space<semaphore_mem>>) src(%dma_wait3A_504 : memref<80xi32, #tpu.memory_space<hbm>>) dst(%arg11 : memref<80xi32, #tpu.memory_space<vmem>>)
        tpu.yield
      }) : () -> ()
      "tpu.region"() ({
        %run_scoped3A = tpu.sem_alloc : memref<!tpu.dma_semaphore, #tpu.memory_space<semaphore_mem>>
        %dma_start3A_501 = tpu.memref_slice %arg5[%add3A_22] : memref<320000xi32, #tpu.memory_space<hbm>> -> memref<80xi32, #tpu.memory_space<hbm>>
        %dma_start3A_502 = tpu.memref_slice %arg5[%add3A_22] : memref<320000xi32, #tpu.memory_space<hbm>> -> memref<80xi32, #tpu.memory_space<hbm>>
        tpu.enqueue_dma source(%dma_start3A_502 : memref<80xi32, #tpu.memory_space<hbm>>) target(%arg13 : memref<80xi32, #tpu.memory_space<vmem>>) target_semaphore(%run_scoped3A : memref<!tpu.dma_semaphore, #tpu.memory_space<semaphore_mem>>)
        %dma_wait3A_503 = tpu.memref_slice %arg5[%add3A_22] : memref<320000xi32, #tpu.memory_space<hbm>> -> memref<80xi32, #tpu.memory_space<hbm>>
        %dma_wait3A_504 = tpu.memref_slice %arg5[%add3A_22] : memref<320000xi32, #tpu.memory_space<hbm>> -> memref<80xi32, #tpu.memory_space<hbm>>
        tpu.wait_dma2 semaphore(%run_scoped3A : memref<!tpu.dma_semaphore, #tpu.memory_space<semaphore_mem>>) src(%dma_wait3A_504 : memref<80xi32, #tpu.memory_space<hbm>>) dst(%arg13 : memref<80xi32, #tpu.memory_space<vmem>>)
        tpu.yield
      }) : () -> ()
      %get3A = arith.constant 0 : index
      %get3A_23 = tpu.vector_load %arg11[%get3A] {strides = array<i32>} : memref<80xi32, #tpu.memory_space<vmem>>, vector<16xi32>,
      %add3A_24 = arith.addi %get3A_23, %broadcast_in_dim3A_9 : vector<16xi32>
      %swap3A = arith.constant 0 : index
      %swap3A_25 = tpu.vector_load %arg12[%swap3A] {strides = array<i32>} : memref<80xi32, #tpu.memory_space<vmem>>, vector<16xi32>,
      tpu.vector_store %arg12[%swap3A], %add3A_24 {strides = array<i32>} : memref<80xi32, #tpu.memory_space<vmem>>, vector<16xi32>,
      %get3A_26 = arith.constant 16 : index
      %get3A_27 = tpu.vector_load %arg11[%get3A_26] {strides = array<i32>} : memref<80xi32, #tpu.memory_space<vmem>>, vector<16xi32>,
      %add3A_28 = arith.addi %get3A_27, %broadcast_in_dim3A_9 : vector<16xi32>
      %swap3A_29 = arith.constant 16 : index
      %swap3A_30 = tpu.vector_load %arg12[%swap3A_29] {strides = array<i32>} : memref<80xi32, #tpu.memory_space<vmem>>, vector<16xi32>,
      tpu.vector_store %arg12[%swap3A_29], %add3A_28 {strides = array<i32>} : memref<80xi32, #tpu.memory_space<vmem>>, vector<16xi32>,
      %get3A_31 = arith.constant 32 : index
      %get3A_32 = tpu.vector_load %arg11[%get3A_31] {strides = array<i32>} : memref<80xi32, #tpu.memory_space<vmem>>, vector<16xi32>,
      %add3A_33 = arith.addi %get3A_32, %broadcast_in_dim3A_9 : vector<16xi32>
      %swap3A_34 = arith.constant 32 : index
      %swap3A_35 = tpu.vector_load %arg12[%swap3A_34] {strides = array<i32>} : memref<80xi32, #tpu.memory_space<vmem>>, vector<16xi32>,
      tpu.vector_store %arg12[%swap3A_34], %add3A_33 {strides = array<i32>} : memref<80xi32, #tpu.memory_space<vmem>>, vector<16xi32>,
      %get3A_36 = arith.constant 48 : index
      %get3A_37 = tpu.vector_load %arg11[%get3A_36] {strides = array<i32>} : memref<80xi32, #tpu.memory_space<vmem>>, vector<16xi32>,
      %add3A_38 = arith.addi %get3A_37, %broadcast_in_dim3A_9 : vector<16xi32>
      %swap3A_39 = arith.constant 48 : index
      %swap3A_40 = tpu.vector_load %arg12[%swap3A_39] {strides = array<i32>} : memref<80xi32, #tpu.memory_space<vmem>>, vector<16xi32>,
      tpu.vector_store %arg12[%swap3A_39], %add3A_38 {strides = array<i32>} : memref<80xi32, #tpu.memory_space<vmem>>, vector<16xi32>,
      %get3A_41 = arith.constant 64 : index
      %get3A_42 = tpu.vector_load %arg11[%get3A_41] {strides = array<i32>} : memref<80xi32, #tpu.memory_space<vmem>>, vector<16xi32>,
      %add3A_43 = arith.addi %get3A_42, %broadcast_in_dim3A_9 : vector<16xi32>
      %swap3A_44 = arith.constant 64 : index
      %swap3A_45 = tpu.vector_load %arg12[%swap3A_44] {strides = array<i32>} : memref<80xi32, #tpu.memory_space<vmem>>, vector<16xi32>,
      tpu.vector_store %arg12[%swap3A_44], %add3A_43 {strides = array<i32>} : memref<80xi32, #tpu.memory_space<vmem>>, vector<16xi32>,
      %dma_start3A = arith.constant 0 : i32
      %dma_start3A_46 = arith.constant 0 : i32
      %dma_start3A_47 = tpu.memref_slice %arg2[%dma_start3A, %dma_start3A_46] : memref<20000x64xf32, #tpu.memory_space<hbm>> -> memref<20000x64xf32, #tpu.memory_space<hbm>>
      tpu.enqueue_indirect_dma source(%dma_start3A_47 : memref<20000x64xf32, #tpu.memory_space<hbm>>) target(%arg14 : memref<80x64xf32, #tpu.memory_space<vmem>>) offsets(%arg12 : memref<80xi32, #tpu.memory_space<vmem>>) semaphore(%arg16 : memref<!tpu.dma_semaphore, #tpu.memory_space<semaphore_mem>>)
      %dma_wait3A = arith.constant 0 : i32
      %dma_wait3A_48 = arith.constant 0 : i32
      %dma_wait3A_49 = tpu.memref_slice %arg2[%dma_wait3A, %dma_wait3A_48] : memref<20000x64xf32, #tpu.memory_space<hbm>> -> memref<20000x64xf32, #tpu.memory_space<hbm>>
      tpu.wait_indirect_dma semaphore(%arg16 : memref<!tpu.dma_semaphore, #tpu.memory_space<semaphore_mem>>) src(%dma_wait3A_49 : memref<20000x64xf32, #tpu.memory_space<hbm>>) dst(%arg14 : memref<80x64xf32, #tpu.memory_space<vmem>>)
      %get3A_50 = arith.constant 0 : index
      %get3A_51 = tpu.vector_load %arg11[%get3A_50] {strides = array<i32>} : memref<80xi32, #tpu.memory_space<vmem>>, vector<16xi32>,
      %mul3A_52 = arith.constant 8 : i32
      %mul3A_53 = vector.broadcast %mul3A_52 : i32 to vector<16xi32>
      %mul3A_54 = arith.muli %get3A_51, %mul3A_53 : vector<16xi32>
      %get3A_55 = arith.constant 0 : index
      %get3A_56 = tpu.vector_load %arg13[%get3A_55] {strides = array<i32>} : memref<80xi32, #tpu.memory_space<vmem>>, vector<16xi32>,
      %mul3A_57 = arith.constant 8 : i32
      %mul3A_58 = vector.broadcast %mul3A_57 : i32 to vector<16xi32>
      %mul3A_59 = arith.muli %get3A_56, %mul3A_58 : vector<16xi32>
      %iota3A = tpu.iota {dimensions = array<i32: 0>} : vector<16xi32>
      %add3A_60 = arith.constant 0 : i32
      %add3A_61 = vector.broadcast %add3A_60 : i32 to vector<16xi32>
      %add3A_62 = arith.addi %iota3A, %add3A_61 : vector<16xi32>
      %add3A_63 = arith.constant 0 : i32
      %add3A_64 = vector.broadcast %add3A_63 : i32 to vector<16xi32>
      %add3A_65 = arith.addi %mul3A_54, %add3A_64 : vector<16xi32>
      %gather3A = tpu.vector_load_idx %arg10[%add3A_65] : memref<80000xf32, #tpu.memory_space<vmem>>[vector<16xi32>], vector<16xf32>,
      %add3A_66 = arith.constant 4 : i32
      %add3A_67 = vector.broadcast %add3A_66 : i32 to vector<16xi32>
      %add3A_68 = arith.addi %mul3A_59, %add3A_67 : vector<16xi32>
      %gather3A_69 = tpu.vector_load_idx %arg10[%add3A_68] : memref<80000xf32, #tpu.memory_space<vmem>>[vector<16xi32>], vector<16xf32>,
      %add3A_70 = arith.addf %gather3A, %gather3A_69 : vector<16xf32>
      %ge3A = arith.constant 0.000000e+00 : f32
      %ge3A_71 = vector.broadcast %ge3A : f32 to vector<16xf32>
      %ge3A_72 = arith.cmpf oge, %add3A_70, %ge3A_71 : vector<16xf32>
      %mul3A_73 = arith.constant 2.000000e-01 : f32
      %mul3A_74 = vector.broadcast %mul3A_73 : f32 to vector<16xf32>
      %mul3A_75 = arith.mulf %mul3A_74, %add3A_70 : vector<16xf32>
      %select_n3A = arith.select %ge3A_72, %add3A_70, %mul3A_75 : vector<16xi1>, vector<16xf32>
      %exp3A = math.exp %select_n3A : vector<16xf32>
      %broadcast_in_dim3A_76 = arith.constant 0 : i32
      %broadcast_in_dim3A_77 = vector.broadcast %broadcast_in_dim3A_76 : i32 to vector<16xi32>
      tpu.vector_store_idx %arg15[%add3A_62, %broadcast_in_dim3A_77], %exp3A : memref<80x8xf32, #tpu.memory_space<vmem>>[vector<16xi32>, vector<16xi32>], vector<16xf32>,
      %add3A_78 = arith.constant 1 : i32
      %add3A_79 = vector.broadcast %add3A_78 : i32 to vector<16xi32>
      %add3A_80 = arith.addi %mul3A_54, %add3A_79 : vector<16xi32>
      %gather3A_81 = tpu.vector_load_idx %arg10[%add3A_80] : memref<80000xf32, #tpu.memory_space<vmem>>[vector<16xi32>], vector<16xf32>,
      %add3A_82 = arith.constant 5 : i32
      %add3A_83 = vector.broadcast %add3A_82 : i32 to vector<16xi32>
      %add3A_84 = arith.addi %mul3A_59, %add3A_83 : vector<16xi32>
      %gather3A_85 = tpu.vector_load_idx %arg10[%add3A_84] : memref<80000xf32, #tpu.memory_space<vmem>>[vector<16xi32>], vector<16xf32>,
      %add3A_86 = arith.addf %gather3A_81, %gather3A_85 : vector<16xf32>
      %ge3A_87 = arith.constant 0.000000e+00 : f32
      %ge3A_88 = vector.broadcast %ge3A_87 : f32 to vector<16xf32>
      %ge3A_89 = arith.cmpf oge, %add3A_86, %ge3A_88 : vector<16xf32>
      %mul3A_90 = arith.constant 2.000000e-01 : f32
      %mul3A_91 = vector.broadcast %mul3A_90 : f32 to vector<16xf32>
      %mul3A_92 = arith.mulf %mul3A_91, %add3A_86 : vector<16xf32>
      %select_n3A_93 = arith.select %ge3A_89, %add3A_86, %mul3A_92 : vector<16xi1>, vector<16xf32>
      %exp3A_94 = math.exp %select_n3A_93 : vector<16xf32>
      %broadcast_in_dim3A_95 = arith.constant 1 : i32
      %broadcast_in_dim3A_96 = vector.broadcast %broadcast_in_dim3A_95 : i32 to vector<16xi32>
      tpu.vector_store_idx %arg15[%add3A_62, %broadcast_in_dim3A_96], %exp3A_94 : memref<80x8xf32, #tpu.memory_space<vmem>>[vector<16xi32>, vector<16xi32>], vector<16xf32>,
      %add3A_97 = arith.constant 2 : i32
      %add3A_98 = vector.broadcast %add3A_97 : i32 to vector<16xi32>
      %add3A_99 = arith.addi %mul3A_54, %add3A_98 : vector<16xi32>
      %gather3A_100 = tpu.vector_load_idx %arg10[%add3A_99] : memref<80000xf32, #tpu.memory_space<vmem>>[vector<16xi32>], vector<16xf32>,
      %add3A_101 = arith.constant 6 : i32
      %add3A_102 = vector.broadcast %add3A_101 : i32 to vector<16xi32>
      %add3A_103 = arith.addi %mul3A_59, %add3A_102 : vector<16xi32>
      %gather3A_104 = tpu.vector_load_idx %arg10[%add3A_103] : memref<80000xf32, #tpu.memory_space<vmem>>[vector<16xi32>], vector<16xf32>,
      %add3A_105 = arith.addf %gather3A_100, %gather3A_104 : vector<16xf32>
      %ge3A_106 = arith.constant 0.000000e+00 : f32
      %ge3A_107 = vector.broadcast %ge3A_106 : f32 to vector<16xf32>
      %ge3A_108 = arith.cmpf oge, %add3A_105, %ge3A_107 : vector<16xf32>
      %mul3A_109 = arith.constant 2.000000e-01 : f32
      %mul3A_110 = vector.broadcast %mul3A_109 : f32 to vector<16xf32>
      %mul3A_111 = arith.mulf %mul3A_110, %add3A_105 : vector<16xf32>
      %select_n3A_112 = arith.select %ge3A_108, %add3A_105, %mul3A_111 : vector<16xi1>, vector<16xf32>
      %exp3A_113 = math.exp %select_n3A_112 : vector<16xf32>
      %broadcast_in_dim3A_114 = arith.constant 2 : i32
      %broadcast_in_dim3A_115 = vector.broadcast %broadcast_in_dim3A_114 : i32 to vector<16xi32>
      tpu.vector_store_idx %arg15[%add3A_62, %broadcast_in_dim3A_115], %exp3A_113 : memref<80x8xf32, #tpu.memory_space<vmem>>[vector<16xi32>, vector<16xi32>], vector<16xf32>,
      %add3A_116 = arith.constant 3 : i32
      %add3A_117 = vector.broadcast %add3A_116 : i32 to vector<16xi32>
      %add3A_118 = arith.addi %mul3A_54, %add3A_117 : vector<16xi32>
      %gather3A_119 = tpu.vector_load_idx %arg10[%add3A_118] : memref<80000xf32, #tpu.memory_space<vmem>>[vector<16xi32>], vector<16xf32>,
      %add3A_120 = arith.constant 7 : i32
      %add3A_121 = vector.broadcast %add3A_120 : i32 to vector<16xi32>
      %add3A_122 = arith.addi %mul3A_59, %add3A_121 : vector<16xi32>
      %gather3A_123 = tpu.vector_load_idx %arg10[%add3A_122] : memref<80000xf32, #tpu.memory_space<vmem>>[vector<16xi32>], vector<16xf32>,
      %add3A_124 = arith.addf %gather3A_119, %gather3A_123 : vector<16xf32>
      %ge3A_125 = arith.constant 0.000000e+00 : f32
      %ge3A_126 = vector.broadcast %ge3A_125 : f32 to vector<16xf32>
      %ge3A_127 = arith.cmpf oge, %add3A_124, %ge3A_126 : vector<16xf32>
      %mul3A_128 = arith.constant 2.000000e-01 : f32
      %mul3A_129 = vector.broadcast %mul3A_128 : f32 to vector<16xf32>
      %mul3A_130 = arith.mulf %mul3A_129, %add3A_124 : vector<16xf32>
      %select_n3A_131 = arith.select %ge3A_127, %add3A_124, %mul3A_130 : vector<16xi1>, vector<16xf32>
      %exp3A_132 = math.exp %select_n3A_131 : vector<16xf32>
      %broadcast_in_dim3A_133 = arith.constant 3 : i32
      %broadcast_in_dim3A_134 = vector.broadcast %broadcast_in_dim3A_133 : i32 to vector<16xi32>
      tpu.vector_store_idx %arg15[%add3A_62, %broadcast_in_dim3A_134], %exp3A_132 : memref<80x8xf32, #tpu.memory_space<vmem>>[vector<16xi32>, vector<16xi32>], vector<16xf32>,
      %get3A_135 = arith.constant 16 : index
      %get3A_136 = tpu.vector_load %arg11[%get3A_135] {strides = array<i32>} : memref<80xi32, #tpu.memory_space<vmem>>, vector<16xi32>,
      %mul3A_137 = arith.constant 8 : i32
      %mul3A_138 = vector.broadcast %mul3A_137 : i32 to vector<16xi32>
      %mul3A_139 = arith.muli %get3A_136, %mul3A_138 : vector<16xi32>
      %get3A_140 = arith.constant 16 : index
      %get3A_141 = tpu.vector_load %arg13[%get3A_140] {strides = array<i32>} : memref<80xi32, #tpu.memory_space<vmem>>, vector<16xi32>,
      %mul3A_142 = arith.constant 8 : i32
      %mul3A_143 = vector.broadcast %mul3A_142 : i32 to vector<16xi32>
      %mul3A_144 = arith.muli %get3A_141, %mul3A_143 : vector<16xi32>
      %iota3A_145 = tpu.iota {dimensions = array<i32: 0>} : vector<16xi32>
      %add3A_146 = arith.constant 16 : i32
      %add3A_147 = vector.broadcast %add3A_146 : i32 to vector<16xi32>
      %add3A_148 = arith.addi %iota3A_145, %add3A_147 : vector<16xi32>
      %add3A_149 = arith.constant 0 : i32
      %add3A_150 = vector.broadcast %add3A_149 : i32 to vector<16xi32>
      %add3A_151 = arith.addi %mul3A_139, %add3A_150 : vector<16xi32>
      %gather3A_152 = tpu.vector_load_idx %arg10[%add3A_151] : memref<80000xf32, #tpu.memory_space<vmem>>[vector<16xi32>], vector<16xf32>,
      %add3A_153 = arith.constant 4 : i32
      %add3A_154 = vector.broadcast %add3A_153 : i32 to vector<16xi32>
      %add3A_155 = arith.addi %mul3A_144, %add3A_154 : vector<16xi32>
      %gather3A_156 = tpu.vector_load_idx %arg10[%add3A_155] : memref<80000xf32, #tpu.memory_space<vmem>>[vector<16xi32>], vector<16xf32>,
      %add3A_157 = arith.addf %gather3A_152, %gather3A_156 : vector<16xf32>
      %ge3A_158 = arith.constant 0.000000e+00 : f32
      %ge3A_159 = vector.broadcast %ge3A_158 : f32 to vector<16xf32>
      %ge3A_160 = arith.cmpf oge, %add3A_157, %ge3A_159 : vector<16xf32>
      %mul3A_161 = arith.constant 2.000000e-01 : f32
      %mul3A_162 = vector.broadcast %mul3A_161 : f32 to vector<16xf32>
      %mul3A_163 = arith.mulf %mul3A_162, %add3A_157 : vector<16xf32>
      %select_n3A_164 = arith.select %ge3A_160, %add3A_157, %mul3A_163 : vector<16xi1>, vector<16xf32>
      %exp3A_165 = math.exp %select_n3A_164 : vector<16xf32>
      %broadcast_in_dim3A_166 = arith.constant 0 : i32
      %broadcast_in_dim3A_167 = vector.broadcast %broadcast_in_dim3A_166 : i32 to vector<16xi32>
      tpu.vector_store_idx %arg15[%add3A_148, %broadcast_in_dim3A_167], %exp3A_165 : memref<80x8xf32, #tpu.memory_space<vmem>>[vector<16xi32>, vector<16xi32>], vector<16xf32>,
      %add3A_168 = arith.constant 1 : i32
      %add3A_169 = vector.broadcast %add3A_168 : i32 to vector<16xi32>
      %add3A_170 = arith.addi %mul3A_139, %add3A_169 : vector<16xi32>
      %gather3A_171 = tpu.vector_load_idx %arg10[%add3A_170] : memref<80000xf32, #tpu.memory_space<vmem>>[vector<16xi32>], vector<16xf32>,
      %add3A_172 = arith.constant 5 : i32
      %add3A_173 = vector.broadcast %add3A_172 : i32 to vector<16xi32>
      %add3A_174 = arith.addi %mul3A_144, %add3A_173 : vector<16xi32>
      %gather3A_175 = tpu.vector_load_idx %arg10[%add3A_174] : memref<80000xf32, #tpu.memory_space<vmem>>[vector<16xi32>], vector<16xf32>,
      %add3A_176 = arith.addf %gather3A_171, %gather3A_175 : vector<16xf32>
      %ge3A_177 = arith.constant 0.000000e+00 : f32
      %ge3A_178 = vector.broadcast %ge3A_177 : f32 to vector<16xf32>
      %ge3A_179 = arith.cmpf oge, %add3A_176, %ge3A_178 : vector<16xf32>
      %mul3A_180 = arith.constant 2.000000e-01 : f32
      %mul3A_181 = vector.broadcast %mul3A_180 : f32 to vector<16xf32>
      %mul3A_182 = arith.mulf %mul3A_181, %add3A_176 : vector<16xf32>
      %select_n3A_183 = arith.select %ge3A_179, %add3A_176, %mul3A_182 : vector<16xi1>, vector<16xf32>
      %exp3A_184 = math.exp %select_n3A_183 : vector<16xf32>
      %broadcast_in_dim3A_185 = arith.constant 1 : i32
      %broadcast_in_dim3A_186 = vector.broadcast %broadcast_in_dim3A_185 : i32 to vector<16xi32>
      tpu.vector_store_idx %arg15[%add3A_148, %broadcast_in_dim3A_186], %exp3A_184 : memref<80x8xf32, #tpu.memory_space<vmem>>[vector<16xi32>, vector<16xi32>], vector<16xf32>,
      %add3A_187 = arith.constant 2 : i32
      %add3A_188 = vector.broadcast %add3A_187 : i32 to vector<16xi32>
      %add3A_189 = arith.addi %mul3A_139, %add3A_188 : vector<16xi32>
      %gather3A_190 = tpu.vector_load_idx %arg10[%add3A_189] : memref<80000xf32, #tpu.memory_space<vmem>>[vector<16xi32>], vector<16xf32>,
      %add3A_191 = arith.constant 6 : i32
      %add3A_192 = vector.broadcast %add3A_191 : i32 to vector<16xi32>
      %add3A_193 = arith.addi %mul3A_144, %add3A_192 : vector<16xi32>
      %gather3A_194 = tpu.vector_load_idx %arg10[%add3A_193] : memref<80000xf32, #tpu.memory_space<vmem>>[vector<16xi32>], vector<16xf32>,
      %add3A_195 = arith.addf %gather3A_190, %gather3A_194 : vector<16xf32>
      %ge3A_196 = arith.constant 0.000000e+00 : f32
      %ge3A_197 = vector.broadcast %ge3A_196 : f32 to vector<16xf32>
      %ge3A_198 = arith.cmpf oge, %add3A_195, %ge3A_197 : vector<16xf32>
      %mul3A_199 = arith.constant 2.000000e-01 : f32
      %mul3A_200 = vector.broadcast %mul3A_199 : f32 to vector<16xf32>
      %mul3A_201 = arith.mulf %mul3A_200, %add3A_195 : vector<16xf32>
      %select_n3A_202 = arith.select %ge3A_198, %add3A_195, %mul3A_201 : vector<16xi1>, vector<16xf32>
      %exp3A_203 = math.exp %select_n3A_202 : vector<16xf32>
      %broadcast_in_dim3A_204 = arith.constant 2 : i32
      %broadcast_in_dim3A_205 = vector.broadcast %broadcast_in_dim3A_204 : i32 to vector<16xi32>
      tpu.vector_store_idx %arg15[%add3A_148, %broadcast_in_dim3A_205], %exp3A_203 : memref<80x8xf32, #tpu.memory_space<vmem>>[vector<16xi32>, vector<16xi32>], vector<16xf32>,
      %add3A_206 = arith.constant 3 : i32
      %add3A_207 = vector.broadcast %add3A_206 : i32 to vector<16xi32>
      %add3A_208 = arith.addi %mul3A_139, %add3A_207 : vector<16xi32>
      %gather3A_209 = tpu.vector_load_idx %arg10[%add3A_208] : memref<80000xf32, #tpu.memory_space<vmem>>[vector<16xi32>], vector<16xf32>,
      %add3A_210 = arith.constant 7 : i32
      %add3A_211 = vector.broadcast %add3A_210 : i32 to vector<16xi32>
      %add3A_212 = arith.addi %mul3A_144, %add3A_211 : vector<16xi32>
      %gather3A_213 = tpu.vector_load_idx %arg10[%add3A_212] : memref<80000xf32, #tpu.memory_space<vmem>>[vector<16xi32>], vector<16xf32>,
      %add3A_214 = arith.addf %gather3A_209, %gather3A_213 : vector<16xf32>
      %ge3A_215 = arith.constant 0.000000e+00 : f32
      %ge3A_216 = vector.broadcast %ge3A_215 : f32 to vector<16xf32>
      %ge3A_217 = arith.cmpf oge, %add3A_214, %ge3A_216 : vector<16xf32>
      %mul3A_218 = arith.constant 2.000000e-01 : f32
      %mul3A_219 = vector.broadcast %mul3A_218 : f32 to vector<16xf32>
      %mul3A_220 = arith.mulf %mul3A_219, %add3A_214 : vector<16xf32>
      %select_n3A_221 = arith.select %ge3A_217, %add3A_214, %mul3A_220 : vector<16xi1>, vector<16xf32>
      %exp3A_222 = math.exp %select_n3A_221 : vector<16xf32>
      %broadcast_in_dim3A_223 = arith.constant 3 : i32
      %broadcast_in_dim3A_224 = vector.broadcast %broadcast_in_dim3A_223 : i32 to vector<16xi32>
      tpu.vector_store_idx %arg15[%add3A_148, %broadcast_in_dim3A_224], %exp3A_222 : memref<80x8xf32, #tpu.memory_space<vmem>>[vector<16xi32>, vector<16xi32>], vector<16xf32>,
      %get3A_225 = arith.constant 32 : index
      %get3A_226 = tpu.vector_load %arg11[%get3A_225] {strides = array<i32>} : memref<80xi32, #tpu.memory_space<vmem>>, vector<16xi32>,
      %mul3A_227 = arith.constant 8 : i32
      %mul3A_228 = vector.broadcast %mul3A_227 : i32 to vector<16xi32>
      %mul3A_229 = arith.muli %get3A_226, %mul3A_228 : vector<16xi32>
      %get3A_230 = arith.constant 32 : index
      %get3A_231 = tpu.vector_load %arg13[%get3A_230] {strides = array<i32>} : memref<80xi32, #tpu.memory_space<vmem>>, vector<16xi32>,
      %mul3A_232 = arith.constant 8 : i32
      %mul3A_233 = vector.broadcast %mul3A_232 : i32 to vector<16xi32>
      %mul3A_234 = arith.muli %get3A_231, %mul3A_233 : vector<16xi32>
      %iota3A_235 = tpu.iota {dimensions = array<i32: 0>} : vector<16xi32>
      %add3A_236 = arith.constant 32 : i32
      %add3A_237 = vector.broadcast %add3A_236 : i32 to vector<16xi32>
      %add3A_238 = arith.addi %iota3A_235, %add3A_237 : vector<16xi32>
      %add3A_239 = arith.constant 0 : i32
      %add3A_240 = vector.broadcast %add3A_239 : i32 to vector<16xi32>
      %add3A_241 = arith.addi %mul3A_229, %add3A_240 : vector<16xi32>
      %gather3A_242 = tpu.vector_load_idx %arg10[%add3A_241] : memref<80000xf32, #tpu.memory_space<vmem>>[vector<16xi32>], vector<16xf32>,
      %add3A_243 = arith.constant 4 : i32
      %add3A_244 = vector.broadcast %add3A_243 : i32 to vector<16xi32>
      %add3A_245 = arith.addi %mul3A_234, %add3A_244 : vector<16xi32>
      %gather3A_246 = tpu.vector_load_idx %arg10[%add3A_245] : memref<80000xf32, #tpu.memory_space<vmem>>[vector<16xi32>], vector<16xf32>,
      %add3A_247 = arith.addf %gather3A_242, %gather3A_246 : vector<16xf32>
      %ge3A_248 = arith.constant 0.000000e+00 : f32
      %ge3A_249 = vector.broadcast %ge3A_248 : f32 to vector<16xf32>
      %ge3A_250 = arith.cmpf oge, %add3A_247, %ge3A_249 : vector<16xf32>
      %mul3A_251 = arith.constant 2.000000e-01 : f32
      %mul3A_252 = vector.broadcast %mul3A_251 : f32 to vector<16xf32>
      %mul3A_253 = arith.mulf %mul3A_252, %add3A_247 : vector<16xf32>
      %select_n3A_254 = arith.select %ge3A_250, %add3A_247, %mul3A_253 : vector<16xi1>, vector<16xf32>
      %exp3A_255 = math.exp %select_n3A_254 : vector<16xf32>
      %broadcast_in_dim3A_256 = arith.constant 0 : i32
      %broadcast_in_dim3A_257 = vector.broadcast %broadcast_in_dim3A_256 : i32 to vector<16xi32>
      tpu.vector_store_idx %arg15[%add3A_238, %broadcast_in_dim3A_257], %exp3A_255 : memref<80x8xf32, #tpu.memory_space<vmem>>[vector<16xi32>, vector<16xi32>], vector<16xf32>,
      %add3A_258 = arith.constant 1 : i32
      %add3A_259 = vector.broadcast %add3A_258 : i32 to vector<16xi32>
      %add3A_260 = arith.addi %mul3A_229, %add3A_259 : vector<16xi32>
      %gather3A_261 = tpu.vector_load_idx %arg10[%add3A_260] : memref<80000xf32, #tpu.memory_space<vmem>>[vector<16xi32>], vector<16xf32>,
      %add3A_262 = arith.constant 5 : i32
      %add3A_263 = vector.broadcast %add3A_262 : i32 to vector<16xi32>
      %add3A_264 = arith.addi %mul3A_234, %add3A_263 : vector<16xi32>
      %gather3A_265 = tpu.vector_load_idx %arg10[%add3A_264] : memref<80000xf32, #tpu.memory_space<vmem>>[vector<16xi32>], vector<16xf32>,
      %add3A_266 = arith.addf %gather3A_261, %gather3A_265 : vector<16xf32>
      %ge3A_267 = arith.constant 0.000000e+00 : f32
      %ge3A_268 = vector.broadcast %ge3A_267 : f32 to vector<16xf32>
      %ge3A_269 = arith.cmpf oge, %add3A_266, %ge3A_268 : vector<16xf32>
      %mul3A_270 = arith.constant 2.000000e-01 : f32
      %mul3A_271 = vector.broadcast %mul3A_270 : f32 to vector<16xf32>
      %mul3A_272 = arith.mulf %mul3A_271, %add3A_266 : vector<16xf32>
      %select_n3A_273 = arith.select %ge3A_269, %add3A_266, %mul3A_272 : vector<16xi1>, vector<16xf32>
      %exp3A_274 = math.exp %select_n3A_273 : vector<16xf32>
      %broadcast_in_dim3A_275 = arith.constant 1 : i32
      %broadcast_in_dim3A_276 = vector.broadcast %broadcast_in_dim3A_275 : i32 to vector<16xi32>
      tpu.vector_store_idx %arg15[%add3A_238, %broadcast_in_dim3A_276], %exp3A_274 : memref<80x8xf32, #tpu.memory_space<vmem>>[vector<16xi32>, vector<16xi32>], vector<16xf32>,
      %add3A_277 = arith.constant 2 : i32
      %add3A_278 = vector.broadcast %add3A_277 : i32 to vector<16xi32>
      %add3A_279 = arith.addi %mul3A_229, %add3A_278 : vector<16xi32>
      %gather3A_280 = tpu.vector_load_idx %arg10[%add3A_279] : memref<80000xf32, #tpu.memory_space<vmem>>[vector<16xi32>], vector<16xf32>,
      %add3A_281 = arith.constant 6 : i32
      %add3A_282 = vector.broadcast %add3A_281 : i32 to vector<16xi32>
      %add3A_283 = arith.addi %mul3A_234, %add3A_282 : vector<16xi32>
      %gather3A_284 = tpu.vector_load_idx %arg10[%add3A_283] : memref<80000xf32, #tpu.memory_space<vmem>>[vector<16xi32>], vector<16xf32>,
      %add3A_285 = arith.addf %gather3A_280, %gather3A_284 : vector<16xf32>
      %ge3A_286 = arith.constant 0.000000e+00 : f32
      %ge3A_287 = vector.broadcast %ge3A_286 : f32 to vector<16xf32>
      %ge3A_288 = arith.cmpf oge, %add3A_285, %ge3A_287 : vector<16xf32>
      %mul3A_289 = arith.constant 2.000000e-01 : f32
      %mul3A_290 = vector.broadcast %mul3A_289 : f32 to vector<16xf32>
      %mul3A_291 = arith.mulf %mul3A_290, %add3A_285 : vector<16xf32>
      %select_n3A_292 = arith.select %ge3A_288, %add3A_285, %mul3A_291 : vector<16xi1>, vector<16xf32>
      %exp3A_293 = math.exp %select_n3A_292 : vector<16xf32>
      %broadcast_in_dim3A_294 = arith.constant 2 : i32
      %broadcast_in_dim3A_295 = vector.broadcast %broadcast_in_dim3A_294 : i32 to vector<16xi32>
      tpu.vector_store_idx %arg15[%add3A_238, %broadcast_in_dim3A_295], %exp3A_293 : memref<80x8xf32, #tpu.memory_space<vmem>>[vector<16xi32>, vector<16xi32>], vector<16xf32>,
      %add3A_296 = arith.constant 3 : i32
      %add3A_297 = vector.broadcast %add3A_296 : i32 to vector<16xi32>
      %add3A_298 = arith.addi %mul3A_229, %add3A_297 : vector<16xi32>
      %gather3A_299 = tpu.vector_load_idx %arg10[%add3A_298] : memref<80000xf32, #tpu.memory_space<vmem>>[vector<16xi32>], vector<16xf32>,
      %add3A_300 = arith.constant 7 : i32
      %add3A_301 = vector.broadcast %add3A_300 : i32 to vector<16xi32>
      %add3A_302 = arith.addi %mul3A_234, %add3A_301 : vector<16xi32>
      %gather3A_303 = tpu.vector_load_idx %arg10[%add3A_302] : memref<80000xf32, #tpu.memory_space<vmem>>[vector<16xi32>], vector<16xf32>,
      %add3A_304 = arith.addf %gather3A_299, %gather3A_303 : vector<16xf32>
      %ge3A_305 = arith.constant 0.000000e+00 : f32
      %ge3A_306 = vector.broadcast %ge3A_305 : f32 to vector<16xf32>
      %ge3A_307 = arith.cmpf oge, %add3A_304, %ge3A_306 : vector<16xf32>
      %mul3A_308 = arith.constant 2.000000e-01 : f32
      %mul3A_309 = vector.broadcast %mul3A_308 : f32 to vector<16xf32>
      %mul3A_310 = arith.mulf %mul3A_309, %add3A_304 : vector<16xf32>
      %select_n3A_311 = arith.select %ge3A_307, %add3A_304, %mul3A_310 : vector<16xi1>, vector<16xf32>
      %exp3A_312 = math.exp %select_n3A_311 : vector<16xf32>
      %broadcast_in_dim3A_313 = arith.constant 3 : i32
      %broadcast_in_dim3A_314 = vector.broadcast %broadcast_in_dim3A_313 : i32 to vector<16xi32>
      tpu.vector_store_idx %arg15[%add3A_238, %broadcast_in_dim3A_314], %exp3A_312 : memref<80x8xf32, #tpu.memory_space<vmem>>[vector<16xi32>, vector<16xi32>], vector<16xf32>,
      %get3A_315 = arith.constant 48 : index
      %get3A_316 = tpu.vector_load %arg11[%get3A_315] {strides = array<i32>} : memref<80xi32, #tpu.memory_space<vmem>>, vector<16xi32>,
      %mul3A_317 = arith.constant 8 : i32
      %mul3A_318 = vector.broadcast %mul3A_317 : i32 to vector<16xi32>
      %mul3A_319 = arith.muli %get3A_316, %mul3A_318 : vector<16xi32>
      %get3A_320 = arith.constant 48 : index
      %get3A_321 = tpu.vector_load %arg13[%get3A_320] {strides = array<i32>} : memref<80xi32, #tpu.memory_space<vmem>>, vector<16xi32>,
      %mul3A_322 = arith.constant 8 : i32
      %mul3A_323 = vector.broadcast %mul3A_322 : i32 to vector<16xi32>
      %mul3A_324 = arith.muli %get3A_321, %mul3A_323 : vector<16xi32>
      %iota3A_325 = tpu.iota {dimensions = array<i32: 0>} : vector<16xi32>
      %add3A_326 = arith.constant 48 : i32
      %add3A_327 = vector.broadcast %add3A_326 : i32 to vector<16xi32>
      %add3A_328 = arith.addi %iota3A_325, %add3A_327 : vector<16xi32>
      %add3A_329 = arith.constant 0 : i32
      %add3A_330 = vector.broadcast %add3A_329 : i32 to vector<16xi32>
      %add3A_331 = arith.addi %mul3A_319, %add3A_330 : vector<16xi32>
      %gather3A_332 = tpu.vector_load_idx %arg10[%add3A_331] : memref<80000xf32, #tpu.memory_space<vmem>>[vector<16xi32>], vector<16xf32>,
      %add3A_333 = arith.constant 4 : i32
      %add3A_334 = vector.broadcast %add3A_333 : i32 to vector<16xi32>
      %add3A_335 = arith.addi %mul3A_324, %add3A_334 : vector<16xi32>
      %gather3A_336 = tpu.vector_load_idx %arg10[%add3A_335] : memref<80000xf32, #tpu.memory_space<vmem>>[vector<16xi32>], vector<16xf32>,
      %add3A_337 = arith.addf %gather3A_332, %gather3A_336 : vector<16xf32>
      %ge3A_338 = arith.constant 0.000000e+00 : f32
      %ge3A_339 = vector.broadcast %ge3A_338 : f32 to vector<16xf32>
      %ge3A_340 = arith.cmpf oge, %add3A_337, %ge3A_339 : vector<16xf32>
      %mul3A_341 = arith.constant 2.000000e-01 : f32
      %mul3A_342 = vector.broadcast %mul3A_341 : f32 to vector<16xf32>
      %mul3A_343 = arith.mulf %mul3A_342, %add3A_337 : vector<16xf32>
      %select_n3A_344 = arith.select %ge3A_340, %add3A_337, %mul3A_343 : vector<16xi1>, vector<16xf32>
      %exp3A_345 = math.exp %select_n3A_344 : vector<16xf32>
      %broadcast_in_dim3A_346 = arith.constant 0 : i32
      %broadcast_in_dim3A_347 = vector.broadcast %broadcast_in_dim3A_346 : i32 to vector<16xi32>
      tpu.vector_store_idx %arg15[%add3A_328, %broadcast_in_dim3A_347], %exp3A_345 : memref<80x8xf32, #tpu.memory_space<vmem>>[vector<16xi32>, vector<16xi32>], vector<16xf32>,
      %add3A_348 = arith.constant 1 : i32
      %add3A_349 = vector.broadcast %add3A_348 : i32 to vector<16xi32>
      %add3A_350 = arith.addi %mul3A_319, %add3A_349 : vector<16xi32>
      %gather3A_351 = tpu.vector_load_idx %arg10[%add3A_350] : memref<80000xf32, #tpu.memory_space<vmem>>[vector<16xi32>], vector<16xf32>,
      %add3A_352 = arith.constant 5 : i32
      %add3A_353 = vector.broadcast %add3A_352 : i32 to vector<16xi32>
      %add3A_354 = arith.addi %mul3A_324, %add3A_353 : vector<16xi32>
      %gather3A_355 = tpu.vector_load_idx %arg10[%add3A_354] : memref<80000xf32, #tpu.memory_space<vmem>>[vector<16xi32>], vector<16xf32>,
      %add3A_356 = arith.addf %gather3A_351, %gather3A_355 : vector<16xf32>
      %ge3A_357 = arith.constant 0.000000e+00 : f32
      %ge3A_358 = vector.broadcast %ge3A_357 : f32 to vector<16xf32>
      %ge3A_359 = arith.cmpf oge, %add3A_356, %ge3A_358 : vector<16xf32>
      %mul3A_360 = arith.constant 2.000000e-01 : f32
      %mul3A_361 = vector.broadcast %mul3A_360 : f32 to vector<16xf32>
      %mul3A_362 = arith.mulf %mul3A_361, %add3A_356 : vector<16xf32>
      %select_n3A_363 = arith.select %ge3A_359, %add3A_356, %mul3A_362 : vector<16xi1>, vector<16xf32>
      %exp3A_364 = math.exp %select_n3A_363 : vector<16xf32>
      %broadcast_in_dim3A_365 = arith.constant 1 : i32
      %broadcast_in_dim3A_366 = vector.broadcast %broadcast_in_dim3A_365 : i32 to vector<16xi32>
      tpu.vector_store_idx %arg15[%add3A_328, %broadcast_in_dim3A_366], %exp3A_364 : memref<80x8xf32, #tpu.memory_space<vmem>>[vector<16xi32>, vector<16xi32>], vector<16xf32>,
      %add3A_367 = arith.constant 2 : i32
      %add3A_368 = vector.broadcast %add3A_367 : i32 to vector<16xi32>
      %add3A_369 = arith.addi %mul3A_319, %add3A_368 : vector<16xi32>
      %gather3A_370 = tpu.vector_load_idx %arg10[%add3A_369] : memref<80000xf32, #tpu.memory_space<vmem>>[vector<16xi32>], vector<16xf32>,
      %add3A_371 = arith.constant 6 : i32
      %add3A_372 = vector.broadcast %add3A_371 : i32 to vector<16xi32>
      %add3A_373 = arith.addi %mul3A_324, %add3A_372 : vector<16xi32>
      %gather3A_374 = tpu.vector_load_idx %arg10[%add3A_373] : memref<80000xf32, #tpu.memory_space<vmem>>[vector<16xi32>], vector<16xf32>,
      %add3A_375 = arith.addf %gather3A_370, %gather3A_374 : vector<16xf32>
      %ge3A_376 = arith.constant 0.000000e+00 : f32
      %ge3A_377 = vector.broadcast %ge3A_376 : f32 to vector<16xf32>
      %ge3A_378 = arith.cmpf oge, %add3A_375, %ge3A_377 : vector<16xf32>
      %mul3A_379 = arith.constant 2.000000e-01 : f32
      %mul3A_380 = vector.broadcast %mul3A_379 : f32 to vector<16xf32>
      %mul3A_381 = arith.mulf %mul3A_380, %add3A_375 : vector<16xf32>
      %select_n3A_382 = arith.select %ge3A_378, %add3A_375, %mul3A_381 : vector<16xi1>, vector<16xf32>
      %exp3A_383 = math.exp %select_n3A_382 : vector<16xf32>
      %broadcast_in_dim3A_384 = arith.constant 2 : i32
      %broadcast_in_dim3A_385 = vector.broadcast %broadcast_in_dim3A_384 : i32 to vector<16xi32>
      tpu.vector_store_idx %arg15[%add3A_328, %broadcast_in_dim3A_385], %exp3A_383 : memref<80x8xf32, #tpu.memory_space<vmem>>[vector<16xi32>, vector<16xi32>], vector<16xf32>,
      %add3A_386 = arith.constant 3 : i32
      %add3A_387 = vector.broadcast %add3A_386 : i32 to vector<16xi32>
      %add3A_388 = arith.addi %mul3A_319, %add3A_387 : vector<16xi32>
      %gather3A_389 = tpu.vector_load_idx %arg10[%add3A_388] : memref<80000xf32, #tpu.memory_space<vmem>>[vector<16xi32>], vector<16xf32>,
      %add3A_390 = arith.constant 7 : i32
      %add3A_391 = vector.broadcast %add3A_390 : i32 to vector<16xi32>
      %add3A_392 = arith.addi %mul3A_324, %add3A_391 : vector<16xi32>
      %gather3A_393 = tpu.vector_load_idx %arg10[%add3A_392] : memref<80000xf32, #tpu.memory_space<vmem>>[vector<16xi32>], vector<16xf32>,
      %add3A_394 = arith.addf %gather3A_389, %gather3A_393 : vector<16xf32>
      %ge3A_395 = arith.constant 0.000000e+00 : f32
      %ge3A_396 = vector.broadcast %ge3A_395 : f32 to vector<16xf32>
      %ge3A_397 = arith.cmpf oge, %add3A_394, %ge3A_396 : vector<16xf32>
      %mul3A_398 = arith.constant 2.000000e-01 : f32
      %mul3A_399 = vector.broadcast %mul3A_398 : f32 to vector<16xf32>
      %mul3A_400 = arith.mulf %mul3A_399, %add3A_394 : vector<16xf32>
      %select_n3A_401 = arith.select %ge3A_397, %add3A_394, %mul3A_400 : vector<16xi1>, vector<16xf32>
      %exp3A_402 = math.exp %select_n3A_401 : vector<16xf32>
      %broadcast_in_dim3A_403 = arith.constant 3 : i32
      %broadcast_in_dim3A_404 = vector.broadcast %broadcast_in_dim3A_403 : i32 to vector<16xi32>
      tpu.vector_store_idx %arg15[%add3A_328, %broadcast_in_dim3A_404], %exp3A_402 : memref<80x8xf32, #tpu.memory_space<vmem>>[vector<16xi32>, vector<16xi32>], vector<16xf32>,
      %get3A_405 = arith.constant 64 : index
      %get3A_406 = tpu.vector_load %arg11[%get3A_405] {strides = array<i32>} : memref<80xi32, #tpu.memory_space<vmem>>, vector<16xi32>,
      %mul3A_407 = arith.constant 8 : i32
      %mul3A_408 = vector.broadcast %mul3A_407 : i32 to vector<16xi32>
      %mul3A_409 = arith.muli %get3A_406, %mul3A_408 : vector<16xi32>
      %get3A_410 = arith.constant 64 : index
      %get3A_411 = tpu.vector_load %arg13[%get3A_410] {strides = array<i32>} : memref<80xi32, #tpu.memory_space<vmem>>, vector<16xi32>,
      %mul3A_412 = arith.constant 8 : i32
      %mul3A_413 = vector.broadcast %mul3A_412 : i32 to vector<16xi32>
      %mul3A_414 = arith.muli %get3A_411, %mul3A_413 : vector<16xi32>
      %iota3A_415 = tpu.iota {dimensions = array<i32: 0>} : vector<16xi32>
      %add3A_416 = arith.constant 64 : i32
      %add3A_417 = vector.broadcast %add3A_416 : i32 to vector<16xi32>
      %add3A_418 = arith.addi %iota3A_415, %add3A_417 : vector<16xi32>
      %add3A_419 = arith.constant 0 : i32
      %add3A_420 = vector.broadcast %add3A_419 : i32 to vector<16xi32>
      %add3A_421 = arith.addi %mul3A_409, %add3A_420 : vector<16xi32>
      %gather3A_422 = tpu.vector_load_idx %arg10[%add3A_421] : memref<80000xf32, #tpu.memory_space<vmem>>[vector<16xi32>], vector<16xf32>,
      %add3A_423 = arith.constant 4 : i32
      %add3A_424 = vector.broadcast %add3A_423 : i32 to vector<16xi32>
      %add3A_425 = arith.addi %mul3A_414, %add3A_424 : vector<16xi32>
      %gather3A_426 = tpu.vector_load_idx %arg10[%add3A_425] : memref<80000xf32, #tpu.memory_space<vmem>>[vector<16xi32>], vector<16xf32>,
      %add3A_427 = arith.addf %gather3A_422, %gather3A_426 : vector<16xf32>
      %ge3A_428 = arith.constant 0.000000e+00 : f32
      %ge3A_429 = vector.broadcast %ge3A_428 : f32 to vector<16xf32>
      %ge3A_430 = arith.cmpf oge, %add3A_427, %ge3A_429 : vector<16xf32>
      %mul3A_431 = arith.constant 2.000000e-01 : f32
      %mul3A_432 = vector.broadcast %mul3A_431 : f32 to vector<16xf32>
      %mul3A_433 = arith.mulf %mul3A_432, %add3A_427 : vector<16xf32>
      %select_n3A_434 = arith.select %ge3A_430, %add3A_427, %mul3A_433 : vector<16xi1>, vector<16xf32>
      %exp3A_435 = math.exp %select_n3A_434 : vector<16xf32>
      %broadcast_in_dim3A_436 = arith.constant 0 : i32
      %broadcast_in_dim3A_437 = vector.broadcast %broadcast_in_dim3A_436 : i32 to vector<16xi32>
      tpu.vector_store_idx %arg15[%add3A_418, %broadcast_in_dim3A_437], %exp3A_435 : memref<80x8xf32, #tpu.memory_space<vmem>>[vector<16xi32>, vector<16xi32>], vector<16xf32>,
      %add3A_438 = arith.constant 1 : i32
      %add3A_439 = vector.broadcast %add3A_438 : i32 to vector<16xi32>
      %add3A_440 = arith.addi %mul3A_409, %add3A_439 : vector<16xi32>
      %gather3A_441 = tpu.vector_load_idx %arg10[%add3A_440] : memref<80000xf32, #tpu.memory_space<vmem>>[vector<16xi32>], vector<16xf32>,
      %add3A_442 = arith.constant 5 : i32
      %add3A_443 = vector.broadcast %add3A_442 : i32 to vector<16xi32>
      %add3A_444 = arith.addi %mul3A_414, %add3A_443 : vector<16xi32>
      %gather3A_445 = tpu.vector_load_idx %arg10[%add3A_444] : memref<80000xf32, #tpu.memory_space<vmem>>[vector<16xi32>], vector<16xf32>,
      %add3A_446 = arith.addf %gather3A_441, %gather3A_445 : vector<16xf32>
      %ge3A_447 = arith.constant 0.000000e+00 : f32
      %ge3A_448 = vector.broadcast %ge3A_447 : f32 to vector<16xf32>
      %ge3A_449 = arith.cmpf oge, %add3A_446, %ge3A_448 : vector<16xf32>
      %mul3A_450 = arith.constant 2.000000e-01 : f32
      %mul3A_451 = vector.broadcast %mul3A_450 : f32 to vector<16xf32>
      %mul3A_452 = arith.mulf %mul3A_451, %add3A_446 : vector<16xf32>
      %select_n3A_453 = arith.select %ge3A_449, %add3A_446, %mul3A_452 : vector<16xi1>, vector<16xf32>
      %exp3A_454 = math.exp %select_n3A_453 : vector<16xf32>
      %broadcast_in_dim3A_455 = arith.constant 1 : i32
      %broadcast_in_dim3A_456 = vector.broadcast %broadcast_in_dim3A_455 : i32 to vector<16xi32>
      tpu.vector_store_idx %arg15[%add3A_418, %broadcast_in_dim3A_456], %exp3A_454 : memref<80x8xf32, #tpu.memory_space<vmem>>[vector<16xi32>, vector<16xi32>], vector<16xf32>,
      %add3A_457 = arith.constant 2 : i32
      %add3A_458 = vector.broadcast %add3A_457 : i32 to vector<16xi32>
      %add3A_459 = arith.addi %mul3A_409, %add3A_458 : vector<16xi32>
      %gather3A_460 = tpu.vector_load_idx %arg10[%add3A_459] : memref<80000xf32, #tpu.memory_space<vmem>>[vector<16xi32>], vector<16xf32>,
      %add3A_461 = arith.constant 6 : i32
      %add3A_462 = vector.broadcast %add3A_461 : i32 to vector<16xi32>
      %add3A_463 = arith.addi %mul3A_414, %add3A_462 : vector<16xi32>
      %gather3A_464 = tpu.vector_load_idx %arg10[%add3A_463] : memref<80000xf32, #tpu.memory_space<vmem>>[vector<16xi32>], vector<16xf32>,
      %add3A_465 = arith.addf %gather3A_460, %gather3A_464 : vector<16xf32>
      %ge3A_466 = arith.constant 0.000000e+00 : f32
      %ge3A_467 = vector.broadcast %ge3A_466 : f32 to vector<16xf32>
      %ge3A_468 = arith.cmpf oge, %add3A_465, %ge3A_467 : vector<16xf32>
      %mul3A_469 = arith.constant 2.000000e-01 : f32
      %mul3A_470 = vector.broadcast %mul3A_469 : f32 to vector<16xf32>
      %mul3A_471 = arith.mulf %mul3A_470, %add3A_465 : vector<16xf32>
      %select_n3A_472 = arith.select %ge3A_468, %add3A_465, %mul3A_471 : vector<16xi1>, vector<16xf32>
      %exp3A_473 = math.exp %select_n3A_472 : vector<16xf32>
      %broadcast_in_dim3A_474 = arith.constant 2 : i32
      %broadcast_in_dim3A_475 = vector.broadcast %broadcast_in_dim3A_474 : i32 to vector<16xi32>
      tpu.vector_store_idx %arg15[%add3A_418, %broadcast_in_dim3A_475], %exp3A_473 : memref<80x8xf32, #tpu.memory_space<vmem>>[vector<16xi32>, vector<16xi32>], vector<16xf32>,
      %add3A_476 = arith.constant 3 : i32
      %add3A_477 = vector.broadcast %add3A_476 : i32 to vector<16xi32>
      %add3A_478 = arith.addi %mul3A_409, %add3A_477 : vector<16xi32>
      %gather3A_479 = tpu.vector_load_idx %arg10[%add3A_478] : memref<80000xf32, #tpu.memory_space<vmem>>[vector<16xi32>], vector<16xf32>,
      %add3A_480 = arith.constant 7 : i32
      %add3A_481 = vector.broadcast %add3A_480 : i32 to vector<16xi32>
      %add3A_482 = arith.addi %mul3A_414, %add3A_481 : vector<16xi32>
      %gather3A_483 = tpu.vector_load_idx %arg10[%add3A_482] : memref<80000xf32, #tpu.memory_space<vmem>>[vector<16xi32>], vector<16xf32>,
      %add3A_484 = arith.addf %gather3A_479, %gather3A_483 : vector<16xf32>
      %ge3A_485 = arith.constant 0.000000e+00 : f32
      %ge3A_486 = vector.broadcast %ge3A_485 : f32 to vector<16xf32>
      %ge3A_487 = arith.cmpf oge, %add3A_484, %ge3A_486 : vector<16xf32>
      %mul3A_488 = arith.constant 2.000000e-01 : f32
      %mul3A_489 = vector.broadcast %mul3A_488 : f32 to vector<16xf32>
      %mul3A_490 = arith.mulf %mul3A_489, %add3A_484 : vector<16xf32>
      %select_n3A_491 = arith.select %ge3A_487, %add3A_484, %mul3A_490 : vector<16xi1>, vector<16xf32>
      %exp3A_492 = math.exp %select_n3A_491 : vector<16xf32>
      %broadcast_in_dim3A_493 = arith.constant 3 : i32
      %broadcast_in_dim3A_494 = vector.broadcast %broadcast_in_dim3A_493 : i32 to vector<16xi32>
      tpu.vector_store_idx %arg15[%add3A_418, %broadcast_in_dim3A_494], %exp3A_492 : memref<80x8xf32, #tpu.memory_space<vmem>>[vector<16xi32>, vector<16xi32>], vector<16xf32>,
      %scan3A_495 = arith.constant 0 : i32
      %scan3A_496 = arith.constant 0 : i32
      %scan3A_497 = arith.constant 80 : i32
      %scan3A_498 = arith.addi %scan3A_496, %scan3A_497 : i32
      %scan3A_499 = arith.constant 1 : i32
      scf.for %scan3A_501 = %scan3A_496 to %scan3A_498 step %scan3A_499  : i32 {
        %broadcast_in_dim3A_502 = vector.broadcast %scan3A_501 : i32 to vector<16xi32>
        %gather3A_503 = tpu.vector_load_idx %arg15[%broadcast_in_dim3A_502, %broadcast_in_dim3A] : memref<80x8xf32, #tpu.memory_space<vmem>>[vector<16xi32>, vector<16xi32>], vector<16xf32>,
        %gather3A_504 = tpu.vector_load_idx %arg15[%broadcast_in_dim3A_502, %add3A_6] : memref<80x8xf32, #tpu.memory_space<vmem>>[vector<16xi32>, vector<16xi32>], vector<16xf32>,
        %get3A_505 = arith.index_cast %scan3A_501 : i32 to index
        %get3A_506 = arith.constant 0 : index
        %get3A_507 = tpu.vector_load %arg14[%get3A_505, %get3A_506] {strides = array<i32>} : memref<80x64xf32, #tpu.memory_space<vmem>>, vector<16xf32>,
        %mul3A_508 = arith.mulf %get3A_507, %gather3A_503 : vector<16xf32>
        %swap3A_509 = arith.index_cast %scan3A_501 : i32 to index
        %swap3A_510 = arith.constant 0 : index
        %swap3A_511 = tpu.vector_load %arg14[%swap3A_509, %swap3A_510] {strides = array<i32>} : memref<80x64xf32, #tpu.memory_space<vmem>>, vector<16xf32>,
        tpu.vector_store %arg14[%swap3A_509, %swap3A_510], %mul3A_508 {strides = array<i32>} : memref<80x64xf32, #tpu.memory_space<vmem>>, vector<16xf32>,
        %get3A_512 = arith.index_cast %scan3A_501 : i32 to index
        %get3A_513 = arith.constant 32 : index
        %get3A_514 = tpu.vector_load %arg14[%get3A_512, %get3A_513] {strides = array<i32>} : memref<80x64xf32, #tpu.memory_space<vmem>>, vector<16xf32>,
        %mul3A_515 = arith.mulf %get3A_514, %gather3A_504 : vector<16xf32>
        %swap3A_516 = arith.index_cast %scan3A_501 : i32 to index
        %swap3A_517 = arith.constant 32 : index
        %swap3A_518 = tpu.vector_load %arg14[%swap3A_516, %swap3A_517] {strides = array<i32>} : memref<80x64xf32, #tpu.memory_space<vmem>>, vector<16xf32>,
        tpu.vector_store %arg14[%swap3A_516, %swap3A_517], %mul3A_515 {strides = array<i32>} : memref<80x64xf32, #tpu.memory_space<vmem>>, vector<16xf32>,
        %get3A_519 = arith.index_cast %scan3A_501 : i32 to index
        %get3A_520 = arith.constant 16 : index
        %get3A_521 = tpu.vector_load %arg14[%get3A_519, %get3A_520] {strides = array<i32>} : memref<80x64xf32, #tpu.memory_space<vmem>>, vector<16xf32>,
        %mul3A_522 = arith.mulf %get3A_521, %gather3A_503 : vector<16xf32>
        %swap3A_523 = arith.index_cast %scan3A_501 : i32 to index
        %swap3A_524 = arith.constant 16 : index
        %swap3A_525 = tpu.vector_load %arg14[%swap3A_523, %swap3A_524] {strides = array<i32>} : memref<80x64xf32, #tpu.memory_space<vmem>>, vector<16xf32>,
        tpu.vector_store %arg14[%swap3A_523, %swap3A_524], %mul3A_522 {strides = array<i32>} : memref<80x64xf32, #tpu.memory_space<vmem>>, vector<16xf32>,
        %get3A_526 = arith.index_cast %scan3A_501 : i32 to index
        %get3A_527 = arith.constant 48 : index
        %get3A_528 = tpu.vector_load %arg14[%get3A_526, %get3A_527] {strides = array<i32>} : memref<80x64xf32, #tpu.memory_space<vmem>>, vector<16xf32>,
        %mul3A_529 = arith.mulf %get3A_528, %gather3A_504 : vector<16xf32>
        %swap3A_530 = arith.index_cast %scan3A_501 : i32 to index
        %swap3A_531 = arith.constant 48 : index
        %swap3A_532 = tpu.vector_load %arg14[%swap3A_530, %swap3A_531] {strides = array<i32>} : memref<80x64xf32, #tpu.memory_space<vmem>>, vector<16xf32>,
        tpu.vector_store %arg14[%swap3A_530, %swap3A_531], %mul3A_529 {strides = array<i32>} : memref<80x64xf32, #tpu.memory_space<vmem>>, vector<16xf32>,
      }
      %scan3A_500 = arith.constant 80 : i32
      "tpu.region"() ({
        %run_scoped3A = tpu.sem_alloc : memref<!tpu.dma_semaphore, #tpu.memory_space<semaphore_mem>>
        %dma_start3A_501 = arith.constant 0 : i32
        %dma_start3A_502 = arith.constant 0 : i32
        %dma_start3A_503 = tpu.memref_slice %arg17[%dma_start3A_501, %dma_start3A_502] : memref<10000x64xf32, #tpu.memory_space<vmem_shared>> -> memref<10000x64xf32, #tpu.memory_space<vmem_shared>>
        tpu.enqueue_indirect_dma source(%arg14 : memref<80x64xf32, #tpu.memory_space<vmem>>) target(%dma_start3A_503 : memref<10000x64xf32, #tpu.memory_space<vmem_shared>>) offsets(%arg13 : memref<80xi32, #tpu.memory_space<vmem>>) semaphore(%run_scoped3A : memref<!tpu.dma_semaphore, #tpu.memory_space<semaphore_mem>>) {add = true}
        %dma_wait3A_504 = arith.constant 0 : i32
        %dma_wait3A_505 = arith.constant 0 : i32
        %dma_wait3A_506 = tpu.memref_slice %arg17[%dma_wait3A_504, %dma_wait3A_505] : memref<10000x64xf32, #tpu.memory_space<vmem_shared>> -> memref<10000x64xf32, #tpu.memory_space<vmem_shared>>
        tpu.wait_indirect_dma semaphore(%run_scoped3A : memref<!tpu.dma_semaphore, #tpu.memory_space<semaphore_mem>>) src(%arg14 : memref<80x64xf32, #tpu.memory_space<vmem>>) dst(%dma_wait3A_506 : memref<10000x64xf32, #tpu.memory_space<vmem_shared>>)
        tpu.yield
      }) : () -> ()
      "tpu.region"() ({
        %run_scoped3A = tpu.sem_alloc : memref<!tpu.dma_semaphore, #tpu.memory_space<semaphore_mem>>
        %dma_start3A_501 = arith.constant 0 : i32
        %dma_start3A_502 = arith.constant 0 : i32
        %dma_start3A_503 = tpu.memref_slice %arg18[%dma_start3A_501, %dma_start3A_502] : memref<10000x8xf32, #tpu.memory_space<vmem_shared>> -> memref<10000x8xf32, #tpu.memory_space<vmem_shared>>
        tpu.enqueue_indirect_dma source(%arg15 : memref<80x8xf32, #tpu.memory_space<vmem>>) target(%dma_start3A_503 : memref<10000x8xf32, #tpu.memory_space<vmem_shared>>) offsets(%arg13 : memref<80xi32, #tpu.memory_space<vmem>>) semaphore(%run_scoped3A : memref<!tpu.dma_semaphore, #tpu.memory_space<semaphore_mem>>) {add = true}
        %dma_wait3A_504 = arith.constant 0 : i32
        %dma_wait3A_505 = arith.constant 0 : i32
        %dma_wait3A_506 = tpu.memref_slice %arg18[%dma_wait3A_504, %dma_wait3A_505] : memref<10000x8xf32, #tpu.memory_space<vmem_shared>> -> memref<10000x8xf32, #tpu.memory_space<vmem_shared>>
        tpu.wait_indirect_dma semaphore(%run_scoped3A : memref<!tpu.dma_semaphore, #tpu.memory_space<semaphore_mem>>) src(%arg15 : memref<80x8xf32, #tpu.memory_space<vmem>>) dst(%dma_wait3A_506 : memref<10000x8xf32, #tpu.memory_space<vmem_shared>>)
        tpu.yield
      }) : () -> ()
    }
    %scan3A_14 = arith.constant 250 : i32
    %barrier3A_15 = arith.constant 0 : index
    tpu.barrier barrier_id(%barrier3A_15)
    %mul3A_16 = arith.constant 10000 : i32
    %mul3A_17 = arith.muli %arg0, %mul3A_16 : i32
    %add3A_18 = arith.addi %mul3A_17, %mul3A_0 : i32
    "tpu.region"() ({
      %run_scoped3A = tpu.sem_alloc : memref<!tpu.dma_semaphore, #tpu.memory_space<semaphore_mem>>
      %dma_start3A = arith.constant 0 : i32
      %dma_start3A_19 = tpu.memref_slice %arg8[%add3A_18, %dma_start3A] : memref<20000x64xf32, #tpu.memory_space<hbm>> -> memref<625x64xf32, #tpu.memory_space<hbm>>
      %dma_start3A_20 = arith.constant 0 : i32
      %dma_start3A_21 = tpu.memref_slice %arg17[%mul3A_0, %dma_start3A_20] : memref<10000x64xf32, #tpu.memory_space<vmem_shared>> -> memref<625x64xf32, #tpu.memory_space<vmem_shared>>
      tpu.enqueue_dma source(%dma_start3A_21 : memref<625x64xf32, #tpu.memory_space<vmem_shared>>) target(%dma_start3A_19 : memref<625x64xf32, #tpu.memory_space<hbm>>) target_semaphore(%run_scoped3A : memref<!tpu.dma_semaphore, #tpu.memory_space<semaphore_mem>>)
      %dma_wait3A = arith.constant 0 : i32
      %dma_wait3A_22 = tpu.memref_slice %arg8[%add3A_18, %dma_wait3A] : memref<20000x64xf32, #tpu.memory_space<hbm>> -> memref<625x64xf32, #tpu.memory_space<hbm>>
      %dma_wait3A_23 = arith.constant 0 : i32
      %dma_wait3A_24 = tpu.memref_slice %arg17[%mul3A_0, %dma_wait3A_23] : memref<10000x64xf32, #tpu.memory_space<vmem_shared>> -> memref<625x64xf32, #tpu.memory_space<vmem_shared>>
      tpu.wait_dma2 semaphore(%run_scoped3A : memref<!tpu.dma_semaphore, #tpu.memory_space<semaphore_mem>>) src(%dma_wait3A_24 : memref<625x64xf32, #tpu.memory_space<vmem_shared>>) dst(%dma_wait3A_22 : memref<625x64xf32, #tpu.memory_space<hbm>>)
      tpu.yield
    }) : () -> ()
    "tpu.region"() ({
      %run_scoped3A = tpu.sem_alloc : memref<!tpu.dma_semaphore, #tpu.memory_space<semaphore_mem>>
      %dma_start3A = arith.constant 0 : i32
      %dma_start3A_19 = tpu.memref_slice %arg9[%add3A_18, %dma_start3A] : memref<20000x8xf32, #tpu.memory_space<hbm>> -> memref<625x8xf32, #tpu.memory_space<hbm>>
      %dma_start3A_20 = arith.constant 0 : i32
      %dma_start3A_21 = tpu.memref_slice %arg18[%mul3A_0, %dma_start3A_20] : memref<10000x8xf32, #tpu.memory_space<vmem_shared>> -> memref<625x8xf32, #tpu.memory_space<vmem_shared>>
      tpu.enqueue_dma source(%dma_start3A_21 : memref<625x8xf32, #tpu.memory_space<vmem_shared>>) target(%dma_start3A_19 : memref<625x8xf32, #tpu.memory_space<hbm>>) target_semaphore(%run_scoped3A : memref<!tpu.dma_semaphore, #tpu.memory_space<semaphore_mem>>)
      %dma_wait3A = arith.constant 0 : i32
      %dma_wait3A_22 = tpu.memref_slice %arg9[%add3A_18, %dma_wait3A] : memref<20000x8xf32, #tpu.memory_space<hbm>> -> memref<625x8xf32, #tpu.memory_space<hbm>>
      %dma_wait3A_23 = arith.constant 0 : i32
      %dma_wait3A_24 = tpu.memref_slice %arg18[%mul3A_0, %dma_wait3A_23] : memref<10000x8xf32, #tpu.memory_space<vmem_shared>> -> memref<625x8xf32, #tpu.memory_space<vmem_shared>>
      tpu.wait_dma2 semaphore(%run_scoped3A : memref<!tpu.dma_semaphore, #tpu.memory_space<semaphore_mem>>) src(%dma_wait3A_24 : memref<625x8xf32, #tpu.memory_space<vmem_shared>>) dst(%dma_wait3A_22 : memref<625x8xf32, #tpu.memory_space<hbm>>)
      tpu.yield
    }) : () -> ()
    return
  }
}

#map = affine_map<(d0, d1) -> (0, 0)>
#map1 = affine_map<(d0, d1) -> (0)>
module attributes {stable_mosaic.version = 14 : i64} {
  func.func @_sc_edge_body(%arg0: i32, %arg1: i32, %arg2: memref<20000x64xf32, #tpu.memory_space<hbm>>, %arg3: memref<80000xf32, #tpu.memory_space<hbm>>, %arg4: memref<320000xi32, #tpu.memory_space<hbm>>, %arg5: memref<320000xi32, #tpu.memory_space<hbm>>, %arg6: memref<625x64xf32, #tpu.memory_space<hbm>>, %arg7: memref<625x8xf32, #tpu.memory_space<hbm>>, %arg8: memref<20000x64xf32, #tpu.memory_space<hbm>>, %arg9: memref<20000x8xf32, #tpu.memory_space<hbm>>, %arg10: memref<80000xf32, #tpu.memory_space<vmem>>, %arg11: memref<80xi32, #tpu.memory_space<vmem>>, %arg12: memref<80xi32, #tpu.memory_space<vmem>>, %arg13: memref<80xi32, #tpu.memory_space<vmem>>, %arg14: memref<80x64xf32, #tpu.memory_space<vmem>>, %arg15: memref<80x8xf32, #tpu.memory_space<vmem>>, %arg16: memref<!tpu.dma_semaphore, #tpu.memory_space<semaphore_mem>>, %arg17: memref<10000x64xf32, #tpu.memory_space<vmem_shared>>, %arg18: memref<10000x8xf32, #tpu.memory_space<vmem_shared>>) attributes {dimension_semantics = [#tpu.dimension_semantics<core_parallel>, #tpu.dimension_semantics<subcore_parallel>], iteration_bounds = array<i64: 2, 16>, scalar_prefetch = 0 : i64, scratch_operands = 9 : i64, tpu.core_type = #tpu.core_type<sc_vector_subcore>, window_params = [{transform_indices = #map}, {transform_indices = #map1}, {transform_indices = #map1}, {transform_indices = #map1}, {transform_indices = #map}, {transform_indices = #map}, {transform_indices = #map}, {transform_indices = #map}]} {
    "tpu.region"() ({
      %run_scoped3A = tpu.sem_alloc : memref<!tpu.dma_semaphore, #tpu.memory_space<semaphore_mem>>
      tpu.enqueue_dma source(%arg3 : memref<80000xf32, #tpu.memory_space<hbm>>) target(%arg10 : memref<80000xf32, #tpu.memory_space<vmem>>) target_semaphore(%run_scoped3A : memref<!tpu.dma_semaphore, #tpu.memory_space<semaphore_mem>>)
      tpu.wait_dma2 semaphore(%run_scoped3A : memref<!tpu.dma_semaphore, #tpu.memory_space<semaphore_mem>>) src(%arg3 : memref<80000xf32, #tpu.memory_space<hbm>>) dst(%arg10 : memref<80000xf32, #tpu.memory_space<vmem>>)
      tpu.yield
    }) : () -> ()
    %mul3A = arith.constant 625 : i32
    %mul3A_0 = arith.muli %arg1, %mul3A : i32
    "tpu.region"() ({
      %run_scoped3A = tpu.sem_alloc : memref<!tpu.dma_semaphore, #tpu.memory_space<semaphore_mem>>
      %dma_start3A = arith.constant 0 : i32
      %dma_start3A_19 = tpu.memref_slice %arg17[%mul3A_0, %dma_start3A] : memref<10000x64xf32, #tpu.memory_space<vmem_shared>> -> memref<625x64xf32, #tpu.memory_space<vmem_shared>>
      tpu.enqueue_dma source(%arg6 : memref<625x64xf32, #tpu.memory_space<hbm>>) target(%dma_start3A_19 : memref<625x64xf32, #tpu.memory_space<vmem_shared>>) target_semaphore(%run_scoped3A : memref<!tpu.dma_semaphore, #tpu.memory_space<semaphore_mem>>)
      %dma_wait3A = arith.constant 0 : i32
      %dma_wait3A_20 = tpu.memref_slice %arg17[%mul3A_0, %dma_wait3A] : memref<10000x64xf32, #tpu.memory_space<vmem_shared>> -> memref<625x64xf32, #tpu.memory_space<vmem_shared>>
      tpu.wait_dma2 semaphore(%run_scoped3A : memref<!tpu.dma_semaphore, #tpu.memory_space<semaphore_mem>>) src(%arg6 : memref<625x64xf32, #tpu.memory_space<hbm>>) dst(%dma_wait3A_20 : memref<625x64xf32, #tpu.memory_space<vmem_shared>>)
      tpu.yield
    }) : () -> ()
    "tpu.region"() ({
      %run_scoped3A = tpu.sem_alloc : memref<!tpu.dma_semaphore, #tpu.memory_space<semaphore_mem>>
      %dma_start3A = arith.constant 0 : i32
      %dma_start3A_19 = tpu.memref_slice %arg18[%mul3A_0, %dma_start3A] : memref<10000x8xf32, #tpu.memory_space<vmem_shared>> -> memref<625x8xf32, #tpu.memory_space<vmem_shared>>
      tpu.enqueue_dma source(%arg7 : memref<625x8xf32, #tpu.memory_space<hbm>>) target(%dma_start3A_19 : memref<625x8xf32, #tpu.memory_space<vmem_shared>>) target_semaphore(%run_scoped3A : memref<!tpu.dma_semaphore, #tpu.memory_space<semaphore_mem>>)
      %dma_wait3A = arith.constant 0 : i32
      %dma_wait3A_20 = tpu.memref_slice %arg18[%mul3A_0, %dma_wait3A] : memref<10000x8xf32, #tpu.memory_space<vmem_shared>> -> memref<625x8xf32, #tpu.memory_space<vmem_shared>>
      tpu.wait_dma2 semaphore(%run_scoped3A : memref<!tpu.dma_semaphore, #tpu.memory_space<semaphore_mem>>) src(%arg7 : memref<625x8xf32, #tpu.memory_space<hbm>>) dst(%dma_wait3A_20 : memref<625x8xf32, #tpu.memory_space<vmem_shared>>)
      tpu.yield
    }) : () -> ()
    "tpu.region"() ({
      %run_scoped3A = tpu.sem_alloc : memref<!tpu.dma_semaphore, #tpu.memory_space<semaphore_mem>>
      %dma_start3A = arith.constant 0 : i32
      %dma_start3A_19 = arith.constant 0 : i32
      %dma_start3A_20 = tpu.memref_slice %arg7[%dma_start3A, %dma_start3A_19] : memref<625x8xf32, #tpu.memory_space<hbm>> -> memref<80x8xf32, #tpu.memory_space<hbm>>
      %dma_start3A_21 = arith.constant 0 : i32
      %dma_start3A_22 = arith.constant 0 : i32
      %dma_start3A_23 = tpu.memref_slice %arg7[%dma_start3A_21, %dma_start3A_22] : memref<625x8xf32, #tpu.memory_space<hbm>> -> memref<80x8xf32, #tpu.memory_space<hbm>>
      tpu.enqueue_dma source(%dma_start3A_23 : memref<80x8xf32, #tpu.memory_space<hbm>>) target(%arg15 : memref<80x8xf32, #tpu.memory_space<vmem>>) target_semaphore(%run_scoped3A : memref<!tpu.dma_semaphore, #tpu.memory_space<semaphore_mem>>)
      %dma_wait3A = arith.constant 0 : i32
      %dma_wait3A_24 = arith.constant 0 : i32
      %dma_wait3A_25 = tpu.memref_slice %arg7[%dma_wait3A, %dma_wait3A_24] : memref<625x8xf32, #tpu.memory_space<hbm>> -> memref<80x8xf32, #tpu.memory_space<hbm>>
      %dma_wait3A_26 = arith.constant 0 : i32
      %dma_wait3A_27 = arith.constant 0 : i32
      %dma_wait3A_28 = tpu.memref_slice %arg7[%dma_wait3A_26, %dma_wait3A_27] : memref<625x8xf32, #tpu.memory_space<hbm>> -> memref<80x8xf32, #tpu.memory_space<hbm>>
      tpu.wait_dma2 semaphore(%run_scoped3A : memref<!tpu.dma_semaphore, #tpu.memory_space<semaphore_mem>>) src(%dma_wait3A_28 : memref<80x8xf32, #tpu.memory_space<hbm>>) dst(%arg15 : memref<80x8xf32, #tpu.memory_space<vmem>>)
      tpu.yield
    }) : () -> ()
    %barrier3A = arith.constant 0 : index
    tpu.barrier barrier_id(%barrier3A)
    %mul3A_1 = arith.constant 20000 : i32
    %mul3A_2 = arith.muli %arg1, %mul3A_1 : i32
    %mul3A_3 = arith.constant 2 : i32
    %mul3A_4 = arith.muli %mul3A_3, %arg0 : i32
    %broadcast_in_dim3A = vector.broadcast %mul3A_4 : i32 to vector<16xi32>
    %add3A = arith.constant 1 : i32
    %add3A_5 = vector.broadcast %add3A : i32 to vector<16xi32>
    %add3A_6 = arith.addi %broadcast_in_dim3A, %add3A_5 : vector<16xi32>
    %mul3A_7 = arith.constant 10000 : i32
    %mul3A_8 = arith.muli %arg0, %mul3A_7 : i32
    %broadcast_in_dim3A_9 = vector.broadcast %mul3A_8 : i32 to vector<16xi32>
    %scan3A = arith.constant 0 : i32
    %scan3A_10 = arith.constant 0 : i32
    %scan3A_11 = arith.constant 250 : i32
    %scan3A_12 = arith.addi %scan3A_10, %scan3A_11 : i32
    %scan3A_13 = arith.constant 1 : i32
    scf.for %scan3A_19 = %scan3A_10 to %scan3A_12 step %scan3A_13  : i32 {
      %mul3A_20 = arith.constant 80 : i32
      %mul3A_21 = arith.muli %scan3A_19, %mul3A_20 : i32
      %add3A_22 = arith.addi %mul3A_2, %mul3A_21 : i32
      "tpu.region"() ({
        %run_scoped3A = tpu.sem_alloc : memref<!tpu.dma_semaphore, #tpu.memory_space<semaphore_mem>>
        %dma_start3A_501 = tpu.memref_slice %arg4[%add3A_22] : memref<320000xi32, #tpu.memory_space<hbm>> -> memref<80xi32, #tpu.memory_space<hbm>>
        %dma_start3A_502 = tpu.memref_slice %arg4[%add3A_22] : memref<320000xi32, #tpu.memory_space<hbm>> -> memref<80xi32, #tpu.memory_space<hbm>>
        tpu.enqueue_dma source(%dma_start3A_502 : memref<80xi32, #tpu.memory_space<hbm>>) target(%arg11 : memref<80xi32, #tpu.memory_space<vmem>>) target_semaphore(%run_scoped3A : memref<!tpu.dma_semaphore, #tpu.memory_space<semaphore_mem>>)
        %dma_wait3A_503 = tpu.memref_slice %arg4[%add3A_22] : memref<320000xi32, #tpu.memory_space<hbm>> -> memref<80xi32, #tpu.memory_space<hbm>>
        %dma_wait3A_504 = tpu.memref_slice %arg4[%add3A_22] : memref<320000xi32, #tpu.memory_space<hbm>> -> memref<80xi32, #tpu.memory_space<hbm>>
        tpu.wait_dma2 semaphore(%run_scoped3A : memref<!tpu.dma_semaphore, #tpu.memory_space<semaphore_mem>>) src(%dma_wait3A_504 : memref<80xi32, #tpu.memory_space<hbm>>) dst(%arg11 : memref<80xi32, #tpu.memory_space<vmem>>)
        tpu.yield
      }) : () -> ()
      "tpu.region"() ({
        %run_scoped3A = tpu.sem_alloc : memref<!tpu.dma_semaphore, #tpu.memory_space<semaphore_mem>>
        %dma_start3A_501 = tpu.memref_slice %arg5[%add3A_22] : memref<320000xi32, #tpu.memory_space<hbm>> -> memref<80xi32, #tpu.memory_space<hbm>>
        %dma_start3A_502 = tpu.memref_slice %arg5[%add3A_22] : memref<320000xi32, #tpu.memory_space<hbm>> -> memref<80xi32, #tpu.memory_space<hbm>>
        tpu.enqueue_dma source(%dma_start3A_502 : memref<80xi32, #tpu.memory_space<hbm>>) target(%arg13 : memref<80xi32, #tpu.memory_space<vmem>>) target_semaphore(%run_scoped3A : memref<!tpu.dma_semaphore, #tpu.memory_space<semaphore_mem>>)
        %dma_wait3A_503 = tpu.memref_slice %arg5[%add3A_22] : memref<320000xi32, #tpu.memory_space<hbm>> -> memref<80xi32, #tpu.memory_space<hbm>>
        %dma_wait3A_504 = tpu.memref_slice %arg5[%add3A_22] : memref<320000xi32, #tpu.memory_space<hbm>> -> memref<80xi32, #tpu.memory_space<hbm>>
        tpu.wait_dma2 semaphore(%run_scoped3A : memref<!tpu.dma_semaphore, #tpu.memory_space<semaphore_mem>>) src(%dma_wait3A_504 : memref<80xi32, #tpu.memory_space<hbm>>) dst(%arg13 : memref<80xi32, #tpu.memory_space<vmem>>)
        tpu.yield
      }) : () -> ()
      %get3A = arith.constant 0 : index
      %get3A_23 = tpu.vector_load %arg11[%get3A] {strides = array<i32>} : memref<80xi32, #tpu.memory_space<vmem>>, vector<16xi32>,
      %add3A_24 = arith.addi %get3A_23, %broadcast_in_dim3A_9 : vector<16xi32>
      %swap3A = arith.constant 0 : index
      %swap3A_25 = tpu.vector_load %arg12[%swap3A] {strides = array<i32>} : memref<80xi32, #tpu.memory_space<vmem>>, vector<16xi32>,
      tpu.vector_store %arg12[%swap3A], %add3A_24 {strides = array<i32>} : memref<80xi32, #tpu.memory_space<vmem>>, vector<16xi32>,
      %get3A_26 = arith.constant 16 : index
      %get3A_27 = tpu.vector_load %arg11[%get3A_26] {strides = array<i32>} : memref<80xi32, #tpu.memory_space<vmem>>, vector<16xi32>,
      %add3A_28 = arith.addi %get3A_27, %broadcast_in_dim3A_9 : vector<16xi32>
      %swap3A_29 = arith.constant 16 : index
      %swap3A_30 = tpu.vector_load %arg12[%swap3A_29] {strides = array<i32>} : memref<80xi32, #tpu.memory_space<vmem>>, vector<16xi32>,
      tpu.vector_store %arg12[%swap3A_29], %add3A_28 {strides = array<i32>} : memref<80xi32, #tpu.memory_space<vmem>>, vector<16xi32>,
      %get3A_31 = arith.constant 32 : index
      %get3A_32 = tpu.vector_load %arg11[%get3A_31] {strides = array<i32>} : memref<80xi32, #tpu.memory_space<vmem>>, vector<16xi32>,
      %add3A_33 = arith.addi %get3A_32, %broadcast_in_dim3A_9 : vector<16xi32>
      %swap3A_34 = arith.constant 32 : index
      %swap3A_35 = tpu.vector_load %arg12[%swap3A_34] {strides = array<i32>} : memref<80xi32, #tpu.memory_space<vmem>>, vector<16xi32>,
      tpu.vector_store %arg12[%swap3A_34], %add3A_33 {strides = array<i32>} : memref<80xi32, #tpu.memory_space<vmem>>, vector<16xi32>,
      %get3A_36 = arith.constant 48 : index
      %get3A_37 = tpu.vector_load %arg11[%get3A_36] {strides = array<i32>} : memref<80xi32, #tpu.memory_space<vmem>>, vector<16xi32>,
      %add3A_38 = arith.addi %get3A_37, %broadcast_in_dim3A_9 : vector<16xi32>
      %swap3A_39 = arith.constant 48 : index
      %swap3A_40 = tpu.vector_load %arg12[%swap3A_39] {strides = array<i32>} : memref<80xi32, #tpu.memory_space<vmem>>, vector<16xi32>,
      tpu.vector_store %arg12[%swap3A_39], %add3A_38 {strides = array<i32>} : memref<80xi32, #tpu.memory_space<vmem>>, vector<16xi32>,
      %get3A_41 = arith.constant 64 : index
      %get3A_42 = tpu.vector_load %arg11[%get3A_41] {strides = array<i32>} : memref<80xi32, #tpu.memory_space<vmem>>, vector<16xi32>,
      %add3A_43 = arith.addi %get3A_42, %broadcast_in_dim3A_9 : vector<16xi32>
      %swap3A_44 = arith.constant 64 : index
      %swap3A_45 = tpu.vector_load %arg12[%swap3A_44] {strides = array<i32>} : memref<80xi32, #tpu.memory_space<vmem>>, vector<16xi32>,
      tpu.vector_store %arg12[%swap3A_44], %add3A_43 {strides = array<i32>} : memref<80xi32, #tpu.memory_space<vmem>>, vector<16xi32>,
      %dma_start3A = arith.constant 0 : i32
      %dma_start3A_46 = arith.constant 0 : i32
      %dma_start3A_47 = tpu.memref_slice %arg2[%dma_start3A, %dma_start3A_46] : memref<20000x64xf32, #tpu.memory_space<hbm>> -> memref<20000x64xf32, #tpu.memory_space<hbm>>
      tpu.enqueue_indirect_dma source(%dma_start3A_47 : memref<20000x64xf32, #tpu.memory_space<hbm>>) target(%arg14 : memref<80x64xf32, #tpu.memory_space<vmem>>) offsets(%arg12 : memref<80xi32, #tpu.memory_space<vmem>>) semaphore(%arg16 : memref<!tpu.dma_semaphore, #tpu.memory_space<semaphore_mem>>)
      %dma_wait3A = arith.constant 0 : i32
      %dma_wait3A_48 = arith.constant 0 : i32
      %dma_wait3A_49 = tpu.memref_slice %arg2[%dma_wait3A, %dma_wait3A_48] : memref<20000x64xf32, #tpu.memory_space<hbm>> -> memref<20000x64xf32, #tpu.memory_space<hbm>>
      tpu.wait_indirect_dma semaphore(%arg16 : memref<!tpu.dma_semaphore, #tpu.memory_space<semaphore_mem>>) src(%dma_wait3A_49 : memref<20000x64xf32, #tpu.memory_space<hbm>>) dst(%arg14 : memref<80x64xf32, #tpu.memory_space<vmem>>)
      %get3A_50 = arith.constant 0 : index
      %get3A_51 = tpu.vector_load %arg11[%get3A_50] {strides = array<i32>} : memref<80xi32, #tpu.memory_space<vmem>>, vector<16xi32>,
      %mul3A_52 = arith.constant 8 : i32
      %mul3A_53 = vector.broadcast %mul3A_52 : i32 to vector<16xi32>
      %mul3A_54 = arith.muli %get3A_51, %mul3A_53 : vector<16xi32>
      %get3A_55 = arith.constant 0 : index
      %get3A_56 = tpu.vector_load %arg13[%get3A_55] {strides = array<i32>} : memref<80xi32, #tpu.memory_space<vmem>>, vector<16xi32>,
      %mul3A_57 = arith.constant 8 : i32
      %mul3A_58 = vector.broadcast %mul3A_57 : i32 to vector<16xi32>
      %mul3A_59 = arith.muli %get3A_56, %mul3A_58 : vector<16xi32>
      %iota3A = tpu.iota {dimensions = array<i32: 0>} : vector<16xi32>
      %add3A_60 = arith.constant 0 : i32
      %add3A_61 = vector.broadcast %add3A_60 : i32 to vector<16xi32>
      %add3A_62 = arith.addi %iota3A, %add3A_61 : vector<16xi32>
      %add3A_63 = arith.constant 0 : i32
      %add3A_64 = vector.broadcast %add3A_63 : i32 to vector<16xi32>
      %add3A_65 = arith.addi %mul3A_54, %add3A_64 : vector<16xi32>
      %gather3A = tpu.vector_load_idx %arg10[%add3A_65] : memref<80000xf32, #tpu.memory_space<vmem>>[vector<16xi32>], vector<16xf32>,
      %add3A_66 = arith.constant 4 : i32
      %add3A_67 = vector.broadcast %add3A_66 : i32 to vector<16xi32>
      %add3A_68 = arith.addi %mul3A_59, %add3A_67 : vector<16xi32>
      %gather3A_69 = tpu.vector_load_idx %arg10[%add3A_68] : memref<80000xf32, #tpu.memory_space<vmem>>[vector<16xi32>], vector<16xf32>,
      %add3A_70 = arith.addf %gather3A, %gather3A_69 : vector<16xf32>
      %ge3A = arith.constant 0.000000e+00 : f32
      %ge3A_71 = vector.broadcast %ge3A : f32 to vector<16xf32>
      %ge3A_72 = arith.cmpf oge, %add3A_70, %ge3A_71 : vector<16xf32>
      %mul3A_73 = arith.constant 2.000000e-01 : f32
      %mul3A_74 = vector.broadcast %mul3A_73 : f32 to vector<16xf32>
      %mul3A_75 = arith.mulf %mul3A_74, %add3A_70 : vector<16xf32>
      %select_n3A = arith.select %ge3A_72, %add3A_70, %mul3A_75 : vector<16xi1>, vector<16xf32>
      %exp3A = math.exp %select_n3A : vector<16xf32>
      %broadcast_in_dim3A_76 = arith.constant 0 : i32
      %broadcast_in_dim3A_77 = vector.broadcast %broadcast_in_dim3A_76 : i32 to vector<16xi32>
      tpu.vector_store_idx %arg15[%add3A_62, %broadcast_in_dim3A_77], %exp3A : memref<80x8xf32, #tpu.memory_space<vmem>>[vector<16xi32>, vector<16xi32>], vector<16xf32>,
      %add3A_78 = arith.constant 1 : i32
      %add3A_79 = vector.broadcast %add3A_78 : i32 to vector<16xi32>
      %add3A_80 = arith.addi %mul3A_54, %add3A_79 : vector<16xi32>
      %gather3A_81 = tpu.vector_load_idx %arg10[%add3A_80] : memref<80000xf32, #tpu.memory_space<vmem>>[vector<16xi32>], vector<16xf32>,
      %add3A_82 = arith.constant 5 : i32
      %add3A_83 = vector.broadcast %add3A_82 : i32 to vector<16xi32>
      %add3A_84 = arith.addi %mul3A_59, %add3A_83 : vector<16xi32>
      %gather3A_85 = tpu.vector_load_idx %arg10[%add3A_84] : memref<80000xf32, #tpu.memory_space<vmem>>[vector<16xi32>], vector<16xf32>,
      %add3A_86 = arith.addf %gather3A_81, %gather3A_85 : vector<16xf32>
      %ge3A_87 = arith.constant 0.000000e+00 : f32
      %ge3A_88 = vector.broadcast %ge3A_87 : f32 to vector<16xf32>
      %ge3A_89 = arith.cmpf oge, %add3A_86, %ge3A_88 : vector<16xf32>
      %mul3A_90 = arith.constant 2.000000e-01 : f32
      %mul3A_91 = vector.broadcast %mul3A_90 : f32 to vector<16xf32>
      %mul3A_92 = arith.mulf %mul3A_91, %add3A_86 : vector<16xf32>
      %select_n3A_93 = arith.select %ge3A_89, %add3A_86, %mul3A_92 : vector<16xi1>, vector<16xf32>
      %exp3A_94 = math.exp %select_n3A_93 : vector<16xf32>
      %broadcast_in_dim3A_95 = arith.constant 1 : i32
      %broadcast_in_dim3A_96 = vector.broadcast %broadcast_in_dim3A_95 : i32 to vector<16xi32>
      tpu.vector_store_idx %arg15[%add3A_62, %broadcast_in_dim3A_96], %exp3A_94 : memref<80x8xf32, #tpu.memory_space<vmem>>[vector<16xi32>, vector<16xi32>], vector<16xf32>,
      %add3A_97 = arith.constant 2 : i32
      %add3A_98 = vector.broadcast %add3A_97 : i32 to vector<16xi32>
      %add3A_99 = arith.addi %mul3A_54, %add3A_98 : vector<16xi32>
      %gather3A_100 = tpu.vector_load_idx %arg10[%add3A_99] : memref<80000xf32, #tpu.memory_space<vmem>>[vector<16xi32>], vector<16xf32>,
      %add3A_101 = arith.constant 6 : i32
      %add3A_102 = vector.broadcast %add3A_101 : i32 to vector<16xi32>
      %add3A_103 = arith.addi %mul3A_59, %add3A_102 : vector<16xi32>
      %gather3A_104 = tpu.vector_load_idx %arg10[%add3A_103] : memref<80000xf32, #tpu.memory_space<vmem>>[vector<16xi32>], vector<16xf32>,
      %add3A_105 = arith.addf %gather3A_100, %gather3A_104 : vector<16xf32>
      %ge3A_106 = arith.constant 0.000000e+00 : f32
      %ge3A_107 = vector.broadcast %ge3A_106 : f32 to vector<16xf32>
      %ge3A_108 = arith.cmpf oge, %add3A_105, %ge3A_107 : vector<16xf32>
      %mul3A_109 = arith.constant 2.000000e-01 : f32
      %mul3A_110 = vector.broadcast %mul3A_109 : f32 to vector<16xf32>
      %mul3A_111 = arith.mulf %mul3A_110, %add3A_105 : vector<16xf32>
      %select_n3A_112 = arith.select %ge3A_108, %add3A_105, %mul3A_111 : vector<16xi1>, vector<16xf32>
      %exp3A_113 = math.exp %select_n3A_112 : vector<16xf32>
      %broadcast_in_dim3A_114 = arith.constant 2 : i32
      %broadcast_in_dim3A_115 = vector.broadcast %broadcast_in_dim3A_114 : i32 to vector<16xi32>
      tpu.vector_store_idx %arg15[%add3A_62, %broadcast_in_dim3A_115], %exp3A_113 : memref<80x8xf32, #tpu.memory_space<vmem>>[vector<16xi32>, vector<16xi32>], vector<16xf32>,
      %add3A_116 = arith.constant 3 : i32
      %add3A_117 = vector.broadcast %add3A_116 : i32 to vector<16xi32>
      %add3A_118 = arith.addi %mul3A_54, %add3A_117 : vector<16xi32>
      %gather3A_119 = tpu.vector_load_idx %arg10[%add3A_118] : memref<80000xf32, #tpu.memory_space<vmem>>[vector<16xi32>], vector<16xf32>,
      %add3A_120 = arith.constant 7 : i32
      %add3A_121 = vector.broadcast %add3A_120 : i32 to vector<16xi32>
      %add3A_122 = arith.addi %mul3A_59, %add3A_121 : vector<16xi32>
      %gather3A_123 = tpu.vector_load_idx %arg10[%add3A_122] : memref<80000xf32, #tpu.memory_space<vmem>>[vector<16xi32>], vector<16xf32>,
      %add3A_124 = arith.addf %gather3A_119, %gather3A_123 : vector<16xf32>
      %ge3A_125 = arith.constant 0.000000e+00 : f32
      %ge3A_126 = vector.broadcast %ge3A_125 : f32 to vector<16xf32>
      %ge3A_127 = arith.cmpf oge, %add3A_124, %ge3A_126 : vector<16xf32>
      %mul3A_128 = arith.constant 2.000000e-01 : f32
      %mul3A_129 = vector.broadcast %mul3A_128 : f32 to vector<16xf32>
      %mul3A_130 = arith.mulf %mul3A_129, %add3A_124 : vector<16xf32>
      %select_n3A_131 = arith.select %ge3A_127, %add3A_124, %mul3A_130 : vector<16xi1>, vector<16xf32>
      %exp3A_132 = math.exp %select_n3A_131 : vector<16xf32>
      %broadcast_in_dim3A_133 = arith.constant 3 : i32
      %broadcast_in_dim3A_134 = vector.broadcast %broadcast_in_dim3A_133 : i32 to vector<16xi32>
      tpu.vector_store_idx %arg15[%add3A_62, %broadcast_in_dim3A_134], %exp3A_132 : memref<80x8xf32, #tpu.memory_space<vmem>>[vector<16xi32>, vector<16xi32>], vector<16xf32>,
      %get3A_135 = arith.constant 16 : index
      %get3A_136 = tpu.vector_load %arg11[%get3A_135] {strides = array<i32>} : memref<80xi32, #tpu.memory_space<vmem>>, vector<16xi32>,
      %mul3A_137 = arith.constant 8 : i32
      %mul3A_138 = vector.broadcast %mul3A_137 : i32 to vector<16xi32>
      %mul3A_139 = arith.muli %get3A_136, %mul3A_138 : vector<16xi32>
      %get3A_140 = arith.constant 16 : index
      %get3A_141 = tpu.vector_load %arg13[%get3A_140] {strides = array<i32>} : memref<80xi32, #tpu.memory_space<vmem>>, vector<16xi32>,
      %mul3A_142 = arith.constant 8 : i32
      %mul3A_143 = vector.broadcast %mul3A_142 : i32 to vector<16xi32>
      %mul3A_144 = arith.muli %get3A_141, %mul3A_143 : vector<16xi32>
      %iota3A_145 = tpu.iota {dimensions = array<i32: 0>} : vector<16xi32>
      %add3A_146 = arith.constant 16 : i32
      %add3A_147 = vector.broadcast %add3A_146 : i32 to vector<16xi32>
      %add3A_148 = arith.addi %iota3A_145, %add3A_147 : vector<16xi32>
      %add3A_149 = arith.constant 0 : i32
      %add3A_150 = vector.broadcast %add3A_149 : i32 to vector<16xi32>
      %add3A_151 = arith.addi %mul3A_139, %add3A_150 : vector<16xi32>
      %gather3A_152 = tpu.vector_load_idx %arg10[%add3A_151] : memref<80000xf32, #tpu.memory_space<vmem>>[vector<16xi32>], vector<16xf32>,
      %add3A_153 = arith.constant 4 : i32
      %add3A_154 = vector.broadcast %add3A_153 : i32 to vector<16xi32>
      %add3A_155 = arith.addi %mul3A_144, %add3A_154 : vector<16xi32>
      %gather3A_156 = tpu.vector_load_idx %arg10[%add3A_155] : memref<80000xf32, #tpu.memory_space<vmem>>[vector<16xi32>], vector<16xf32>,
      %add3A_157 = arith.addf %gather3A_152, %gather3A_156 : vector<16xf32>
      %ge3A_158 = arith.constant 0.000000e+00 : f32
      %ge3A_159 = vector.broadcast %ge3A_158 : f32 to vector<16xf32>
      %ge3A_160 = arith.cmpf oge, %add3A_157, %ge3A_159 : vector<16xf32>
      %mul3A_161 = arith.constant 2.000000e-01 : f32
      %mul3A_162 = vector.broadcast %mul3A_161 : f32 to vector<16xf32>
      %mul3A_163 = arith.mulf %mul3A_162, %add3A_157 : vector<16xf32>
      %select_n3A_164 = arith.select %ge3A_160, %add3A_157, %mul3A_163 : vector<16xi1>, vector<16xf32>
      %exp3A_165 = math.exp %select_n3A_164 : vector<16xf32>
      %broadcast_in_dim3A_166 = arith.constant 0 : i32
      %broadcast_in_dim3A_167 = vector.broadcast %broadcast_in_dim3A_166 : i32 to vector<16xi32>
      tpu.vector_store_idx %arg15[%add3A_148, %broadcast_in_dim3A_167], %exp3A_165 : memref<80x8xf32, #tpu.memory_space<vmem>>[vector<16xi32>, vector<16xi32>], vector<16xf32>,
      %add3A_168 = arith.constant 1 : i32
      %add3A_169 = vector.broadcast %add3A_168 : i32 to vector<16xi32>
      %add3A_170 = arith.addi %mul3A_139, %add3A_169 : vector<16xi32>
      %gather3A_171 = tpu.vector_load_idx %arg10[%add3A_170] : memref<80000xf32, #tpu.memory_space<vmem>>[vector<16xi32>], vector<16xf32>,
      %add3A_172 = arith.constant 5 : i32
      %add3A_173 = vector.broadcast %add3A_172 : i32 to vector<16xi32>
      %add3A_174 = arith.addi %mul3A_144, %add3A_173 : vector<16xi32>
      %gather3A_175 = tpu.vector_load_idx %arg10[%add3A_174] : memref<80000xf32, #tpu.memory_space<vmem>>[vector<16xi32>], vector<16xf32>,
      %add3A_176 = arith.addf %gather3A_171, %gather3A_175 : vector<16xf32>
      %ge3A_177 = arith.constant 0.000000e+00 : f32
      %ge3A_178 = vector.broadcast %ge3A_177 : f32 to vector<16xf32>
      %ge3A_179 = arith.cmpf oge, %add3A_176, %ge3A_178 : vector<16xf32>
      %mul3A_180 = arith.constant 2.000000e-01 : f32
      %mul3A_181 = vector.broadcast %mul3A_180 : f32 to vector<16xf32>
      %mul3A_182 = arith.mulf %mul3A_181, %add3A_176 : vector<16xf32>
      %select_n3A_183 = arith.select %ge3A_179, %add3A_176, %mul3A_182 : vector<16xi1>, vector<16xf32>
      %exp3A_184 = math.exp %select_n3A_183 : vector<16xf32>
      %broadcast_in_dim3A_185 = arith.constant 1 : i32
      %broadcast_in_dim3A_186 = vector.broadcast %broadcast_in_dim3A_185 : i32 to vector<16xi32>
      tpu.vector_store_idx %arg15[%add3A_148, %broadcast_in_dim3A_186], %exp3A_184 : memref<80x8xf32, #tpu.memory_space<vmem>>[vector<16xi32>, vector<16xi32>], vector<16xf32>,
      %add3A_187 = arith.constant 2 : i32
      %add3A_188 = vector.broadcast %add3A_187 : i32 to vector<16xi32>
      %add3A_189 = arith.addi %mul3A_139, %add3A_188 : vector<16xi32>
      %gather3A_190 = tpu.vector_load_idx %arg10[%add3A_189] : memref<80000xf32, #tpu.memory_space<vmem>>[vector<16xi32>], vector<16xf32>,
      %add3A_191 = arith.constant 6 : i32
      %add3A_192 = vector.broadcast %add3A_191 : i32 to vector<16xi32>
      %add3A_193 = arith.addi %mul3A_144, %add3A_192 : vector<16xi32>
      %gather3A_194 = tpu.vector_load_idx %arg10[%add3A_193] : memref<80000xf32, #tpu.memory_space<vmem>>[vector<16xi32>], vector<16xf32>,
      %add3A_195 = arith.addf %gather3A_190, %gather3A_194 : vector<16xf32>
      %ge3A_196 = arith.constant 0.000000e+00 : f32
      %ge3A_197 = vector.broadcast %ge3A_196 : f32 to vector<16xf32>
      %ge3A_198 = arith.cmpf oge, %add3A_195, %ge3A_197 : vector<16xf32>
      %mul3A_199 = arith.constant 2.000000e-01 : f32
      %mul3A_200 = vector.broadcast %mul3A_199 : f32 to vector<16xf32>
      %mul3A_201 = arith.mulf %mul3A_200, %add3A_195 : vector<16xf32>
      %select_n3A_202 = arith.select %ge3A_198, %add3A_195, %mul3A_201 : vector<16xi1>, vector<16xf32>
      %exp3A_203 = math.exp %select_n3A_202 : vector<16xf32>
      %broadcast_in_dim3A_204 = arith.constant 2 : i32
      %broadcast_in_dim3A_205 = vector.broadcast %broadcast_in_dim3A_204 : i32 to vector<16xi32>
      tpu.vector_store_idx %arg15[%add3A_148, %broadcast_in_dim3A_205], %exp3A_203 : memref<80x8xf32, #tpu.memory_space<vmem>>[vector<16xi32>, vector<16xi32>], vector<16xf32>,
      %add3A_206 = arith.constant 3 : i32
      %add3A_207 = vector.broadcast %add3A_206 : i32 to vector<16xi32>
      %add3A_208 = arith.addi %mul3A_139, %add3A_207 : vector<16xi32>
      %gather3A_209 = tpu.vector_load_idx %arg10[%add3A_208] : memref<80000xf32, #tpu.memory_space<vmem>>[vector<16xi32>], vector<16xf32>,
      %add3A_210 = arith.constant 7 : i32
      %add3A_211 = vector.broadcast %add3A_210 : i32 to vector<16xi32>
      %add3A_212 = arith.addi %mul3A_144, %add3A_211 : vector<16xi32>
      %gather3A_213 = tpu.vector_load_idx %arg10[%add3A_212] : memref<80000xf32, #tpu.memory_space<vmem>>[vector<16xi32>], vector<16xf32>,
      %add3A_214 = arith.addf %gather3A_209, %gather3A_213 : vector<16xf32>
      %ge3A_215 = arith.constant 0.000000e+00 : f32
      %ge3A_216 = vector.broadcast %ge3A_215 : f32 to vector<16xf32>
      %ge3A_217 = arith.cmpf oge, %add3A_214, %ge3A_216 : vector<16xf32>
      %mul3A_218 = arith.constant 2.000000e-01 : f32
      %mul3A_219 = vector.broadcast %mul3A_218 : f32 to vector<16xf32>
      %mul3A_220 = arith.mulf %mul3A_219, %add3A_214 : vector<16xf32>
      %select_n3A_221 = arith.select %ge3A_217, %add3A_214, %mul3A_220 : vector<16xi1>, vector<16xf32>
      %exp3A_222 = math.exp %select_n3A_221 : vector<16xf32>
      %broadcast_in_dim3A_223 = arith.constant 3 : i32
      %broadcast_in_dim3A_224 = vector.broadcast %broadcast_in_dim3A_223 : i32 to vector<16xi32>
      tpu.vector_store_idx %arg15[%add3A_148, %broadcast_in_dim3A_224], %exp3A_222 : memref<80x8xf32, #tpu.memory_space<vmem>>[vector<16xi32>, vector<16xi32>], vector<16xf32>,
      %get3A_225 = arith.constant 32 : index
      %get3A_226 = tpu.vector_load %arg11[%get3A_225] {strides = array<i32>} : memref<80xi32, #tpu.memory_space<vmem>>, vector<16xi32>,
      %mul3A_227 = arith.constant 8 : i32
      %mul3A_228 = vector.broadcast %mul3A_227 : i32 to vector<16xi32>
      %mul3A_229 = arith.muli %get3A_226, %mul3A_228 : vector<16xi32>
      %get3A_230 = arith.constant 32 : index
      %get3A_231 = tpu.vector_load %arg13[%get3A_230] {strides = array<i32>} : memref<80xi32, #tpu.memory_space<vmem>>, vector<16xi32>,
      %mul3A_232 = arith.constant 8 : i32
      %mul3A_233 = vector.broadcast %mul3A_232 : i32 to vector<16xi32>
      %mul3A_234 = arith.muli %get3A_231, %mul3A_233 : vector<16xi32>
      %iota3A_235 = tpu.iota {dimensions = array<i32: 0>} : vector<16xi32>
      %add3A_236 = arith.constant 32 : i32
      %add3A_237 = vector.broadcast %add3A_236 : i32 to vector<16xi32>
      %add3A_238 = arith.addi %iota3A_235, %add3A_237 : vector<16xi32>
      %add3A_239 = arith.constant 0 : i32
      %add3A_240 = vector.broadcast %add3A_239 : i32 to vector<16xi32>
      %add3A_241 = arith.addi %mul3A_229, %add3A_240 : vector<16xi32>
      %gather3A_242 = tpu.vector_load_idx %arg10[%add3A_241] : memref<80000xf32, #tpu.memory_space<vmem>>[vector<16xi32>], vector<16xf32>,
      %add3A_243 = arith.constant 4 : i32
      %add3A_244 = vector.broadcast %add3A_243 : i32 to vector<16xi32>
      %add3A_245 = arith.addi %mul3A_234, %add3A_244 : vector<16xi32>
      %gather3A_246 = tpu.vector_load_idx %arg10[%add3A_245] : memref<80000xf32, #tpu.memory_space<vmem>>[vector<16xi32>], vector<16xf32>,
      %add3A_247 = arith.addf %gather3A_242, %gather3A_246 : vector<16xf32>
      %ge3A_248 = arith.constant 0.000000e+00 : f32
      %ge3A_249 = vector.broadcast %ge3A_248 : f32 to vector<16xf32>
      %ge3A_250 = arith.cmpf oge, %add3A_247, %ge3A_249 : vector<16xf32>
      %mul3A_251 = arith.constant 2.000000e-01 : f32
      %mul3A_252 = vector.broadcast %mul3A_251 : f32 to vector<16xf32>
      %mul3A_253 = arith.mulf %mul3A_252, %add3A_247 : vector<16xf32>
      %select_n3A_254 = arith.select %ge3A_250, %add3A_247, %mul3A_253 : vector<16xi1>, vector<16xf32>
      %exp3A_255 = math.exp %select_n3A_254 : vector<16xf32>
      %broadcast_in_dim3A_256 = arith.constant 0 : i32
      %broadcast_in_dim3A_257 = vector.broadcast %broadcast_in_dim3A_256 : i32 to vector<16xi32>
      tpu.vector_store_idx %arg15[%add3A_238, %broadcast_in_dim3A_257], %exp3A_255 : memref<80x8xf32, #tpu.memory_space<vmem>>[vector<16xi32>, vector<16xi32>], vector<16xf32>,
      %add3A_258 = arith.constant 1 : i32
      %add3A_259 = vector.broadcast %add3A_258 : i32 to vector<16xi32>
      %add3A_260 = arith.addi %mul3A_229, %add3A_259 : vector<16xi32>
      %gather3A_261 = tpu.vector_load_idx %arg10[%add3A_260] : memref<80000xf32, #tpu.memory_space<vmem>>[vector<16xi32>], vector<16xf32>,
      %add3A_262 = arith.constant 5 : i32
      %add3A_263 = vector.broadcast %add3A_262 : i32 to vector<16xi32>
      %add3A_264 = arith.addi %mul3A_234, %add3A_263 : vector<16xi32>
      %gather3A_265 = tpu.vector_load_idx %arg10[%add3A_264] : memref<80000xf32, #tpu.memory_space<vmem>>[vector<16xi32>], vector<16xf32>,
      %add3A_266 = arith.addf %gather3A_261, %gather3A_265 : vector<16xf32>
      %ge3A_267 = arith.constant 0.000000e+00 : f32
      %ge3A_268 = vector.broadcast %ge3A_267 : f32 to vector<16xf32>
      %ge3A_269 = arith.cmpf oge, %add3A_266, %ge3A_268 : vector<16xf32>
      %mul3A_270 = arith.constant 2.000000e-01 : f32
      %mul3A_271 = vector.broadcast %mul3A_270 : f32 to vector<16xf32>
      %mul3A_272 = arith.mulf %mul3A_271, %add3A_266 : vector<16xf32>
      %select_n3A_273 = arith.select %ge3A_269, %add3A_266, %mul3A_272 : vector<16xi1>, vector<16xf32>
      %exp3A_274 = math.exp %select_n3A_273 : vector<16xf32>
      %broadcast_in_dim3A_275 = arith.constant 1 : i32
      %broadcast_in_dim3A_276 = vector.broadcast %broadcast_in_dim3A_275 : i32 to vector<16xi32>
      tpu.vector_store_idx %arg15[%add3A_238, %broadcast_in_dim3A_276], %exp3A_274 : memref<80x8xf32, #tpu.memory_space<vmem>>[vector<16xi32>, vector<16xi32>], vector<16xf32>,
      %add3A_277 = arith.constant 2 : i32
      %add3A_278 = vector.broadcast %add3A_277 : i32 to vector<16xi32>
      %add3A_279 = arith.addi %mul3A_229, %add3A_278 : vector<16xi32>
      %gather3A_280 = tpu.vector_load_idx %arg10[%add3A_279] : memref<80000xf32, #tpu.memory_space<vmem>>[vector<16xi32>], vector<16xf32>,
      %add3A_281 = arith.constant 6 : i32
      %add3A_282 = vector.broadcast %add3A_281 : i32 to vector<16xi32>
      %add3A_283 = arith.addi %mul3A_234, %add3A_282 : vector<16xi32>
      %gather3A_284 = tpu.vector_load_idx %arg10[%add3A_283] : memref<80000xf32, #tpu.memory_space<vmem>>[vector<16xi32>], vector<16xf32>,
      %add3A_285 = arith.addf %gather3A_280, %gather3A_284 : vector<16xf32>
      %ge3A_286 = arith.constant 0.000000e+00 : f32
      %ge3A_287 = vector.broadcast %ge3A_286 : f32 to vector<16xf32>
      %ge3A_288 = arith.cmpf oge, %add3A_285, %ge3A_287 : vector<16xf32>
      %mul3A_289 = arith.constant 2.000000e-01 : f32
      %mul3A_290 = vector.broadcast %mul3A_289 : f32 to vector<16xf32>
      %mul3A_291 = arith.mulf %mul3A_290, %add3A_285 : vector<16xf32>
      %select_n3A_292 = arith.select %ge3A_288, %add3A_285, %mul3A_291 : vector<16xi1>, vector<16xf32>
      %exp3A_293 = math.exp %select_n3A_292 : vector<16xf32>
      %broadcast_in_dim3A_294 = arith.constant 2 : i32
      %broadcast_in_dim3A_295 = vector.broadcast %broadcast_in_dim3A_294 : i32 to vector<16xi32>
      tpu.vector_store_idx %arg15[%add3A_238, %broadcast_in_dim3A_295], %exp3A_293 : memref<80x8xf32, #tpu.memory_space<vmem>>[vector<16xi32>, vector<16xi32>], vector<16xf32>,
      %add3A_296 = arith.constant 3 : i32
      %add3A_297 = vector.broadcast %add3A_296 : i32 to vector<16xi32>
      %add3A_298 = arith.addi %mul3A_229, %add3A_297 : vector<16xi32>
      %gather3A_299 = tpu.vector_load_idx %arg10[%add3A_298] : memref<80000xf32, #tpu.memory_space<vmem>>[vector<16xi32>], vector<16xf32>,
      %add3A_300 = arith.constant 7 : i32
      %add3A_301 = vector.broadcast %add3A_300 : i32 to vector<16xi32>
      %add3A_302 = arith.addi %mul3A_234, %add3A_301 : vector<16xi32>
      %gather3A_303 = tpu.vector_load_idx %arg10[%add3A_302] : memref<80000xf32, #tpu.memory_space<vmem>>[vector<16xi32>], vector<16xf32>,
      %add3A_304 = arith.addf %gather3A_299, %gather3A_303 : vector<16xf32>
      %ge3A_305 = arith.constant 0.000000e+00 : f32
      %ge3A_306 = vector.broadcast %ge3A_305 : f32 to vector<16xf32>
      %ge3A_307 = arith.cmpf oge, %add3A_304, %ge3A_306 : vector<16xf32>
      %mul3A_308 = arith.constant 2.000000e-01 : f32
      %mul3A_309 = vector.broadcast %mul3A_308 : f32 to vector<16xf32>
      %mul3A_310 = arith.mulf %mul3A_309, %add3A_304 : vector<16xf32>
      %select_n3A_311 = arith.select %ge3A_307, %add3A_304, %mul3A_310 : vector<16xi1>, vector<16xf32>
      %exp3A_312 = math.exp %select_n3A_311 : vector<16xf32>
      %broadcast_in_dim3A_313 = arith.constant 3 : i32
      %broadcast_in_dim3A_314 = vector.broadcast %broadcast_in_dim3A_313 : i32 to vector<16xi32>
      tpu.vector_store_idx %arg15[%add3A_238, %broadcast_in_dim3A_314], %exp3A_312 : memref<80x8xf32, #tpu.memory_space<vmem>>[vector<16xi32>, vector<16xi32>], vector<16xf32>,
      %get3A_315 = arith.constant 48 : index
      %get3A_316 = tpu.vector_load %arg11[%get3A_315] {strides = array<i32>} : memref<80xi32, #tpu.memory_space<vmem>>, vector<16xi32>,
      %mul3A_317 = arith.constant 8 : i32
      %mul3A_318 = vector.broadcast %mul3A_317 : i32 to vector<16xi32>
      %mul3A_319 = arith.muli %get3A_316, %mul3A_318 : vector<16xi32>
      %get3A_320 = arith.constant 48 : index
      %get3A_321 = tpu.vector_load %arg13[%get3A_320] {strides = array<i32>} : memref<80xi32, #tpu.memory_space<vmem>>, vector<16xi32>,
      %mul3A_322 = arith.constant 8 : i32
      %mul3A_323 = vector.broadcast %mul3A_322 : i32 to vector<16xi32>
      %mul3A_324 = arith.muli %get3A_321, %mul3A_323 : vector<16xi32>
      %iota3A_325 = tpu.iota {dimensions = array<i32: 0>} : vector<16xi32>
      %add3A_326 = arith.constant 48 : i32
      %add3A_327 = vector.broadcast %add3A_326 : i32 to vector<16xi32>
      %add3A_328 = arith.addi %iota3A_325, %add3A_327 : vector<16xi32>
      %add3A_329 = arith.constant 0 : i32
      %add3A_330 = vector.broadcast %add3A_329 : i32 to vector<16xi32>
      %add3A_331 = arith.addi %mul3A_319, %add3A_330 : vector<16xi32>
      %gather3A_332 = tpu.vector_load_idx %arg10[%add3A_331] : memref<80000xf32, #tpu.memory_space<vmem>>[vector<16xi32>], vector<16xf32>,
      %add3A_333 = arith.constant 4 : i32
      %add3A_334 = vector.broadcast %add3A_333 : i32 to vector<16xi32>
      %add3A_335 = arith.addi %mul3A_324, %add3A_334 : vector<16xi32>
      %gather3A_336 = tpu.vector_load_idx %arg10[%add3A_335] : memref<80000xf32, #tpu.memory_space<vmem>>[vector<16xi32>], vector<16xf32>,
      %add3A_337 = arith.addf %gather3A_332, %gather3A_336 : vector<16xf32>
      %ge3A_338 = arith.constant 0.000000e+00 : f32
      %ge3A_339 = vector.broadcast %ge3A_338 : f32 to vector<16xf32>
      %ge3A_340 = arith.cmpf oge, %add3A_337, %ge3A_339 : vector<16xf32>
      %mul3A_341 = arith.constant 2.000000e-01 : f32
      %mul3A_342 = vector.broadcast %mul3A_341 : f32 to vector<16xf32>
      %mul3A_343 = arith.mulf %mul3A_342, %add3A_337 : vector<16xf32>
      %select_n3A_344 = arith.select %ge3A_340, %add3A_337, %mul3A_343 : vector<16xi1>, vector<16xf32>
      %exp3A_345 = math.exp %select_n3A_344 : vector<16xf32>
      %broadcast_in_dim3A_346 = arith.constant 0 : i32
      %broadcast_in_dim3A_347 = vector.broadcast %broadcast_in_dim3A_346 : i32 to vector<16xi32>
      tpu.vector_store_idx %arg15[%add3A_328, %broadcast_in_dim3A_347], %exp3A_345 : memref<80x8xf32, #tpu.memory_space<vmem>>[vector<16xi32>, vector<16xi32>], vector<16xf32>,
      %add3A_348 = arith.constant 1 : i32
      %add3A_349 = vector.broadcast %add3A_348 : i32 to vector<16xi32>
      %add3A_350 = arith.addi %mul3A_319, %add3A_349 : vector<16xi32>
      %gather3A_351 = tpu.vector_load_idx %arg10[%add3A_350] : memref<80000xf32, #tpu.memory_space<vmem>>[vector<16xi32>], vector<16xf32>,
      %add3A_352 = arith.constant 5 : i32
      %add3A_353 = vector.broadcast %add3A_352 : i32 to vector<16xi32>
      %add3A_354 = arith.addi %mul3A_324, %add3A_353 : vector<16xi32>
      %gather3A_355 = tpu.vector_load_idx %arg10[%add3A_354] : memref<80000xf32, #tpu.memory_space<vmem>>[vector<16xi32>], vector<16xf32>,
      %add3A_356 = arith.addf %gather3A_351, %gather3A_355 : vector<16xf32>
      %ge3A_357 = arith.constant 0.000000e+00 : f32
      %ge3A_358 = vector.broadcast %ge3A_357 : f32 to vector<16xf32>
      %ge3A_359 = arith.cmpf oge, %add3A_356, %ge3A_358 : vector<16xf32>
      %mul3A_360 = arith.constant 2.000000e-01 : f32
      %mul3A_361 = vector.broadcast %mul3A_360 : f32 to vector<16xf32>
      %mul3A_362 = arith.mulf %mul3A_361, %add3A_356 : vector<16xf32>
      %select_n3A_363 = arith.select %ge3A_359, %add3A_356, %mul3A_362 : vector<16xi1>, vector<16xf32>
      %exp3A_364 = math.exp %select_n3A_363 : vector<16xf32>
      %broadcast_in_dim3A_365 = arith.constant 1 : i32
      %broadcast_in_dim3A_366 = vector.broadcast %broadcast_in_dim3A_365 : i32 to vector<16xi32>
      tpu.vector_store_idx %arg15[%add3A_328, %broadcast_in_dim3A_366], %exp3A_364 : memref<80x8xf32, #tpu.memory_space<vmem>>[vector<16xi32>, vector<16xi32>], vector<16xf32>,
      %add3A_367 = arith.constant 2 : i32
      %add3A_368 = vector.broadcast %add3A_367 : i32 to vector<16xi32>
      %add3A_369 = arith.addi %mul3A_319, %add3A_368 : vector<16xi32>
      %gather3A_370 = tpu.vector_load_idx %arg10[%add3A_369] : memref<80000xf32, #tpu.memory_space<vmem>>[vector<16xi32>], vector<16xf32>,
      %add3A_371 = arith.constant 6 : i32
      %add3A_372 = vector.broadcast %add3A_371 : i32 to vector<16xi32>
      %add3A_373 = arith.addi %mul3A_324, %add3A_372 : vector<16xi32>
      %gather3A_374 = tpu.vector_load_idx %arg10[%add3A_373] : memref<80000xf32, #tpu.memory_space<vmem>>[vector<16xi32>], vector<16xf32>,
      %add3A_375 = arith.addf %gather3A_370, %gather3A_374 : vector<16xf32>
      %ge3A_376 = arith.constant 0.000000e+00 : f32
      %ge3A_377 = vector.broadcast %ge3A_376 : f32 to vector<16xf32>
      %ge3A_378 = arith.cmpf oge, %add3A_375, %ge3A_377 : vector<16xf32>
      %mul3A_379 = arith.constant 2.000000e-01 : f32
      %mul3A_380 = vector.broadcast %mul3A_379 : f32 to vector<16xf32>
      %mul3A_381 = arith.mulf %mul3A_380, %add3A_375 : vector<16xf32>
      %select_n3A_382 = arith.select %ge3A_378, %add3A_375, %mul3A_381 : vector<16xi1>, vector<16xf32>
      %exp3A_383 = math.exp %select_n3A_382 : vector<16xf32>
      %broadcast_in_dim3A_384 = arith.constant 2 : i32
      %broadcast_in_dim3A_385 = vector.broadcast %broadcast_in_dim3A_384 : i32 to vector<16xi32>
      tpu.vector_store_idx %arg15[%add3A_328, %broadcast_in_dim3A_385], %exp3A_383 : memref<80x8xf32, #tpu.memory_space<vmem>>[vector<16xi32>, vector<16xi32>], vector<16xf32>,
      %add3A_386 = arith.constant 3 : i32
      %add3A_387 = vector.broadcast %add3A_386 : i32 to vector<16xi32>
      %add3A_388 = arith.addi %mul3A_319, %add3A_387 : vector<16xi32>
      %gather3A_389 = tpu.vector_load_idx %arg10[%add3A_388] : memref<80000xf32, #tpu.memory_space<vmem>>[vector<16xi32>], vector<16xf32>,
      %add3A_390 = arith.constant 7 : i32
      %add3A_391 = vector.broadcast %add3A_390 : i32 to vector<16xi32>
      %add3A_392 = arith.addi %mul3A_324, %add3A_391 : vector<16xi32>
      %gather3A_393 = tpu.vector_load_idx %arg10[%add3A_392] : memref<80000xf32, #tpu.memory_space<vmem>>[vector<16xi32>], vector<16xf32>,
      %add3A_394 = arith.addf %gather3A_389, %gather3A_393 : vector<16xf32>
      %ge3A_395 = arith.constant 0.000000e+00 : f32
      %ge3A_396 = vector.broadcast %ge3A_395 : f32 to vector<16xf32>
      %ge3A_397 = arith.cmpf oge, %add3A_394, %ge3A_396 : vector<16xf32>
      %mul3A_398 = arith.constant 2.000000e-01 : f32
      %mul3A_399 = vector.broadcast %mul3A_398 : f32 to vector<16xf32>
      %mul3A_400 = arith.mulf %mul3A_399, %add3A_394 : vector<16xf32>
      %select_n3A_401 = arith.select %ge3A_397, %add3A_394, %mul3A_400 : vector<16xi1>, vector<16xf32>
      %exp3A_402 = math.exp %select_n3A_401 : vector<16xf32>
      %broadcast_in_dim3A_403 = arith.constant 3 : i32
      %broadcast_in_dim3A_404 = vector.broadcast %broadcast_in_dim3A_403 : i32 to vector<16xi32>
      tpu.vector_store_idx %arg15[%add3A_328, %broadcast_in_dim3A_404], %exp3A_402 : memref<80x8xf32, #tpu.memory_space<vmem>>[vector<16xi32>, vector<16xi32>], vector<16xf32>,
      %get3A_405 = arith.constant 64 : index
      %get3A_406 = tpu.vector_load %arg11[%get3A_405] {strides = array<i32>} : memref<80xi32, #tpu.memory_space<vmem>>, vector<16xi32>,
      %mul3A_407 = arith.constant 8 : i32
      %mul3A_408 = vector.broadcast %mul3A_407 : i32 to vector<16xi32>
      %mul3A_409 = arith.muli %get3A_406, %mul3A_408 : vector<16xi32>
      %get3A_410 = arith.constant 64 : index
      %get3A_411 = tpu.vector_load %arg13[%get3A_410] {strides = array<i32>} : memref<80xi32, #tpu.memory_space<vmem>>, vector<16xi32>,
      %mul3A_412 = arith.constant 8 : i32
      %mul3A_413 = vector.broadcast %mul3A_412 : i32 to vector<16xi32>
      %mul3A_414 = arith.muli %get3A_411, %mul3A_413 : vector<16xi32>
      %iota3A_415 = tpu.iota {dimensions = array<i32: 0>} : vector<16xi32>
      %add3A_416 = arith.constant 64 : i32
      %add3A_417 = vector.broadcast %add3A_416 : i32 to vector<16xi32>
      %add3A_418 = arith.addi %iota3A_415, %add3A_417 : vector<16xi32>
      %add3A_419 = arith.constant 0 : i32
      %add3A_420 = vector.broadcast %add3A_419 : i32 to vector<16xi32>
      %add3A_421 = arith.addi %mul3A_409, %add3A_420 : vector<16xi32>
      %gather3A_422 = tpu.vector_load_idx %arg10[%add3A_421] : memref<80000xf32, #tpu.memory_space<vmem>>[vector<16xi32>], vector<16xf32>,
      %add3A_423 = arith.constant 4 : i32
      %add3A_424 = vector.broadcast %add3A_423 : i32 to vector<16xi32>
      %add3A_425 = arith.addi %mul3A_414, %add3A_424 : vector<16xi32>
      %gather3A_426 = tpu.vector_load_idx %arg10[%add3A_425] : memref<80000xf32, #tpu.memory_space<vmem>>[vector<16xi32>], vector<16xf32>,
      %add3A_427 = arith.addf %gather3A_422, %gather3A_426 : vector<16xf32>
      %ge3A_428 = arith.constant 0.000000e+00 : f32
      %ge3A_429 = vector.broadcast %ge3A_428 : f32 to vector<16xf32>
      %ge3A_430 = arith.cmpf oge, %add3A_427, %ge3A_429 : vector<16xf32>
      %mul3A_431 = arith.constant 2.000000e-01 : f32
      %mul3A_432 = vector.broadcast %mul3A_431 : f32 to vector<16xf32>
      %mul3A_433 = arith.mulf %mul3A_432, %add3A_427 : vector<16xf32>
      %select_n3A_434 = arith.select %ge3A_430, %add3A_427, %mul3A_433 : vector<16xi1>, vector<16xf32>
      %exp3A_435 = math.exp %select_n3A_434 : vector<16xf32>
      %broadcast_in_dim3A_436 = arith.constant 0 : i32
      %broadcast_in_dim3A_437 = vector.broadcast %broadcast_in_dim3A_436 : i32 to vector<16xi32>
      tpu.vector_store_idx %arg15[%add3A_418, %broadcast_in_dim3A_437], %exp3A_435 : memref<80x8xf32, #tpu.memory_space<vmem>>[vector<16xi32>, vector<16xi32>], vector<16xf32>,
      %add3A_438 = arith.constant 1 : i32
      %add3A_439 = vector.broadcast %add3A_438 : i32 to vector<16xi32>
      %add3A_440 = arith.addi %mul3A_409, %add3A_439 : vector<16xi32>
      %gather3A_441 = tpu.vector_load_idx %arg10[%add3A_440] : memref<80000xf32, #tpu.memory_space<vmem>>[vector<16xi32>], vector<16xf32>,
      %add3A_442 = arith.constant 5 : i32
      %add3A_443 = vector.broadcast %add3A_442 : i32 to vector<16xi32>
      %add3A_444 = arith.addi %mul3A_414, %add3A_443 : vector<16xi32>
      %gather3A_445 = tpu.vector_load_idx %arg10[%add3A_444] : memref<80000xf32, #tpu.memory_space<vmem>>[vector<16xi32>], vector<16xf32>,
      %add3A_446 = arith.addf %gather3A_441, %gather3A_445 : vector<16xf32>
      %ge3A_447 = arith.constant 0.000000e+00 : f32
      %ge3A_448 = vector.broadcast %ge3A_447 : f32 to vector<16xf32>
      %ge3A_449 = arith.cmpf oge, %add3A_446, %ge3A_448 : vector<16xf32>
      %mul3A_450 = arith.constant 2.000000e-01 : f32
      %mul3A_451 = vector.broadcast %mul3A_450 : f32 to vector<16xf32>
      %mul3A_452 = arith.mulf %mul3A_451, %add3A_446 : vector<16xf32>
      %select_n3A_453 = arith.select %ge3A_449, %add3A_446, %mul3A_452 : vector<16xi1>, vector<16xf32>
      %exp3A_454 = math.exp %select_n3A_453 : vector<16xf32>
      %broadcast_in_dim3A_455 = arith.constant 1 : i32
      %broadcast_in_dim3A_456 = vector.broadcast %broadcast_in_dim3A_455 : i32 to vector<16xi32>
      tpu.vector_store_idx %arg15[%add3A_418, %broadcast_in_dim3A_456], %exp3A_454 : memref<80x8xf32, #tpu.memory_space<vmem>>[vector<16xi32>, vector<16xi32>], vector<16xf32>,
      %add3A_457 = arith.constant 2 : i32
      %add3A_458 = vector.broadcast %add3A_457 : i32 to vector<16xi32>
      %add3A_459 = arith.addi %mul3A_409, %add3A_458 : vector<16xi32>
      %gather3A_460 = tpu.vector_load_idx %arg10[%add3A_459] : memref<80000xf32, #tpu.memory_space<vmem>>[vector<16xi32>], vector<16xf32>,
      %add3A_461 = arith.constant 6 : i32
      %add3A_462 = vector.broadcast %add3A_461 : i32 to vector<16xi32>
      %add3A_463 = arith.addi %mul3A_414, %add3A_462 : vector<16xi32>
      %gather3A_464 = tpu.vector_load_idx %arg10[%add3A_463] : memref<80000xf32, #tpu.memory_space<vmem>>[vector<16xi32>], vector<16xf32>,
      %add3A_465 = arith.addf %gather3A_460, %gather3A_464 : vector<16xf32>
      %ge3A_466 = arith.constant 0.000000e+00 : f32
      %ge3A_467 = vector.broadcast %ge3A_466 : f32 to vector<16xf32>
      %ge3A_468 = arith.cmpf oge, %add3A_465, %ge3A_467 : vector<16xf32>
      %mul3A_469 = arith.constant 2.000000e-01 : f32
      %mul3A_470 = vector.broadcast %mul3A_469 : f32 to vector<16xf32>
      %mul3A_471 = arith.mulf %mul3A_470, %add3A_465 : vector<16xf32>
      %select_n3A_472 = arith.select %ge3A_468, %add3A_465, %mul3A_471 : vector<16xi1>, vector<16xf32>
      %exp3A_473 = math.exp %select_n3A_472 : vector<16xf32>
      %broadcast_in_dim3A_474 = arith.constant 2 : i32
      %broadcast_in_dim3A_475 = vector.broadcast %broadcast_in_dim3A_474 : i32 to vector<16xi32>
      tpu.vector_store_idx %arg15[%add3A_418, %broadcast_in_dim3A_475], %exp3A_473 : memref<80x8xf32, #tpu.memory_space<vmem>>[vector<16xi32>, vector<16xi32>], vector<16xf32>,
      %add3A_476 = arith.constant 3 : i32
      %add3A_477 = vector.broadcast %add3A_476 : i32 to vector<16xi32>
      %add3A_478 = arith.addi %mul3A_409, %add3A_477 : vector<16xi32>
      %gather3A_479 = tpu.vector_load_idx %arg10[%add3A_478] : memref<80000xf32, #tpu.memory_space<vmem>>[vector<16xi32>], vector<16xf32>,
      %add3A_480 = arith.constant 7 : i32
      %add3A_481 = vector.broadcast %add3A_480 : i32 to vector<16xi32>
      %add3A_482 = arith.addi %mul3A_414, %add3A_481 : vector<16xi32>
      %gather3A_483 = tpu.vector_load_idx %arg10[%add3A_482] : memref<80000xf32, #tpu.memory_space<vmem>>[vector<16xi32>], vector<16xf32>,
      %add3A_484 = arith.addf %gather3A_479, %gather3A_483 : vector<16xf32>
      %ge3A_485 = arith.constant 0.000000e+00 : f32
      %ge3A_486 = vector.broadcast %ge3A_485 : f32 to vector<16xf32>
      %ge3A_487 = arith.cmpf oge, %add3A_484, %ge3A_486 : vector<16xf32>
      %mul3A_488 = arith.constant 2.000000e-01 : f32
      %mul3A_489 = vector.broadcast %mul3A_488 : f32 to vector<16xf32>
      %mul3A_490 = arith.mulf %mul3A_489, %add3A_484 : vector<16xf32>
      %select_n3A_491 = arith.select %ge3A_487, %add3A_484, %mul3A_490 : vector<16xi1>, vector<16xf32>
      %exp3A_492 = math.exp %select_n3A_491 : vector<16xf32>
      %broadcast_in_dim3A_493 = arith.constant 3 : i32
      %broadcast_in_dim3A_494 = vector.broadcast %broadcast_in_dim3A_493 : i32 to vector<16xi32>
      tpu.vector_store_idx %arg15[%add3A_418, %broadcast_in_dim3A_494], %exp3A_492 : memref<80x8xf32, #tpu.memory_space<vmem>>[vector<16xi32>, vector<16xi32>], vector<16xf32>,
      %scan3A_495 = arith.constant 0 : i32
      %scan3A_496 = arith.constant 0 : i32
      %scan3A_497 = arith.constant 80 : i32
      %scan3A_498 = arith.addi %scan3A_496, %scan3A_497 : i32
      %scan3A_499 = arith.constant 1 : i32
      scf.for %scan3A_501 = %scan3A_496 to %scan3A_498 step %scan3A_499  : i32 {
        %broadcast_in_dim3A_502 = vector.broadcast %scan3A_501 : i32 to vector<16xi32>
        %gather3A_503 = tpu.vector_load_idx %arg15[%broadcast_in_dim3A_502, %broadcast_in_dim3A] : memref<80x8xf32, #tpu.memory_space<vmem>>[vector<16xi32>, vector<16xi32>], vector<16xf32>,
        %gather3A_504 = tpu.vector_load_idx %arg15[%broadcast_in_dim3A_502, %add3A_6] : memref<80x8xf32, #tpu.memory_space<vmem>>[vector<16xi32>, vector<16xi32>], vector<16xf32>,
        %get3A_505 = arith.index_cast %scan3A_501 : i32 to index
        %get3A_506 = arith.constant 0 : index
        %get3A_507 = tpu.vector_load %arg14[%get3A_505, %get3A_506] {strides = array<i32>} : memref<80x64xf32, #tpu.memory_space<vmem>>, vector<16xf32>,
        %mul3A_508 = arith.mulf %get3A_507, %gather3A_503 : vector<16xf32>
        %swap3A_509 = arith.index_cast %scan3A_501 : i32 to index
        %swap3A_510 = arith.constant 0 : index
        %swap3A_511 = tpu.vector_load %arg14[%swap3A_509, %swap3A_510] {strides = array<i32>} : memref<80x64xf32, #tpu.memory_space<vmem>>, vector<16xf32>,
        tpu.vector_store %arg14[%swap3A_509, %swap3A_510], %mul3A_508 {strides = array<i32>} : memref<80x64xf32, #tpu.memory_space<vmem>>, vector<16xf32>,
        %get3A_512 = arith.index_cast %scan3A_501 : i32 to index
        %get3A_513 = arith.constant 32 : index
        %get3A_514 = tpu.vector_load %arg14[%get3A_512, %get3A_513] {strides = array<i32>} : memref<80x64xf32, #tpu.memory_space<vmem>>, vector<16xf32>,
        %mul3A_515 = arith.mulf %get3A_514, %gather3A_504 : vector<16xf32>
        %swap3A_516 = arith.index_cast %scan3A_501 : i32 to index
        %swap3A_517 = arith.constant 32 : index
        %swap3A_518 = tpu.vector_load %arg14[%swap3A_516, %swap3A_517] {strides = array<i32>} : memref<80x64xf32, #tpu.memory_space<vmem>>, vector<16xf32>,
        tpu.vector_store %arg14[%swap3A_516, %swap3A_517], %mul3A_515 {strides = array<i32>} : memref<80x64xf32, #tpu.memory_space<vmem>>, vector<16xf32>,
        %get3A_519 = arith.index_cast %scan3A_501 : i32 to index
        %get3A_520 = arith.constant 16 : index
        %get3A_521 = tpu.vector_load %arg14[%get3A_519, %get3A_520] {strides = array<i32>} : memref<80x64xf32, #tpu.memory_space<vmem>>, vector<16xf32>,
        %mul3A_522 = arith.mulf %get3A_521, %gather3A_503 : vector<16xf32>
        %swap3A_523 = arith.index_cast %scan3A_501 : i32 to index
        %swap3A_524 = arith.constant 16 : index
        %swap3A_525 = tpu.vector_load %arg14[%swap3A_523, %swap3A_524] {strides = array<i32>} : memref<80x64xf32, #tpu.memory_space<vmem>>, vector<16xf32>,
        tpu.vector_store %arg14[%swap3A_523, %swap3A_524], %mul3A_522 {strides = array<i32>} : memref<80x64xf32, #tpu.memory_space<vmem>>, vector<16xf32>,
        %get3A_526 = arith.index_cast %scan3A_501 : i32 to index
        %get3A_527 = arith.constant 48 : index
        %get3A_528 = tpu.vector_load %arg14[%get3A_526, %get3A_527] {strides = array<i32>} : memref<80x64xf32, #tpu.memory_space<vmem>>, vector<16xf32>,
        %mul3A_529 = arith.mulf %get3A_528, %gather3A_504 : vector<16xf32>
        %swap3A_530 = arith.index_cast %scan3A_501 : i32 to index
        %swap3A_531 = arith.constant 48 : index
        %swap3A_532 = tpu.vector_load %arg14[%swap3A_530, %swap3A_531] {strides = array<i32>} : memref<80x64xf32, #tpu.memory_space<vmem>>, vector<16xf32>,
        tpu.vector_store %arg14[%swap3A_530, %swap3A_531], %mul3A_529 {strides = array<i32>} : memref<80x64xf32, #tpu.memory_space<vmem>>, vector<16xf32>,
      }
      %scan3A_500 = arith.constant 80 : i32
      "tpu.region"() ({
        %run_scoped3A = tpu.sem_alloc : memref<!tpu.dma_semaphore, #tpu.memory_space<semaphore_mem>>
        %dma_start3A_501 = arith.constant 0 : i32
        %dma_start3A_502 = arith.constant 0 : i32
        %dma_start3A_503 = tpu.memref_slice %arg17[%dma_start3A_501, %dma_start3A_502] : memref<10000x64xf32, #tpu.memory_space<vmem_shared>> -> memref<10000x64xf32, #tpu.memory_space<vmem_shared>>
        tpu.enqueue_indirect_dma source(%arg14 : memref<80x64xf32, #tpu.memory_space<vmem>>) target(%dma_start3A_503 : memref<10000x64xf32, #tpu.memory_space<vmem_shared>>) offsets(%arg13 : memref<80xi32, #tpu.memory_space<vmem>>) semaphore(%run_scoped3A : memref<!tpu.dma_semaphore, #tpu.memory_space<semaphore_mem>>) {add = true}
        %dma_wait3A_504 = arith.constant 0 : i32
        %dma_wait3A_505 = arith.constant 0 : i32
        %dma_wait3A_506 = tpu.memref_slice %arg17[%dma_wait3A_504, %dma_wait3A_505] : memref<10000x64xf32, #tpu.memory_space<vmem_shared>> -> memref<10000x64xf32, #tpu.memory_space<vmem_shared>>
        tpu.wait_indirect_dma semaphore(%run_scoped3A : memref<!tpu.dma_semaphore, #tpu.memory_space<semaphore_mem>>) src(%arg14 : memref<80x64xf32, #tpu.memory_space<vmem>>) dst(%dma_wait3A_506 : memref<10000x64xf32, #tpu.memory_space<vmem_shared>>)
        tpu.yield
      }) : () -> ()
      "tpu.region"() ({
        %run_scoped3A = tpu.sem_alloc : memref<!tpu.dma_semaphore, #tpu.memory_space<semaphore_mem>>
        %dma_start3A_501 = arith.constant 0 : i32
        %dma_start3A_502 = arith.constant 0 : i32
        %dma_start3A_503 = tpu.memref_slice %arg18[%dma_start3A_501, %dma_start3A_502] : memref<10000x8xf32, #tpu.memory_space<vmem_shared>> -> memref<10000x8xf32, #tpu.memory_space<vmem_shared>>
        tpu.enqueue_indirect_dma source(%arg15 : memref<80x8xf32, #tpu.memory_space<vmem>>) target(%dma_start3A_503 : memref<10000x8xf32, #tpu.memory_space<vmem_shared>>) offsets(%arg13 : memref<80xi32, #tpu.memory_space<vmem>>) semaphore(%run_scoped3A : memref<!tpu.dma_semaphore, #tpu.memory_space<semaphore_mem>>) {add = true}
        %dma_wait3A_504 = arith.constant 0 : i32
        %dma_wait3A_505 = arith.constant 0 : i32
        %dma_wait3A_506 = tpu.memref_slice %arg18[%dma_wait3A_504, %dma_wait3A_505] : memref<10000x8xf32, #tpu.memory_space<vmem_shared>> -> memref<10000x8xf32, #tpu.memory_space<vmem_shared>>
        tpu.wait_indirect_dma semaphore(%run_scoped3A : memref<!tpu.dma_semaphore, #tpu.memory_space<semaphore_mem>>) src(%arg15 : memref<80x8xf32, #tpu.memory_space<vmem>>) dst(%dma_wait3A_506 : memref<10000x8xf32, #tpu.memory_space<vmem_shared>>)
        tpu.yield
      }) : () -> ()
    }
    %scan3A_14 = arith.constant 250 : i32
    %barrier3A_15 = arith.constant 0 : index
    tpu.barrier barrier_id(%barrier3A_15)
    %mul3A_16 = arith.constant 10000 : i32
    %mul3A_17 = arith.muli %arg0, %mul3A_16 : i32
    %add3A_18 = arith.addi %mul3A_17, %mul3A_0 : i32
    "tpu.region"() ({
      %run_scoped3A = tpu.sem_alloc : memref<!tpu.dma_semaphore, #tpu.memory_space<semaphore_mem>>
      %dma_start3A = arith.constant 0 : i32
      %dma_start3A_19 = tpu.memref_slice %arg8[%add3A_18, %dma_start3A] : memref<20000x64xf32, #tpu.memory_space<hbm>> -> memref<625x64xf32, #tpu.memory_space<hbm>>
      %dma_start3A_20 = arith.constant 0 : i32
      %dma_start3A_21 = tpu.memref_slice %arg17[%mul3A_0, %dma_start3A_20] : memref<10000x64xf32, #tpu.memory_space<vmem_shared>> -> memref<625x64xf32, #tpu.memory_space<vmem_shared>>
      tpu.enqueue_dma source(%dma_start3A_21 : memref<625x64xf32, #tpu.memory_space<vmem_shared>>) target(%dma_start3A_19 : memref<625x64xf32, #tpu.memory_space<hbm>>) target_semaphore(%run_scoped3A : memref<!tpu.dma_semaphore, #tpu.memory_space<semaphore_mem>>)
      %dma_wait3A = arith.constant 0 : i32
      %dma_wait3A_22 = tpu.memref_slice %arg8[%add3A_18, %dma_wait3A] : memref<20000x64xf32, #tpu.memory_space<hbm>> -> memref<625x64xf32, #tpu.memory_space<hbm>>
      %dma_wait3A_23 = arith.constant 0 : i32
      %dma_wait3A_24 = tpu.memref_slice %arg17[%mul3A_0, %dma_wait3A_23] : memref<10000x64xf32, #tpu.memory_space<vmem_shared>> -> memref<625x64xf32, #tpu.memory_space<vmem_shared>>
      tpu.wait_dma2 semaphore(%run_scoped3A : memref<!tpu.dma_semaphore, #tpu.memory_space<semaphore_mem>>) src(%dma_wait3A_24 : memref<625x64xf32, #tpu.memory_space<vmem_shared>>) dst(%dma_wait3A_22 : memref<625x64xf32, #tpu.memory_space<hbm>>)
      tpu.yield
    }) : () -> ()
    "tpu.region"() ({
      %run_scoped3A = tpu.sem_alloc : memref<!tpu.dma_semaphore, #tpu.memory_space<semaphore_mem>>
      %dma_start3A = arith.constant 0 : i32
      %dma_start3A_19 = tpu.memref_slice %arg9[%add3A_18, %dma_start3A] : memref<20000x8xf32, #tpu.memory_space<hbm>> -> memref<625x8xf32, #tpu.memory_space<hbm>>
      %dma_start3A_20 = arith.constant 0 : i32
      %dma_start3A_21 = tpu.memref_slice %arg18[%mul3A_0, %dma_start3A_20] : memref<10000x8xf32, #tpu.memory_space<vmem_shared>> -> memref<625x8xf32, #tpu.memory_space<vmem_shared>>
      tpu.enqueue_dma source(%dma_start3A_21 : memref<625x8xf32, #tpu.memory_space<vmem_shared>>) target(%dma_start3A_19 : memref<625x8xf32, #tpu.memory_space<hbm>>) target_semaphore(%run_scoped3A : memref<!tpu.dma_semaphore, #tpu.memory_space<semaphore_mem>>)
      %dma_wait3A = arith.constant 0 : i32
      %dma_wait3A_22 = tpu.memref_slice %arg9[%add3A_18, %dma_wait3A] : memref<20000x8xf32, #tpu.memory_space<hbm>> -> memref<625x8xf32, #tpu.memory_space<hbm>>
      %dma_wait3A_23 = arith.constant 0 : i32
      %dma_wait3A_24 = tpu.memref_slice %arg18[%mul3A_0, %dma_wait3A_23] : memref<10000x8xf32, #tpu.memory_space<vmem_shared>> -> memref<625x8xf32, #tpu.memory_space<vmem_shared>>
      tpu.wait_dma2 semaphore(%run_scoped3A : memref<!tpu.dma_semaphore, #tpu.memory_space<semaphore_mem>>) src(%dma_wait3A_24 : memref<625x8xf32, #tpu.memory_space<vmem_shared>>) dst(%dma_wait3A_22 : memref<625x8xf32, #tpu.memory_space<hbm>>)
      tpu.yield
    }) : () -> ()
    return
  }
}

#map = affine_map<(d0, d1) -> (0, 0)>
#map1 = affine_map<(d0, d1) -> (0)>
module attributes {stable_mosaic.version = 14 : i64} {
  func.func @_sc_edge_body(%arg0: i32, %arg1: i32, %arg2: memref<20000x64xf32, #tpu.memory_space<hbm>>, %arg3: memref<80000xf32, #tpu.memory_space<hbm>>, %arg4: memref<320000xi32, #tpu.memory_space<hbm>>, %arg5: memref<320000xi32, #tpu.memory_space<hbm>>, %arg6: memref<625x64xf32, #tpu.memory_space<hbm>>, %arg7: memref<625x8xf32, #tpu.memory_space<hbm>>, %arg8: memref<20000x64xf32, #tpu.memory_space<hbm>>, %arg9: memref<20000x8xf32, #tpu.memory_space<hbm>>, %arg10: memref<80000xf32, #tpu.memory_space<vmem>>, %arg11: memref<80xi32, #tpu.memory_space<vmem>>, %arg12: memref<80xi32, #tpu.memory_space<vmem>>, %arg13: memref<80xi32, #tpu.memory_space<vmem>>, %arg14: memref<80x64xf32, #tpu.memory_space<vmem>>, %arg15: memref<80x8xf32, #tpu.memory_space<vmem>>, %arg16: memref<!tpu.dma_semaphore, #tpu.memory_space<semaphore_mem>>, %arg17: memref<10000x64xf32, #tpu.memory_space<vmem_shared>>, %arg18: memref<10000x8xf32, #tpu.memory_space<vmem_shared>>) attributes {dimension_semantics = [#tpu.dimension_semantics<core_parallel>, #tpu.dimension_semantics<subcore_parallel>], iteration_bounds = array<i64: 2, 16>, scalar_prefetch = 0 : i64, scratch_operands = 9 : i64, tpu.core_type = #tpu.core_type<sc_vector_subcore>, window_params = [{transform_indices = #map}, {transform_indices = #map1}, {transform_indices = #map1}, {transform_indices = #map1}, {transform_indices = #map}, {transform_indices = #map}, {transform_indices = #map}, {transform_indices = #map}]} {
    "tpu.region"() ({
      %run_scoped3A = tpu.sem_alloc : memref<!tpu.dma_semaphore, #tpu.memory_space<semaphore_mem>>
      tpu.enqueue_dma source(%arg3 : memref<80000xf32, #tpu.memory_space<hbm>>) target(%arg10 : memref<80000xf32, #tpu.memory_space<vmem>>) target_semaphore(%run_scoped3A : memref<!tpu.dma_semaphore, #tpu.memory_space<semaphore_mem>>)
      tpu.wait_dma2 semaphore(%run_scoped3A : memref<!tpu.dma_semaphore, #tpu.memory_space<semaphore_mem>>) src(%arg3 : memref<80000xf32, #tpu.memory_space<hbm>>) dst(%arg10 : memref<80000xf32, #tpu.memory_space<vmem>>)
      tpu.yield
    }) : () -> ()
    %mul3A = arith.constant 625 : i32
    %mul3A_0 = arith.muli %arg1, %mul3A : i32
    "tpu.region"() ({
      %run_scoped3A = tpu.sem_alloc : memref<!tpu.dma_semaphore, #tpu.memory_space<semaphore_mem>>
      %dma_start3A = arith.constant 0 : i32
      %dma_start3A_19 = tpu.memref_slice %arg17[%mul3A_0, %dma_start3A] : memref<10000x64xf32, #tpu.memory_space<vmem_shared>> -> memref<625x64xf32, #tpu.memory_space<vmem_shared>>
      tpu.enqueue_dma source(%arg6 : memref<625x64xf32, #tpu.memory_space<hbm>>) target(%dma_start3A_19 : memref<625x64xf32, #tpu.memory_space<vmem_shared>>) target_semaphore(%run_scoped3A : memref<!tpu.dma_semaphore, #tpu.memory_space<semaphore_mem>>)
      %dma_wait3A = arith.constant 0 : i32
      %dma_wait3A_20 = tpu.memref_slice %arg17[%mul3A_0, %dma_wait3A] : memref<10000x64xf32, #tpu.memory_space<vmem_shared>> -> memref<625x64xf32, #tpu.memory_space<vmem_shared>>
      tpu.wait_dma2 semaphore(%run_scoped3A : memref<!tpu.dma_semaphore, #tpu.memory_space<semaphore_mem>>) src(%arg6 : memref<625x64xf32, #tpu.memory_space<hbm>>) dst(%dma_wait3A_20 : memref<625x64xf32, #tpu.memory_space<vmem_shared>>)
      tpu.yield
    }) : () -> ()
    "tpu.region"() ({
      %run_scoped3A = tpu.sem_alloc : memref<!tpu.dma_semaphore, #tpu.memory_space<semaphore_mem>>
      %dma_start3A = arith.constant 0 : i32
      %dma_start3A_19 = tpu.memref_slice %arg18[%mul3A_0, %dma_start3A] : memref<10000x8xf32, #tpu.memory_space<vmem_shared>> -> memref<625x8xf32, #tpu.memory_space<vmem_shared>>
      tpu.enqueue_dma source(%arg7 : memref<625x8xf32, #tpu.memory_space<hbm>>) target(%dma_start3A_19 : memref<625x8xf32, #tpu.memory_space<vmem_shared>>) target_semaphore(%run_scoped3A : memref<!tpu.dma_semaphore, #tpu.memory_space<semaphore_mem>>)
      %dma_wait3A = arith.constant 0 : i32
      %dma_wait3A_20 = tpu.memref_slice %arg18[%mul3A_0, %dma_wait3A] : memref<10000x8xf32, #tpu.memory_space<vmem_shared>> -> memref<625x8xf32, #tpu.memory_space<vmem_shared>>
      tpu.wait_dma2 semaphore(%run_scoped3A : memref<!tpu.dma_semaphore, #tpu.memory_space<semaphore_mem>>) src(%arg7 : memref<625x8xf32, #tpu.memory_space<hbm>>) dst(%dma_wait3A_20 : memref<625x8xf32, #tpu.memory_space<vmem_shared>>)
      tpu.yield
    }) : () -> ()
    "tpu.region"() ({
      %run_scoped3A = tpu.sem_alloc : memref<!tpu.dma_semaphore, #tpu.memory_space<semaphore_mem>>
      %dma_start3A = arith.constant 0 : i32
      %dma_start3A_19 = arith.constant 0 : i32
      %dma_start3A_20 = tpu.memref_slice %arg7[%dma_start3A, %dma_start3A_19] : memref<625x8xf32, #tpu.memory_space<hbm>> -> memref<80x8xf32, #tpu.memory_space<hbm>>
      %dma_start3A_21 = arith.constant 0 : i32
      %dma_start3A_22 = arith.constant 0 : i32
      %dma_start3A_23 = tpu.memref_slice %arg7[%dma_start3A_21, %dma_start3A_22] : memref<625x8xf32, #tpu.memory_space<hbm>> -> memref<80x8xf32, #tpu.memory_space<hbm>>
      tpu.enqueue_dma source(%dma_start3A_23 : memref<80x8xf32, #tpu.memory_space<hbm>>) target(%arg15 : memref<80x8xf32, #tpu.memory_space<vmem>>) target_semaphore(%run_scoped3A : memref<!tpu.dma_semaphore, #tpu.memory_space<semaphore_mem>>)
      %dma_wait3A = arith.constant 0 : i32
      %dma_wait3A_24 = arith.constant 0 : i32
      %dma_wait3A_25 = tpu.memref_slice %arg7[%dma_wait3A, %dma_wait3A_24] : memref<625x8xf32, #tpu.memory_space<hbm>> -> memref<80x8xf32, #tpu.memory_space<hbm>>
      %dma_wait3A_26 = arith.constant 0 : i32
      %dma_wait3A_27 = arith.constant 0 : i32
      %dma_wait3A_28 = tpu.memref_slice %arg7[%dma_wait3A_26, %dma_wait3A_27] : memref<625x8xf32, #tpu.memory_space<hbm>> -> memref<80x8xf32, #tpu.memory_space<hbm>>
      tpu.wait_dma2 semaphore(%run_scoped3A : memref<!tpu.dma_semaphore, #tpu.memory_space<semaphore_mem>>) src(%dma_wait3A_28 : memref<80x8xf32, #tpu.memory_space<hbm>>) dst(%arg15 : memref<80x8xf32, #tpu.memory_space<vmem>>)
      tpu.yield
    }) : () -> ()
    %barrier3A = arith.constant 0 : index
    tpu.barrier barrier_id(%barrier3A)
    %mul3A_1 = arith.constant 20000 : i32
    %mul3A_2 = arith.muli %arg1, %mul3A_1 : i32
    %mul3A_3 = arith.constant 2 : i32
    %mul3A_4 = arith.muli %mul3A_3, %arg0 : i32
    %broadcast_in_dim3A = vector.broadcast %mul3A_4 : i32 to vector<16xi32>
    %add3A = arith.constant 1 : i32
    %add3A_5 = vector.broadcast %add3A : i32 to vector<16xi32>
    %add3A_6 = arith.addi %broadcast_in_dim3A, %add3A_5 : vector<16xi32>
    %mul3A_7 = arith.constant 10000 : i32
    %mul3A_8 = arith.muli %arg0, %mul3A_7 : i32
    %broadcast_in_dim3A_9 = vector.broadcast %mul3A_8 : i32 to vector<16xi32>
    %scan3A = arith.constant 0 : i32
    %scan3A_10 = arith.constant 0 : i32
    %scan3A_11 = arith.constant 250 : i32
    %scan3A_12 = arith.addi %scan3A_10, %scan3A_11 : i32
    %scan3A_13 = arith.constant 1 : i32
    scf.for %scan3A_19 = %scan3A_10 to %scan3A_12 step %scan3A_13  : i32 {
      %mul3A_20 = arith.constant 80 : i32
      %mul3A_21 = arith.muli %scan3A_19, %mul3A_20 : i32
      %add3A_22 = arith.addi %mul3A_2, %mul3A_21 : i32
      "tpu.region"() ({
        %run_scoped3A = tpu.sem_alloc : memref<!tpu.dma_semaphore, #tpu.memory_space<semaphore_mem>>
        %dma_start3A_501 = tpu.memref_slice %arg4[%add3A_22] : memref<320000xi32, #tpu.memory_space<hbm>> -> memref<80xi32, #tpu.memory_space<hbm>>
        %dma_start3A_502 = tpu.memref_slice %arg4[%add3A_22] : memref<320000xi32, #tpu.memory_space<hbm>> -> memref<80xi32, #tpu.memory_space<hbm>>
        tpu.enqueue_dma source(%dma_start3A_502 : memref<80xi32, #tpu.memory_space<hbm>>) target(%arg11 : memref<80xi32, #tpu.memory_space<vmem>>) target_semaphore(%run_scoped3A : memref<!tpu.dma_semaphore, #tpu.memory_space<semaphore_mem>>)
        %dma_wait3A_503 = tpu.memref_slice %arg4[%add3A_22] : memref<320000xi32, #tpu.memory_space<hbm>> -> memref<80xi32, #tpu.memory_space<hbm>>
        %dma_wait3A_504 = tpu.memref_slice %arg4[%add3A_22] : memref<320000xi32, #tpu.memory_space<hbm>> -> memref<80xi32, #tpu.memory_space<hbm>>
        tpu.wait_dma2 semaphore(%run_scoped3A : memref<!tpu.dma_semaphore, #tpu.memory_space<semaphore_mem>>) src(%dma_wait3A_504 : memref<80xi32, #tpu.memory_space<hbm>>) dst(%arg11 : memref<80xi32, #tpu.memory_space<vmem>>)
        tpu.yield
      }) : () -> ()
      "tpu.region"() ({
        %run_scoped3A = tpu.sem_alloc : memref<!tpu.dma_semaphore, #tpu.memory_space<semaphore_mem>>
        %dma_start3A_501 = tpu.memref_slice %arg5[%add3A_22] : memref<320000xi32, #tpu.memory_space<hbm>> -> memref<80xi32, #tpu.memory_space<hbm>>
        %dma_start3A_502 = tpu.memref_slice %arg5[%add3A_22] : memref<320000xi32, #tpu.memory_space<hbm>> -> memref<80xi32, #tpu.memory_space<hbm>>
        tpu.enqueue_dma source(%dma_start3A_502 : memref<80xi32, #tpu.memory_space<hbm>>) target(%arg13 : memref<80xi32, #tpu.memory_space<vmem>>) target_semaphore(%run_scoped3A : memref<!tpu.dma_semaphore, #tpu.memory_space<semaphore_mem>>)
        %dma_wait3A_503 = tpu.memref_slice %arg5[%add3A_22] : memref<320000xi32, #tpu.memory_space<hbm>> -> memref<80xi32, #tpu.memory_space<hbm>>
        %dma_wait3A_504 = tpu.memref_slice %arg5[%add3A_22] : memref<320000xi32, #tpu.memory_space<hbm>> -> memref<80xi32, #tpu.memory_space<hbm>>
        tpu.wait_dma2 semaphore(%run_scoped3A : memref<!tpu.dma_semaphore, #tpu.memory_space<semaphore_mem>>) src(%dma_wait3A_504 : memref<80xi32, #tpu.memory_space<hbm>>) dst(%arg13 : memref<80xi32, #tpu.memory_space<vmem>>)
        tpu.yield
      }) : () -> ()
      %get3A = arith.constant 0 : index
      %get3A_23 = tpu.vector_load %arg11[%get3A] {strides = array<i32>} : memref<80xi32, #tpu.memory_space<vmem>>, vector<16xi32>,
      %add3A_24 = arith.addi %get3A_23, %broadcast_in_dim3A_9 : vector<16xi32>
      %swap3A = arith.constant 0 : index
      %swap3A_25 = tpu.vector_load %arg12[%swap3A] {strides = array<i32>} : memref<80xi32, #tpu.memory_space<vmem>>, vector<16xi32>,
      tpu.vector_store %arg12[%swap3A], %add3A_24 {strides = array<i32>} : memref<80xi32, #tpu.memory_space<vmem>>, vector<16xi32>,
      %get3A_26 = arith.constant 16 : index
      %get3A_27 = tpu.vector_load %arg11[%get3A_26] {strides = array<i32>} : memref<80xi32, #tpu.memory_space<vmem>>, vector<16xi32>,
      %add3A_28 = arith.addi %get3A_27, %broadcast_in_dim3A_9 : vector<16xi32>
      %swap3A_29 = arith.constant 16 : index
      %swap3A_30 = tpu.vector_load %arg12[%swap3A_29] {strides = array<i32>} : memref<80xi32, #tpu.memory_space<vmem>>, vector<16xi32>,
      tpu.vector_store %arg12[%swap3A_29], %add3A_28 {strides = array<i32>} : memref<80xi32, #tpu.memory_space<vmem>>, vector<16xi32>,
      %get3A_31 = arith.constant 32 : index
      %get3A_32 = tpu.vector_load %arg11[%get3A_31] {strides = array<i32>} : memref<80xi32, #tpu.memory_space<vmem>>, vector<16xi32>,
      %add3A_33 = arith.addi %get3A_32, %broadcast_in_dim3A_9 : vector<16xi32>
      %swap3A_34 = arith.constant 32 : index
      %swap3A_35 = tpu.vector_load %arg12[%swap3A_34] {strides = array<i32>} : memref<80xi32, #tpu.memory_space<vmem>>, vector<16xi32>,
      tpu.vector_store %arg12[%swap3A_34], %add3A_33 {strides = array<i32>} : memref<80xi32, #tpu.memory_space<vmem>>, vector<16xi32>,
      %get3A_36 = arith.constant 48 : index
      %get3A_37 = tpu.vector_load %arg11[%get3A_36] {strides = array<i32>} : memref<80xi32, #tpu.memory_space<vmem>>, vector<16xi32>,
      %add3A_38 = arith.addi %get3A_37, %broadcast_in_dim3A_9 : vector<16xi32>
      %swap3A_39 = arith.constant 48 : index
      %swap3A_40 = tpu.vector_load %arg12[%swap3A_39] {strides = array<i32>} : memref<80xi32, #tpu.memory_space<vmem>>, vector<16xi32>,
      tpu.vector_store %arg12[%swap3A_39], %add3A_38 {strides = array<i32>} : memref<80xi32, #tpu.memory_space<vmem>>, vector<16xi32>,
      %get3A_41 = arith.constant 64 : index
      %get3A_42 = tpu.vector_load %arg11[%get3A_41] {strides = array<i32>} : memref<80xi32, #tpu.memory_space<vmem>>, vector<16xi32>,
      %add3A_43 = arith.addi %get3A_42, %broadcast_in_dim3A_9 : vector<16xi32>
      %swap3A_44 = arith.constant 64 : index
      %swap3A_45 = tpu.vector_load %arg12[%swap3A_44] {strides = array<i32>} : memref<80xi32, #tpu.memory_space<vmem>>, vector<16xi32>,
      tpu.vector_store %arg12[%swap3A_44], %add3A_43 {strides = array<i32>} : memref<80xi32, #tpu.memory_space<vmem>>, vector<16xi32>,
      %dma_start3A = arith.constant 0 : i32
      %dma_start3A_46 = arith.constant 0 : i32
      %dma_start3A_47 = tpu.memref_slice %arg2[%dma_start3A, %dma_start3A_46] : memref<20000x64xf32, #tpu.memory_space<hbm>> -> memref<20000x64xf32, #tpu.memory_space<hbm>>
      tpu.enqueue_indirect_dma source(%dma_start3A_47 : memref<20000x64xf32, #tpu.memory_space<hbm>>) target(%arg14 : memref<80x64xf32, #tpu.memory_space<vmem>>) offsets(%arg12 : memref<80xi32, #tpu.memory_space<vmem>>) semaphore(%arg16 : memref<!tpu.dma_semaphore, #tpu.memory_space<semaphore_mem>>)
      %dma_wait3A = arith.constant 0 : i32
      %dma_wait3A_48 = arith.constant 0 : i32
      %dma_wait3A_49 = tpu.memref_slice %arg2[%dma_wait3A, %dma_wait3A_48] : memref<20000x64xf32, #tpu.memory_space<hbm>> -> memref<20000x64xf32, #tpu.memory_space<hbm>>
      tpu.wait_indirect_dma semaphore(%arg16 : memref<!tpu.dma_semaphore, #tpu.memory_space<semaphore_mem>>) src(%dma_wait3A_49 : memref<20000x64xf32, #tpu.memory_space<hbm>>) dst(%arg14 : memref<80x64xf32, #tpu.memory_space<vmem>>)
      %get3A_50 = arith.constant 0 : index
      %get3A_51 = tpu.vector_load %arg11[%get3A_50] {strides = array<i32>} : memref<80xi32, #tpu.memory_space<vmem>>, vector<16xi32>,
      %mul3A_52 = arith.constant 8 : i32
      %mul3A_53 = vector.broadcast %mul3A_52 : i32 to vector<16xi32>
      %mul3A_54 = arith.muli %get3A_51, %mul3A_53 : vector<16xi32>
      %get3A_55 = arith.constant 0 : index
      %get3A_56 = tpu.vector_load %arg13[%get3A_55] {strides = array<i32>} : memref<80xi32, #tpu.memory_space<vmem>>, vector<16xi32>,
      %mul3A_57 = arith.constant 8 : i32
      %mul3A_58 = vector.broadcast %mul3A_57 : i32 to vector<16xi32>
      %mul3A_59 = arith.muli %get3A_56, %mul3A_58 : vector<16xi32>
      %iota3A = tpu.iota {dimensions = array<i32: 0>} : vector<16xi32>
      %add3A_60 = arith.constant 0 : i32
      %add3A_61 = vector.broadcast %add3A_60 : i32 to vector<16xi32>
      %add3A_62 = arith.addi %iota3A, %add3A_61 : vector<16xi32>
      %add3A_63 = arith.constant 0 : i32
      %add3A_64 = vector.broadcast %add3A_63 : i32 to vector<16xi32>
      %add3A_65 = arith.addi %mul3A_54, %add3A_64 : vector<16xi32>
      %gather3A = tpu.vector_load_idx %arg10[%add3A_65] : memref<80000xf32, #tpu.memory_space<vmem>>[vector<16xi32>], vector<16xf32>,
      %add3A_66 = arith.constant 4 : i32
      %add3A_67 = vector.broadcast %add3A_66 : i32 to vector<16xi32>
      %add3A_68 = arith.addi %mul3A_59, %add3A_67 : vector<16xi32>
      %gather3A_69 = tpu.vector_load_idx %arg10[%add3A_68] : memref<80000xf32, #tpu.memory_space<vmem>>[vector<16xi32>], vector<16xf32>,
      %add3A_70 = arith.addf %gather3A, %gather3A_69 : vector<16xf32>
      %ge3A = arith.constant 0.000000e+00 : f32
      %ge3A_71 = vector.broadcast %ge3A : f32 to vector<16xf32>
      %ge3A_72 = arith.cmpf oge, %add3A_70, %ge3A_71 : vector<16xf32>
      %mul3A_73 = arith.constant 2.000000e-01 : f32
      %mul3A_74 = vector.broadcast %mul3A_73 : f32 to vector<16xf32>
      %mul3A_75 = arith.mulf %mul3A_74, %add3A_70 : vector<16xf32>
      %select_n3A = arith.select %ge3A_72, %add3A_70, %mul3A_75 : vector<16xi1>, vector<16xf32>
      %exp3A = math.exp %select_n3A : vector<16xf32>
      %broadcast_in_dim3A_76 = arith.constant 0 : i32
      %broadcast_in_dim3A_77 = vector.broadcast %broadcast_in_dim3A_76 : i32 to vector<16xi32>
      tpu.vector_store_idx %arg15[%add3A_62, %broadcast_in_dim3A_77], %exp3A : memref<80x8xf32, #tpu.memory_space<vmem>>[vector<16xi32>, vector<16xi32>], vector<16xf32>,
      %add3A_78 = arith.constant 1 : i32
      %add3A_79 = vector.broadcast %add3A_78 : i32 to vector<16xi32>
      %add3A_80 = arith.addi %mul3A_54, %add3A_79 : vector<16xi32>
      %gather3A_81 = tpu.vector_load_idx %arg10[%add3A_80] : memref<80000xf32, #tpu.memory_space<vmem>>[vector<16xi32>], vector<16xf32>,
      %add3A_82 = arith.constant 5 : i32
      %add3A_83 = vector.broadcast %add3A_82 : i32 to vector<16xi32>
      %add3A_84 = arith.addi %mul3A_59, %add3A_83 : vector<16xi32>
      %gather3A_85 = tpu.vector_load_idx %arg10[%add3A_84] : memref<80000xf32, #tpu.memory_space<vmem>>[vector<16xi32>], vector<16xf32>,
      %add3A_86 = arith.addf %gather3A_81, %gather3A_85 : vector<16xf32>
      %ge3A_87 = arith.constant 0.000000e+00 : f32
      %ge3A_88 = vector.broadcast %ge3A_87 : f32 to vector<16xf32>
      %ge3A_89 = arith.cmpf oge, %add3A_86, %ge3A_88 : vector<16xf32>
      %mul3A_90 = arith.constant 2.000000e-01 : f32
      %mul3A_91 = vector.broadcast %mul3A_90 : f32 to vector<16xf32>
      %mul3A_92 = arith.mulf %mul3A_91, %add3A_86 : vector<16xf32>
      %select_n3A_93 = arith.select %ge3A_89, %add3A_86, %mul3A_92 : vector<16xi1>, vector<16xf32>
      %exp3A_94 = math.exp %select_n3A_93 : vector<16xf32>
      %broadcast_in_dim3A_95 = arith.constant 1 : i32
      %broadcast_in_dim3A_96 = vector.broadcast %broadcast_in_dim3A_95 : i32 to vector<16xi32>
      tpu.vector_store_idx %arg15[%add3A_62, %broadcast_in_dim3A_96], %exp3A_94 : memref<80x8xf32, #tpu.memory_space<vmem>>[vector<16xi32>, vector<16xi32>], vector<16xf32>,
      %add3A_97 = arith.constant 2 : i32
      %add3A_98 = vector.broadcast %add3A_97 : i32 to vector<16xi32>
      %add3A_99 = arith.addi %mul3A_54, %add3A_98 : vector<16xi32>
      %gather3A_100 = tpu.vector_load_idx %arg10[%add3A_99] : memref<80000xf32, #tpu.memory_space<vmem>>[vector<16xi32>], vector<16xf32>,
      %add3A_101 = arith.constant 6 : i32
      %add3A_102 = vector.broadcast %add3A_101 : i32 to vector<16xi32>
      %add3A_103 = arith.addi %mul3A_59, %add3A_102 : vector<16xi32>
      %gather3A_104 = tpu.vector_load_idx %arg10[%add3A_103] : memref<80000xf32, #tpu.memory_space<vmem>>[vector<16xi32>], vector<16xf32>,
      %add3A_105 = arith.addf %gather3A_100, %gather3A_104 : vector<16xf32>
      %ge3A_106 = arith.constant 0.000000e+00 : f32
      %ge3A_107 = vector.broadcast %ge3A_106 : f32 to vector<16xf32>
      %ge3A_108 = arith.cmpf oge, %add3A_105, %ge3A_107 : vector<16xf32>
      %mul3A_109 = arith.constant 2.000000e-01 : f32
      %mul3A_110 = vector.broadcast %mul3A_109 : f32 to vector<16xf32>
      %mul3A_111 = arith.mulf %mul3A_110, %add3A_105 : vector<16xf32>
      %select_n3A_112 = arith.select %ge3A_108, %add3A_105, %mul3A_111 : vector<16xi1>, vector<16xf32>
      %exp3A_113 = math.exp %select_n3A_112 : vector<16xf32>
      %broadcast_in_dim3A_114 = arith.constant 2 : i32
      %broadcast_in_dim3A_115 = vector.broadcast %broadcast_in_dim3A_114 : i32 to vector<16xi32>
      tpu.vector_store_idx %arg15[%add3A_62, %broadcast_in_dim3A_115], %exp3A_113 : memref<80x8xf32, #tpu.memory_space<vmem>>[vector<16xi32>, vector<16xi32>], vector<16xf32>,
      %add3A_116 = arith.constant 3 : i32
      %add3A_117 = vector.broadcast %add3A_116 : i32 to vector<16xi32>
      %add3A_118 = arith.addi %mul3A_54, %add3A_117 : vector<16xi32>
      %gather3A_119 = tpu.vector_load_idx %arg10[%add3A_118] : memref<80000xf32, #tpu.memory_space<vmem>>[vector<16xi32>], vector<16xf32>,
      %add3A_120 = arith.constant 7 : i32
      %add3A_121 = vector.broadcast %add3A_120 : i32 to vector<16xi32>
      %add3A_122 = arith.addi %mul3A_59, %add3A_121 : vector<16xi32>
      %gather3A_123 = tpu.vector_load_idx %arg10[%add3A_122] : memref<80000xf32, #tpu.memory_space<vmem>>[vector<16xi32>], vector<16xf32>,
      %add3A_124 = arith.addf %gather3A_119, %gather3A_123 : vector<16xf32>
      %ge3A_125 = arith.constant 0.000000e+00 : f32
      %ge3A_126 = vector.broadcast %ge3A_125 : f32 to vector<16xf32>
      %ge3A_127 = arith.cmpf oge, %add3A_124, %ge3A_126 : vector<16xf32>
      %mul3A_128 = arith.constant 2.000000e-01 : f32
      %mul3A_129 = vector.broadcast %mul3A_128 : f32 to vector<16xf32>
      %mul3A_130 = arith.mulf %mul3A_129, %add3A_124 : vector<16xf32>
      %select_n3A_131 = arith.select %ge3A_127, %add3A_124, %mul3A_130 : vector<16xi1>, vector<16xf32>
      %exp3A_132 = math.exp %select_n3A_131 : vector<16xf32>
      %broadcast_in_dim3A_133 = arith.constant 3 : i32
      %broadcast_in_dim3A_134 = vector.broadcast %broadcast_in_dim3A_133 : i32 to vector<16xi32>
      tpu.vector_store_idx %arg15[%add3A_62, %broadcast_in_dim3A_134], %exp3A_132 : memref<80x8xf32, #tpu.memory_space<vmem>>[vector<16xi32>, vector<16xi32>], vector<16xf32>,
      %get3A_135 = arith.constant 16 : index
      %get3A_136 = tpu.vector_load %arg11[%get3A_135] {strides = array<i32>} : memref<80xi32, #tpu.memory_space<vmem>>, vector<16xi32>,
      %mul3A_137 = arith.constant 8 : i32
      %mul3A_138 = vector.broadcast %mul3A_137 : i32 to vector<16xi32>
      %mul3A_139 = arith.muli %get3A_136, %mul3A_138 : vector<16xi32>
      %get3A_140 = arith.constant 16 : index
      %get3A_141 = tpu.vector_load %arg13[%get3A_140] {strides = array<i32>} : memref<80xi32, #tpu.memory_space<vmem>>, vector<16xi32>,
      %mul3A_142 = arith.constant 8 : i32
      %mul3A_143 = vector.broadcast %mul3A_142 : i32 to vector<16xi32>
      %mul3A_144 = arith.muli %get3A_141, %mul3A_143 : vector<16xi32>
      %iota3A_145 = tpu.iota {dimensions = array<i32: 0>} : vector<16xi32>
      %add3A_146 = arith.constant 16 : i32
      %add3A_147 = vector.broadcast %add3A_146 : i32 to vector<16xi32>
      %add3A_148 = arith.addi %iota3A_145, %add3A_147 : vector<16xi32>
      %add3A_149 = arith.constant 0 : i32
      %add3A_150 = vector.broadcast %add3A_149 : i32 to vector<16xi32>
      %add3A_151 = arith.addi %mul3A_139, %add3A_150 : vector<16xi32>
      %gather3A_152 = tpu.vector_load_idx %arg10[%add3A_151] : memref<80000xf32, #tpu.memory_space<vmem>>[vector<16xi32>], vector<16xf32>,
      %add3A_153 = arith.constant 4 : i32
      %add3A_154 = vector.broadcast %add3A_153 : i32 to vector<16xi32>
      %add3A_155 = arith.addi %mul3A_144, %add3A_154 : vector<16xi32>
      %gather3A_156 = tpu.vector_load_idx %arg10[%add3A_155] : memref<80000xf32, #tpu.memory_space<vmem>>[vector<16xi32>], vector<16xf32>,
      %add3A_157 = arith.addf %gather3A_152, %gather3A_156 : vector<16xf32>
      %ge3A_158 = arith.constant 0.000000e+00 : f32
      %ge3A_159 = vector.broadcast %ge3A_158 : f32 to vector<16xf32>
      %ge3A_160 = arith.cmpf oge, %add3A_157, %ge3A_159 : vector<16xf32>
      %mul3A_161 = arith.constant 2.000000e-01 : f32
      %mul3A_162 = vector.broadcast %mul3A_161 : f32 to vector<16xf32>
      %mul3A_163 = arith.mulf %mul3A_162, %add3A_157 : vector<16xf32>
      %select_n3A_164 = arith.select %ge3A_160, %add3A_157, %mul3A_163 : vector<16xi1>, vector<16xf32>
      %exp3A_165 = math.exp %select_n3A_164 : vector<16xf32>
      %broadcast_in_dim3A_166 = arith.constant 0 : i32
      %broadcast_in_dim3A_167 = vector.broadcast %broadcast_in_dim3A_166 : i32 to vector<16xi32>
      tpu.vector_store_idx %arg15[%add3A_148, %broadcast_in_dim3A_167], %exp3A_165 : memref<80x8xf32, #tpu.memory_space<vmem>>[vector<16xi32>, vector<16xi32>], vector<16xf32>,
      %add3A_168 = arith.constant 1 : i32
      %add3A_169 = vector.broadcast %add3A_168 : i32 to vector<16xi32>
      %add3A_170 = arith.addi %mul3A_139, %add3A_169 : vector<16xi32>
      %gather3A_171 = tpu.vector_load_idx %arg10[%add3A_170] : memref<80000xf32, #tpu.memory_space<vmem>>[vector<16xi32>], vector<16xf32>,
      %add3A_172 = arith.constant 5 : i32
      %add3A_173 = vector.broadcast %add3A_172 : i32 to vector<16xi32>
      %add3A_174 = arith.addi %mul3A_144, %add3A_173 : vector<16xi32>
      %gather3A_175 = tpu.vector_load_idx %arg10[%add3A_174] : memref<80000xf32, #tpu.memory_space<vmem>>[vector<16xi32>], vector<16xf32>,
      %add3A_176 = arith.addf %gather3A_171, %gather3A_175 : vector<16xf32>
      %ge3A_177 = arith.constant 0.000000e+00 : f32
      %ge3A_178 = vector.broadcast %ge3A_177 : f32 to vector<16xf32>
      %ge3A_179 = arith.cmpf oge, %add3A_176, %ge3A_178 : vector<16xf32>
      %mul3A_180 = arith.constant 2.000000e-01 : f32
      %mul3A_181 = vector.broadcast %mul3A_180 : f32 to vector<16xf32>
      %mul3A_182 = arith.mulf %mul3A_181, %add3A_176 : vector<16xf32>
      %select_n3A_183 = arith.select %ge3A_179, %add3A_176, %mul3A_182 : vector<16xi1>, vector<16xf32>
      %exp3A_184 = math.exp %select_n3A_183 : vector<16xf32>
      %broadcast_in_dim3A_185 = arith.constant 1 : i32
      %broadcast_in_dim3A_186 = vector.broadcast %broadcast_in_dim3A_185 : i32 to vector<16xi32>
      tpu.vector_store_idx %arg15[%add3A_148, %broadcast_in_dim3A_186], %exp3A_184 : memref<80x8xf32, #tpu.memory_space<vmem>>[vector<16xi32>, vector<16xi32>], vector<16xf32>,
      %add3A_187 = arith.constant 2 : i32
      %add3A_188 = vector.broadcast %add3A_187 : i32 to vector<16xi32>
      %add3A_189 = arith.addi %mul3A_139, %add3A_188 : vector<16xi32>
      %gather3A_190 = tpu.vector_load_idx %arg10[%add3A_189] : memref<80000xf32, #tpu.memory_space<vmem>>[vector<16xi32>], vector<16xf32>,
      %add3A_191 = arith.constant 6 : i32
      %add3A_192 = vector.broadcast %add3A_191 : i32 to vector<16xi32>
      %add3A_193 = arith.addi %mul3A_144, %add3A_192 : vector<16xi32>
      %gather3A_194 = tpu.vector_load_idx %arg10[%add3A_193] : memref<80000xf32, #tpu.memory_space<vmem>>[vector<16xi32>], vector<16xf32>,
      %add3A_195 = arith.addf %gather3A_190, %gather3A_194 : vector<16xf32>
      %ge3A_196 = arith.constant 0.000000e+00 : f32
      %ge3A_197 = vector.broadcast %ge3A_196 : f32 to vector<16xf32>
      %ge3A_198 = arith.cmpf oge, %add3A_195, %ge3A_197 : vector<16xf32>
      %mul3A_199 = arith.constant 2.000000e-01 : f32
      %mul3A_200 = vector.broadcast %mul3A_199 : f32 to vector<16xf32>
      %mul3A_201 = arith.mulf %mul3A_200, %add3A_195 : vector<16xf32>
      %select_n3A_202 = arith.select %ge3A_198, %add3A_195, %mul3A_201 : vector<16xi1>, vector<16xf32>
      %exp3A_203 = math.exp %select_n3A_202 : vector<16xf32>
      %broadcast_in_dim3A_204 = arith.constant 2 : i32
      %broadcast_in_dim3A_205 = vector.broadcast %broadcast_in_dim3A_204 : i32 to vector<16xi32>
      tpu.vector_store_idx %arg15[%add3A_148, %broadcast_in_dim3A_205], %exp3A_203 : memref<80x8xf32, #tpu.memory_space<vmem>>[vector<16xi32>, vector<16xi32>], vector<16xf32>,
      %add3A_206 = arith.constant 3 : i32
      %add3A_207 = vector.broadcast %add3A_206 : i32 to vector<16xi32>
      %add3A_208 = arith.addi %mul3A_139, %add3A_207 : vector<16xi32>
      %gather3A_209 = tpu.vector_load_idx %arg10[%add3A_208] : memref<80000xf32, #tpu.memory_space<vmem>>[vector<16xi32>], vector<16xf32>,
      %add3A_210 = arith.constant 7 : i32
      %add3A_211 = vector.broadcast %add3A_210 : i32 to vector<16xi32>
      %add3A_212 = arith.addi %mul3A_144, %add3A_211 : vector<16xi32>
      %gather3A_213 = tpu.vector_load_idx %arg10[%add3A_212] : memref<80000xf32, #tpu.memory_space<vmem>>[vector<16xi32>], vector<16xf32>,
      %add3A_214 = arith.addf %gather3A_209, %gather3A_213 : vector<16xf32>
      %ge3A_215 = arith.constant 0.000000e+00 : f32
      %ge3A_216 = vector.broadcast %ge3A_215 : f32 to vector<16xf32>
      %ge3A_217 = arith.cmpf oge, %add3A_214, %ge3A_216 : vector<16xf32>
      %mul3A_218 = arith.constant 2.000000e-01 : f32
      %mul3A_219 = vector.broadcast %mul3A_218 : f32 to vector<16xf32>
      %mul3A_220 = arith.mulf %mul3A_219, %add3A_214 : vector<16xf32>
      %select_n3A_221 = arith.select %ge3A_217, %add3A_214, %mul3A_220 : vector<16xi1>, vector<16xf32>
      %exp3A_222 = math.exp %select_n3A_221 : vector<16xf32>
      %broadcast_in_dim3A_223 = arith.constant 3 : i32
      %broadcast_in_dim3A_224 = vector.broadcast %broadcast_in_dim3A_223 : i32 to vector<16xi32>
      tpu.vector_store_idx %arg15[%add3A_148, %broadcast_in_dim3A_224], %exp3A_222 : memref<80x8xf32, #tpu.memory_space<vmem>>[vector<16xi32>, vector<16xi32>], vector<16xf32>,
      %get3A_225 = arith.constant 32 : index
      %get3A_226 = tpu.vector_load %arg11[%get3A_225] {strides = array<i32>} : memref<80xi32, #tpu.memory_space<vmem>>, vector<16xi32>,
      %mul3A_227 = arith.constant 8 : i32
      %mul3A_228 = vector.broadcast %mul3A_227 : i32 to vector<16xi32>
      %mul3A_229 = arith.muli %get3A_226, %mul3A_228 : vector<16xi32>
      %get3A_230 = arith.constant 32 : index
      %get3A_231 = tpu.vector_load %arg13[%get3A_230] {strides = array<i32>} : memref<80xi32, #tpu.memory_space<vmem>>, vector<16xi32>,
      %mul3A_232 = arith.constant 8 : i32
      %mul3A_233 = vector.broadcast %mul3A_232 : i32 to vector<16xi32>
      %mul3A_234 = arith.muli %get3A_231, %mul3A_233 : vector<16xi32>
      %iota3A_235 = tpu.iota {dimensions = array<i32: 0>} : vector<16xi32>
      %add3A_236 = arith.constant 32 : i32
      %add3A_237 = vector.broadcast %add3A_236 : i32 to vector<16xi32>
      %add3A_238 = arith.addi %iota3A_235, %add3A_237 : vector<16xi32>
      %add3A_239 = arith.constant 0 : i32
      %add3A_240 = vector.broadcast %add3A_239 : i32 to vector<16xi32>
      %add3A_241 = arith.addi %mul3A_229, %add3A_240 : vector<16xi32>
      %gather3A_242 = tpu.vector_load_idx %arg10[%add3A_241] : memref<80000xf32, #tpu.memory_space<vmem>>[vector<16xi32>], vector<16xf32>,
      %add3A_243 = arith.constant 4 : i32
      %add3A_244 = vector.broadcast %add3A_243 : i32 to vector<16xi32>
      %add3A_245 = arith.addi %mul3A_234, %add3A_244 : vector<16xi32>
      %gather3A_246 = tpu.vector_load_idx %arg10[%add3A_245] : memref<80000xf32, #tpu.memory_space<vmem>>[vector<16xi32>], vector<16xf32>,
      %add3A_247 = arith.addf %gather3A_242, %gather3A_246 : vector<16xf32>
      %ge3A_248 = arith.constant 0.000000e+00 : f32
      %ge3A_249 = vector.broadcast %ge3A_248 : f32 to vector<16xf32>
      %ge3A_250 = arith.cmpf oge, %add3A_247, %ge3A_249 : vector<16xf32>
      %mul3A_251 = arith.constant 2.000000e-01 : f32
      %mul3A_252 = vector.broadcast %mul3A_251 : f32 to vector<16xf32>
      %mul3A_253 = arith.mulf %mul3A_252, %add3A_247 : vector<16xf32>
      %select_n3A_254 = arith.select %ge3A_250, %add3A_247, %mul3A_253 : vector<16xi1>, vector<16xf32>
      %exp3A_255 = math.exp %select_n3A_254 : vector<16xf32>
      %broadcast_in_dim3A_256 = arith.constant 0 : i32
      %broadcast_in_dim3A_257 = vector.broadcast %broadcast_in_dim3A_256 : i32 to vector<16xi32>
      tpu.vector_store_idx %arg15[%add3A_238, %broadcast_in_dim3A_257], %exp3A_255 : memref<80x8xf32, #tpu.memory_space<vmem>>[vector<16xi32>, vector<16xi32>], vector<16xf32>,
      %add3A_258 = arith.constant 1 : i32
      %add3A_259 = vector.broadcast %add3A_258 : i32 to vector<16xi32>
      %add3A_260 = arith.addi %mul3A_229, %add3A_259 : vector<16xi32>
      %gather3A_261 = tpu.vector_load_idx %arg10[%add3A_260] : memref<80000xf32, #tpu.memory_space<vmem>>[vector<16xi32>], vector<16xf32>,
      %add3A_262 = arith.constant 5 : i32
      %add3A_263 = vector.broadcast %add3A_262 : i32 to vector<16xi32>
      %add3A_264 = arith.addi %mul3A_234, %add3A_263 : vector<16xi32>
      %gather3A_265 = tpu.vector_load_idx %arg10[%add3A_264] : memref<80000xf32, #tpu.memory_space<vmem>>[vector<16xi32>], vector<16xf32>,
      %add3A_266 = arith.addf %gather3A_261, %gather3A_265 : vector<16xf32>
      %ge3A_267 = arith.constant 0.000000e+00 : f32
      %ge3A_268 = vector.broadcast %ge3A_267 : f32 to vector<16xf32>
      %ge3A_269 = arith.cmpf oge, %add3A_266, %ge3A_268 : vector<16xf32>
      %mul3A_270 = arith.constant 2.000000e-01 : f32
      %mul3A_271 = vector.broadcast %mul3A_270 : f32 to vector<16xf32>
      %mul3A_272 = arith.mulf %mul3A_271, %add3A_266 : vector<16xf32>
      %select_n3A_273 = arith.select %ge3A_269, %add3A_266, %mul3A_272 : vector<16xi1>, vector<16xf32>
      %exp3A_274 = math.exp %select_n3A_273 : vector<16xf32>
      %broadcast_in_dim3A_275 = arith.constant 1 : i32
      %broadcast_in_dim3A_276 = vector.broadcast %broadcast_in_dim3A_275 : i32 to vector<16xi32>
      tpu.vector_store_idx %arg15[%add3A_238, %broadcast_in_dim3A_276], %exp3A_274 : memref<80x8xf32, #tpu.memory_space<vmem>>[vector<16xi32>, vector<16xi32>], vector<16xf32>,
      %add3A_277 = arith.constant 2 : i32
      %add3A_278 = vector.broadcast %add3A_277 : i32 to vector<16xi32>
      %add3A_279 = arith.addi %mul3A_229, %add3A_278 : vector<16xi32>
      %gather3A_280 = tpu.vector_load_idx %arg10[%add3A_279] : memref<80000xf32, #tpu.memory_space<vmem>>[vector<16xi32>], vector<16xf32>,
      %add3A_281 = arith.constant 6 : i32
      %add3A_282 = vector.broadcast %add3A_281 : i32 to vector<16xi32>
      %add3A_283 = arith.addi %mul3A_234, %add3A_282 : vector<16xi32>
      %gather3A_284 = tpu.vector_load_idx %arg10[%add3A_283] : memref<80000xf32, #tpu.memory_space<vmem>>[vector<16xi32>], vector<16xf32>,
      %add3A_285 = arith.addf %gather3A_280, %gather3A_284 : vector<16xf32>
      %ge3A_286 = arith.constant 0.000000e+00 : f32
      %ge3A_287 = vector.broadcast %ge3A_286 : f32 to vector<16xf32>
      %ge3A_288 = arith.cmpf oge, %add3A_285, %ge3A_287 : vector<16xf32>
      %mul3A_289 = arith.constant 2.000000e-01 : f32
      %mul3A_290 = vector.broadcast %mul3A_289 : f32 to vector<16xf32>
      %mul3A_291 = arith.mulf %mul3A_290, %add3A_285 : vector<16xf32>
      %select_n3A_292 = arith.select %ge3A_288, %add3A_285, %mul3A_291 : vector<16xi1>, vector<16xf32>
      %exp3A_293 = math.exp %select_n3A_292 : vector<16xf32>
      %broadcast_in_dim3A_294 = arith.constant 2 : i32
      %broadcast_in_dim3A_295 = vector.broadcast %broadcast_in_dim3A_294 : i32 to vector<16xi32>
      tpu.vector_store_idx %arg15[%add3A_238, %broadcast_in_dim3A_295], %exp3A_293 : memref<80x8xf32, #tpu.memory_space<vmem>>[vector<16xi32>, vector<16xi32>], vector<16xf32>,
      %add3A_296 = arith.constant 3 : i32
      %add3A_297 = vector.broadcast %add3A_296 : i32 to vector<16xi32>
      %add3A_298 = arith.addi %mul3A_229, %add3A_297 : vector<16xi32>
      %gather3A_299 = tpu.vector_load_idx %arg10[%add3A_298] : memref<80000xf32, #tpu.memory_space<vmem>>[vector<16xi32>], vector<16xf32>,
      %add3A_300 = arith.constant 7 : i32
      %add3A_301 = vector.broadcast %add3A_300 : i32 to vector<16xi32>
      %add3A_302 = arith.addi %mul3A_234, %add3A_301 : vector<16xi32>
      %gather3A_303 = tpu.vector_load_idx %arg10[%add3A_302] : memref<80000xf32, #tpu.memory_space<vmem>>[vector<16xi32>], vector<16xf32>,
      %add3A_304 = arith.addf %gather3A_299, %gather3A_303 : vector<16xf32>
      %ge3A_305 = arith.constant 0.000000e+00 : f32
      %ge3A_306 = vector.broadcast %ge3A_305 : f32 to vector<16xf32>
      %ge3A_307 = arith.cmpf oge, %add3A_304, %ge3A_306 : vector<16xf32>
      %mul3A_308 = arith.constant 2.000000e-01 : f32
      %mul3A_309 = vector.broadcast %mul3A_308 : f32 to vector<16xf32>
      %mul3A_310 = arith.mulf %mul3A_309, %add3A_304 : vector<16xf32>
      %select_n3A_311 = arith.select %ge3A_307, %add3A_304, %mul3A_310 : vector<16xi1>, vector<16xf32>
      %exp3A_312 = math.exp %select_n3A_311 : vector<16xf32>
      %broadcast_in_dim3A_313 = arith.constant 3 : i32
      %broadcast_in_dim3A_314 = vector.broadcast %broadcast_in_dim3A_313 : i32 to vector<16xi32>
      tpu.vector_store_idx %arg15[%add3A_238, %broadcast_in_dim3A_314], %exp3A_312 : memref<80x8xf32, #tpu.memory_space<vmem>>[vector<16xi32>, vector<16xi32>], vector<16xf32>,
      %get3A_315 = arith.constant 48 : index
      %get3A_316 = tpu.vector_load %arg11[%get3A_315] {strides = array<i32>} : memref<80xi32, #tpu.memory_space<vmem>>, vector<16xi32>,
      %mul3A_317 = arith.constant 8 : i32
      %mul3A_318 = vector.broadcast %mul3A_317 : i32 to vector<16xi32>
      %mul3A_319 = arith.muli %get3A_316, %mul3A_318 : vector<16xi32>
      %get3A_320 = arith.constant 48 : index
      %get3A_321 = tpu.vector_load %arg13[%get3A_320] {strides = array<i32>} : memref<80xi32, #tpu.memory_space<vmem>>, vector<16xi32>,
      %mul3A_322 = arith.constant 8 : i32
      %mul3A_323 = vector.broadcast %mul3A_322 : i32 to vector<16xi32>
      %mul3A_324 = arith.muli %get3A_321, %mul3A_323 : vector<16xi32>
      %iota3A_325 = tpu.iota {dimensions = array<i32: 0>} : vector<16xi32>
      %add3A_326 = arith.constant 48 : i32
      %add3A_327 = vector.broadcast %add3A_326 : i32 to vector<16xi32>
      %add3A_328 = arith.addi %iota3A_325, %add3A_327 : vector<16xi32>
      %add3A_329 = arith.constant 0 : i32
      %add3A_330 = vector.broadcast %add3A_329 : i32 to vector<16xi32>
      %add3A_331 = arith.addi %mul3A_319, %add3A_330 : vector<16xi32>
      %gather3A_332 = tpu.vector_load_idx %arg10[%add3A_331] : memref<80000xf32, #tpu.memory_space<vmem>>[vector<16xi32>], vector<16xf32>,
      %add3A_333 = arith.constant 4 : i32
      %add3A_334 = vector.broadcast %add3A_333 : i32 to vector<16xi32>
      %add3A_335 = arith.addi %mul3A_324, %add3A_334 : vector<16xi32>
      %gather3A_336 = tpu.vector_load_idx %arg10[%add3A_335] : memref<80000xf32, #tpu.memory_space<vmem>>[vector<16xi32>], vector<16xf32>,
      %add3A_337 = arith.addf %gather3A_332, %gather3A_336 : vector<16xf32>
      %ge3A_338 = arith.constant 0.000000e+00 : f32
      %ge3A_339 = vector.broadcast %ge3A_338 : f32 to vector<16xf32>
      %ge3A_340 = arith.cmpf oge, %add3A_337, %ge3A_339 : vector<16xf32>
      %mul3A_341 = arith.constant 2.000000e-01 : f32
      %mul3A_342 = vector.broadcast %mul3A_341 : f32 to vector<16xf32>
      %mul3A_343 = arith.mulf %mul3A_342, %add3A_337 : vector<16xf32>
      %select_n3A_344 = arith.select %ge3A_340, %add3A_337, %mul3A_343 : vector<16xi1>, vector<16xf32>
      %exp3A_345 = math.exp %select_n3A_344 : vector<16xf32>
      %broadcast_in_dim3A_346 = arith.constant 0 : i32
      %broadcast_in_dim3A_347 = vector.broadcast %broadcast_in_dim3A_346 : i32 to vector<16xi32>
      tpu.vector_store_idx %arg15[%add3A_328, %broadcast_in_dim3A_347], %exp3A_345 : memref<80x8xf32, #tpu.memory_space<vmem>>[vector<16xi32>, vector<16xi32>], vector<16xf32>,
      %add3A_348 = arith.constant 1 : i32
      %add3A_349 = vector.broadcast %add3A_348 : i32 to vector<16xi32>
      %add3A_350 = arith.addi %mul3A_319, %add3A_349 : vector<16xi32>
      %gather3A_351 = tpu.vector_load_idx %arg10[%add3A_350] : memref<80000xf32, #tpu.memory_space<vmem>>[vector<16xi32>], vector<16xf32>,
      %add3A_352 = arith.constant 5 : i32
      %add3A_353 = vector.broadcast %add3A_352 : i32 to vector<16xi32>
      %add3A_354 = arith.addi %mul3A_324, %add3A_353 : vector<16xi32>
      %gather3A_355 = tpu.vector_load_idx %arg10[%add3A_354] : memref<80000xf32, #tpu.memory_space<vmem>>[vector<16xi32>], vector<16xf32>,
      %add3A_356 = arith.addf %gather3A_351, %gather3A_355 : vector<16xf32>
      %ge3A_357 = arith.constant 0.000000e+00 : f32
      %ge3A_358 = vector.broadcast %ge3A_357 : f32 to vector<16xf32>
      %ge3A_359 = arith.cmpf oge, %add3A_356, %ge3A_358 : vector<16xf32>
      %mul3A_360 = arith.constant 2.000000e-01 : f32
      %mul3A_361 = vector.broadcast %mul3A_360 : f32 to vector<16xf32>
      %mul3A_362 = arith.mulf %mul3A_361, %add3A_356 : vector<16xf32>
      %select_n3A_363 = arith.select %ge3A_359, %add3A_356, %mul3A_362 : vector<16xi1>, vector<16xf32>
      %exp3A_364 = math.exp %select_n3A_363 : vector<16xf32>
      %broadcast_in_dim3A_365 = arith.constant 1 : i32
      %broadcast_in_dim3A_366 = vector.broadcast %broadcast_in_dim3A_365 : i32 to vector<16xi32>
      tpu.vector_store_idx %arg15[%add3A_328, %broadcast_in_dim3A_366], %exp3A_364 : memref<80x8xf32, #tpu.memory_space<vmem>>[vector<16xi32>, vector<16xi32>], vector<16xf32>,
      %add3A_367 = arith.constant 2 : i32
      %add3A_368 = vector.broadcast %add3A_367 : i32 to vector<16xi32>
      %add3A_369 = arith.addi %mul3A_319, %add3A_368 : vector<16xi32>
      %gather3A_370 = tpu.vector_load_idx %arg10[%add3A_369] : memref<80000xf32, #tpu.memory_space<vmem>>[vector<16xi32>], vector<16xf32>,
      %add3A_371 = arith.constant 6 : i32
      %add3A_372 = vector.broadcast %add3A_371 : i32 to vector<16xi32>
      %add3A_373 = arith.addi %mul3A_324, %add3A_372 : vector<16xi32>
      %gather3A_374 = tpu.vector_load_idx %arg10[%add3A_373] : memref<80000xf32, #tpu.memory_space<vmem>>[vector<16xi32>], vector<16xf32>,
      %add3A_375 = arith.addf %gather3A_370, %gather3A_374 : vector<16xf32>
      %ge3A_376 = arith.constant 0.000000e+00 : f32
      %ge3A_377 = vector.broadcast %ge3A_376 : f32 to vector<16xf32>
      %ge3A_378 = arith.cmpf oge, %add3A_375, %ge3A_377 : vector<16xf32>
      %mul3A_379 = arith.constant 2.000000e-01 : f32
      %mul3A_380 = vector.broadcast %mul3A_379 : f32 to vector<16xf32>
      %mul3A_381 = arith.mulf %mul3A_380, %add3A_375 : vector<16xf32>
      %select_n3A_382 = arith.select %ge3A_378, %add3A_375, %mul3A_381 : vector<16xi1>, vector<16xf32>
      %exp3A_383 = math.exp %select_n3A_382 : vector<16xf32>
      %broadcast_in_dim3A_384 = arith.constant 2 : i32
      %broadcast_in_dim3A_385 = vector.broadcast %broadcast_in_dim3A_384 : i32 to vector<16xi32>
      tpu.vector_store_idx %arg15[%add3A_328, %broadcast_in_dim3A_385], %exp3A_383 : memref<80x8xf32, #tpu.memory_space<vmem>>[vector<16xi32>, vector<16xi32>], vector<16xf32>,
      %add3A_386 = arith.constant 3 : i32
      %add3A_387 = vector.broadcast %add3A_386 : i32 to vector<16xi32>
      %add3A_388 = arith.addi %mul3A_319, %add3A_387 : vector<16xi32>
      %gather3A_389 = tpu.vector_load_idx %arg10[%add3A_388] : memref<80000xf32, #tpu.memory_space<vmem>>[vector<16xi32>], vector<16xf32>,
      %add3A_390 = arith.constant 7 : i32
      %add3A_391 = vector.broadcast %add3A_390 : i32 to vector<16xi32>
      %add3A_392 = arith.addi %mul3A_324, %add3A_391 : vector<16xi32>
      %gather3A_393 = tpu.vector_load_idx %arg10[%add3A_392] : memref<80000xf32, #tpu.memory_space<vmem>>[vector<16xi32>], vector<16xf32>,
      %add3A_394 = arith.addf %gather3A_389, %gather3A_393 : vector<16xf32>
      %ge3A_395 = arith.constant 0.000000e+00 : f32
      %ge3A_396 = vector.broadcast %ge3A_395 : f32 to vector<16xf32>
      %ge3A_397 = arith.cmpf oge, %add3A_394, %ge3A_396 : vector<16xf32>
      %mul3A_398 = arith.constant 2.000000e-01 : f32
      %mul3A_399 = vector.broadcast %mul3A_398 : f32 to vector<16xf32>
      %mul3A_400 = arith.mulf %mul3A_399, %add3A_394 : vector<16xf32>
      %select_n3A_401 = arith.select %ge3A_397, %add3A_394, %mul3A_400 : vector<16xi1>, vector<16xf32>
      %exp3A_402 = math.exp %select_n3A_401 : vector<16xf32>
      %broadcast_in_dim3A_403 = arith.constant 3 : i32
      %broadcast_in_dim3A_404 = vector.broadcast %broadcast_in_dim3A_403 : i32 to vector<16xi32>
      tpu.vector_store_idx %arg15[%add3A_328, %broadcast_in_dim3A_404], %exp3A_402 : memref<80x8xf32, #tpu.memory_space<vmem>>[vector<16xi32>, vector<16xi32>], vector<16xf32>,
      %get3A_405 = arith.constant 64 : index
      %get3A_406 = tpu.vector_load %arg11[%get3A_405] {strides = array<i32>} : memref<80xi32, #tpu.memory_space<vmem>>, vector<16xi32>,
      %mul3A_407 = arith.constant 8 : i32
      %mul3A_408 = vector.broadcast %mul3A_407 : i32 to vector<16xi32>
      %mul3A_409 = arith.muli %get3A_406, %mul3A_408 : vector<16xi32>
      %get3A_410 = arith.constant 64 : index
      %get3A_411 = tpu.vector_load %arg13[%get3A_410] {strides = array<i32>} : memref<80xi32, #tpu.memory_space<vmem>>, vector<16xi32>,
      %mul3A_412 = arith.constant 8 : i32
      %mul3A_413 = vector.broadcast %mul3A_412 : i32 to vector<16xi32>
      %mul3A_414 = arith.muli %get3A_411, %mul3A_413 : vector<16xi32>
      %iota3A_415 = tpu.iota {dimensions = array<i32: 0>} : vector<16xi32>
      %add3A_416 = arith.constant 64 : i32
      %add3A_417 = vector.broadcast %add3A_416 : i32 to vector<16xi32>
      %add3A_418 = arith.addi %iota3A_415, %add3A_417 : vector<16xi32>
      %add3A_419 = arith.constant 0 : i32
      %add3A_420 = vector.broadcast %add3A_419 : i32 to vector<16xi32>
      %add3A_421 = arith.addi %mul3A_409, %add3A_420 : vector<16xi32>
      %gather3A_422 = tpu.vector_load_idx %arg10[%add3A_421] : memref<80000xf32, #tpu.memory_space<vmem>>[vector<16xi32>], vector<16xf32>,
      %add3A_423 = arith.constant 4 : i32
      %add3A_424 = vector.broadcast %add3A_423 : i32 to vector<16xi32>
      %add3A_425 = arith.addi %mul3A_414, %add3A_424 : vector<16xi32>
      %gather3A_426 = tpu.vector_load_idx %arg10[%add3A_425] : memref<80000xf32, #tpu.memory_space<vmem>>[vector<16xi32>], vector<16xf32>,
      %add3A_427 = arith.addf %gather3A_422, %gather3A_426 : vector<16xf32>
      %ge3A_428 = arith.constant 0.000000e+00 : f32
      %ge3A_429 = vector.broadcast %ge3A_428 : f32 to vector<16xf32>
      %ge3A_430 = arith.cmpf oge, %add3A_427, %ge3A_429 : vector<16xf32>
      %mul3A_431 = arith.constant 2.000000e-01 : f32
      %mul3A_432 = vector.broadcast %mul3A_431 : f32 to vector<16xf32>
      %mul3A_433 = arith.mulf %mul3A_432, %add3A_427 : vector<16xf32>
      %select_n3A_434 = arith.select %ge3A_430, %add3A_427, %mul3A_433 : vector<16xi1>, vector<16xf32>
      %exp3A_435 = math.exp %select_n3A_434 : vector<16xf32>
      %broadcast_in_dim3A_436 = arith.constant 0 : i32
      %broadcast_in_dim3A_437 = vector.broadcast %broadcast_in_dim3A_436 : i32 to vector<16xi32>
      tpu.vector_store_idx %arg15[%add3A_418, %broadcast_in_dim3A_437], %exp3A_435 : memref<80x8xf32, #tpu.memory_space<vmem>>[vector<16xi32>, vector<16xi32>], vector<16xf32>,
      %add3A_438 = arith.constant 1 : i32
      %add3A_439 = vector.broadcast %add3A_438 : i32 to vector<16xi32>
      %add3A_440 = arith.addi %mul3A_409, %add3A_439 : vector<16xi32>
      %gather3A_441 = tpu.vector_load_idx %arg10[%add3A_440] : memref<80000xf32, #tpu.memory_space<vmem>>[vector<16xi32>], vector<16xf32>,
      %add3A_442 = arith.constant 5 : i32
      %add3A_443 = vector.broadcast %add3A_442 : i32 to vector<16xi32>
      %add3A_444 = arith.addi %mul3A_414, %add3A_443 : vector<16xi32>
      %gather3A_445 = tpu.vector_load_idx %arg10[%add3A_444] : memref<80000xf32, #tpu.memory_space<vmem>>[vector<16xi32>], vector<16xf32>,
      %add3A_446 = arith.addf %gather3A_441, %gather3A_445 : vector<16xf32>
      %ge3A_447 = arith.constant 0.000000e+00 : f32
      %ge3A_448 = vector.broadcast %ge3A_447 : f32 to vector<16xf32>
      %ge3A_449 = arith.cmpf oge, %add3A_446, %ge3A_448 : vector<16xf32>
      %mul3A_450 = arith.constant 2.000000e-01 : f32
      %mul3A_451 = vector.broadcast %mul3A_450 : f32 to vector<16xf32>
      %mul3A_452 = arith.mulf %mul3A_451, %add3A_446 : vector<16xf32>
      %select_n3A_453 = arith.select %ge3A_449, %add3A_446, %mul3A_452 : vector<16xi1>, vector<16xf32>
      %exp3A_454 = math.exp %select_n3A_453 : vector<16xf32>
      %broadcast_in_dim3A_455 = arith.constant 1 : i32
      %broadcast_in_dim3A_456 = vector.broadcast %broadcast_in_dim3A_455 : i32 to vector<16xi32>
      tpu.vector_store_idx %arg15[%add3A_418, %broadcast_in_dim3A_456], %exp3A_454 : memref<80x8xf32, #tpu.memory_space<vmem>>[vector<16xi32>, vector<16xi32>], vector<16xf32>,
      %add3A_457 = arith.constant 2 : i32
      %add3A_458 = vector.broadcast %add3A_457 : i32 to vector<16xi32>
      %add3A_459 = arith.addi %mul3A_409, %add3A_458 : vector<16xi32>
      %gather3A_460 = tpu.vector_load_idx %arg10[%add3A_459] : memref<80000xf32, #tpu.memory_space<vmem>>[vector<16xi32>], vector<16xf32>,
      %add3A_461 = arith.constant 6 : i32
      %add3A_462 = vector.broadcast %add3A_461 : i32 to vector<16xi32>
      %add3A_463 = arith.addi %mul3A_414, %add3A_462 : vector<16xi32>
      %gather3A_464 = tpu.vector_load_idx %arg10[%add3A_463] : memref<80000xf32, #tpu.memory_space<vmem>>[vector<16xi32>], vector<16xf32>,
      %add3A_465 = arith.addf %gather3A_460, %gather3A_464 : vector<16xf32>
      %ge3A_466 = arith.constant 0.000000e+00 : f32
      %ge3A_467 = vector.broadcast %ge3A_466 : f32 to vector<16xf32>
      %ge3A_468 = arith.cmpf oge, %add3A_465, %ge3A_467 : vector<16xf32>
      %mul3A_469 = arith.constant 2.000000e-01 : f32
      %mul3A_470 = vector.broadcast %mul3A_469 : f32 to vector<16xf32>
      %mul3A_471 = arith.mulf %mul3A_470, %add3A_465 : vector<16xf32>
      %select_n3A_472 = arith.select %ge3A_468, %add3A_465, %mul3A_471 : vector<16xi1>, vector<16xf32>
      %exp3A_473 = math.exp %select_n3A_472 : vector<16xf32>
      %broadcast_in_dim3A_474 = arith.constant 2 : i32
      %broadcast_in_dim3A_475 = vector.broadcast %broadcast_in_dim3A_474 : i32 to vector<16xi32>
      tpu.vector_store_idx %arg15[%add3A_418, %broadcast_in_dim3A_475], %exp3A_473 : memref<80x8xf32, #tpu.memory_space<vmem>>[vector<16xi32>, vector<16xi32>], vector<16xf32>,
      %add3A_476 = arith.constant 3 : i32
      %add3A_477 = vector.broadcast %add3A_476 : i32 to vector<16xi32>
      %add3A_478 = arith.addi %mul3A_409, %add3A_477 : vector<16xi32>
      %gather3A_479 = tpu.vector_load_idx %arg10[%add3A_478] : memref<80000xf32, #tpu.memory_space<vmem>>[vector<16xi32>], vector<16xf32>,
      %add3A_480 = arith.constant 7 : i32
      %add3A_481 = vector.broadcast %add3A_480 : i32 to vector<16xi32>
      %add3A_482 = arith.addi %mul3A_414, %add3A_481 : vector<16xi32>
      %gather3A_483 = tpu.vector_load_idx %arg10[%add3A_482] : memref<80000xf32, #tpu.memory_space<vmem>>[vector<16xi32>], vector<16xf32>,
      %add3A_484 = arith.addf %gather3A_479, %gather3A_483 : vector<16xf32>
      %ge3A_485 = arith.constant 0.000000e+00 : f32
      %ge3A_486 = vector.broadcast %ge3A_485 : f32 to vector<16xf32>
      %ge3A_487 = arith.cmpf oge, %add3A_484, %ge3A_486 : vector<16xf32>
      %mul3A_488 = arith.constant 2.000000e-01 : f32
      %mul3A_489 = vector.broadcast %mul3A_488 : f32 to vector<16xf32>
      %mul3A_490 = arith.mulf %mul3A_489, %add3A_484 : vector<16xf32>
      %select_n3A_491 = arith.select %ge3A_487, %add3A_484, %mul3A_490 : vector<16xi1>, vector<16xf32>
      %exp3A_492 = math.exp %select_n3A_491 : vector<16xf32>
      %broadcast_in_dim3A_493 = arith.constant 3 : i32
      %broadcast_in_dim3A_494 = vector.broadcast %broadcast_in_dim3A_493 : i32 to vector<16xi32>
      tpu.vector_store_idx %arg15[%add3A_418, %broadcast_in_dim3A_494], %exp3A_492 : memref<80x8xf32, #tpu.memory_space<vmem>>[vector<16xi32>, vector<16xi32>], vector<16xf32>,
      %scan3A_495 = arith.constant 0 : i32
      %scan3A_496 = arith.constant 0 : i32
      %scan3A_497 = arith.constant 80 : i32
      %scan3A_498 = arith.addi %scan3A_496, %scan3A_497 : i32
      %scan3A_499 = arith.constant 1 : i32
      scf.for %scan3A_501 = %scan3A_496 to %scan3A_498 step %scan3A_499  : i32 {
        %broadcast_in_dim3A_502 = vector.broadcast %scan3A_501 : i32 to vector<16xi32>
        %gather3A_503 = tpu.vector_load_idx %arg15[%broadcast_in_dim3A_502, %broadcast_in_dim3A] : memref<80x8xf32, #tpu.memory_space<vmem>>[vector<16xi32>, vector<16xi32>], vector<16xf32>,
        %gather3A_504 = tpu.vector_load_idx %arg15[%broadcast_in_dim3A_502, %add3A_6] : memref<80x8xf32, #tpu.memory_space<vmem>>[vector<16xi32>, vector<16xi32>], vector<16xf32>,
        %get3A_505 = arith.index_cast %scan3A_501 : i32 to index
        %get3A_506 = arith.constant 0 : index
        %get3A_507 = tpu.vector_load %arg14[%get3A_505, %get3A_506] {strides = array<i32>} : memref<80x64xf32, #tpu.memory_space<vmem>>, vector<16xf32>,
        %mul3A_508 = arith.mulf %get3A_507, %gather3A_503 : vector<16xf32>
        %swap3A_509 = arith.index_cast %scan3A_501 : i32 to index
        %swap3A_510 = arith.constant 0 : index
        %swap3A_511 = tpu.vector_load %arg14[%swap3A_509, %swap3A_510] {strides = array<i32>} : memref<80x64xf32, #tpu.memory_space<vmem>>, vector<16xf32>,
        tpu.vector_store %arg14[%swap3A_509, %swap3A_510], %mul3A_508 {strides = array<i32>} : memref<80x64xf32, #tpu.memory_space<vmem>>, vector<16xf32>,
        %get3A_512 = arith.index_cast %scan3A_501 : i32 to index
        %get3A_513 = arith.constant 32 : index
        %get3A_514 = tpu.vector_load %arg14[%get3A_512, %get3A_513] {strides = array<i32>} : memref<80x64xf32, #tpu.memory_space<vmem>>, vector<16xf32>,
        %mul3A_515 = arith.mulf %get3A_514, %gather3A_504 : vector<16xf32>
        %swap3A_516 = arith.index_cast %scan3A_501 : i32 to index
        %swap3A_517 = arith.constant 32 : index
        %swap3A_518 = tpu.vector_load %arg14[%swap3A_516, %swap3A_517] {strides = array<i32>} : memref<80x64xf32, #tpu.memory_space<vmem>>, vector<16xf32>,
        tpu.vector_store %arg14[%swap3A_516, %swap3A_517], %mul3A_515 {strides = array<i32>} : memref<80x64xf32, #tpu.memory_space<vmem>>, vector<16xf32>,
        %get3A_519 = arith.index_cast %scan3A_501 : i32 to index
        %get3A_520 = arith.constant 16 : index
        %get3A_521 = tpu.vector_load %arg14[%get3A_519, %get3A_520] {strides = array<i32>} : memref<80x64xf32, #tpu.memory_space<vmem>>, vector<16xf32>,
        %mul3A_522 = arith.mulf %get3A_521, %gather3A_503 : vector<16xf32>
        %swap3A_523 = arith.index_cast %scan3A_501 : i32 to index
        %swap3A_524 = arith.constant 16 : index
        %swap3A_525 = tpu.vector_load %arg14[%swap3A_523, %swap3A_524] {strides = array<i32>} : memref<80x64xf32, #tpu.memory_space<vmem>>, vector<16xf32>,
        tpu.vector_store %arg14[%swap3A_523, %swap3A_524], %mul3A_522 {strides = array<i32>} : memref<80x64xf32, #tpu.memory_space<vmem>>, vector<16xf32>,
        %get3A_526 = arith.index_cast %scan3A_501 : i32 to index
        %get3A_527 = arith.constant 48 : index
        %get3A_528 = tpu.vector_load %arg14[%get3A_526, %get3A_527] {strides = array<i32>} : memref<80x64xf32, #tpu.memory_space<vmem>>, vector<16xf32>,
        %mul3A_529 = arith.mulf %get3A_528, %gather3A_504 : vector<16xf32>
        %swap3A_530 = arith.index_cast %scan3A_501 : i32 to index
        %swap3A_531 = arith.constant 48 : index
        %swap3A_532 = tpu.vector_load %arg14[%swap3A_530, %swap3A_531] {strides = array<i32>} : memref<80x64xf32, #tpu.memory_space<vmem>>, vector<16xf32>,
        tpu.vector_store %arg14[%swap3A_530, %swap3A_531], %mul3A_529 {strides = array<i32>} : memref<80x64xf32, #tpu.memory_space<vmem>>, vector<16xf32>,
      }
      %scan3A_500 = arith.constant 80 : i32
      "tpu.region"() ({
        %run_scoped3A = tpu.sem_alloc : memref<!tpu.dma_semaphore, #tpu.memory_space<semaphore_mem>>
        %dma_start3A_501 = arith.constant 0 : i32
        %dma_start3A_502 = arith.constant 0 : i32
        %dma_start3A_503 = tpu.memref_slice %arg17[%dma_start3A_501, %dma_start3A_502] : memref<10000x64xf32, #tpu.memory_space<vmem_shared>> -> memref<10000x64xf32, #tpu.memory_space<vmem_shared>>
        tpu.enqueue_indirect_dma source(%arg14 : memref<80x64xf32, #tpu.memory_space<vmem>>) target(%dma_start3A_503 : memref<10000x64xf32, #tpu.memory_space<vmem_shared>>) offsets(%arg13 : memref<80xi32, #tpu.memory_space<vmem>>) semaphore(%run_scoped3A : memref<!tpu.dma_semaphore, #tpu.memory_space<semaphore_mem>>) {add = true}
        %dma_wait3A_504 = arith.constant 0 : i32
        %dma_wait3A_505 = arith.constant 0 : i32
        %dma_wait3A_506 = tpu.memref_slice %arg17[%dma_wait3A_504, %dma_wait3A_505] : memref<10000x64xf32, #tpu.memory_space<vmem_shared>> -> memref<10000x64xf32, #tpu.memory_space<vmem_shared>>
        tpu.wait_indirect_dma semaphore(%run_scoped3A : memref<!tpu.dma_semaphore, #tpu.memory_space<semaphore_mem>>) src(%arg14 : memref<80x64xf32, #tpu.memory_space<vmem>>) dst(%dma_wait3A_506 : memref<10000x64xf32, #tpu.memory_space<vmem_shared>>)
        tpu.yield
      }) : () -> ()
      "tpu.region"() ({
        %run_scoped3A = tpu.sem_alloc : memref<!tpu.dma_semaphore, #tpu.memory_space<semaphore_mem>>
        %dma_start3A_501 = arith.constant 0 : i32
        %dma_start3A_502 = arith.constant 0 : i32
        %dma_start3A_503 = tpu.memref_slice %arg18[%dma_start3A_501, %dma_start3A_502] : memref<10000x8xf32, #tpu.memory_space<vmem_shared>> -> memref<10000x8xf32, #tpu.memory_space<vmem_shared>>
        tpu.enqueue_indirect_dma source(%arg15 : memref<80x8xf32, #tpu.memory_space<vmem>>) target(%dma_start3A_503 : memref<10000x8xf32, #tpu.memory_space<vmem_shared>>) offsets(%arg13 : memref<80xi32, #tpu.memory_space<vmem>>) semaphore(%run_scoped3A : memref<!tpu.dma_semaphore, #tpu.memory_space<semaphore_mem>>) {add = true}
        %dma_wait3A_504 = arith.constant 0 : i32
        %dma_wait3A_505 = arith.constant 0 : i32
        %dma_wait3A_506 = tpu.memref_slice %arg18[%dma_wait3A_504, %dma_wait3A_505] : memref<10000x8xf32, #tpu.memory_space<vmem_shared>> -> memref<10000x8xf32, #tpu.memory_space<vmem_shared>>
        tpu.wait_indirect_dma semaphore(%run_scoped3A : memref<!tpu.dma_semaphore, #tpu.memory_space<semaphore_mem>>) src(%arg15 : memref<80x8xf32, #tpu.memory_space<vmem>>) dst(%dma_wait3A_506 : memref<10000x8xf32, #tpu.memory_space<vmem_shared>>)
        tpu.yield
      }) : () -> ()
    }
    %scan3A_14 = arith.constant 250 : i32
    %barrier3A_15 = arith.constant 0 : index
    tpu.barrier barrier_id(%barrier3A_15)
    %mul3A_16 = arith.constant 10000 : i32
    %mul3A_17 = arith.muli %arg0, %mul3A_16 : i32
    %add3A_18 = arith.addi %mul3A_17, %mul3A_0 : i32
    "tpu.region"() ({
      %run_scoped3A = tpu.sem_alloc : memref<!tpu.dma_semaphore, #tpu.memory_space<semaphore_mem>>
      %dma_start3A = arith.constant 0 : i32
      %dma_start3A_19 = tpu.memref_slice %arg8[%add3A_18, %dma_start3A] : memref<20000x64xf32, #tpu.memory_space<hbm>> -> memref<625x64xf32, #tpu.memory_space<hbm>>
      %dma_start3A_20 = arith.constant 0 : i32
      %dma_start3A_21 = tpu.memref_slice %arg17[%mul3A_0, %dma_start3A_20] : memref<10000x64xf32, #tpu.memory_space<vmem_shared>> -> memref<625x64xf32, #tpu.memory_space<vmem_shared>>
      tpu.enqueue_dma source(%dma_start3A_21 : memref<625x64xf32, #tpu.memory_space<vmem_shared>>) target(%dma_start3A_19 : memref<625x64xf32, #tpu.memory_space<hbm>>) target_semaphore(%run_scoped3A : memref<!tpu.dma_semaphore, #tpu.memory_space<semaphore_mem>>)
      %dma_wait3A = arith.constant 0 : i32
      %dma_wait3A_22 = tpu.memref_slice %arg8[%add3A_18, %dma_wait3A] : memref<20000x64xf32, #tpu.memory_space<hbm>> -> memref<625x64xf32, #tpu.memory_space<hbm>>
      %dma_wait3A_23 = arith.constant 0 : i32
      %dma_wait3A_24 = tpu.memref_slice %arg17[%mul3A_0, %dma_wait3A_23] : memref<10000x64xf32, #tpu.memory_space<vmem_shared>> -> memref<625x64xf32, #tpu.memory_space<vmem_shared>>
      tpu.wait_dma2 semaphore(%run_scoped3A : memref<!tpu.dma_semaphore, #tpu.memory_space<semaphore_mem>>) src(%dma_wait3A_24 : memref<625x64xf32, #tpu.memory_space<vmem_shared>>) dst(%dma_wait3A_22 : memref<625x64xf32, #tpu.memory_space<hbm>>)
      tpu.yield
    }) : () -> ()
    "tpu.region"() ({
      %run_scoped3A = tpu.sem_alloc : memref<!tpu.dma_semaphore, #tpu.memory_space<semaphore_mem>>
      %dma_start3A = arith.constant 0 : i32
      %dma_start3A_19 = tpu.memref_slice %arg9[%add3A_18, %dma_start3A] : memref<20000x8xf32, #tpu.memory_space<hbm>> -> memref<625x8xf32, #tpu.memory_space<hbm>>
      %dma_start3A_20 = arith.constant 0 : i32
      %dma_start3A_21 = tpu.memref_slice %arg18[%mul3A_0, %dma_start3A_20] : memref<10000x8xf32, #tpu.memory_space<vmem_shared>> -> memref<625x8xf32, #tpu.memory_space<vmem_shared>>
      tpu.enqueue_dma source(%dma_start3A_21 : memref<625x8xf32, #tpu.memory_space<vmem_shared>>) target(%dma_start3A_19 : memref<625x8xf32, #tpu.memory_space<hbm>>) target_semaphore(%run_scoped3A : memref<!tpu.dma_semaphore, #tpu.memory_space<semaphore_mem>>)
      %dma_wait3A = arith.constant 0 : i32
      %dma_wait3A_22 = tpu.memref_slice %arg9[%add3A_18, %dma_wait3A] : memref<20000x8xf32, #tpu.memory_space<hbm>> -> memref<625x8xf32, #tpu.memory_space<hbm>>
      %dma_wait3A_23 = arith.constant 0 : i32
      %dma_wait3A_24 = tpu.memref_slice %arg18[%mul3A_0, %dma_wait3A_23] : memref<10000x8xf32, #tpu.memory_space<vmem_shared>> -> memref<625x8xf32, #tpu.memory_space<vmem_shared>>
      tpu.wait_dma2 semaphore(%run_scoped3A : memref<!tpu.dma_semaphore, #tpu.memory_space<semaphore_mem>>) src(%dma_wait3A_24 : memref<625x8xf32, #tpu.memory_space<vmem_shared>>) dst(%dma_wait3A_22 : memref<625x8xf32, #tpu.memory_space<hbm>>)
      tpu.yield
    }) : () -> ()
    return
  }
}

module attributes {stable_mosaic.version = 14 : i64} {
  func.func @_tc_prep_body(%arg0: i32, %arg1: memref<2000x128xf32, #tpu.memory_space<vmem>>, %arg2: memref<128x128xf32, #tpu.memory_space<vmem>>, %arg3: memref<128x8xf32, #tpu.memory_space<vmem>>, %arg4: memref<2x2000x64xf32, #tpu.memory_space<vmem>>, %arg5: memref<2000x8xf32, #tpu.memory_space<vmem>>) attributes {dimension_semantics = [#tpu.dimension_semantics<arbitrary>], iteration_bounds = array<i64: 5>, scalar_prefetch = 0 : i64, scratch_operands = 0 : i64, tpu.core_type = #tpu.core_type<tc>, window_params = [{transform_indices = @transform_0, window_bounds = array<i64: 2000, 128>}, {pipeline_mode = #tpu.pipeline_mode<synchronous>, transform_indices = @transform_1, window_bounds = array<i64: 128, 128>}, {pipeline_mode = #tpu.pipeline_mode<synchronous>, transform_indices = @transform_2, window_bounds = array<i64: 128, 8>}, {transform_indices = @transform_3, window_bounds = array<i64: 2, 2000, 64>}, {transform_indices = @transform_4, window_bounds = array<i64: 2000, 8>}]} {
    %get3A = arith.constant 0 : index
    %get3A_0 = arith.constant 0 : index
    %get3A_1 = vector.load %arg1[%get3A, %get3A_0] : memref<2000x128xf32, #tpu.memory_space<vmem>>, vector<2000x128xf32>
    %get3A_2 = arith.constant 0 : index
    %get3A_3 = arith.constant 0 : index
    %get3A_4 = vector.load %arg2[%get3A_2, %get3A_3] : memref<128x128xf32, #tpu.memory_space<vmem>>, vector<128x128xf32>
    %dot_general3A = arith.constant dense<0.000000e+00> : vector<2000x128xf32>
    %dot_general3A_5 = tpu.matmul %get3A_1, %get3A_4, %dot_general3A {dimension_numbers = #tpu.dot_dimension_numbers<[1], [0], [0], [1], [0, 0, 1, 1], [], []>, transpose_lhs_hint = false} : vector<2000x128xf32>, vector<128x128xf32>, vector<2000x128xf32> -> vector<2000x128xf32>
    %slice3A = vector.extract_strided_slice %dot_general3A_5 {offsets = [0, 0], sizes = [2000, 64], strides = [1, 1]} : vector<2000x128xf32> to vector<2000x64xf32>
    %swap3A = arith.constant 0 : index
    %swap3A_6 = arith.constant 0 : index
    %swap3A_7 = arith.constant 0 : index
    %swap3A_8 = vector.load %arg4[%swap3A, %swap3A_6, %swap3A_7] : memref<2x2000x64xf32, #tpu.memory_space<vmem>>, vector<1x2000x64xf32>
    %swap3A_9 = vector.shape_cast %swap3A_8 : vector<1x2000x64xf32> to vector<2000x64xf32>
    %swap3A_10 = vector.shape_cast %slice3A : vector<2000x64xf32> to vector<1x2000x64xf32>
    tpu.vector_store %arg4[%swap3A, %swap3A_6, %swap3A_7], %swap3A_10 {strides = array<i32>} : memref<2x2000x64xf32, #tpu.memory_space<vmem>>, vector<1x2000x64xf32>,
    %slice3A_11 = vector.extract_strided_slice %dot_general3A_5 {offsets = [0, 64], sizes = [2000, 64], strides = [1, 1]} : vector<2000x128xf32> to vector<2000x64xf32>
    %swap3A_12 = arith.constant 1 : index
    %swap3A_13 = arith.constant 0 : index
    %swap3A_14 = arith.constant 0 : index
    %swap3A_15 = vector.load %arg4[%swap3A_12, %swap3A_13, %swap3A_14] : memref<2x2000x64xf32, #tpu.memory_space<vmem>>, vector<1x2000x64xf32>
    %swap3A_16 = vector.shape_cast %swap3A_15 : vector<1x2000x64xf32> to vector<2000x64xf32>
    %swap3A_17 = vector.shape_cast %slice3A_11 : vector<2000x64xf32> to vector<1x2000x64xf32>
    tpu.vector_store %arg4[%swap3A_12, %swap3A_13, %swap3A_14], %swap3A_17 {strides = array<i32>} : memref<2x2000x64xf32, #tpu.memory_space<vmem>>, vector<1x2000x64xf32>,
    %get3A_18 = arith.constant 0 : index
    %get3A_19 = arith.constant 0 : index
    %get3A_20 = vector.load %arg3[%get3A_18, %get3A_19] : memref<128x8xf32, #tpu.memory_space<vmem>>, vector<128x8xf32>
    %dot_general3A_21 = arith.constant dense<0.000000e+00> : vector<2000x8xf32>
    %dot_general3A_22 = tpu.matmul %dot_general3A_5, %get3A_20, %dot_general3A_21 {dimension_numbers = #tpu.dot_dimension_numbers<[1], [0], [0], [1], [0, 0, 1, 1], [], []>, transpose_lhs_hint = false} : vector<2000x128xf32>, vector<128x8xf32>, vector<2000x8xf32> -> vector<2000x8xf32>
    %swap3A_23 = arith.constant 0 : index
    %swap3A_24 = arith.constant 0 : index
    %swap3A_25 = vector.load %arg5[%swap3A_23, %swap3A_24] : memref<2000x8xf32, #tpu.memory_space<vmem>>, vector<2000x8xf32>
    tpu.vector_store %arg5[%swap3A_23, %swap3A_24], %dot_general3A_22 {strides = array<i32>} : memref<2000x8xf32, #tpu.memory_space<vmem>>, vector<2000x8xf32>,
    return
  }
  func.func @transform_0(%arg0: i32) -> (i32, i32) {
    %c0_i32 = arith.constant 0 : i32
    %c0_i32_0 = arith.constant 0 : i32
    return %arg0, %c0_i32 : i32, i32
  }
  func.func @transform_1(%arg0: i32) -> (i32, i32) {
    %c0_i32 = arith.constant 0 : i32
    %c0_i32_0 = arith.constant 0 : i32
    %c0_i32_1 = arith.constant 0 : i32
    return %c0_i32, %c0_i32_0 : i32, i32
  }
  func.func @transform_2(%arg0: i32) -> (i32, i32) {
    %c0_i32 = arith.constant 0 : i32
    %c0_i32_0 = arith.constant 0 : i32
    %c0_i32_1 = arith.constant 0 : i32
    return %c0_i32, %c0_i32_0 : i32, i32
  }
  func.func @transform_3(%arg0: i32) -> (i32, i32, i32) {
    %c0_i32 = arith.constant 0 : i32
    %c0_i32_0 = arith.constant 0 : i32
    %c0_i32_1 = arith.constant 0 : i32
    return %c0_i32, %arg0, %c0_i32_0 : i32, i32, i32
  }
  func.func @transform_4(%arg0: i32) -> (i32, i32) {
    %c0_i32 = arith.constant 0 : i32
    %c0_i32_0 = arith.constant 0 : i32
    return %arg0, %c0_i32 : i32, i32
  }
}

module attributes {stable_mosaic.version = 14 : i64} {
  func.func @_tc_comb_body(%arg0: i32, %arg1: memref<2x2000x64xf32, #tpu.memory_space<vmem>>, %arg2: memref<2x2000x8xf32, #tpu.memory_space<vmem>>, %arg3: memref<1x128xf32, #tpu.memory_space<vmem>>, %arg4: memref<2000x128xf32, #tpu.memory_space<vmem>>, %arg5: memref<128x128xf32, #tpu.memory_space<vmem>>, %arg6: memref<128x8xf32, #tpu.memory_space<vmem>>, %arg7: memref<2x2000x64xf32, #tpu.memory_space<vmem>>, %arg8: memref<2000x8xf32, #tpu.memory_space<vmem>>) attributes {dimension_semantics = [#tpu.dimension_semantics<arbitrary>], iteration_bounds = array<i64: 5>, scalar_prefetch = 0 : i64, scratch_operands = 0 : i64, tpu.core_type = #tpu.core_type<tc>, window_params = [{transform_indices = @transform_0, window_bounds = array<i64: 2, 2000, 64>}, {transform_indices = @transform_1, window_bounds = array<i64: 2, 2000, 8>}, {pipeline_mode = #tpu.pipeline_mode<synchronous>, transform_indices = @transform_2, window_bounds = array<i64: 1, 128>}, {transform_indices = @transform_3, window_bounds = array<i64: 2000, 128>}, {pipeline_mode = #tpu.pipeline_mode<synchronous>, transform_indices = @transform_4, window_bounds = array<i64: 128, 128>}, {pipeline_mode = #tpu.pipeline_mode<synchronous>, transform_indices = @transform_5, window_bounds = array<i64: 128, 8>}, {transform_indices = @transform_6, window_bounds = array<i64: 2, 2000, 64>}, {transform_indices = @transform_7, window_bounds = array<i64: 2000, 8>}]} {
    %get3A = arith.constant 0 : index
    %get3A_0 = arith.constant 0 : index
    %get3A_1 = arith.constant 0 : index
    %get3A_2 = vector.load %arg1[%get3A, %get3A_0, %get3A_1] : memref<2x2000x64xf32, #tpu.memory_space<vmem>>, vector<1x2000x64xf32>
    %get3A_3 = vector.shape_cast %get3A_2 : vector<1x2000x64xf32> to vector<2000x64xf32>
    %get3A_4 = arith.constant 1 : index
    %get3A_5 = arith.constant 0 : index
    %get3A_6 = arith.constant 0 : index
    %get3A_7 = vector.load %arg1[%get3A_4, %get3A_5, %get3A_6] : memref<2x2000x64xf32, #tpu.memory_space<vmem>>, vector<1x2000x64xf32>
    %get3A_8 = vector.shape_cast %get3A_7 : vector<1x2000x64xf32> to vector<2000x64xf32>
    %concatenate3A = tpu.concatenate %get3A_3, %get3A_8 in 1 : vector<2000x64xf32>, vector<2000x64xf32> -> vector<2000x128xf32>
    %get3A_9 = arith.constant 0 : index
    %get3A_10 = arith.constant 0 : index
    %get3A_11 = arith.constant 0 : index
    %get3A_12 = vector.load %arg2[%get3A_9, %get3A_10, %get3A_11] : memref<2x2000x8xf32, #tpu.memory_space<vmem>>, vector<1x2000x8xf32>
    %get3A_13 = vector.shape_cast %get3A_12 : vector<1x2000x8xf32> to vector<2000x8xf32>
    %iota3A = tpu.iota {dimensions = array<i32: 1>} : vector<1x128xi32>
    %broadcast_in_dim3A = arith.constant 0.000000e+00 : f32
    %broadcast_in_dim3A_14 = vector.broadcast %broadcast_in_dim3A : f32 to vector<2000x128xf32>
    %slice3A = vector.extract_strided_slice %get3A_13 {offsets = [0, 0], sizes = [2000, 1], strides = [1, 1]} : vector<2000x8xf32> to vector<2000x1xf32>
    %add3A = arith.constant 1.000000e-16 : f32
    %add3A_15 = vector.broadcast %add3A : f32 to vector<2000x1xf32>
    %add3A_16 = arith.addf %slice3A, %add3A_15 : vector<2000x1xf32>
    %div3A = arith.constant 1.000000e+00 : f32
    %div3A_17 = vector.broadcast %div3A : f32 to vector<2000x1xf32>
    %div3A_18 = arith.divf %div3A_17, %add3A_16 : vector<2000x1xf32>
    %ge3A = arith.constant 0 : i32
    %ge3A_19 = vector.broadcast %ge3A : i32 to vector<1x128xi32>
    %ge3A_20 = arith.cmpi sge, %iota3A, %ge3A_19 : vector<1x128xi32>
    %lt3A = arith.constant 32 : i32
    %lt3A_21 = vector.broadcast %lt3A : i32 to vector<1x128xi32>
    %lt3A_22 = arith.cmpi slt, %iota3A, %lt3A_21 : vector<1x128xi32>
    %and3A = arith.andi %ge3A_20, %lt3A_22 : vector<1x128xi1>
    %jit3A = arith.constant 1.000000e+00 : f32
    %jit3A_23 = arith.constant 0.000000e+00 : f32
    %broadcast_in_dim3A_24 = vector.broadcast %jit3A : f32 to vector<1x128xf32>
    %broadcast_in_dim3A_25 = vector.broadcast %jit3A_23 : f32 to vector<1x128xf32>
    %select_n3A = arith.select %and3A, %broadcast_in_dim3A_24, %broadcast_in_dim3A_25 : vector<1x128xi1>, vector<1x128xf32>
    %mul3A = vector.broadcast %div3A_18 : vector<2000x1xf32> to vector<2000x128xf32>
    %mul3A_26 = vector.broadcast %select_n3A : vector<1x128xf32> to vector<2000x128xf32>
    %mul3A_27 = arith.mulf %mul3A, %mul3A_26 : vector<2000x128xf32>
    %add3A_28 = arith.addf %broadcast_in_dim3A_14, %mul3A_27 : vector<2000x128xf32>
    %slice3A_29 = vector.extract_strided_slice %get3A_13 {offsets = [0, 1], sizes = [2000, 1], strides = [1, 1]} : vector<2000x8xf32> to vector<2000x1xf32>
    %add3A_30 = arith.constant 1.000000e-16 : f32
    %add3A_31 = vector.broadcast %add3A_30 : f32 to vector<2000x1xf32>
    %add3A_32 = arith.addf %slice3A_29, %add3A_31 : vector<2000x1xf32>
    %div3A_33 = arith.constant 1.000000e+00 : f32
    %div3A_34 = vector.broadcast %div3A_33 : f32 to vector<2000x1xf32>
    %div3A_35 = arith.divf %div3A_34, %add3A_32 : vector<2000x1xf32>
    %ge3A_36 = arith.constant 32 : i32
    %ge3A_37 = vector.broadcast %ge3A_36 : i32 to vector<1x128xi32>
    %ge3A_38 = arith.cmpi sge, %iota3A, %ge3A_37 : vector<1x128xi32>
    %lt3A_39 = arith.constant 64 : i32
    %lt3A_40 = vector.broadcast %lt3A_39 : i32 to vector<1x128xi32>
    %lt3A_41 = arith.cmpi slt, %iota3A, %lt3A_40 : vector<1x128xi32>
    %and3A_42 = arith.andi %ge3A_38, %lt3A_41 : vector<1x128xi1>
    %jit3A_43 = arith.constant 1.000000e+00 : f32
    %jit3A_44 = arith.constant 0.000000e+00 : f32
    %broadcast_in_dim3A_45 = vector.broadcast %jit3A_43 : f32 to vector<1x128xf32>
    %broadcast_in_dim3A_46 = vector.broadcast %jit3A_44 : f32 to vector<1x128xf32>
    %select_n3A_47 = arith.select %and3A_42, %broadcast_in_dim3A_45, %broadcast_in_dim3A_46 : vector<1x128xi1>, vector<1x128xf32>
    %mul3A_48 = vector.broadcast %div3A_35 : vector<2000x1xf32> to vector<2000x128xf32>
    %mul3A_49 = vector.broadcast %select_n3A_47 : vector<1x128xf32> to vector<2000x128xf32>
    %mul3A_50 = arith.mulf %mul3A_48, %mul3A_49 : vector<2000x128xf32>
    %add3A_51 = arith.addf %add3A_28, %mul3A_50 : vector<2000x128xf32>
    %slice3A_52 = vector.extract_strided_slice %get3A_13 {offsets = [0, 2], sizes = [2000, 1], strides = [1, 1]} : vector<2000x8xf32> to vector<2000x1xf32>
    %add3A_53 = arith.constant 1.000000e-16 : f32
    %add3A_54 = vector.broadcast %add3A_53 : f32 to vector<2000x1xf32>
    %add3A_55 = arith.addf %slice3A_52, %add3A_54 : vector<2000x1xf32>
    %div3A_56 = arith.constant 1.000000e+00 : f32
    %div3A_57 = vector.broadcast %div3A_56 : f32 to vector<2000x1xf32>
    %div3A_58 = arith.divf %div3A_57, %add3A_55 : vector<2000x1xf32>
    %ge3A_59 = arith.constant 64 : i32
    %ge3A_60 = vector.broadcast %ge3A_59 : i32 to vector<1x128xi32>
    %ge3A_61 = arith.cmpi sge, %iota3A, %ge3A_60 : vector<1x128xi32>
    %lt3A_62 = arith.constant 96 : i32
    %lt3A_63 = vector.broadcast %lt3A_62 : i32 to vector<1x128xi32>
    %lt3A_64 = arith.cmpi slt, %iota3A, %lt3A_63 : vector<1x128xi32>
    %and3A_65 = arith.andi %ge3A_61, %lt3A_64 : vector<1x128xi1>
    %jit3A_66 = arith.constant 1.000000e+00 : f32
    %jit3A_67 = arith.constant 0.000000e+00 : f32
    %broadcast_in_dim3A_68 = vector.broadcast %jit3A_66 : f32 to vector<1x128xf32>
    %broadcast_in_dim3A_69 = vector.broadcast %jit3A_67 : f32 to vector<1x128xf32>
    %select_n3A_70 = arith.select %and3A_65, %broadcast_in_dim3A_68, %broadcast_in_dim3A_69 : vector<1x128xi1>, vector<1x128xf32>
    %mul3A_71 = vector.broadcast %div3A_58 : vector<2000x1xf32> to vector<2000x128xf32>
    %mul3A_72 = vector.broadcast %select_n3A_70 : vector<1x128xf32> to vector<2000x128xf32>
    %mul3A_73 = arith.mulf %mul3A_71, %mul3A_72 : vector<2000x128xf32>
    %add3A_74 = arith.addf %add3A_51, %mul3A_73 : vector<2000x128xf32>
    %slice3A_75 = vector.extract_strided_slice %get3A_13 {offsets = [0, 3], sizes = [2000, 1], strides = [1, 1]} : vector<2000x8xf32> to vector<2000x1xf32>
    %add3A_76 = arith.constant 1.000000e-16 : f32
    %add3A_77 = vector.broadcast %add3A_76 : f32 to vector<2000x1xf32>
    %add3A_78 = arith.addf %slice3A_75, %add3A_77 : vector<2000x1xf32>
    %div3A_79 = arith.constant 1.000000e+00 : f32
    %div3A_80 = vector.broadcast %div3A_79 : f32 to vector<2000x1xf32>
    %div3A_81 = arith.divf %div3A_80, %add3A_78 : vector<2000x1xf32>
    %ge3A_82 = arith.constant 96 : i32
    %ge3A_83 = vector.broadcast %ge3A_82 : i32 to vector<1x128xi32>
    %ge3A_84 = arith.cmpi sge, %iota3A, %ge3A_83 : vector<1x128xi32>
    %lt3A_85 = arith.constant 128 : i32
    %lt3A_86 = vector.broadcast %lt3A_85 : i32 to vector<1x128xi32>
    %lt3A_87 = arith.cmpi slt, %iota3A, %lt3A_86 : vector<1x128xi32>
    %and3A_88 = arith.andi %ge3A_84, %lt3A_87 : vector<1x128xi1>
    %jit3A_89 = arith.constant 1.000000e+00 : f32
    %jit3A_90 = arith.constant 0.000000e+00 : f32
    %broadcast_in_dim3A_91 = vector.broadcast %jit3A_89 : f32 to vector<1x128xf32>
    %broadcast_in_dim3A_92 = vector.broadcast %jit3A_90 : f32 to vector<1x128xf32>
    %select_n3A_93 = arith.select %and3A_88, %broadcast_in_dim3A_91, %broadcast_in_dim3A_92 : vector<1x128xi1>, vector<1x128xf32>
    %mul3A_94 = vector.broadcast %div3A_81 : vector<2000x1xf32> to vector<2000x128xf32>
    %mul3A_95 = vector.broadcast %select_n3A_93 : vector<1x128xf32> to vector<2000x128xf32>
    %mul3A_96 = arith.mulf %mul3A_94, %mul3A_95 : vector<2000x128xf32>
    %add3A_97 = arith.addf %add3A_74, %mul3A_96 : vector<2000x128xf32>
    %mul3A_98 = arith.mulf %concatenate3A, %add3A_97 : vector<2000x128xf32>
    %get3A_99 = arith.constant 0 : index
    %get3A_100 = arith.constant 0 : index
    %get3A_101 = vector.load %arg3[%get3A_99, %get3A_100] : memref<1x128xf32, #tpu.memory_space<vmem>>, vector<1x128xf32>
    %add3A_102 = vector.broadcast %get3A_101 : vector<1x128xf32> to vector<2000x128xf32>
    %add3A_103 = arith.addf %mul3A_98, %add3A_102 : vector<2000x128xf32>
    %max3A = arith.constant 0.000000e+00 : f32
    %max3A_104 = vector.broadcast %max3A : f32 to vector<2000x128xf32>
    %max3A_105 = arith.maximumf %add3A_103, %max3A_104 : vector<2000x128xf32>
    %get3A_106 = arith.constant 0 : index
    %get3A_107 = arith.constant 0 : index
    %get3A_108 = vector.load %arg4[%get3A_106, %get3A_107] : memref<2000x128xf32, #tpu.memory_space<vmem>>, vector<2000x128xf32>
    %add3A_109 = arith.addf %max3A_105, %get3A_108 : vector<2000x128xf32>
    %get3A_110 = arith.constant 0 : index
    %get3A_111 = arith.constant 0 : index
    %get3A_112 = vector.load %arg5[%get3A_110, %get3A_111] : memref<128x128xf32, #tpu.memory_space<vmem>>, vector<128x128xf32>
    %dot_general3A = arith.constant dense<0.000000e+00> : vector<2000x128xf32>
    %dot_general3A_113 = tpu.matmul %add3A_109, %get3A_112, %dot_general3A {dimension_numbers = #tpu.dot_dimension_numbers<[1], [0], [0], [1], [0, 0, 1, 1], [], []>, transpose_lhs_hint = false} : vector<2000x128xf32>, vector<128x128xf32>, vector<2000x128xf32> -> vector<2000x128xf32>
    %slice3A_114 = vector.extract_strided_slice %dot_general3A_113 {offsets = [0, 0], sizes = [2000, 64], strides = [1, 1]} : vector<2000x128xf32> to vector<2000x64xf32>
    %swap3A = arith.constant 0 : index
    %swap3A_115 = arith.constant 0 : index
    %swap3A_116 = arith.constant 0 : index
    %swap3A_117 = vector.load %arg7[%swap3A, %swap3A_115, %swap3A_116] : memref<2x2000x64xf32, #tpu.memory_space<vmem>>, vector<1x2000x64xf32>
    %swap3A_118 = vector.shape_cast %swap3A_117 : vector<1x2000x64xf32> to vector<2000x64xf32>
    %swap3A_119 = vector.shape_cast %slice3A_114 : vector<2000x64xf32> to vector<1x2000x64xf32>
    tpu.vector_store %arg7[%swap3A, %swap3A_115, %swap3A_116], %swap3A_119 {strides = array<i32>} : memref<2x2000x64xf32, #tpu.memory_space<vmem>>, vector<1x2000x64xf32>,
    %slice3A_120 = vector.extract_strided_slice %dot_general3A_113 {offsets = [0, 64], sizes = [2000, 64], strides = [1, 1]} : vector<2000x128xf32> to vector<2000x64xf32>
    %swap3A_121 = arith.constant 1 : index
    %swap3A_122 = arith.constant 0 : index
    %swap3A_123 = arith.constant 0 : index
    %swap3A_124 = vector.load %arg7[%swap3A_121, %swap3A_122, %swap3A_123] : memref<2x2000x64xf32, #tpu.memory_space<vmem>>, vector<1x2000x64xf32>
    %swap3A_125 = vector.shape_cast %swap3A_124 : vector<1x2000x64xf32> to vector<2000x64xf32>
    %swap3A_126 = vector.shape_cast %slice3A_120 : vector<2000x64xf32> to vector<1x2000x64xf32>
    tpu.vector_store %arg7[%swap3A_121, %swap3A_122, %swap3A_123], %swap3A_126 {strides = array<i32>} : memref<2x2000x64xf32, #tpu.memory_space<vmem>>, vector<1x2000x64xf32>,
    %get3A_127 = arith.constant 0 : index
    %get3A_128 = arith.constant 0 : index
    %get3A_129 = vector.load %arg6[%get3A_127, %get3A_128] : memref<128x8xf32, #tpu.memory_space<vmem>>, vector<128x8xf32>
    %dot_general3A_130 = arith.constant dense<0.000000e+00> : vector<2000x8xf32>
    %dot_general3A_131 = tpu.matmul %dot_general3A_113, %get3A_129, %dot_general3A_130 {dimension_numbers = #tpu.dot_dimension_numbers<[1], [0], [0], [1], [0, 0, 1, 1], [], []>, transpose_lhs_hint = false} : vector<2000x128xf32>, vector<128x8xf32>, vector<2000x8xf32> -> vector<2000x8xf32>
    %swap3A_132 = arith.constant 0 : index
    %swap3A_133 = arith.constant 0 : index
    %swap3A_134 = vector.load %arg8[%swap3A_132, %swap3A_133] : memref<2000x8xf32, #tpu.memory_space<vmem>>, vector<2000x8xf32>
    tpu.vector_store %arg8[%swap3A_132, %swap3A_133], %dot_general3A_131 {strides = array<i32>} : memref<2000x8xf32, #tpu.memory_space<vmem>>, vector<2000x8xf32>,
    return
  }
  func.func @transform_0(%arg0: i32) -> (i32, i32, i32) {
    %c0_i32 = arith.constant 0 : i32
    %c0_i32_0 = arith.constant 0 : i32
    %c0_i32_1 = arith.constant 0 : i32
    return %c0_i32, %arg0, %c0_i32_0 : i32, i32, i32
  }
  func.func @transform_1(%arg0: i32) -> (i32, i32, i32) {
    %c0_i32 = arith.constant 0 : i32
    %c0_i32_0 = arith.constant 0 : i32
    %c0_i32_1 = arith.constant 0 : i32
    return %c0_i32, %arg0, %c0_i32_0 : i32, i32, i32
  }
  func.func @transform_2(%arg0: i32) -> (i32, i32) {
    %c0_i32 = arith.constant 0 : i32
    %c0_i32_0 = arith.constant 0 : i32
    %c0_i32_1 = arith.constant 0 : i32
    return %c0_i32, %c0_i32_0 : i32, i32
  }
  func.func @transform_3(%arg0: i32) -> (i32, i32) {
    %c0_i32 = arith.constant 0 : i32
    %c0_i32_0 = arith.constant 0 : i32
    return %arg0, %c0_i32 : i32, i32
  }
  func.func @transform_4(%arg0: i32) -> (i32, i32) {
    %c0_i32 = arith.constant 0 : i32
    %c0_i32_0 = arith.constant 0 : i32
    %c0_i32_1 = arith.constant 0 : i32
    return %c0_i32, %c0_i32_0 : i32, i32
  }
  func.func @transform_5(%arg0: i32) -> (i32, i32) {
    %c0_i32 = arith.constant 0 : i32
    %c0_i32_0 = arith.constant 0 : i32
    %c0_i32_1 = arith.constant 0 : i32
    return %c0_i32, %c0_i32_0 : i32, i32
  }
  func.func @transform_6(%arg0: i32) -> (i32, i32, i32) {
    %c0_i32 = arith.constant 0 : i32
    %c0_i32_0 = arith.constant 0 : i32
    %c0_i32_1 = arith.constant 0 : i32
    return %c0_i32, %arg0, %c0_i32_0 : i32, i32, i32
  }
  func.func @transform_7(%arg0: i32) -> (i32, i32) {
    %c0_i32 = arith.constant 0 : i32
    %c0_i32_0 = arith.constant 0 : i32
    return %arg0, %c0_i32 : i32, i32
  }
}

module attributes {stable_mosaic.version = 14 : i64} {
  func.func @_tc_final_body(%arg0: i32, %arg1: memref<2x2000x64xf32, #tpu.memory_space<vmem>>, %arg2: memref<2x2000x8xf32, #tpu.memory_space<vmem>>, %arg3: memref<1x128xf32, #tpu.memory_space<vmem>>, %arg4: memref<2000x128xf32, #tpu.memory_space<vmem>>, %arg5: memref<2000x128xf32, #tpu.memory_space<vmem>>) attributes {dimension_semantics = [#tpu.dimension_semantics<arbitrary>], iteration_bounds = array<i64: 5>, scalar_prefetch = 0 : i64, scratch_operands = 0 : i64, tpu.core_type = #tpu.core_type<tc>, window_params = [{transform_indices = @transform_0, window_bounds = array<i64: 2, 2000, 64>}, {transform_indices = @transform_1, window_bounds = array<i64: 2, 2000, 8>}, {pipeline_mode = #tpu.pipeline_mode<synchronous>, transform_indices = @transform_2, window_bounds = array<i64: 1, 128>}, {transform_indices = @transform_3, window_bounds = array<i64: 2000, 128>}, {transform_indices = @transform_4, window_bounds = array<i64: 2000, 128>}]} {
    %get3A = arith.constant 0 : index
    %get3A_0 = arith.constant 0 : index
    %get3A_1 = arith.constant 0 : index
    %get3A_2 = vector.load %arg1[%get3A, %get3A_0, %get3A_1] : memref<2x2000x64xf32, #tpu.memory_space<vmem>>, vector<1x2000x64xf32>
    %get3A_3 = vector.shape_cast %get3A_2 : vector<1x2000x64xf32> to vector<2000x64xf32>
    %get3A_4 = arith.constant 1 : index
    %get3A_5 = arith.constant 0 : index
    %get3A_6 = arith.constant 0 : index
    %get3A_7 = vector.load %arg1[%get3A_4, %get3A_5, %get3A_6] : memref<2x2000x64xf32, #tpu.memory_space<vmem>>, vector<1x2000x64xf32>
    %get3A_8 = vector.shape_cast %get3A_7 : vector<1x2000x64xf32> to vector<2000x64xf32>
    %concatenate3A = tpu.concatenate %get3A_3, %get3A_8 in 1 : vector<2000x64xf32>, vector<2000x64xf32> -> vector<2000x128xf32>
    %get3A_9 = arith.constant 0 : index
    %get3A_10 = arith.constant 0 : index
    %get3A_11 = arith.constant 0 : index
    %get3A_12 = vector.load %arg2[%get3A_9, %get3A_10, %get3A_11] : memref<2x2000x8xf32, #tpu.memory_space<vmem>>, vector<1x2000x8xf32>
    %get3A_13 = vector.shape_cast %get3A_12 : vector<1x2000x8xf32> to vector<2000x8xf32>
    %iota3A = tpu.iota {dimensions = array<i32: 1>} : vector<1x128xi32>
    %broadcast_in_dim3A = arith.constant 0.000000e+00 : f32
    %broadcast_in_dim3A_14 = vector.broadcast %broadcast_in_dim3A : f32 to vector<2000x128xf32>
    %slice3A = vector.extract_strided_slice %get3A_13 {offsets = [0, 0], sizes = [2000, 1], strides = [1, 1]} : vector<2000x8xf32> to vector<2000x1xf32>
    %add3A = arith.constant 1.000000e-16 : f32
    %add3A_15 = vector.broadcast %add3A : f32 to vector<2000x1xf32>
    %add3A_16 = arith.addf %slice3A, %add3A_15 : vector<2000x1xf32>
    %div3A = arith.constant 1.000000e+00 : f32
    %div3A_17 = vector.broadcast %div3A : f32 to vector<2000x1xf32>
    %div3A_18 = arith.divf %div3A_17, %add3A_16 : vector<2000x1xf32>
    %ge3A = arith.constant 0 : i32
    %ge3A_19 = vector.broadcast %ge3A : i32 to vector<1x128xi32>
    %ge3A_20 = arith.cmpi sge, %iota3A, %ge3A_19 : vector<1x128xi32>
    %lt3A = arith.constant 32 : i32
    %lt3A_21 = vector.broadcast %lt3A : i32 to vector<1x128xi32>
    %lt3A_22 = arith.cmpi slt, %iota3A, %lt3A_21 : vector<1x128xi32>
    %and3A = arith.andi %ge3A_20, %lt3A_22 : vector<1x128xi1>
    %jit3A = arith.constant 1.000000e+00 : f32
    %jit3A_23 = arith.constant 0.000000e+00 : f32
    %broadcast_in_dim3A_24 = vector.broadcast %jit3A : f32 to vector<1x128xf32>
    %broadcast_in_dim3A_25 = vector.broadcast %jit3A_23 : f32 to vector<1x128xf32>
    %select_n3A = arith.select %and3A, %broadcast_in_dim3A_24, %broadcast_in_dim3A_25 : vector<1x128xi1>, vector<1x128xf32>
    %mul3A = vector.broadcast %div3A_18 : vector<2000x1xf32> to vector<2000x128xf32>
    %mul3A_26 = vector.broadcast %select_n3A : vector<1x128xf32> to vector<2000x128xf32>
    %mul3A_27 = arith.mulf %mul3A, %mul3A_26 : vector<2000x128xf32>
    %add3A_28 = arith.addf %broadcast_in_dim3A_14, %mul3A_27 : vector<2000x128xf32>
    %slice3A_29 = vector.extract_strided_slice %get3A_13 {offsets = [0, 1], sizes = [2000, 1], strides = [1, 1]} : vector<2000x8xf32> to vector<2000x1xf32>
    %add3A_30 = arith.constant 1.000000e-16 : f32
    %add3A_31 = vector.broadcast %add3A_30 : f32 to vector<2000x1xf32>
    %add3A_32 = arith.addf %slice3A_29, %add3A_31 : vector<2000x1xf32>
    %div3A_33 = arith.constant 1.000000e+00 : f32
    %div3A_34 = vector.broadcast %div3A_33 : f32 to vector<2000x1xf32>
    %div3A_35 = arith.divf %div3A_34, %add3A_32 : vector<2000x1xf32>
    %ge3A_36 = arith.constant 32 : i32
    %ge3A_37 = vector.broadcast %ge3A_36 : i32 to vector<1x128xi32>
    %ge3A_38 = arith.cmpi sge, %iota3A, %ge3A_37 : vector<1x128xi32>
    %lt3A_39 = arith.constant 64 : i32
    %lt3A_40 = vector.broadcast %lt3A_39 : i32 to vector<1x128xi32>
    %lt3A_41 = arith.cmpi slt, %iota3A, %lt3A_40 : vector<1x128xi32>
    %and3A_42 = arith.andi %ge3A_38, %lt3A_41 : vector<1x128xi1>
    %jit3A_43 = arith.constant 1.000000e+00 : f32
    %jit3A_44 = arith.constant 0.000000e+00 : f32
    %broadcast_in_dim3A_45 = vector.broadcast %jit3A_43 : f32 to vector<1x128xf32>
    %broadcast_in_dim3A_46 = vector.broadcast %jit3A_44 : f32 to vector<1x128xf32>
    %select_n3A_47 = arith.select %and3A_42, %broadcast_in_dim3A_45, %broadcast_in_dim3A_46 : vector<1x128xi1>, vector<1x128xf32>
    %mul3A_48 = vector.broadcast %div3A_35 : vector<2000x1xf32> to vector<2000x128xf32>
    %mul3A_49 = vector.broadcast %select_n3A_47 : vector<1x128xf32> to vector<2000x128xf32>
    %mul3A_50 = arith.mulf %mul3A_48, %mul3A_49 : vector<2000x128xf32>
    %add3A_51 = arith.addf %add3A_28, %mul3A_50 : vector<2000x128xf32>
    %slice3A_52 = vector.extract_strided_slice %get3A_13 {offsets = [0, 2], sizes = [2000, 1], strides = [1, 1]} : vector<2000x8xf32> to vector<2000x1xf32>
    %add3A_53 = arith.constant 1.000000e-16 : f32
    %add3A_54 = vector.broadcast %add3A_53 : f32 to vector<2000x1xf32>
    %add3A_55 = arith.addf %slice3A_52, %add3A_54 : vector<2000x1xf32>
    %div3A_56 = arith.constant 1.000000e+00 : f32
    %div3A_57 = vector.broadcast %div3A_56 : f32 to vector<2000x1xf32>
    %div3A_58 = arith.divf %div3A_57, %add3A_55 : vector<2000x1xf32>
    %ge3A_59 = arith.constant 64 : i32
    %ge3A_60 = vector.broadcast %ge3A_59 : i32 to vector<1x128xi32>
    %ge3A_61 = arith.cmpi sge, %iota3A, %ge3A_60 : vector<1x128xi32>
    %lt3A_62 = arith.constant 96 : i32
    %lt3A_63 = vector.broadcast %lt3A_62 : i32 to vector<1x128xi32>
    %lt3A_64 = arith.cmpi slt, %iota3A, %lt3A_63 : vector<1x128xi32>
    %and3A_65 = arith.andi %ge3A_61, %lt3A_64 : vector<1x128xi1>
    %jit3A_66 = arith.constant 1.000000e+00 : f32
    %jit3A_67 = arith.constant 0.000000e+00 : f32
    %broadcast_in_dim3A_68 = vector.broadcast %jit3A_66 : f32 to vector<1x128xf32>
    %broadcast_in_dim3A_69 = vector.broadcast %jit3A_67 : f32 to vector<1x128xf32>
    %select_n3A_70 = arith.select %and3A_65, %broadcast_in_dim3A_68, %broadcast_in_dim3A_69 : vector<1x128xi1>, vector<1x128xf32>
    %mul3A_71 = vector.broadcast %div3A_58 : vector<2000x1xf32> to vector<2000x128xf32>
    %mul3A_72 = vector.broadcast %select_n3A_70 : vector<1x128xf32> to vector<2000x128xf32>
    %mul3A_73 = arith.mulf %mul3A_71, %mul3A_72 : vector<2000x128xf32>
    %add3A_74 = arith.addf %add3A_51, %mul3A_73 : vector<2000x128xf32>
    %slice3A_75 = vector.extract_strided_slice %get3A_13 {offsets = [0, 3], sizes = [2000, 1], strides = [1, 1]} : vector<2000x8xf32> to vector<2000x1xf32>
    %add3A_76 = arith.constant 1.000000e-16 : f32
    %add3A_77 = vector.broadcast %add3A_76 : f32 to vector<2000x1xf32>
    %add3A_78 = arith.addf %slice3A_75, %add3A_77 : vector<2000x1xf32>
    %div3A_79 = arith.constant 1.000000e+00 : f32
    %div3A_80 = vector.broadcast %div3A_79 : f32 to vector<2000x1xf32>
    %div3A_81 = arith.divf %div3A_80, %add3A_78 : vector<2000x1xf32>
    %ge3A_82 = arith.constant 96 : i32
    %ge3A_83 = vector.broadcast %ge3A_82 : i32 to vector<1x128xi32>
    %ge3A_84 = arith.cmpi sge, %iota3A, %ge3A_83 : vector<1x128xi32>
    %lt3A_85 = arith.constant 128 : i32
    %lt3A_86 = vector.broadcast %lt3A_85 : i32 to vector<1x128xi32>
    %lt3A_87 = arith.cmpi slt, %iota3A, %lt3A_86 : vector<1x128xi32>
    %and3A_88 = arith.andi %ge3A_84, %lt3A_87 : vector<1x128xi1>
    %jit3A_89 = arith.constant 1.000000e+00 : f32
    %jit3A_90 = arith.constant 0.000000e+00 : f32
    %broadcast_in_dim3A_91 = vector.broadcast %jit3A_89 : f32 to vector<1x128xf32>
    %broadcast_in_dim3A_92 = vector.broadcast %jit3A_90 : f32 to vector<1x128xf32>
    %select_n3A_93 = arith.select %and3A_88, %broadcast_in_dim3A_91, %broadcast_in_dim3A_92 : vector<1x128xi1>, vector<1x128xf32>
    %mul3A_94 = vector.broadcast %div3A_81 : vector<2000x1xf32> to vector<2000x128xf32>
    %mul3A_95 = vector.broadcast %select_n3A_93 : vector<1x128xf32> to vector<2000x128xf32>
    %mul3A_96 = arith.mulf %mul3A_94, %mul3A_95 : vector<2000x128xf32>
    %add3A_97 = arith.addf %add3A_74, %mul3A_96 : vector<2000x128xf32>
    %mul3A_98 = arith.mulf %concatenate3A, %add3A_97 : vector<2000x128xf32>
    %get3A_99 = arith.constant 0 : index
    %get3A_100 = arith.constant 0 : index
    %get3A_101 = vector.load %arg3[%get3A_99, %get3A_100] : memref<1x128xf32, #tpu.memory_space<vmem>>, vector<1x128xf32>
    %add3A_102 = vector.broadcast %get3A_101 : vector<1x128xf32> to vector<2000x128xf32>
    %add3A_103 = arith.addf %mul3A_98, %add3A_102 : vector<2000x128xf32>
    %get3A_104 = arith.constant 0 : index
    %get3A_105 = arith.constant 0 : index
    %get3A_106 = vector.load %arg4[%get3A_104, %get3A_105] : memref<2000x128xf32, #tpu.memory_space<vmem>>, vector<2000x128xf32>
    %add3A_107 = arith.addf %add3A_103, %get3A_106 : vector<2000x128xf32>
    %max3A = arith.constant 0.000000e+00 : f32
    %max3A_108 = vector.broadcast %max3A : f32 to vector<2000x128xf32>
    %max3A_109 = arith.maximumf %add3A_107, %max3A_108 : vector<2000x128xf32>
    %swap3A = arith.constant 0 : index
    %swap3A_110 = arith.constant 0 : index
    %swap3A_111 = vector.load %arg5[%swap3A, %swap3A_110] : memref<2000x128xf32, #tpu.memory_space<vmem>>, vector<2000x128xf32>
    tpu.vector_store %arg5[%swap3A, %swap3A_110], %max3A_109 {strides = array<i32>} : memref<2000x128xf32, #tpu.memory_space<vmem>>, vector<2000x128xf32>,
    return
  }
  func.func @transform_0(%arg0: i32) -> (i32, i32, i32) {
    %c0_i32 = arith.constant 0 : i32
    %c0_i32_0 = arith.constant 0 : i32
    %c0_i32_1 = arith.constant 0 : i32
    return %c0_i32, %arg0, %c0_i32_0 : i32, i32, i32
  }
  func.func @transform_1(%arg0: i32) -> (i32, i32, i32) {
    %c0_i32 = arith.constant 0 : i32
    %c0_i32_0 = arith.constant 0 : i32
    %c0_i32_1 = arith.constant 0 : i32
    return %c0_i32, %arg0, %c0_i32_0 : i32, i32, i32
  }
  func.func @transform_2(%arg0: i32) -> (i32, i32) {
    %c0_i32 = arith.constant 0 : i32
    %c0_i32_0 = arith.constant 0 : i32
    %c0_i32_1 = arith.constant 0 : i32
    return %c0_i32, %c0_i32_0 : i32, i32
  }
  func.func @transform_3(%arg0: i32) -> (i32, i32) {
    %c0_i32 = arith.constant 0 : i32
    %c0_i32_0 = arith.constant 0 : i32
    return %arg0, %c0_i32 : i32, i32
  }
  func.func @transform_4(%arg0: i32) -> (i32, i32) {
    %c0_i32 = arith.constant 0 : i32
    %c0_i32_0 = arith.constant 0 : i32
    return %arg0, %c0_i32 : i32, i32
  }
}

</mosaic_0001>

<sc_bundles>
// kernel: kernel.12.cloned.1.call-start
scs
__scs_entry_jumppad:
0x0: {  	(pc) =	sbr.rel $0x88, $3  }
0x1: {  	(tag) =	ssettag $0x0;
	lr =	simm.s32 $0x1  }
0x2: {  	[smem:$0x3F93] =	sst lr;
	_ =	strace $0xD0000000  }
0x3: {  	_ = 	snop  }
0x4: {  	_ = 	snop  }
0x5: {  	_ = 	snop  }
0x6: {  	_ = 	snop  }
0x7: {  	_ = 	snop  }
__scs_overlays_trampoline_lowered:
0x8: {  	[smem:$0x3FA2] =	sst s0  }
0x9: {  	[smem:$0x3FA3] =	sst s1  }
0xa: {  	[smem:$0x3FA4] =	sst s2  }
0xb: {  	[smem:$0x3FA5] =	sst s3  }
0xc: {  	[smem:$0x3FA6] =	sst s4  }
0xd: {  	[smem:$0x3FA7] =	sst s5  }
0xe: {  	[smem:$0x3FA8] =	sst s6  }
0xf: {  	[smem:$0x3FA9] =	sst s7  }
0x10: {  	[smem:$0x3FAA] =	sst s8  }
0x11: {  	[smem:$0x3FAB] =	sst s9;
	s0 =	simm.s32 @!p0 $0x0  }
0x12: {  	s1 =	sld [smem:$0x3F91];
	s0 =	simm.s32 @p0 $0x1  }
0x13: {  	[smem:$0x3FAC] =	sst s0;
	s0 =	simm.s32 @!p1 $0x0  }
0x14: {  	s2 =	sld [smem:$0x3F90];
	s0 =	simm.s32 @p1 $0x1  }
0x15: {  	[smem:$0x3FAD] =	sst s0;
	s0 =	simm.s32 @!p2 $0x0  }
0x16: {  	s3 =	sld [smem:$0x3FDB];
	s0 =	simm.s32 @p2 $0x1  }
0x17: {  	s4 =	simm.s32 $0x1BF5;
	[smem:$0x3FAF] =	sst s0  }
0x18: {  	s0 =	sld [smem:$0x3F92];
	_ =	swait.ge [sflag:s4], $0x0  }
0x19: {  	s7 =	sld [smem:$0x3F93]  }
0x1a: {  	s8 =	sadd.s32 $0xFFFFE003, lr  }
0x1b: {  	s9 =	sadd.s32 $0xFFFFFEF7, lr;
	s5 =	simm.s32 $0xFFFFFFFF;
	p2 =	slt.u32 s8, $0xFFFFF086  }
0x1c: {  	p1 =	slt.u32 s9, $0xF7A;
	s5 =	simm.s32 @!p2 $0x0  }
0x1d: {  	s5 =	simm.s32 @p1 $0x1;
	p0 =	seq.s32 s7, s2  }
0x1e: {  	s7 =	smul.u32 @!p0 $0xF7A, s2;
	p2 =	seq.s32 @!p0 s5, $0x0  }
0x1f: {  	s9 =	smul.u32 $0xF7A, s1;
	s8 =	simm.s32 @!p0 $0x1BF5;
	p2 =	por !p2, p0  }
0x20: {  	[sflag:s8] =	ssyncset.s32 @!p0 $0xFFFFF086;
	s6 =	sadd.s32 @!p0 s3, s7;
	s7 =	simm.s32 @!p0 $0x108  }
0x21: {  	s3 =	sadd.s32 s3, s9;
	s6 =	sadd.s32 @!p0 $0x88, s6;
	s7 =	simm.s32 @p2 $0x1082  }
0x22: {  	[simem:s7], [sflag:s8] =	dma.local @!p0 [hbm:s6], $0xF7A  }
0x23: {  	s9 =	sor.u32 $0xD0000000, s2;
	s6 =	simm.s32 $0x108;
	_ =	swait.ge @!p0 [sflag:s8], $0x0  }
0x24: {  	s3 =	sadd.s32 $0x88, s3;
	s6 =	simm.s32 @!p1 $0x1082;
	[sflag:s4] =	ssyncset.s32 $0xFFFFF086  }
0x25: {  	[simem:s6], [sflag:s4] =	dma.local [hbm:s3], $0xF7A  }
0x26: {  	[smem:$0x3F93] =	sst s1;
	(tag) =	ssettag s2;
	_ =	strace s9  }
0x27: {  	s1 =	sld [smem:$0x3FA3]  }
0x28: {  	s2 =	sld [smem:$0x3FA4]  }
0x29: {  	s4 =	sld [smem:$0x3FA6]  }
0x2a: {  	p0 =	seq.s32 s5, $0x0;
	s5 =	sld [smem:$0x3FA7]  }
0x2b: {  	s6 =	sld [smem:$0x3FA8]  }
0x2c: {  	s7 =	sld [smem:$0x3FA9]  }
0x2d: {  	s3 =	simm.s32 $0x108;
	s8 =	sld [smem:$0x3FAA]  }
0x2e: {  	s3 =	simm.s32 @!p0 $0x1082;
	s9 =	sld [smem:$0x3FAB]  }
0x2f: {  	lr =	sadd.s32 s0, s3;
	s0 =	sld [smem:$0x3FA2]  }
0x30: {  	s3 =	sld [smem:$0x3FA5]  }
0x31: {  	[smem:$0x3FAE] =	sst s10  }
0x32: {  	s10 =	sld [smem:$0x3FAC];
	_ =	sdelay $0x3  }
0x33: {  	p0 =	seq.s32 s10, $0x1;
	s10 =	sld [smem:$0x3FAE];
	_ =	sdelay $0x3  }
0x34: {  	[smem:$0x3FAE] =	sst s10  }
0x35: {  	s10 =	sld [smem:$0x3FAD];
	_ =	sdelay $0x3  }
0x36: {  	p1 =	seq.s32 s10, $0x1;
	s10 =	sld [smem:$0x3FAE];
	_ =	sdelay $0x3  }
0x37: {  	[smem:$0x3FAE] =	sst s10  }
0x38: {  	s10 =	sld [smem:$0x3FAF]  }
0x39: {  	_ = 	snop;
	(pc) =	sbr.ind lr, $3  }
0x3a: {  	_ = 	snop  }
0x3b: {  	_ = 	snop  }
0x3c: {  	p2 =	seq.s32 s10, $0x1;
	s10 =	sld [smem:$0x3FAE]  }
0x3d: {  	_ =	shalt  }
0x3e: {  	_ =	shalt  }
0x3f: {  	_ =	shalt  }
0x40: {  	_ =	shalt  }
0x41: {  	_ =	shalt  }
0x42: {  	_ =	shalt  }
0x43: {  	_ =	shalt  }
0x44: {  	_ =	shalt  }
0x45: {  	_ =	shalt  }
0x46: {  	_ =	shalt  }
0x47: {  	_ =	shalt  }
0x48: {  	_ =	shalt  }
0x49: {  	_ =	shalt  }
0x4a: {  	_ =	shalt  }
0x4b: {  	_ =	shalt  }
0x4c: {  	_ =	shalt  }
0x4d: {  	_ =	shalt  }
0x4e: {  	_ =	shalt  }
0x4f: {  	_ =	shalt  }
0x50: {  	_ =	shalt  }
0x51: {  	_ =	shalt  }
0x52: {  	_ =	shalt  }
0x53: {  	_ =	shalt  }
0x54: {  	_ =	shalt  }
0x55: {  	_ =	shalt  }
0x56: {  	_ =	shalt  }
0x57: {  	_ =	shalt  }
0x58: {  	_ =	shalt  }
0x59: {  	_ =	shalt  }
0x5a: {  	_ =	shalt  }
0x5b: {  	_ =	shalt  }
0x5c: {  	_ =	shalt  }
0x5d: {  	_ =	shalt  }
0x5e: {  	_ =	shalt  }
0x5f: {  	_ =	shalt  }
0x60: {  	_ =	shalt  }
0x61: {  	_ =	shalt  }
0x62: {  	_ =	shalt  }
0x63: {  	_ =	shalt  }
0x64: {  	_ =	shalt  }
0x65: {  	_ =	shalt  }
0x66: {  	_ =	shalt  }
0x67: {  	_ =	shalt  }
0x68: {  	_ =	shalt  }
0x69: {  	_ =	shalt  }
0x6a: {  	_ =	shalt  }
0x6b: {  	_ =	shalt  }
0x6c: {  	_ =	shalt  }
0x6d: {  	_ =	shalt  }
0x6e: {  	_ =	shalt  }
0x6f: {  	_ =	shalt  }
0x70: {  	_ =	shalt  }
0x71: {  	_ =	shalt  }
0x72: {  	_ =	shalt  }
0x73: {  	_ =	shalt  }
0x74: {  	_ =	shalt  }
0x75: {  	_ =	shalt  }
0x76: {  	_ =	shalt  }
0x77: {  	_ =	shalt  }
0x78: {  	_ =	shalt  }
0x79: {  	_ =	shalt  }
0x7a: {  	_ =	shalt  }
0x7b: {  	_ =	shalt  }
0x7c: {  	_ =	shalt  }
0x7d: {  	_ =	shalt  }
0x7e: {  	_ =	shalt  }
0x7f: {  	_ =	shalt  }
0x80: {  	_ =	shalt  }
0x81: {  	_ =	shalt  }
0x82: {  	_ =	shalt  }
0x83: {  	_ =	shalt  }
0x84: {  	_ =	shalt  }
0x85: {  	_ =	shalt  }
0x86: {  	_ =	shalt  }
0x87: {  	_ =	shalt  }
.Lfunc_end0:
.L_simem_size_0:
called_computation.1_lowered:
.L_overlay_start_0:
0x88: {  	s2 =	sld [smem:$0x3FD9]  }
0x89: {  	s3 =	sld [smem:$0x3FFE];
	_ =	sdelay $0x1  }
0x8a: {  	s1 =	srdreg.scid  }
0x8b: {  	s0 =	sand.u32 $0x1, s1  }
0x8c: {  	s17 =	sshll.u32 s0, $0xA;
	s2 =	sadd.s32 s3, s2  }
0x8d: {  	s2 =	sadd.s32 s2, s17  }
0x8e: {  	[smem:$0x3FBA] =	sst s2  }
0x8f: {  	_ = 	snop  }
0x90: {  	s2 =	sld [smem:$0x3FD0];
	(tm) =	ssettm $0x1  }
0x91: {  	s18 =	sld [smem:$0x3FFB];
	_ =	sdelay $0x3  }
0x92: {  	_ =	strace s18  }
0x93: {  	s3 =	sld [smem:$0x3FFC];
	_ =	sdelay $0x3  }
0x94: {  	_ =	strace s3  }
0x95: {  	s3 =	sld [smem:$0x3FFD];
	_ =	sdelay $0x3  }
0x96: {  	_ =	strace s3  }
0x97: {  	_ =	strace $0x8FFFFFFF  }
0x98: {  	s19 =	sld [smem:$0x3FDB];
	_ =	sdelay $0x1  }
0x99: {  	s4 =	simm.s32 $_scs_section_size  }
0x9a: {  	s5 =	simm.s32 $_size__tile_overlayer_lowered;
	s6 =	simm.s32 $_tile_overlayer_lowered  }
0x9b: {  	s22 =	simm.s32 $0x1BFF;
	s21 =	sshll.u32 s6, $0x1;
	s3 =	sadd.s32 s4, s19  }
0x9c: {  	s7 =	simm.s32 $0x0;
	s20 =	sshll.u32 s5, $0x1;
	s5 =	sadd.s32 s21, s3  }
0x9d: {  	[timem:s7], [sflag:s22] =	dma.local [hbm:s5], s20  }
0x9e: {  	_ =	swait.ge [sflag:s22], s20  }
0x9f: {  	s4 =	ssub.s32 $0x0, s20;
	[sflag:s22] =	ssyncset.done $0x0  }
0xa0: {  	[sflag:s22] =	ssyncadd.s32 s4;
	_ =	sdelay $0x1  }
0xa1: {  	s23 =	simm.s32 $0x1B8B  }
0xa2: {  	_ =	swait.ge [sflag:s23], $0x1  }
0xa3: {  	[sflag:s23] =	ssyncset.done $0x0  }
0xa4: {  	s25 =	simm.s32 $0x1B8E;
	s24 =	sld [smem:$0x3FFE];
	[sflag:s23] =	ssyncadd.s32 $0xFFFFFFFF  }
0xa5: {  	s26 =	simm.s32 $execute0_lowered;
	[smem:$0x3FD2] =	sst s25  }
0xa6: {  	s5 =	sshll.u32 s26, $0x1;
	_ =	strace $0x80000049;
	[dreg:$0x1] =	wrdreg $0xFFFFFFFF  }
0xa7: {  	s28 =	simm.s32 $_size_execute0_lowered;
	s3 =	sadd.s32 s3, s5;
	[dreg:$0x0] =	wrdreg $0x0  }
0xa8: {  	s5 =	sshll.u32 s28, $0x1;
	[dreg:$0x2] =	wrdreg s3  }
0xa9: {  	[dreg:$0x3] =	wrdreg s5  }
0xaa: {  	[dreg:$0x4] =	wrdreg $0xC0  }
0xab: {  	_ =	task [dreg:s7], $0x5FFFF  }
0xac: {  	[dreg:$0x1] =	wrdreg $0xFFFFFFFF  }
0xad: {  	[dreg:$0x0] =	wrdreg $0x60  }
0xae: {  	[dreg:$0x2] =	wrdreg s2  }
0xaf: {  	[dreg:$0x3] =	wrdreg s24  }
0xb0: {  	[dreg:$0x4] =	wrdreg $0x14FF00  }
0xb1: {  	[dreg:$0x5] =	wrdreg $0x1EC300  }
0xb2: {  	[dreg:$0x6] =	wrdreg $0x9  }
0xb3: {  	_ =	task.clear_ibuf [dreg:s7], $0x7FFFF;
	_ =	strace $0x90000049  }
0xb4: {  	s29 =	simm.s32 $0x9;
	_ =	strace $0x8000004B  }
0xb5: {  	_ =	swait.ge [sflag:s29], $0x1  }
0xb6: {  	[sflag:s29] =	ssyncadd.s32 $0xFFFFFFFF  }
0xb7: {  	_ =	strace $0x9000004B  }
0xb8: {  	_ =	sfence  }
0xb9: {  	s30 =	sld [smem:$0x0];
	_ =	sdelay $0x2  }
0xba: {  	s31 =	sshll.u32 s1, $0xD;
	s1 =	sshrl.u32 s1, $0x2  }
0xbb: {  	s3 =	sand.u32 $0x4000, s31;
	s1 =	sadd.s32 s1, s30  }
0xbc: {  	s0 =	sor.u32 s3, s0;
	s1 =	sshll.u32 s1, $0x11  }
0xbd: {  	s0 =	sor.u32 s1, s0  }
0xbe: {  	s0 =	sadd.s32 $0x8F2B, s0  }
0xbf: {  	[sflag:s0] =	ssyncadd.remote.s32 $0x1  }
0xc0: {  	_ =	sfence.sel $0xFFFF  }
0xc1: {  	[dreg:$0x0] =	wrdreg $0xFFFFFFFF;
	(pc) =	sbr.abs _section_cstart, $3  }
0xc2: {  	[dreg:$0x1] =	wrdreg $0xFFFFFFFF  }
0xc3: {  	_ =	task.clear_ibuf [dreg:s7], $0x2FFFF;
	_ =	strace $0x9FFFFFFF  }
0xc4: {  	(tm) =	ssettm $0x7FFFFFFF  }
0xc5: {  	_ =	shalt  }
tec
execute0_lowered:
.L_overlay_start_1:
0x0: {  	(tag) =	ssettag $0x1  }
0x1: {  	s1 =	rddreg [dreg:$0x0]  }
0x2: {  	s12 =	rddreg [dreg:$0x1]  }
0x3: {  	s3 =	rddreg [dreg:$0x2]  }
0x4: {  	s4 =	rddreg [dreg:$0x3];
	s6 =	srdreg.scid  }
0x5: {  	s2 =	stileid.u32;
	s5 =	simm.s32 $0x0;
	s20 =	simm.s32 $0x13880  }
0x6: {  	s21 =	simm.s32 $0x13920;
	s22 =	simm.s32 $0x50;
	s23 =	simm.s32 $0x138D0  }
0x7: {  	s24 =	simm.s32 $0x13970;
	s25 =	simm.s32 $0x1;
	s26 =	simm.s32 $0x0  }
0x8: {  	s13 =	sand.u32 $0x1, s6;
	s10 =	smul.u32 $0x271, s2;
	[smem:$0x7FF] =	sst s5  }
0x9: {  	v0 =	vlaneseq.u32;
	s6 =	sadd.s32 $0x3000, s12;
	s7 =	sadd.s32 $0xF600, s12;
	s17 =	smul.u32 $0x27100, s2  }
0xa: {  	v0 =	vmul.u32 $0x8, v0;
	s14 =	smul.u32 $0x2710, s13;
	s18 =	ssub.s32 $0x2, s13;
	s13 =	sshll.u32 s13, $0x1  }
0xb: {  	s8 =	sadd.s32 $0x5800, s12;
	s9 =	sadd.s32 $0x19400, s12;
	s11 =	smul.u32 $0x4E20, s2;
	v1 =	vmov s13  }
0xc: {  	s31 =	sshll.u32 s2, $0x6;
	_ =	strace $0x8000004A;
	s28 =	sshrl.u32 s18, $0x1;
	v4 =	vor.u32 $0x1, v0;
	v5 =	vor.u32 $0x2, v0;
	v6 =	vor.u32 $0x3, v0  }
0xd: {  	s29 =	sshrl.u32 s17, $0x2;
	s30 =	sshrl.u32 s11, $0x2;
	v7 =	vor.u32 $0x80, v0;
	v8 =	vor.u32 $0x81, v0;
	v9 =	vor.u32 $0x82, v0;
	s15 =	sadd.s32 s10, s14  }
0xe: {  	v10 =	vor.u32 $0x83, v0;
	v11 =	vor.u32 $0x100, v0;
	v12 =	vor.u32 $0x101, v0;
	s10 =	sadd.s32 $0x1A800, s12;
	s18 =	ssub.s32 s18, s28;
	s17 =	sadd.s32 s29, s3  }
0xf: {  	v13 =	vor.u32 $0x102, v0;
	v14 =	vor.u32 $0x103, v0;
	v15 =	vor.u32 $0x180, v0;
	s19 =	sadd.s32 s30, s4;
	s16 =	sshll.u32 s15, $0x3;
	s15 =	sadd.s32 s15, s12  }
0x10: {  	v16 =	vor.u32 $0x181, v0;
	v17 =	vor.u32 $0x182, v0;
	v2 =	vmov s14;
	s14 =	smax.u32 s18, $0x1;
	s17 =	sshrl.u32 s17, $0x3;
	s18 =	sshrl.u32 s19, $0x3  }
0x11: {  	v18 =	vor.u32 $0x183, v0;
	v19 =	vor.u32 $0x200, v0;
	v20 =	vor.u32 $0x201, v0;
	s19 =	simm.s32 $0x14D70;
	s16 =	sadd.s32 s16, s12;
	s13 =	sadd.s32 $0x41E00, s15  }
0x12: {  	v21 =	vor.u32 $0x202, v0;
	v22 =	vor.u32 $0x203, v0;
	v3 =	vor.u32 $0x1, v1;
	s15 =	simm.s32 $0x2;
	s12 =	sadd.s32 $0x1AC00, s16;
	s16 =	sor.u32 $0x1C02, s31  }
.LBB2_1:
0x13: {  	[tilespmem:s5], [sflag:$0x2] =	stream.linear.gather [hbm4b:s6+s5], $0x13880, $0x38;
	v63 =	vld [tilespmem:$0x0]  }
0x14: {  	_ =	swait.ge [sflag:s15], $0x13880  }
0x15: {  	[sflag:s15] =	ssyncset.done $0x0  }
0x16: {  	[sflag:s15] =	ssyncadd.s32 $0xFFFEC780  }
0x17: {  	[spmem:s17], [sflag:s16] =	dma.local [hbm:s9], $0x1388  }
0x18: {  	_ =	swait.ge [sflag:s15], $0x1388  }
0x19: {  	[sflag:s15] =	ssyncset.done $0x0  }
0x1a: {  	[sflag:s15] =	ssyncadd.s32 $0xFFFFEC78  }
0x1b: {  	[spmem:s18], [sflag:s16] =	dma.local [hbm:s10], $0x271  }
0x1c: {  	_ =	swait.ge [sflag:s15], $0x271  }
0x1d: {  	[sflag:s15] =	ssyncset.done $0x0  }
0x1e: {  	[sflag:s15] =	ssyncadd.s32 $0xFFFFFD8F  }
0x1f: {  	[tilespmem:s19], [sflag:$0x2] =	stream.linear.gather [hbm4b:s10+s5], $0x280, $0x38;
	v63 =	vld [tilespmem:$0x0]  }
0x20: {  	_ =	swait.ge [sflag:s15], $0x280  }
0x21: {  	[sflag:s15] =	ssyncset.done $0x0  }
0x22: {  	[sflag:s15] =	ssyncadd.s32 $0xFFFFFD80  }
0x23: {  	s28 =	simm.s32 $0x0;
	[bflag:$0x0] =	sbarrier.arrive $0xFFFF  }
.LBB2_2:
0x24: {  	s29 =	smul.u32 $0x50, s28;
	_ =	sdelay $0x1  }
0x25: {  	s29 =	sadd.s32 s11, s29  }
0x26: {  	s30 =	sshrl.u32 s29, $0x3  }
0x27: {  	s29 =	simm.s32 $0x0;
	s31 =	sadd.s32 s7, s30  }
0x28: {  	[tilespmem:s20], [sflag:$0x2] =	stream.linear.gather [hbm4b:s31+s29], $0x50, $0x38;
	v63 =	vld [tilespmem:$0x0]  }
0x29: {  	_ =	swait.ge [sflag:s15], $0x50  }
0x2a: {  	[sflag:s15] =	ssyncset.done $0x0  }
0x2b: {  	s30 =	sadd.s32 s8, s30;
	[sflag:s15] =	ssyncadd.s32 $0xFFFFFFB0  }
0x2c: {  	[tilespmem:s21], [sflag:$0x2] =	stream.linear.gather [hbm4b:s30+s29], $0x50, $0x38;
	v63 =	vld [tilespmem:$0x0]  }
0x2d: {  	_ =	swait.ge [sflag:s15], $0x50  }
0x2e: {  	[sflag:s15] =	ssyncset.done $0x0  }
0x2f: {  	[sflag:s15] =	ssyncadd.s32 $0xFFFFFFB0  }
0x30: {  	v23 =	vld [tilespmem:$0x13880]  }
0x31: {  	v24 =	vld [tilespmem:$0x13890]  }
0x32: {  	v25 =	vld [tilespmem:$0x138A0]  }
0x33: {  	v26 =	vld [tilespmem:$0x138B0]  }
0x34: {  	v27 =	vld [tilespmem:$0x138C0]  }
0x35: {  	v23 =	vadd.s32 v2, v23  }
0x36: {  	[tilespmem:$0x138D0] =	vst v23;
	v23 =	vadd.s32 v2, v24  }
0x37: {  	[tilespmem:$0x138E0] =	vst v23;
	v23 =	vadd.s32 v2, v25  }
0x38: {  	[tilespmem:$0x138F0] =	vst v23;
	v23 =	vadd.s32 v2, v26  }
0x39: {  	[tilespmem:$0x13900] =	vst v23;
	v23 =	vadd.s32 v2, v27  }
0x3a: {  	[tilespmem:$0x13910] =	vst v23  }
0x3b: {  	[tilespmem:s24], [sflag:$0x1] =	stream.indirect.gather [hbm4b:s1+s22], $0x40, s23, s22, $0xb8;
	v63 =	vld [tilespmem:$0x0]  }
0x3c: {  	_ =	swait.ge [sflag:s25], $0x1400  }
0x3d: {  	[sflag:s25] =	ssyncset.done $0x0  }
0x3e: {  	[sflag:s25] =	ssyncadd.s32 $0xFFFFEC00  }
0x3f: {  	v23 =	vld [tilespmem:$0x13880]  }
0x40: {  	v24 =	vld [tilespmem:$0x13920];
	_ =	sdelay $0x4  }
0x41: {  	v23 =	vshll.u32 v23, $0x3;
	v24 =	vshll.u32 v24, $0x3  }
0x42: {  	v25 =	vor.u32 $0x4, v24;
	_ =	sdelay $0x3  }
0x43: {  	v26 =	vld.idx.msk [tilespmem:v23+s29+$0x0], $0xffff  }
0x44: {  	v25 =	vld.idx.msk [tilespmem:v25+s29+$0x0], $0xffff;
	_ =	sdelay $0x4  }
0x45: {  	v25 =	vadd.f32 v25, v26;
	_ =	sdelay $0x1  }
0x46: {  	v26 =	vmul.f32 $2.000000030e-01, v25  }
0x47: {  	vm0 =	vge.f32 v25, $0.0e+00  }
0x48: {  	v25 =	vsel vm0, v25, v26  }
0x49: {  	v25 =	vmul.f32 $1.442695020e+00, v25;
	_ =	sdelay $0x1  }
0x4a: {  	(erf) = vpow2.f32 v25;
	_ =	sdelay $0x5  }
0x4b: {  	v25 =	vor.u32 $0x1, v23  }
0x4c: {  	v26 =	vor.u32 $0x5, v24;
	_ =	sdelay $0x1  }
0x4d: {  	v27 =	vpop (erf)  }
0x4e: {  	[tilespmem:v0+s19+$0x0] =	vst.idx.msk $0xffff, v27  }
0x4f: {  	v25 =	vld.idx.msk [tilespmem:v25+s29+$0x0], $0xffff  }
0x50: {  	v26 =	vld.idx.msk [tilespmem:v26+s29+$0x0], $0xffff;
	_ =	sdelay $0x4  }
0x51: {  	v25 =	vadd.f32 v26, v25;
	_ =	sdelay $0x1  }
0x52: {  	v26 =	vmul.f32 $2.000000030e-01, v25  }
0x53: {  	vm9 =	vge.f32 v25, $0.0e+00  }
0x54: {  	v25 =	vsel vm9, v25, v26  }
0x55: {  	v25 =	vmul.f32 $1.442695020e+00, v25;
	_ =	sdelay $0x1  }
0x56: {  	(erf) = vpow2.f32 v25;
	_ =	sdelay $0x5  }
0x57: {  	v25 =	vor.u32 $0x2, v23  }
0x58: {  	v26 =	vor.u32 $0x6, v24;
	_ =	sdelay $0x1  }
0x59: {  	v27 =	vpop (erf)  }
0x5a: {  	[tilespmem:v4+s19+$0x0] =	vst.idx.msk $0xffff, v27  }
0x5b: {  	v25 =	vld.idx.msk [tilespmem:v25+s29+$0x0], $0xffff  }
0x5c: {  	v26 =	vld.idx.msk [tilespmem:v26+s29+$0x0], $0xffff;
	_ =	sdelay $0x4  }
0x5d: {  	v25 =	vadd.f32 v26, v25;
	_ =	sdelay $0x1  }
0x5e: {  	v26 =	vmul.f32 $2.000000030e-01, v25  }
0x5f: {  	vm10 =	vge.f32 v25, $0.0e+00  }
0x60: {  	v25 =	vsel vm10, v25, v26  }
0x61: {  	v25 =	vmul.f32 $1.442695020e+00, v25;
	_ =	sdelay $0x1  }
0x62: {  	(erf) = vpow2.f32 v25;
	_ =	sdelay $0x5  }
0x63: {  	v23 =	vor.u32 $0x3, v23  }
0x64: {  	v24 =	vor.u32 $0x7, v24;
	_ =	sdelay $0x1  }
0x65: {  	v25 =	vpop (erf)  }
0x66: {  	[tilespmem:v5+s19+$0x0] =	vst.idx.msk $0xffff, v25  }
0x67: {  	v23 =	vld.idx.msk [tilespmem:v23+s29+$0x0], $0xffff  }
0x68: {  	v24 =	vld.idx.msk [tilespmem:v24+s29+$0x0], $0xffff;
	_ =	sdelay $0x4  }
0x69: {  	v23 =	vadd.f32 v24, v23;
	_ =	sdelay $0x1  }
0x6a: {  	v24 =	vmul.f32 $2.000000030e-01, v23  }
0x6b: {  	vm11 =	vge.f32 v23, $0.0e+00  }
0x6c: {  	v23 =	vsel vm11, v23, v24  }
0x6d: {  	v23 =	vmul.f32 $1.442695020e+00, v23;
	_ =	sdelay $0x1  }
0x6e: {  	(erf) = vpow2.f32 v23;
	_ =	sdelay $0x8  }
0x6f: {  	v23 =	vpop (erf)  }
0x70: {  	[tilespmem:v6+s19+$0x0] =	vst.idx.msk $0xffff, v23  }
0x71: {  	v23 =	vld [tilespmem:$0x13890]  }
0x72: {  	v24 =	vld [tilespmem:$0x13930];
	_ =	sdelay $0x4  }
0x73: {  	v23 =	vshll.u32 v23, $0x3;
	v24 =	vshll.u32 v24, $0x3  }
0x74: {  	v25 =	vor.u32 $0x4, v24;
	_ =	sdelay $0x3  }
0x75: {  	v26 =	vld.idx.msk [tilespmem:v23+s29+$0x0], $0xffff  }
0x76: {  	v25 =	vld.idx.msk [tilespmem:v25+s29+$0x0], $0xffff;
	_ =	sdelay $0x4  }
0x77: {  	v25 =	vadd.f32 v25, v26;
	_ =	sdelay $0x1  }
0x78: {  	v26 =	vmul.f32 $2.000000030e-01, v25  }
0x79: {  	vm12 =	vge.f32 v25, $0.0e+00  }
0x7a: {  	v25 =	vsel vm12, v25, v26  }
0x7b: {  	v25 =	vmul.f32 $1.442695020e+00, v25;
	_ =	sdelay $0x1  }
0x7c: {  	(erf) = vpow2.f32 v25;
	_ =	sdelay $0x5  }
0x7d: {  	v25 =	vor.u32 $0x1, v23  }
0x7e: {  	v26 =	vor.u32 $0x5, v24;
	_ =	sdelay $0x1  }
0x7f: {  	v27 =	vpop (erf)  }
0x80: {  	[tilespmem:v7+s19+$0x0] =	vst.idx.msk $0xffff, v27  }
0x81: {  	v25 =	vld.idx.msk [tilespmem:v25+s29+$0x0], $0xffff  }
0x82: {  	v26 =	vld.idx.msk [tilespmem:v26+s29+$0x0], $0xffff;
	_ =	sdelay $0x4  }
0x83: {  	v25 =	vadd.f32 v26, v25;
	_ =	sdelay $0x1  }
0x84: {  	v26 =	vmul.f32 $2.000000030e-01, v25  }
0x85: {  	vm13 =	vge.f32 v25, $0.0e+00  }
0x86: {  	v25 =	vsel vm13, v25, v26  }
0x87: {  	v25 =	vmul.f32 $1.442695020e+00, v25;
	_ =	sdelay $0x1  }
0x88: {  	(erf) = vpow2.f32 v25;
	_ =	sdelay $0x5  }
0x89: {  	v25 =	vor.u32 $0x2, v23  }
0x8a: {  	v26 =	vor.u32 $0x6, v24;
	_ =	sdelay $0x1  }
0x8b: {  	v27 =	vpop (erf)  }
0x8c: {  	[tilespmem:v8+s19+$0x0] =	vst.idx.msk $0xffff, v27  }
0x8d: {  	v25 =	vld.idx.msk [tilespmem:v25+s29+$0x0], $0xffff  }
0x8e: {  	v26 =	vld.idx.msk [tilespmem:v26+s29+$0x0], $0xffff;
	_ =	sdelay $0x4  }
0x8f: {  	v25 =	vadd.f32 v26, v25;
	_ =	sdelay $0x1  }
0x90: {  	v26 =	vmul.f32 $2.000000030e-01, v25  }
0x91: {  	vm14 =	vge.f32 v25, $0.0e+00  }
0x92: {  	v25 =	vsel vm14, v25, v26  }
0x93: {  	v25 =	vmul.f32 $1.442695020e+00, v25;
	_ =	sdelay $0x1  }
0x94: {  	(erf) = vpow2.f32 v25;
	_ =	sdelay $0x5  }
0x95: {  	v23 =	vor.u32 $0x3, v23  }
0x96: {  	v24 =	vor.u32 $0x7, v24;
	_ =	sdelay $0x1  }
0x97: {  	v25 =	vpop (erf)  }
0x98: {  	[tilespmem:v9+s19+$0x0] =	vst.idx.msk $0xffff, v25  }
0x99: {  	v23 =	vld.idx.msk [tilespmem:v23+s29+$0x0], $0xffff  }
0x9a: {  	v24 =	vld.idx.msk [tilespmem:v24+s29+$0x0], $0xffff;
	_ =	sdelay $0x4  }
0x9b: {  	v23 =	vadd.f32 v24, v23;
	_ =	sdelay $0x1  }
0x9c: {  	v24 =	vmul.f32 $2.000000030e-01, v23  }
0x9d: {  	vm15 =	vge.f32 v23, $0.0e+00  }
0x9e: {  	v23 =	vsel vm15, v23, v24  }
0x9f: {  	v23 =	vmul.f32 $1.442695020e+00, v23;
	_ =	sdelay $0x1  }
0xa0: {  	(erf) = vpow2.f32 v23;
	_ =	sdelay $0x8  }
0xa1: {  	v23 =	vpop (erf)  }
0xa2: {  	[tilespmem:v10+s19+$0x0] =	vst.idx.msk $0xffff, v23  }
0xa3: {  	v23 =	vld [tilespmem:$0x138A0]  }
0xa4: {  	v24 =	vld [tilespmem:$0x13940];
	_ =	sdelay $0x4  }
0xa5: {  	v23 =	vshll.u32 v23, $0x3;
	v24 =	vshll.u32 v24, $0x3  }
0xa6: {  	v25 =	vor.u32 $0x4, v24;
	_ =	sdelay $0x3  }
0xa7: {  	v26 =	vld.idx.msk [tilespmem:v23+s29+$0x0], $0xffff  }
0xa8: {  	v25 =	vld.idx.msk [tilespmem:v25+s29+$0x0], $0xffff;
	_ =	sdelay $0x4  }
0xa9: {  	v25 =	vadd.f32 v25, v26;
	_ =	sdelay $0x1  }
0xaa: {  	v26 =	vmul.f32 $2.000000030e-01, v25  }
0xab: {  	vm4 =	vge.f32 v25, $0.0e+00  }
0xac: {  	v25 =	vsel vm4, v25, v26  }
0xad: {  	v25 =	vmul.f32 $1.442695020e+00, v25;
	_ =	sdelay $0x1  }
0xae: {  	(erf) = vpow2.f32 v25;
	_ =	sdelay $0x5  }
0xaf: {  	v25 =	vor.u32 $0x1, v23  }
0xb0: {  	v26 =	vor.u32 $0x5, v24;
	_ =	sdelay $0x1  }
0xb1: {  	v27 =	vpop (erf)  }
0xb2: {  	[tilespmem:v11+s19+$0x0] =	vst.idx.msk $0xffff, v27  }
0xb3: {  	v25 =	vld.idx.msk [tilespmem:v25+s29+$0x0], $0xffff  }
0xb4: {  	v26 =	vld.idx.msk [tilespmem:v26+s29+$0x0], $0xffff;
	_ =	sdelay $0x4  }
0xb5: {  	v25 =	vadd.f32 v26, v25;
	_ =	sdelay $0x1  }
0xb6: {  	v26 =	vmul.f32 $2.000000030e-01, v25  }
0xb7: {  	vm5 =	vge.f32 v25, $0.0e+00  }
0xb8: {  	v25 =	vsel vm5, v25, v26  }
0xb9: {  	v25 =	vmul.f32 $1.442695020e+00, v25;
	_ =	sdelay $0x1  }
0xba: {  	(erf) = vpow2.f32 v25;
	_ =	sdelay $0x5  }
0xbb: {  	v25 =	vor.u32 $0x2, v23  }
0xbc: {  	v26 =	vor.u32 $0x6, v24;
	_ =	sdelay $0x1  }
0xbd: {  	v27 =	vpop (erf)  }
0xbe: {  	[tilespmem:v12+s19+$0x0] =	vst.idx.msk $0xffff, v27  }
0xbf: {  	v25 =	vld.idx.msk [tilespmem:v25+s29+$0x0], $0xffff  }
0xc0: {  	v26 =	vld.idx.msk [tilespmem:v26+s29+$0x0], $0xffff;
	_ =	sdelay $0x4  }
0xc1: {  	v25 =	vadd.f32 v26, v25;
	_ =	sdelay $0x1  }
0xc2: {  	v26 =	vmul.f32 $2.000000030e-01, v25  }
0xc3: {  	vm6 =	vge.f32 v25, $0.0e+00  }
0xc4: {  	v25 =	vsel vm6, v25, v26  }
0xc5: {  	v25 =	vmul.f32 $1.442695020e+00, v25;
	_ =	sdelay $0x1  }
0xc6: {  	(erf) = vpow2.f32 v25;
	_ =	sdelay $0x5  }
0xc7: {  	v23 =	vor.u32 $0x3, v23  }
0xc8: {  	v24 =	vor.u32 $0x7, v24;
	_ =	sdelay $0x1  }
0xc9: {  	v25 =	vpop (erf)  }
0xca: {  	[tilespmem:v13+s19+$0x0] =	vst.idx.msk $0xffff, v25  }
0xcb: {  	v23 =	vld.idx.msk [tilespmem:v23+s29+$0x0], $0xffff  }
0xcc: {  	v24 =	vld.idx.msk [tilespmem:v24+s29+$0x0], $0xffff;
	_ =	sdelay $0x4  }
0xcd: {  	v23 =	vadd.f32 v24, v23;
	_ =	sdelay $0x1  }
0xce: {  	v24 =	vmul.f32 $2.000000030e-01, v23  }
0xcf: {  	vm7 =	vge.f32 v23, $0.0e+00  }
0xd0: {  	v23 =	vsel vm7, v23, v24  }
0xd1: {  	v23 =	vmul.f32 $1.442695020e+00, v23;
	_ =	sdelay $0x1  }
0xd2: {  	(erf) = vpow2.f32 v23;
	_ =	sdelay $0x8  }
0xd3: {  	v23 =	vpop (erf)  }
0xd4: {  	[tilespmem:v14+s19+$0x0] =	vst.idx.msk $0xffff, v23  }
0xd5: {  	v23 =	vld [tilespmem:$0x138B0]  }
0xd6: {  	v24 =	vld [tilespmem:$0x13950];
	_ =	sdelay $0x4  }
0xd7: {  	v23 =	vshll.u32 v23, $0x3;
	v24 =	vshll.u32 v24, $0x3  }
0xd8: {  	v25 =	vor.u32 $0x4, v24;
	_ =	sdelay $0x3  }
0xd9: {  	v26 =	vld.idx.msk [tilespmem:v23+s29+$0x0], $0xffff  }
0xda: {  	v25 =	vld.idx.msk [tilespmem:v25+s29+$0x0], $0xffff;
	_ =	sdelay $0x4  }
0xdb: {  	v25 =	vadd.f32 v25, v26;
	_ =	sdelay $0x1  }
0xdc: {  	v26 =	vmul.f32 $2.000000030e-01, v25  }
0xdd: {  	vm8 =	vge.f32 v25, $0.0e+00  }
0xde: {  	v25 =	vsel vm8, v25, v26  }
0xdf: {  	v25 =	vmul.f32 $1.442695020e+00, v25;
	_ =	sdelay $0x1  }
0xe0: {  	(erf) = vpow2.f32 v25;
	_ =	sdelay $0x5  }
0xe1: {  	v25 =	vor.u32 $0x1, v23  }
0xe2: {  	v26 =	vor.u32 $0x5, v24;
	_ =	sdelay $0x1  }
0xe3: {  	v27 =	vpop (erf)  }
0xe4: {  	[tilespmem:v15+s19+$0x0] =	vst.idx.msk $0xffff, v27  }
0xe5: {  	v25 =	vld.idx.msk [tilespmem:v25+s29+$0x0], $0xffff  }
0xe6: {  	v26 =	vld.idx.msk [tilespmem:v26+s29+$0x0], $0xffff;
	_ =	sdelay $0x4  }
0xe7: {  	v25 =	vadd.f32 v26, v25;
	_ =	sdelay $0x1  }
0xe8: {  	v26 =	vmul.f32 $2.000000030e-01, v25  }
0xe9: {  	vm9 =	vge.f32 v25, $0.0e+00  }
0xea: {  	v25 =	vsel vm9, v25, v26  }
0xeb: {  	v25 =	vmul.f32 $1.442695020e+00, v25;
	_ =	sdelay $0x1  }
0xec: {  	(erf) = vpow2.f32 v25;
	_ =	sdelay $0x5  }
0xed: {  	v25 =	vor.u32 $0x2, v23  }
0xee: {  	v26 =	vor.u32 $0x6, v24;
	_ =	sdelay $0x1  }
0xef: {  	v27 =	vpop (erf)  }
0xf0: {  	[tilespmem:v16+s19+$0x0] =	vst.idx.msk $0xffff, v27  }
0xf1: {  	v25 =	vld.idx.msk [tilespmem:v25+s29+$0x0], $0xffff  }
0xf2: {  	v26 =	vld.idx.msk [tilespmem:v26+s29+$0x0], $0xffff;
	_ =	sdelay $0x4  }
0xf3: {  	v25 =	vadd.f32 v26, v25;
	_ =	sdelay $0x1  }
0xf4: {  	v26 =	vmul.f32 $2.000000030e-01, v25  }
0xf5: {  	vm10 =	vge.f32 v25, $0.0e+00  }
0xf6: {  	v25 =	vsel vm10, v25, v26  }
0xf7: {  	v25 =	vmul.f32 $1.442695020e+00, v25;
	_ =	sdelay $0x1  }
0xf8: {  	(erf) = vpow2.f32 v25;
	_ =	sdelay $0x5  }
0xf9: {  	v23 =	vor.u32 $0x3, v23  }
0xfa: {  	v24 =	vor.u32 $0x7, v24;
	_ =	sdelay $0x1  }
0xfb: {  	v25 =	vpop (erf)  }
0xfc: {  	[tilespmem:v17+s19+$0x0] =	vst.idx.msk $0xffff, v25  }
0xfd: {  	v23 =	vld.idx.msk [tilespmem:v23+s29+$0x0], $0xffff  }
0xfe: {  	v24 =	vld.idx.msk [tilespmem:v24+s29+$0x0], $0xffff;
	_ =	sdelay $0x4  }
0xff: {  	v23 =	vadd.f32 v24, v23;
	_ =	sdelay $0x1  }
0x100: {  	v24 =	vmul.f32 $2.000000030e-01, v23  }
0x101: {  	vm11 =	vge.f32 v23, $0.0e+00  }
0x102: {  	v23 =	vsel vm11, v23, v24  }
0x103: {  	v23 =	vmul.f32 $1.442695020e+00, v23;
	_ =	sdelay $0x1  }
0x104: {  	(erf) = vpow2.f32 v23;
	_ =	sdelay $0x8  }
0x105: {  	v23 =	vpop (erf)  }
0x106: {  	[tilespmem:v18+s19+$0x0] =	vst.idx.msk $0xffff, v23  }
0x107: {  	v23 =	vld [tilespmem:$0x138C0]  }
0x108: {  	v24 =	vld [tilespmem:$0x13960];
	_ =	sdelay $0x4  }
0x109: {  	v23 =	vshll.u32 v23, $0x3;
	v24 =	vshll.u32 v24, $0x3  }
0x10a: {  	v25 =	vor.u32 $0x4, v24;
	_ =	sdelay $0x3  }
0x10b: {  	v26 =	vld.idx.msk [tilespmem:v23+s29+$0x0], $0xffff  }
0x10c: {  	v25 =	vld.idx.msk [tilespmem:v25+s29+$0x0], $0xffff;
	_ =	sdelay $0x4  }
0x10d: {  	v25 =	vadd.f32 v25, v26;
	_ =	sdelay $0x1  }
0x10e: {  	v26 =	vmul.f32 $2.000000030e-01, v25  }
0x10f: {  	vm12 =	vge.f32 v25, $0.0e+00  }
0x110: {  	v25 =	vsel vm12, v25, v26  }
0x111: {  	v25 =	vmul.f32 $1.442695020e+00, v25;
	_ =	sdelay $0x1  }
0x112: {  	(erf) = vpow2.f32 v25;
	_ =	sdelay $0x5  }
0x113: {  	v25 =	vor.u32 $0x1, v23  }
0x114: {  	v26 =	vor.u32 $0x5, v24;
	_ =	sdelay $0x1  }
0x115: {  	v27 =	vpop (erf)  }
0x116: {  	[tilespmem:v19+s19+$0x0] =	vst.idx.msk $0xffff, v27  }
0x117: {  	v25 =	vld.idx.msk [tilespmem:v25+s29+$0x0], $0xffff  }
0x118: {  	v26 =	vld.idx.msk [tilespmem:v26+s29+$0x0], $0xffff;
	_ =	sdelay $0x4  }
0x119: {  	v25 =	vadd.f32 v26, v25;
	_ =	sdelay $0x1  }
0x11a: {  	v26 =	vmul.f32 $2.000000030e-01, v25  }
0x11b: {  	vm13 =	vge.f32 v25, $0.0e+00  }
0x11c: {  	v25 =	vsel vm13, v25, v26  }
0x11d: {  	v25 =	vmul.f32 $1.442695020e+00, v25;
	_ =	sdelay $0x1  }
0x11e: {  	(erf) = vpow2.f32 v25;
	_ =	sdelay $0x5  }
0x11f: {  	v25 =	vor.u32 $0x2, v23  }
0x120: {  	v26 =	vor.u32 $0x6, v24;
	_ =	sdelay $0x1  }
0x121: {  	v27 =	vpop (erf)  }
0x122: {  	[tilespmem:v20+s19+$0x0] =	vst.idx.msk $0xffff, v27  }
0x123: {  	v25 =	vld.idx.msk [tilespmem:v25+s29+$0x0], $0xffff  }
0x124: {  	v26 =	vld.idx.msk [tilespmem:v26+s29+$0x0], $0xffff;
	_ =	sdelay $0x4  }
0x125: {  	v25 =	vadd.f32 v26, v25;
	_ =	sdelay $0x1  }
0x126: {  	v26 =	vmul.f32 $2.000000030e-01, v25  }
0x127: {  	vm14 =	vge.f32 v25, $0.0e+00  }
0x128: {  	v25 =	vsel vm14, v25, v26  }
0x129: {  	v25 =	vmul.f32 $1.442695020e+00, v25;
	_ =	sdelay $0x1  }
0x12a: {  	(erf) = vpow2.f32 v25;
	_ =	sdelay $0x5  }
0x12b: {  	v23 =	vor.u32 $0x3, v23  }
0x12c: {  	v24 =	vor.u32 $0x7, v24;
	_ =	sdelay $0x1  }
0x12d: {  	v25 =	vpop (erf)  }
0x12e: {  	[tilespmem:v21+s19+$0x0] =	vst.idx.msk $0xffff, v25  }
0x12f: {  	v23 =	vld.idx.msk [tilespmem:v23+s29+$0x0], $0xffff  }
0x130: {  	v24 =	vld.idx.msk [tilespmem:v24+s29+$0x0], $0xffff;
	_ =	sdelay $0x4  }
0x131: {  	v23 =	vadd.f32 v24, v23;
	_ =	sdelay $0x1  }
0x132: {  	v24 =	vmul.f32 $2.000000030e-01, v23  }
0x133: {  	vm15 =	vge.f32 v23, $0.0e+00  }
0x134: {  	v23 =	vsel vm15, v23, v24  }
0x135: {  	v23 =	vmul.f32 $1.442695020e+00, v23;
	_ =	sdelay $0x1  }
0x136: {  	(erf) = vpow2.f32 v23;
	_ =	sdelay $0x5  }
0x137: {  	s29 =	simm.s32 $0x0  }
0x138: {  	v23 =	vor.u32 s29, v1;
	_ =	sdelay $0x1  }
0x139: {  	v25 =	vor.u32 s29, v3;
	v24 =	vpop (erf)  }
0x13a: {  	s29 =	simm.s32 $0x13990;
	[tilespmem:v22+s19+$0x0] =	vst.idx.msk $0xffff, v24  }
0x13b: {  	v27 =	vld [tilespmem:s29+$0xFFFFFFE0]  }
0x13c: {  	v23 =	vld.idx.msk [tilespmem:v23+s19+$0x0], $0xffff  }
0x13d: {  	v24 =	vld [tilespmem:s29+$0xFFFFFFF0]  }
0x13e: {  	v26 =	vld.idx.msk [tilespmem:v25+s19+$0x0], $0xffff  }
0x13f: {  	v29 =	vld [tilespmem:s29+$0x0];
	_ =	sdelay $0x1  }
0x140: {  	v28 =	vmul.f32 v27, v23;
	v27 =	vld [tilespmem:s29+$0x10]  }
0x141: {  	s31 =	simm.s32 $0x8  }
0x142: {  	v25 =	vor.u32 s31, v1  }
0x143: {  	s30 =	simm.s32 $0x2;
	v23 =	vmul.f32 v24, v23;
	v24 =	vor.u32 s31, v3;
	v29 =	vmul.f32 v29, v26;
	s31 =	simm.s32 $0x13990  }
.LBB2_3:
0x144: {  	p0 =	sne.s32 s30, $0x4F  }
0x145: {  	[tilespmem:s29+$0xFFFFFFE0] =	vst v28;
	v26 =	vmul.f32 v27, v26;
	s31 =	sadd.s32 $0x40, s31;
	s0 =	smov.u32 s30;
	s30 =	sadd.s32 $0x1, s30  }
0x146: {  	[tilespmem:s29+$0x0] =	vst v29  }
0x147: {  	v29 =	vld [tilespmem:s31+$0xFFFFFFF0];
	[tilespmem:s29+$0x10] =	vst v26  }
0x148: {  	v28 =	vld [tilespmem:s31+$0xFFFFFFE0];
	[tilespmem:s29+$0xFFFFFFF0] =	vst v23;
	s29 =	smov.u32 s31  }
0x149: {  	v23 =	vld.idx.msk [tilespmem:v25+s19+$0x0], $0xffff  }
0x14a: {  	v26 =	vld.idx.msk [tilespmem:v24+s19+$0x0], $0xffff  }
0x14b: {  	v30 =	vld [tilespmem:s31+$0x0]  }
.Ltmp0:
0x14c: {  	v27 =	vld [tilespmem:s31+$0x10];
	(pc) =	sbr.rel @p0 .LBB2_3-.Ltmp0, $3  }
0x14d: {  	_ =	sdelay $0x1  }
0x14e: {  	s0 =	sshll.u32 s0, $0x3;
	v28 =	vmul.f32 v28, v23;
	v23 =	vmul.f32 v29, v23  }
0x14f: {  	v25 =	vor.u32 s0, v1;
	v24 =	vor.u32 s0, v3;
	v29 =	vmul.f32 v30, v26  }
0x150: {  	[tilespmem:s29+$0xFFFFFFE0] =	vst v28;
	v26 =	vmul.f32 v27, v26  }
0x151: {  	s0 =	sadd.s32 $0x40, s31;
	[tilespmem:s29+$0x0] =	vst v29  }
0x152: {  	v61 =	vld [tilespmem:s0+$0xFFFFFFF0];
	[tilespmem:s29+$0x10] =	vst v26  }
0x153: {  	v26 =	vld [tilespmem:s0+$0xFFFFFFE0];
	[tilespmem:s29+$0xFFFFFFF0] =	vst v23  }
0x154: {  	v23 =	vld.idx.msk [tilespmem:v25+s19+$0x0], $0xffff  }
0x155: {  	v24 =	vld.idx.msk [tilespmem:v24+s19+$0x0], $0xffff  }
0x156: {  	v62 =	vld [tilespmem:s0+$0x0]  }
0x157: {  	v28 =	vld [tilespmem:s0+$0x10];
	_ =	sdelay $0x2  }
0x158: {  	v26 =	vmul.f32 v26, v23  }
0x159: {  	v25 =	vmul.f32 v62, v24  }
0x15a: {  	v24 =	vmul.f32 v28, v24;
	[tilespmem:s0+$0xFFFFFFE0] =	vst v26  }
0x15b: {  	v23 =	vmul.f32 v61, v23;
	[tilespmem:s0+$0x0] =	vst v25  }
0x15c: {  	[tilespmem:s0+$0x10] =	vst v24  }
0x15d: {  	[tilespmem:s0+$0xFFFFFFF0] =	vst v23  }
0x15e: {  	[spmem:s3] =	stream.indirect.scatter.add.f32 [tilespmem:s24], [sflag:$0x2], $0x40, s21, s22, $0xb8;
	v63 =	vld [tilespmem:$0x0]  }
0x15f: {  	s28 =	sadd.s32 $0x1, s28;
	_ =	swait.ge [sflag:s15], $0x1400  }
0x160: {  	p0 =	sne.s32 s28, $0xFA;
	[sflag:s15] =	ssyncset.done $0x0  }
.Ltmp1:
0x161: {  	[sflag:s15] =	ssyncadd.s32 $0xFFFFEC00;
	(pc) =	sbr.rel @p0 .LBB2_2-.Ltmp1, $4  }
0x162: {  	[spmem:s4] =	stream.indirect.scatter.add.f32 [tilespmem:s19], [sflag:$0x2], $0x8, s21, s22, $0xb8;
	v63 =	vld [tilespmem:$0x0]  }
0x163: {  	_ =	swait.ge [sflag:s15], $0x280  }
0x164: {  	[sflag:s15] =	ssyncset.done $0x0  }
0x165: {  	[sflag:s15] =	ssyncadd.s32 $0xFFFFFD80  }
0x166: {  	[bflag:$0x0] =	sbarrier.arrive $0xFFFF  }
0x167: {  	[hbm:s12], [sflag:s16] =	dma.local [spmem:s17], $0x1388  }
0x168: {  	s26 =	sadd.s32 $0x1, s26;
	_ =	swait.ge [sflag:s15], $0x1388  }
0x169: {  	p0 =	sne.s32 s26, s14;
	[sflag:s15] =	ssyncset.done $0x0  }
.Ltmp2:
0x16a: {  	[sflag:s15] =	ssyncadd.s32 $0xFFFFEC78;
	(pc) =	sbr.rel @p0 .LBB2_1-.Ltmp2, $4  }
0x16b: {  	[hbm:s13], [sflag:s16] =	dma.local [spmem:s18], $0x271  }
0x16c: {  	_ =	swait.ge [sflag:s15], $0x271  }
0x16d: {  	[sflag:s15] =	ssyncset.done $0x0  }
0x16e: {  	[sflag:s15] =	ssyncadd.s32 $0xFFFFFD8F  }
0x16f: {  	_ =	sfence.sel $0x180000  }
0x170: {  	[bflag:$0x0] =	sbarrier.arrive $0xFFFF  }
0x171: {  	_ =	strace $0x9000004A  }
0x172: {  	[bflag:$0x2] =	sbarrier.arrive $0xFFFF  }
0x173: {  	p0 =	sne.s32 s2, $0x0;
	s0 =	rddreg [dreg:$0x4]  }
0x174: {  	s0 =	sadd.s32 @!p0 $0x100000, s0  }
0x175: {  	[sflag:s0] =	ssyncadd.tile.s32 @!p0 $0x1;
	_ =	shalt  }
.Lfunc_end2:
_tile_overlayer_lowered:
.L_overlay_start_2:
0x176: {  	(tag) =	ssettag $0x2  }
0x177: {  	s0 =	rddreg [dreg:$0x0];
	s2 =	stileid.u32  }
0x178: {  	s1 =	rddreg [dreg:$0x1];
	p0 =	sne.s32 s2, $0x0  }
0x179: {  	s3 =	rddreg [dreg:$0x2];
	[bflag:$0x3] =	sbarrier.arrive $0xFFFF;
	s2 =	simm.s32 @!p0 $0x1C02  }
0x17a: {  	[timem:s3], [sflag:s2] =	dma.local @!p0 [hbm:s0], s1  }
0x17b: {  	s0 =	simm.s32 @!p0 $0x2  }
0x17c: {  	_ =	swait.ge @!p0 [sflag:s0], s1  }
0x17d: {  	s1 =	ssub.s32 @!p0 $0x0, s1;
	[sflag:s0] =	ssyncset.done @!p0 $0x0  }
0x17e: {  	[sflag:s0] =	ssyncadd.s32 @!p0 s1  }
0x17f: {  	[bflag:$0x3] =	sbarrier.arrive $0xFFFF  }
0x180: {  	_ =	shalt  }

// kernel: kernel.15.cloned.1.call-start
scs
__scs_entry_jumppad:
0x0: {  	(pc) =	sbr.rel $0x88, $3  }
0x1: {  	(tag) =	ssettag $0x0;
	lr =	simm.s32 $0x1  }
0x2: {  	[smem:$0x3F93] =	sst lr;
	_ =	strace $0xD0000000  }
0x3: {  	_ = 	snop  }
0x4: {  	_ = 	snop  }
0x5: {  	_ = 	snop  }
0x6: {  	_ = 	snop  }
0x7: {  	_ = 	snop  }
__scs_overlays_trampoline_lowered:
0x8: {  	[smem:$0x3FA2] =	sst s0  }
0x9: {  	[smem:$0x3FA3] =	sst s1  }
0xa: {  	[smem:$0x3FA4] =	sst s2  }
0xb: {  	[smem:$0x3FA5] =	sst s3  }
0xc: {  	[smem:$0x3FA6] =	sst s4  }
0xd: {  	[smem:$0x3FA7] =	sst s5  }
0xe: {  	[smem:$0x3FA8] =	sst s6  }
0xf: {  	[smem:$0x3FA9] =	sst s7  }
0x10: {  	[smem:$0x3FAA] =	sst s8  }
0x11: {  	[smem:$0x3FAB] =	sst s9;
	s0 =	simm.s32 @!p0 $0x0  }
0x12: {  	s1 =	sld [smem:$0x3F91];
	s0 =	simm.s32 @p0 $0x1  }
0x13: {  	[smem:$0x3FAC] =	sst s0;
	s0 =	simm.s32 @!p1 $0x0  }
0x14: {  	s2 =	sld [smem:$0x3F90];
	s0 =	simm.s32 @p1 $0x1  }
0x15: {  	[smem:$0x3FAD] =	sst s0;
	s0 =	simm.s32 @!p2 $0x0  }
0x16: {  	s3 =	sld [smem:$0x3FDB];
	s0 =	simm.s32 @p2 $0x1  }
0x17: {  	s4 =	simm.s32 $0x1BF5;
	[smem:$0x3FAF] =	sst s0  }
0x18: {  	s0 =	sld [smem:$0x3F92];
	_ =	swait.ge [sflag:s4], $0x0  }
0x19: {  	s7 =	sld [smem:$0x3F93]  }
0x1a: {  	s8 =	sadd.s32 $0xFFFFE003, lr  }
0x1b: {  	s9 =	sadd.s32 $0xFFFFFEF7, lr;
	s5 =	simm.s32 $0xFFFFFFFF;
	p2 =	slt.u32 s8, $0xFFFFF086  }
0x1c: {  	p1 =	slt.u32 s9, $0xF7A;
	s5 =	simm.s32 @!p2 $0x0  }
0x1d: {  	s5 =	simm.s32 @p1 $0x1;
	p0 =	seq.s32 s7, s2  }
0x1e: {  	s7 =	smul.u32 @!p0 $0xF7A, s2;
	p2 =	seq.s32 @!p0 s5, $0x0  }
0x1f: {  	s9 =	smul.u32 $0xF7A, s1;
	s8 =	simm.s32 @!p0 $0x1BF5;
	p2 =	por !p2, p0  }
0x20: {  	[sflag:s8] =	ssyncset.s32 @!p0 $0xFFFFF086;
	s6 =	sadd.s32 @!p0 s3, s7;
	s7 =	simm.s32 @!p0 $0x108  }
0x21: {  	s3 =	sadd.s32 s3, s9;
	s6 =	sadd.s32 @!p0 $0x88, s6;
	s7 =	simm.s32 @p2 $0x1082  }
0x22: {  	[simem:s7], [sflag:s8] =	dma.local @!p0 [hbm:s6], $0xF7A  }
0x23: {  	s9 =	sor.u32 $0xD0000000, s2;
	s6 =	simm.s32 $0x108;
	_ =	swait.ge @!p0 [sflag:s8], $0x0  }
0x24: {  	s3 =	sadd.s32 $0x88, s3;
	s6 =	simm.s32 @!p1 $0x1082;
	[sflag:s4] =	ssyncset.s32 $0xFFFFF086  }
0x25: {  	[simem:s6], [sflag:s4] =	dma.local [hbm:s3], $0xF7A  }
0x26: {  	[smem:$0x3F93] =	sst s1;
	(tag) =	ssettag s2;
	_ =	strace s9  }
0x27: {  	s1 =	sld [smem:$0x3FA3]  }
0x28: {  	s2 =	sld [smem:$0x3FA4]  }
0x29: {  	s4 =	sld [smem:$0x3FA6]  }
0x2a: {  	p0 =	seq.s32 s5, $0x0;
	s5 =	sld [smem:$0x3FA7]  }
0x2b: {  	s6 =	sld [smem:$0x3FA8]  }
0x2c: {  	s7 =	sld [smem:$0x3FA9]  }
0x2d: {  	s3 =	simm.s32 $0x108;
	s8 =	sld [smem:$0x3FAA]  }
0x2e: {  	s3 =	simm.s32 @!p0 $0x1082;
	s9 =	sld [smem:$0x3FAB]  }
0x2f: {  	lr =	sadd.s32 s0, s3;
	s0 =	sld [smem:$0x3FA2]  }
0x30: {  	s3 =	sld [smem:$0x3FA5]  }
0x31: {  	[smem:$0x3FAE] =	sst s10  }
0x32: {  	s10 =	sld [smem:$0x3FAC];
	_ =	sdelay $0x3  }
0x33: {  	p0 =	seq.s32 s10, $0x1;
	s10 =	sld [smem:$0x3FAE];
	_ =	sdelay $0x3  }
0x34: {  	[smem:$0x3FAE] =	sst s10  }
0x35: {  	s10 =	sld [smem:$0x3FAD];
	_ =	sdelay $0x3  }
0x36: {  	p1 =	seq.s32 s10, $0x1;
	s10 =	sld [smem:$0x3FAE];
	_ =	sdelay $0x3  }
0x37: {  	[smem:$0x3FAE] =	sst s10  }
0x38: {  	s10 =	sld [smem:$0x3FAF]  }
0x39: {  	_ = 	snop;
	(pc) =	sbr.ind lr, $3  }
0x3a: {  	_ = 	snop  }
0x3b: {  	_ = 	snop  }
0x3c: {  	p2 =	seq.s32 s10, $0x1;
	s10 =	sld [smem:$0x3FAE]  }
0x3d: {  	_ =	shalt  }
0x3e: {  	_ =	shalt  }
0x3f: {  	_ =	shalt  }
0x40: {  	_ =	shalt  }
0x41: {  	_ =	shalt  }
0x42: {  	_ =	shalt  }
0x43: {  	_ =	shalt  }
0x44: {  	_ =	shalt  }
0x45: {  	_ =	shalt  }
0x46: {  	_ =	shalt  }
0x47: {  	_ =	shalt  }
0x48: {  	_ =	shalt  }
0x49: {  	_ =	shalt  }
0x4a: {  	_ =	shalt  }
0x4b: {  	_ =	shalt  }
0x4c: {  	_ =	shalt  }
0x4d: {  	_ =	shalt  }
0x4e: {  	_ =	shalt  }
0x4f: {  	_ =	shalt  }
0x50: {  	_ =	shalt  }
0x51: {  	_ =	shalt  }
0x52: {  	_ =	shalt  }
0x53: {  	_ =	shalt  }
0x54: {  	_ =	shalt  }
0x55: {  	_ =	shalt  }
0x56: {  	_ =	shalt  }
0x57: {  	_ =	shalt  }
0x58: {  	_ =	shalt  }
0x59: {  	_ =	shalt  }
0x5a: {  	_ =	shalt  }
0x5b: {  	_ =	shalt  }
0x5c: {  	_ =	shalt  }
0x5d: {  	_ =	shalt  }
0x5e: {  	_ =	shalt  }
0x5f: {  	_ =	shalt  }
0x60: {  	_ =	shalt  }
0x61: {  	_ =	shalt  }
0x62: {  	_ =	shalt  }
0x63: {  	_ =	shalt  }
0x64: {  	_ =	shalt  }
0x65: {  	_ =	shalt  }
0x66: {  	_ =	shalt  }
0x67: {  	_ =	shalt  }
0x68: {  	_ =	shalt  }
0x69: {  	_ =	shalt  }
0x6a: {  	_ =	shalt  }
0x6b: {  	_ =	shalt  }
0x6c: {  	_ =	shalt  }
0x6d: {  	_ =	shalt  }
0x6e: {  	_ =	shalt  }
0x6f: {  	_ =	shalt  }
0x70: {  	_ =	shalt  }
0x71: {  	_ =	shalt  }
0x72: {  	_ =	shalt  }
0x73: {  	_ =	shalt  }
0x74: {  	_ =	shalt  }
0x75: {  	_ =	shalt  }
0x76: {  	_ =	shalt  }
0x77: {  	_ =	shalt  }
0x78: {  	_ =	shalt  }
0x79: {  	_ =	shalt  }
0x7a: {  	_ =	shalt  }
0x7b: {  	_ =	shalt  }
0x7c: {  	_ =	shalt  }
0x7d: {  	_ =	shalt  }
0x7e: {  	_ =	shalt  }
0x7f: {  	_ =	shalt  }
0x80: {  	_ =	shalt  }
0x81: {  	_ =	shalt  }
0x82: {  	_ =	shalt  }
0x83: {  	_ =	shalt  }
0x84: {  	_ =	shalt  }
0x85: {  	_ =	shalt  }
0x86: {  	_ =	shalt  }
0x87: {  	_ =	shalt  }
.Lfunc_end0:
.L_simem_size_0:
called_computation.2_lowered:
.L_overlay_start_0:
0x88: {  	s2 =	sld [smem:$0x3FD9]  }
0x89: {  	s3 =	sld [smem:$0x3FFE];
	_ =	sdelay $0x1  }
0x8a: {  	s1 =	srdreg.scid  }
0x8b: {  	s0 =	sand.u32 $0x1, s1  }
0x8c: {  	s17 =	sshll.u32 s0, $0xA;
	s2 =	sadd.s32 s3, s2  }
0x8d: {  	s2 =	sadd.s32 s2, s17  }
0x8e: {  	[smem:$0x3FBA] =	sst s2  }
0x8f: {  	_ = 	snop  }
0x90: {  	s2 =	sld [smem:$0x3FD0];
	(tm) =	ssettm $0x1  }
0x91: {  	s18 =	sld [smem:$0x3FFB];
	_ =	sdelay $0x3  }
0x92: {  	_ =	strace s18  }
0x93: {  	s3 =	sld [smem:$0x3FFC];
	_ =	sdelay $0x3  }
0x94: {  	_ =	strace s3  }
0x95: {  	s3 =	sld [smem:$0x3FFD];
	_ =	sdelay $0x3  }
0x96: {  	_ =	strace s3  }
0x97: {  	_ =	strace $0x8FFFFFFF  }
0x98: {  	s19 =	sld [smem:$0x3FDB];
	_ =	sdelay $0x1  }
0x99: {  	s4 =	simm.s32 $_scs_section_size  }
0x9a: {  	s5 =	simm.s32 $_size__tile_overlayer_lowered;
	s6 =	simm.s32 $_tile_overlayer_lowered  }
0x9b: {  	s22 =	simm.s32 $0x1BFF;
	s21 =	sshll.u32 s6, $0x1;
	s3 =	sadd.s32 s4, s19  }
0x9c: {  	s7 =	simm.s32 $0x0;
	s20 =	sshll.u32 s5, $0x1;
	s5 =	sadd.s32 s21, s3  }
0x9d: {  	[timem:s7], [sflag:s22] =	dma.local [hbm:s5], s20  }
0x9e: {  	_ =	swait.ge [sflag:s22], s20  }
0x9f: {  	s4 =	ssub.s32 $0x0, s20;
	[sflag:s22] =	ssyncset.done $0x0  }
0xa0: {  	[sflag:s22] =	ssyncadd.s32 s4;
	_ =	sdelay $0x1  }
0xa1: {  	s23 =	simm.s32 $0x1B8B  }
0xa2: {  	_ =	swait.ge [sflag:s23], $0x1  }
0xa3: {  	[sflag:s23] =	ssyncset.done $0x0  }
0xa4: {  	s25 =	simm.s32 $0x1B8E;
	s24 =	sld [smem:$0x3FFE];
	[sflag:s23] =	ssyncadd.s32 $0xFFFFFFFF  }
0xa5: {  	s26 =	simm.s32 $execute0_lowered;
	[smem:$0x3FD2] =	sst s25  }
0xa6: {  	s5 =	sshll.u32 s26, $0x1;
	_ =	strace $0x8000004C;
	[dreg:$0x1] =	wrdreg $0xFFFFFFFF  }
0xa7: {  	s28 =	simm.s32 $_size_execute0_lowered;
	s3 =	sadd.s32 s3, s5;
	[dreg:$0x0] =	wrdreg $0x0  }
0xa8: {  	s5 =	sshll.u32 s28, $0x1;
	[dreg:$0x2] =	wrdreg s3  }
0xa9: {  	[dreg:$0x3] =	wrdreg s5  }
0xaa: {  	[dreg:$0x4] =	wrdreg $0xC0  }
0xab: {  	_ =	task [dreg:s7], $0x5FFFF  }
0xac: {  	[dreg:$0x1] =	wrdreg $0xFFFFFFFF  }
0xad: {  	[dreg:$0x0] =	wrdreg $0x60  }
0xae: {  	[dreg:$0x2] =	wrdreg s2  }
0xaf: {  	[dreg:$0x3] =	wrdreg s24  }
0xb0: {  	[dreg:$0x4] =	wrdreg $0x14FF00  }
0xb1: {  	[dreg:$0x5] =	wrdreg $0x1EC300  }
0xb2: {  	[dreg:$0x6] =	wrdreg $0x9  }
0xb3: {  	_ =	task.clear_ibuf [dreg:s7], $0x7FFFF;
	_ =	strace $0x9000004C  }
0xb4: {  	s29 =	simm.s32 $0x9;
	_ =	strace $0x8000004E  }
0xb5: {  	_ =	swait.ge [sflag:s29], $0x1  }
0xb6: {  	[sflag:s29] =	ssyncadd.s32 $0xFFFFFFFF  }
0xb7: {  	_ =	strace $0x9000004E  }
0xb8: {  	_ =	sfence  }
0xb9: {  	s30 =	sld [smem:$0x0];
	_ =	sdelay $0x2  }
0xba: {  	s31 =	sshll.u32 s1, $0xD;
	s1 =	sshrl.u32 s1, $0x2  }
0xbb: {  	s3 =	sand.u32 $0x4000, s31;
	s1 =	sadd.s32 s1, s30  }
0xbc: {  	s0 =	sor.u32 s3, s0;
	s1 =	sshll.u32 s1, $0x11  }
0xbd: {  	s0 =	sor.u32 s1, s0  }
0xbe: {  	s0 =	sadd.s32 $0x8F2B, s0  }
0xbf: {  	[sflag:s0] =	ssyncadd.remote.s32 $0x1  }
0xc0: {  	_ =	sfence.sel $0xFFFF  }
0xc1: {  	[dreg:$0x0] =	wrdreg $0xFFFFFFFF;
	(pc) =	sbr.abs _section_cstart, $3  }
0xc2: {  	[dreg:$0x1] =	wrdreg $0xFFFFFFFF  }
0xc3: {  	_ =	task.clear_ibuf [dreg:s7], $0x2FFFF;
	_ =	strace $0x9FFFFFFF  }
0xc4: {  	(tm) =	ssettm $0x7FFFFFFF  }
0xc5: {  	_ =	shalt  }
tec
execute0_lowered:
.L_overlay_start_1:
0x0: {  	(tag) =	ssettag $0x1  }
0x1: {  	s1 =	rddreg [dreg:$0x0]  }
0x2: {  	s12 =	rddreg [dreg:$0x1]  }
0x3: {  	s3 =	rddreg [dreg:$0x2]  }
0x4: {  	s4 =	rddreg [dreg:$0x3];
	s6 =	srdreg.scid  }
0x5: {  	s2 =	stileid.u32;
	s5 =	simm.s32 $0x0;
	s20 =	simm.s32 $0x13880  }
0x6: {  	s21 =	simm.s32 $0x13920;
	s22 =	simm.s32 $0x50;
	s23 =	simm.s32 $0x138D0  }
0x7: {  	s24 =	simm.s32 $0x13970;
	s25 =	simm.s32 $0x1;
	s26 =	simm.s32 $0x0  }
0x8: {  	s13 =	sand.u32 $0x1, s6;
	s10 =	smul.u32 $0x271, s2;
	[smem:$0x7FF] =	sst s5  }
0x9: {  	v0 =	vlaneseq.u32;
	s6 =	sadd.s32 $0x3000, s12;
	s7 =	sadd.s32 $0xF600, s12;
	s17 =	smul.u32 $0x27100, s2  }
0xa: {  	v0 =	vmul.u32 $0x8, v0;
	s14 =	smul.u32 $0x2710, s13;
	s18 =	ssub.s32 $0x2, s13;
	s13 =	sshll.u32 s13, $0x1  }
0xb: {  	s8 =	sadd.s32 $0x5800, s12;
	s9 =	sadd.s32 $0x19400, s12;
	s11 =	smul.u32 $0x4E20, s2;
	v1 =	vmov s13  }
0xc: {  	s31 =	sshll.u32 s2, $0x6;
	_ =	strace $0x8000004D;
	s28 =	sshrl.u32 s18, $0x1;
	v4 =	vor.u32 $0x1, v0;
	v5 =	vor.u32 $0x2, v0;
	v6 =	vor.u32 $0x3, v0  }
0xd: {  	s29 =	sshrl.u32 s17, $0x2;
	s30 =	sshrl.u32 s11, $0x2;
	v7 =	vor.u32 $0x80, v0;
	v8 =	vor.u32 $0x81, v0;
	v9 =	vor.u32 $0x82, v0;
	s15 =	sadd.s32 s10, s14  }
0xe: {  	v10 =	vor.u32 $0x83, v0;
	v11 =	vor.u32 $0x100, v0;
	v12 =	vor.u32 $0x101, v0;
	s10 =	sadd.s32 $0x1A800, s12;
	s18 =	ssub.s32 s18, s28;
	s17 =	sadd.s32 s29, s3  }
0xf: {  	v13 =	vor.u32 $0x102, v0;
	v14 =	vor.u32 $0x103, v0;
	v15 =	vor.u32 $0x180, v0;
	s19 =	sadd.s32 s30, s4;
	s16 =	sshll.u32 s15, $0x3;
	s15 =	sadd.s32 s15, s12  }
0x10: {  	v16 =	vor.u32 $0x181, v0;
	v17 =	vor.u32 $0x182, v0;
	v2 =	vmov s14;
	s14 =	smax.u32 s18, $0x1;
	s17 =	sshrl.u32 s17, $0x3;
	s18 =	sshrl.u32 s19, $0x3  }
0x11: {  	v18 =	vor.u32 $0x183, v0;
	v19 =	vor.u32 $0x200, v0;
	v20 =	vor.u32 $0x201, v0;
	s19 =	simm.s32 $0x14D70;
	s16 =	sadd.s32 s16, s12;
	s13 =	sadd.s32 $0x41E00, s15  }
0x12: {  	v21 =	vor.u32 $0x202, v0;
	v22 =	vor.u32 $0x203, v0;
	v3 =	vor.u32 $0x1, v1;
	s15 =	simm.s32 $0x2;
	s12 =	sadd.s32 $0x1AC00, s16;
	s16 =	sor.u32 $0x1C02, s31  }
.LBB2_1:
0x13: {  	[tilespmem:s5], [sflag:$0x2] =	stream.linear.gather [hbm4b:s6+s5], $0x13880, $0x38;
	v63 =	vld [tilespmem:$0x0]  }
0x14: {  	_ =	swait.ge [sflag:s15], $0x13880  }
0x15: {  	[sflag:s15] =	ssyncset.done $0x0  }
0x16: {  	[sflag:s15] =	ssyncadd.s32 $0xFFFEC780  }
0x17: {  	[spmem:s17], [sflag:s16] =	dma.local [hbm:s9], $0x1388  }
0x18: {  	_ =	swait.ge [sflag:s15], $0x1388  }
0x19: {  	[sflag:s15] =	ssyncset.done $0x0  }
0x1a: {  	[sflag:s15] =	ssyncadd.s32 $0xFFFFEC78  }
0x1b: {  	[spmem:s18], [sflag:s16] =	dma.local [hbm:s10], $0x271  }
0x1c: {  	_ =	swait.ge [sflag:s15], $0x271  }
0x1d: {  	[sflag:s15] =	ssyncset.done $0x0  }
0x1e: {  	[sflag:s15] =	ssyncadd.s32 $0xFFFFFD8F  }
0x1f: {  	[tilespmem:s19], [sflag:$0x2] =	stream.linear.gather [hbm4b:s10+s5], $0x280, $0x38;
	v63 =	vld [tilespmem:$0x0]  }
0x20: {  	_ =	swait.ge [sflag:s15], $0x280  }
0x21: {  	[sflag:s15] =	ssyncset.done $0x0  }
0x22: {  	[sflag:s15] =	ssyncadd.s32 $0xFFFFFD80  }
0x23: {  	s28 =	simm.s32 $0x0;
	[bflag:$0x0] =	sbarrier.arrive $0xFFFF  }
.LBB2_2:
0x24: {  	s29 =	smul.u32 $0x50, s28;
	_ =	sdelay $0x1  }
0x25: {  	s29 =	sadd.s32 s11, s29  }
0x26: {  	s30 =	sshrl.u32 s29, $0x3  }
0x27: {  	s29 =	simm.s32 $0x0;
	s31 =	sadd.s32 s7, s30  }
0x28: {  	[tilespmem:s20], [sflag:$0x2] =	stream.linear.gather [hbm4b:s31+s29], $0x50, $0x38;
	v63 =	vld [tilespmem:$0x0]  }
0x29: {  	_ =	swait.ge [sflag:s15], $0x50  }
0x2a: {  	[sflag:s15] =	ssyncset.done $0x0  }
0x2b: {  	s30 =	sadd.s32 s8, s30;
	[sflag:s15] =	ssyncadd.s32 $0xFFFFFFB0  }
0x2c: {  	[tilespmem:s21], [sflag:$0x2] =	stream.linear.gather [hbm4b:s30+s29], $0x50, $0x38;
	v63 =	vld [tilespmem:$0x0]  }
0x2d: {  	_ =	swait.ge [sflag:s15], $0x50  }
0x2e: {  	[sflag:s15] =	ssyncset.done $0x0  }
0x2f: {  	[sflag:s15] =	ssyncadd.s32 $0xFFFFFFB0  }
0x30: {  	v23 =	vld [tilespmem:$0x13880]  }
0x31: {  	v24 =	vld [tilespmem:$0x13890]  }
0x32: {  	v25 =	vld [tilespmem:$0x138A0]  }
0x33: {  	v26 =	vld [tilespmem:$0x138B0]  }
0x34: {  	v27 =	vld [tilespmem:$0x138C0]  }
0x35: {  	v23 =	vadd.s32 v2, v23  }
0x36: {  	[tilespmem:$0x138D0] =	vst v23;
	v23 =	vadd.s32 v2, v24  }
0x37: {  	[tilespmem:$0x138E0] =	vst v23;
	v23 =	vadd.s32 v2, v25  }
0x38: {  	[tilespmem:$0x138F0] =	vst v23;
	v23 =	vadd.s32 v2, v26  }
0x39: {  	[tilespmem:$0x13900] =	vst v23;
	v23 =	vadd.s32 v2, v27  }
0x3a: {  	[tilespmem:$0x13910] =	vst v23  }
0x3b: {  	[tilespmem:s24], [sflag:$0x1] =	stream.indirect.gather [hbm4b:s1+s22], $0x40, s23, s22, $0xb8;
	v63 =	vld [tilespmem:$0x0]  }
0x3c: {  	_ =	swait.ge [sflag:s25], $0x1400  }
0x3d: {  	[sflag:s25] =	ssyncset.done $0x0  }
0x3e: {  	[sflag:s25] =	ssyncadd.s32 $0xFFFFEC00  }
0x3f: {  	v23 =	vld [tilespmem:$0x13880]  }
0x40: {  	v24 =	vld [tilespmem:$0x13920];
	_ =	sdelay $0x4  }
0x41: {  	v23 =	vshll.u32 v23, $0x3;
	v24 =	vshll.u32 v24, $0x3  }
0x42: {  	v25 =	vor.u32 $0x4, v24;
	_ =	sdelay $0x3  }
0x43: {  	v26 =	vld.idx.msk [tilespmem:v23+s29+$0x0], $0xffff  }
0x44: {  	v25 =	vld.idx.msk [tilespmem:v25+s29+$0x0], $0xffff;
	_ =	sdelay $0x4  }
0x45: {  	v25 =	vadd.f32 v25, v26;
	_ =	sdelay $0x1  }
0x46: {  	v26 =	vmul.f32 $2.000000030e-01, v25  }
0x47: {  	vm0 =	vge.f32 v25, $0.0e+00  }
0x48: {  	v25 =	vsel vm0, v25, v26  }
0x49: {  	v25 =	vmul.f32 $1.442695020e+00, v25;
	_ =	sdelay $0x1  }
0x4a: {  	(erf) = vpow2.f32 v25;
	_ =	sdelay $0x5  }
0x4b: {  	v25 =	vor.u32 $0x1, v23  }
0x4c: {  	v26 =	vor.u32 $0x5, v24;
	_ =	sdelay $0x1  }
0x4d: {  	v27 =	vpop (erf)  }
0x4e: {  	[tilespmem:v0+s19+$0x0] =	vst.idx.msk $0xffff, v27  }
0x4f: {  	v25 =	vld.idx.msk [tilespmem:v25+s29+$0x0], $0xffff  }
0x50: {  	v26 =	vld.idx.msk [tilespmem:v26+s29+$0x0], $0xffff;
	_ =	sdelay $0x4  }
0x51: {  	v25 =	vadd.f32 v26, v25;
	_ =	sdelay $0x1  }
0x52: {  	v26 =	vmul.f32 $2.000000030e-01, v25  }
0x53: {  	vm9 =	vge.f32 v25, $0.0e+00  }
0x54: {  	v25 =	vsel vm9, v25, v26  }
0x55: {  	v25 =	vmul.f32 $1.442695020e+00, v25;
	_ =	sdelay $0x1  }
0x56: {  	(erf) = vpow2.f32 v25;
	_ =	sdelay $0x5  }
0x57: {  	v25 =	vor.u32 $0x2, v23  }
0x58: {  	v26 =	vor.u32 $0x6, v24;
	_ =	sdelay $0x1  }
0x59: {  	v27 =	vpop (erf)  }
0x5a: {  	[tilespmem:v4+s19+$0x0] =	vst.idx.msk $0xffff, v27  }
0x5b: {  	v25 =	vld.idx.msk [tilespmem:v25+s29+$0x0], $0xffff  }
0x5c: {  	v26 =	vld.idx.msk [tilespmem:v26+s29+$0x0], $0xffff;
	_ =	sdelay $0x4  }
0x5d: {  	v25 =	vadd.f32 v26, v25;
	_ =	sdelay $0x1  }
0x5e: {  	v26 =	vmul.f32 $2.000000030e-01, v25  }
0x5f: {  	vm10 =	vge.f32 v25, $0.0e+00  }
0x60: {  	v25 =	vsel vm10, v25, v26  }
0x61: {  	v25 =	vmul.f32 $1.442695020e+00, v25;
	_ =	sdelay $0x1  }
0x62: {  	(erf) = vpow2.f32 v25;
	_ =	sdelay $0x5  }
0x63: {  	v23 =	vor.u32 $0x3, v23  }
0x64: {  	v24 =	vor.u32 $0x7, v24;
	_ =	sdelay $0x1  }
0x65: {  	v25 =	vpop (erf)  }
0x66: {  	[tilespmem:v5+s19+$0x0] =	vst.idx.msk $0xffff, v25  }
0x67: {  	v23 =	vld.idx.msk [tilespmem:v23+s29+$0x0], $0xffff  }
0x68: {  	v24 =	vld.idx.msk [tilespmem:v24+s29+$0x0], $0xffff;
	_ =	sdelay $0x4  }
0x69: {  	v23 =	vadd.f32 v24, v23;
	_ =	sdelay $0x1  }
0x6a: {  	v24 =	vmul.f32 $2.000000030e-01, v23  }
0x6b: {  	vm11 =	vge.f32 v23, $0.0e+00  }
0x6c: {  	v23 =	vsel vm11, v23, v24  }
0x6d: {  	v23 =	vmul.f32 $1.442695020e+00, v23;
	_ =	sdelay $0x1  }
0x6e: {  	(erf) = vpow2.f32 v23;
	_ =	sdelay $0x8  }
0x6f: {  	v23 =	vpop (erf)  }
0x70: {  	[tilespmem:v6+s19+$0x0] =	vst.idx.msk $0xffff, v23  }
0x71: {  	v23 =	vld [tilespmem:$0x13890]  }
0x72: {  	v24 =	vld [tilespmem:$0x13930];
	_ =	sdelay $0x4  }
0x73: {  	v23 =	vshll.u32 v23, $0x3;
	v24 =	vshll.u32 v24, $0x3  }
0x74: {  	v25 =	vor.u32 $0x4, v24;
	_ =	sdelay $0x3  }
0x75: {  	v26 =	vld.idx.msk [tilespmem:v23+s29+$0x0], $0xffff  }
0x76: {  	v25 =	vld.idx.msk [tilespmem:v25+s29+$0x0], $0xffff;
	_ =	sdelay $0x4  }
0x77: {  	v25 =	vadd.f32 v25, v26;
	_ =	sdelay $0x1  }
0x78: {  	v26 =	vmul.f32 $2.000000030e-01, v25  }
0x79: {  	vm12 =	vge.f32 v25, $0.0e+00  }
0x7a: {  	v25 =	vsel vm12, v25, v26  }
0x7b: {  	v25 =	vmul.f32 $1.442695020e+00, v25;
	_ =	sdelay $0x1  }
0x7c: {  	(erf) = vpow2.f32 v25;
	_ =	sdelay $0x5  }
0x7d: {  	v25 =	vor.u32 $0x1, v23  }
0x7e: {  	v26 =	vor.u32 $0x5, v24;
	_ =	sdelay $0x1  }
0x7f: {  	v27 =	vpop (erf)  }
0x80: {  	[tilespmem:v7+s19+$0x0] =	vst.idx.msk $0xffff, v27  }
0x81: {  	v25 =	vld.idx.msk [tilespmem:v25+s29+$0x0], $0xffff  }
0x82: {  	v26 =	vld.idx.msk [tilespmem:v26+s29+$0x0], $0xffff;
	_ =	sdelay $0x4  }
0x83: {  	v25 =	vadd.f32 v26, v25;
	_ =	sdelay $0x1  }
0x84: {  	v26 =	vmul.f32 $2.000000030e-01, v25  }
0x85: {  	vm13 =	vge.f32 v25, $0.0e+00  }
0x86: {  	v25 =	vsel vm13, v25, v26  }
0x87: {  	v25 =	vmul.f32 $1.442695020e+00, v25;
	_ =	sdelay $0x1  }
0x88: {  	(erf) = vpow2.f32 v25;
	_ =	sdelay $0x5  }
0x89: {  	v25 =	vor.u32 $0x2, v23  }
0x8a: {  	v26 =	vor.u32 $0x6, v24;
	_ =	sdelay $0x1  }
0x8b: {  	v27 =	vpop (erf)  }
0x8c: {  	[tilespmem:v8+s19+$0x0] =	vst.idx.msk $0xffff, v27  }
0x8d: {  	v25 =	vld.idx.msk [tilespmem:v25+s29+$0x0], $0xffff  }
0x8e: {  	v26 =	vld.idx.msk [tilespmem:v26+s29+$0x0], $0xffff;
	_ =	sdelay $0x4  }
0x8f: {  	v25 =	vadd.f32 v26, v25;
	_ =	sdelay $0x1  }
0x90: {  	v26 =	vmul.f32 $2.000000030e-01, v25  }
0x91: {  	vm14 =	vge.f32 v25, $0.0e+00  }
0x92: {  	v25 =	vsel vm14, v25, v26  }
0x93: {  	v25 =	vmul.f32 $1.442695020e+00, v25;
	_ =	sdelay $0x1  }
0x94: {  	(erf) = vpow2.f32 v25;
	_ =	sdelay $0x5  }
0x95: {  	v23 =	vor.u32 $0x3, v23  }
0x96: {  	v24 =	vor.u32 $0x7, v24;
	_ =	sdelay $0x1  }
0x97: {  	v25 =	vpop (erf)  }
0x98: {  	[tilespmem:v9+s19+$0x0] =	vst.idx.msk $0xffff, v25  }
0x99: {  	v23 =	vld.idx.msk [tilespmem:v23+s29+$0x0], $0xffff  }
0x9a: {  	v24 =	vld.idx.msk [tilespmem:v24+s29+$0x0], $0xffff;
	_ =	sdelay $0x4  }
0x9b: {  	v23 =	vadd.f32 v24, v23;
	_ =	sdelay $0x1  }
0x9c: {  	v24 =	vmul.f32 $2.000000030e-01, v23  }
0x9d: {  	vm15 =	vge.f32 v23, $0.0e+00  }
0x9e: {  	v23 =	vsel vm15, v23, v24  }
0x9f: {  	v23 =	vmul.f32 $1.442695020e+00, v23;
	_ =	sdelay $0x1  }
0xa0: {  	(erf) = vpow2.f32 v23;
	_ =	sdelay $0x8  }
0xa1: {  	v23 =	vpop (erf)  }
0xa2: {  	[tilespmem:v10+s19+$0x0] =	vst.idx.msk $0xffff, v23  }
0xa3: {  	v23 =	vld [tilespmem:$0x138A0]  }
0xa4: {  	v24 =	vld [tilespmem:$0x13940];
	_ =	sdelay $0x4  }
0xa5: {  	v23 =	vshll.u32 v23, $0x3;
	v24 =	vshll.u32 v24, $0x3  }
0xa6: {  	v25 =	vor.u32 $0x4, v24;
	_ =	sdelay $0x3  }
0xa7: {  	v26 =	vld.idx.msk [tilespmem:v23+s29+$0x0], $0xffff  }
0xa8: {  	v25 =	vld.idx.msk [tilespmem:v25+s29+$0x0], $0xffff;
	_ =	sdelay $0x4  }
0xa9: {  	v25 =	vadd.f32 v25, v26;
	_ =	sdelay $0x1  }
0xaa: {  	v26 =	vmul.f32 $2.000000030e-01, v25  }
0xab: {  	vm4 =	vge.f32 v25, $0.0e+00  }
0xac: {  	v25 =	vsel vm4, v25, v26  }
0xad: {  	v25 =	vmul.f32 $1.442695020e+00, v25;
	_ =	sdelay $0x1  }
0xae: {  	(erf) = vpow2.f32 v25;
	_ =	sdelay $0x5  }
0xaf: {  	v25 =	vor.u32 $0x1, v23  }
0xb0: {  	v26 =	vor.u32 $0x5, v24;
	_ =	sdelay $0x1  }
0xb1: {  	v27 =	vpop (erf)  }
0xb2: {  	[tilespmem:v11+s19+$0x0] =	vst.idx.msk $0xffff, v27  }
0xb3: {  	v25 =	vld.idx.msk [tilespmem:v25+s29+$0x0], $0xffff  }
0xb4: {  	v26 =	vld.idx.msk [tilespmem:v26+s29+$0x0], $0xffff;
	_ =	sdelay $0x4  }
0xb5: {  	v25 =	vadd.f32 v26, v25;
	_ =	sdelay $0x1  }
0xb6: {  	v26 =	vmul.f32 $2.000000030e-01, v25  }
0xb7: {  	vm5 =	vge.f32 v25, $0.0e+00  }
0xb8: {  	v25 =	vsel vm5, v25, v26  }
0xb9: {  	v25 =	vmul.f32 $1.442695020e+00, v25;
	_ =	sdelay $0x1  }
0xba: {  	(erf) = vpow2.f32 v25;
	_ =	sdelay $0x5  }
0xbb: {  	v25 =	vor.u32 $0x2, v23  }
0xbc: {  	v26 =	vor.u32 $0x6, v24;
	_ =	sdelay $0x1  }
0xbd: {  	v27 =	vpop (erf)  }
0xbe: {  	[tilespmem:v12+s19+$0x0] =	vst.idx.msk $0xffff, v27  }
0xbf: {  	v25 =	vld.idx.msk [tilespmem:v25+s29+$0x0], $0xffff  }
0xc0: {  	v26 =	vld.idx.msk [tilespmem:v26+s29+$0x0], $0xffff;
	_ =	sdelay $0x4  }
0xc1: {  	v25 =	vadd.f32 v26, v25;
	_ =	sdelay $0x1  }
0xc2: {  	v26 =	vmul.f32 $2.000000030e-01, v25  }
0xc3: {  	vm6 =	vge.f32 v25, $0.0e+00  }
0xc4: {  	v25 =	vsel vm6, v25, v26  }
0xc5: {  	v25 =	vmul.f32 $1.442695020e+00, v25;
	_ =	sdelay $0x1  }
0xc6: {  	(erf) = vpow2.f32 v25;
	_ =	sdelay $0x5  }
0xc7: {  	v23 =	vor.u32 $0x3, v23  }
0xc8: {  	v24 =	vor.u32 $0x7, v24;
	_ =	sdelay $0x1  }
0xc9: {  	v25 =	vpop (erf)  }
0xca: {  	[tilespmem:v13+s19+$0x0] =	vst.idx.msk $0xffff, v25  }
0xcb: {  	v23 =	vld.idx.msk [tilespmem:v23+s29+$0x0], $0xffff  }
0xcc: {  	v24 =	vld.idx.msk [tilespmem:v24+s29+$0x0], $0xffff;
	_ =	sdelay $0x4  }
0xcd: {  	v23 =	vadd.f32 v24, v23;
	_ =	sdelay $0x1  }
0xce: {  	v24 =	vmul.f32 $2.000000030e-01, v23  }
0xcf: {  	vm7 =	vge.f32 v23, $0.0e+00  }
0xd0: {  	v23 =	vsel vm7, v23, v24  }
0xd1: {  	v23 =	vmul.f32 $1.442695020e+00, v23;
	_ =	sdelay $0x1  }
0xd2: {  	(erf) = vpow2.f32 v23;
	_ =	sdelay $0x8  }
0xd3: {  	v23 =	vpop (erf)  }
0xd4: {  	[tilespmem:v14+s19+$0x0] =	vst.idx.msk $0xffff, v23  }
0xd5: {  	v23 =	vld [tilespmem:$0x138B0]  }
0xd6: {  	v24 =	vld [tilespmem:$0x13950];
	_ =	sdelay $0x4  }
0xd7: {  	v23 =	vshll.u32 v23, $0x3;
	v24 =	vshll.u32 v24, $0x3  }
0xd8: {  	v25 =	vor.u32 $0x4, v24;
	_ =	sdelay $0x3  }
0xd9: {  	v26 =	vld.idx.msk [tilespmem:v23+s29+$0x0], $0xffff  }
0xda: {  	v25 =	vld.idx.msk [tilespmem:v25+s29+$0x0], $0xffff;
	_ =	sdelay $0x4  }
0xdb: {  	v25 =	vadd.f32 v25, v26;
	_ =	sdelay $0x1  }
0xdc: {  	v26 =	vmul.f32 $2.000000030e-01, v25  }
0xdd: {  	vm8 =	vge.f32 v25, $0.0e+00  }
0xde: {  	v25 =	vsel vm8, v25, v26  }
0xdf: {  	v25 =	vmul.f32 $1.442695020e+00, v25;
	_ =	sdelay $0x1  }
0xe0: {  	(erf) = vpow2.f32 v25;
	_ =	sdelay $0x5  }
0xe1: {  	v25 =	vor.u32 $0x1, v23  }
0xe2: {  	v26 =	vor.u32 $0x5, v24;
	_ =	sdelay $0x1  }
0xe3: {  	v27 =	vpop (erf)  }
0xe4: {  	[tilespmem:v15+s19+$0x0] =	vst.idx.msk $0xffff, v27  }
0xe5: {  	v25 =	vld.idx.msk [tilespmem:v25+s29+$0x0], $0xffff  }
0xe6: {  	v26 =	vld.idx.msk [tilespmem:v26+s29+$0x0], $0xffff;
	_ =	sdelay $0x4  }
0xe7: {  	v25 =	vadd.f32 v26, v25;
	_ =	sdelay $0x1  }
0xe8: {  	v26 =	vmul.f32 $2.000000030e-01, v25  }
0xe9: {  	vm9 =	vge.f32 v25, $0.0e+00  }
0xea: {  	v25 =	vsel vm9, v25, v26  }
0xeb: {  	v25 =	vmul.f32 $1.442695020e+00, v25;
	_ =	sdelay $0x1  }
0xec: {  	(erf) = vpow2.f32 v25;
	_ =	sdelay $0x5  }
0xed: {  	v25 =	vor.u32 $0x2, v23  }
0xee: {  	v26 =	vor.u32 $0x6, v24;
	_ =	sdelay $0x1  }
0xef: {  	v27 =	vpop (erf)  }
0xf0: {  	[tilespmem:v16+s19+$0x0] =	vst.idx.msk $0xffff, v27  }
0xf1: {  	v25 =	vld.idx.msk [tilespmem:v25+s29+$0x0], $0xffff  }
0xf2: {  	v26 =	vld.idx.msk [tilespmem:v26+s29+$0x0], $0xffff;
	_ =	sdelay $0x4  }
0xf3: {  	v25 =	vadd.f32 v26, v25;
	_ =	sdelay $0x1  }
0xf4: {  	v26 =	vmul.f32 $2.000000030e-01, v25  }
0xf5: {  	vm10 =	vge.f32 v25, $0.0e+00  }
0xf6: {  	v25 =	vsel vm10, v25, v26  }
0xf7: {  	v25 =	vmul.f32 $1.442695020e+00, v25;
	_ =	sdelay $0x1  }
0xf8: {  	(erf) = vpow2.f32 v25;
	_ =	sdelay $0x5  }
0xf9: {  	v23 =	vor.u32 $0x3, v23  }
0xfa: {  	v24 =	vor.u32 $0x7, v24;
	_ =	sdelay $0x1  }
0xfb: {  	v25 =	vpop (erf)  }
0xfc: {  	[tilespmem:v17+s19+$0x0] =	vst.idx.msk $0xffff, v25  }
0xfd: {  	v23 =	vld.idx.msk [tilespmem:v23+s29+$0x0], $0xffff  }
0xfe: {  	v24 =	vld.idx.msk [tilespmem:v24+s29+$0x0], $0xffff;
	_ =	sdelay $0x4  }
0xff: {  	v23 =	vadd.f32 v24, v23;
	_ =	sdelay $0x1  }
0x100: {  	v24 =	vmul.f32 $2.000000030e-01, v23  }
0x101: {  	vm11 =	vge.f32 v23, $0.0e+00  }
0x102: {  	v23 =	vsel vm11, v23, v24  }
0x103: {  	v23 =	vmul.f32 $1.442695020e+00, v23;
	_ =	sdelay $0x1  }
0x104: {  	(erf) = vpow2.f32 v23;
	_ =	sdelay $0x8  }
0x105: {  	v23 =	vpop (erf)  }
0x106: {  	[tilespmem:v18+s19+$0x0] =	vst.idx.msk $0xffff, v23  }
0x107: {  	v23 =	vld [tilespmem:$0x138C0]  }
0x108: {  	v24 =	vld [tilespmem:$0x13960];
	_ =	sdelay $0x4  }
0x109: {  	v23 =	vshll.u32 v23, $0x3;
	v24 =	vshll.u32 v24, $0x3  }
0x10a: {  	v25 =	vor.u32 $0x4, v24;
	_ =	sdelay $0x3  }
0x10b: {  	v26 =	vld.idx.msk [tilespmem:v23+s29+$0x0], $0xffff  }
0x10c: {  	v25 =	vld.idx.msk [tilespmem:v25+s29+$0x0], $0xffff;
	_ =	sdelay $0x4  }
0x10d: {  	v25 =	vadd.f32 v25, v26;
	_ =	sdelay $0x1  }
0x10e: {  	v26 =	vmul.f32 $2.000000030e-01, v25  }
0x10f: {  	vm12 =	vge.f32 v25, $0.0e+00  }
0x110: {  	v25 =	vsel vm12, v25, v26  }
0x111: {  	v25 =	vmul.f32 $1.442695020e+00, v25;
	_ =	sdelay $0x1  }
0x112: {  	(erf) = vpow2.f32 v25;
	_ =	sdelay $0x5  }
0x113: {  	v25 =	vor.u32 $0x1, v23  }
0x114: {  	v26 =	vor.u32 $0x5, v24;
	_ =	sdelay $0x1  }
0x115: {  	v27 =	vpop (erf)  }
0x116: {  	[tilespmem:v19+s19+$0x0] =	vst.idx.msk $0xffff, v27  }
0x117: {  	v25 =	vld.idx.msk [tilespmem:v25+s29+$0x0], $0xffff  }
0x118: {  	v26 =	vld.idx.msk [tilespmem:v26+s29+$0x0], $0xffff;
	_ =	sdelay $0x4  }
0x119: {  	v25 =	vadd.f32 v26, v25;
	_ =	sdelay $0x1  }
0x11a: {  	v26 =	vmul.f32 $2.000000030e-01, v25  }
0x11b: {  	vm13 =	vge.f32 v25, $0.0e+00  }
0x11c: {  	v25 =	vsel vm13, v25, v26  }
0x11d: {  	v25 =	vmul.f32 $1.442695020e+00, v25;
	_ =	sdelay $0x1  }
0x11e: {  	(erf) = vpow2.f32 v25;
	_ =	sdelay $0x5  }
0x11f: {  	v25 =	vor.u32 $0x2, v23  }
0x120: {  	v26 =	vor.u32 $0x6, v24;
	_ =	sdelay $0x1  }
0x121: {  	v27 =	vpop (erf)  }
0x122: {  	[tilespmem:v20+s19+$0x0] =	vst.idx.msk $0xffff, v27  }
0x123: {  	v25 =	vld.idx.msk [tilespmem:v25+s29+$0x0], $0xffff  }
0x124: {  	v26 =	vld.idx.msk [tilespmem:v26+s29+$0x0], $0xffff;
	_ =	sdelay $0x4  }
0x125: {  	v25 =	vadd.f32 v26, v25;
	_ =	sdelay $0x1  }
0x126: {  	v26 =	vmul.f32 $2.000000030e-01, v25  }
0x127: {  	vm14 =	vge.f32 v25, $0.0e+00  }
0x128: {  	v25 =	vsel vm14, v25, v26  }
0x129: {  	v25 =	vmul.f32 $1.442695020e+00, v25;
	_ =	sdelay $0x1  }
0x12a: {  	(erf) = vpow2.f32 v25;
	_ =	sdelay $0x5  }
0x12b: {  	v23 =	vor.u32 $0x3, v23  }
0x12c: {  	v24 =	vor.u32 $0x7, v24;
	_ =	sdelay $0x1  }
0x12d: {  	v25 =	vpop (erf)  }
0x12e: {  	[tilespmem:v21+s19+$0x0] =	vst.idx.msk $0xffff, v25  }
0x12f: {  	v23 =	vld.idx.msk [tilespmem:v23+s29+$0x0], $0xffff  }
0x130: {  	v24 =	vld.idx.msk [tilespmem:v24+s29+$0x0], $0xffff;
	_ =	sdelay $0x4  }
0x131: {  	v23 =	vadd.f32 v24, v23;
	_ =	sdelay $0x1  }
0x132: {  	v24 =	vmul.f32 $2.000000030e-01, v23  }
0x133: {  	vm15 =	vge.f32 v23, $0.0e+00  }
0x134: {  	v23 =	vsel vm15, v23, v24  }
0x135: {  	v23 =	vmul.f32 $1.442695020e+00, v23;
	_ =	sdelay $0x1  }
0x136: {  	(erf) = vpow2.f32 v23;
	_ =	sdelay $0x5  }
0x137: {  	s29 =	simm.s32 $0x0  }
0x138: {  	v23 =	vor.u32 s29, v1;
	_ =	sdelay $0x1  }
0x139: {  	v25 =	vor.u32 s29, v3;
	v24 =	vpop (erf)  }
0x13a: {  	s29 =	simm.s32 $0x13990;
	[tilespmem:v22+s19+$0x0] =	vst.idx.msk $0xffff, v24  }
0x13b: {  	v27 =	vld [tilespmem:s29+$0xFFFFFFE0]  }
0x13c: {  	v23 =	vld.idx.msk [tilespmem:v23+s19+$0x0], $0xffff  }
0x13d: {  	v24 =	vld [tilespmem:s29+$0xFFFFFFF0]  }
0x13e: {  	v26 =	vld.idx.msk [tilespmem:v25+s19+$0x0], $0xffff  }
0x13f: {  	v29 =	vld [tilespmem:s29+$0x0];
	_ =	sdelay $0x1  }
0x140: {  	v28 =	vmul.f32 v27, v23;
	v27 =	vld [tilespmem:s29+$0x10]  }
0x141: {  	s31 =	simm.s32 $0x8  }
0x142: {  	v25 =	vor.u32 s31, v1  }
0x143: {  	s30 =	simm.s32 $0x2;
	v23 =	vmul.f32 v24, v23;
	v24 =	vor.u32 s31, v3;
	v29 =	vmul.f32 v29, v26;
	s31 =	simm.s32 $0x13990  }
.LBB2_3:
0x144: {  	p0 =	sne.s32 s30, $0x4F  }
0x145: {  	[tilespmem:s29+$0xFFFFFFE0] =	vst v28;
	v26 =	vmul.f32 v27, v26;
	s31 =	sadd.s32 $0x40, s31;
	s0 =	smov.u32 s30;
	s30 =	sadd.s32 $0x1, s30  }
0x146: {  	[tilespmem:s29+$0x0] =	vst v29  }
0x147: {  	v29 =	vld [tilespmem:s31+$0xFFFFFFF0];
	[tilespmem:s29+$0x10] =	vst v26  }
0x148: {  	v28 =	vld [tilespmem:s31+$0xFFFFFFE0];
	[tilespmem:s29+$0xFFFFFFF0] =	vst v23;
	s29 =	smov.u32 s31  }
0x149: {  	v23 =	vld.idx.msk [tilespmem:v25+s19+$0x0], $0xffff  }
0x14a: {  	v26 =	vld.idx.msk [tilespmem:v24+s19+$0x0], $0xffff  }
0x14b: {  	v30 =	vld [tilespmem:s31+$0x0]  }
.Ltmp0:
0x14c: {  	v27 =	vld [tilespmem:s31+$0x10];
	(pc) =	sbr.rel @p0 .LBB2_3-.Ltmp0, $3  }
0x14d: {  	_ =	sdelay $0x1  }
0x14e: {  	s0 =	sshll.u32 s0, $0x3;
	v28 =	vmul.f32 v28, v23;
	v23 =	vmul.f32 v29, v23  }
0x14f: {  	v25 =	vor.u32 s0, v1;
	v24 =	vor.u32 s0, v3;
	v29 =	vmul.f32 v30, v26  }
0x150: {  	[tilespmem:s29+$0xFFFFFFE0] =	vst v28;
	v26 =	vmul.f32 v27, v26  }
0x151: {  	s0 =	sadd.s32 $0x40, s31;
	[tilespmem:s29+$0x0] =	vst v29  }
0x152: {  	v61 =	vld [tilespmem:s0+$0xFFFFFFF0];
	[tilespmem:s29+$0x10] =	vst v26  }
0x153: {  	v26 =	vld [tilespmem:s0+$0xFFFFFFE0];
	[tilespmem:s29+$0xFFFFFFF0] =	vst v23  }
0x154: {  	v23 =	vld.idx.msk [tilespmem:v25+s19+$0x0], $0xffff  }
0x155: {  	v24 =	vld.idx.msk [tilespmem:v24+s19+$0x0], $0xffff  }
0x156: {  	v62 =	vld [tilespmem:s0+$0x0]  }
0x157: {  	v28 =	vld [tilespmem:s0+$0x10];
	_ =	sdelay $0x2  }
0x158: {  	v26 =	vmul.f32 v26, v23  }
0x159: {  	v25 =	vmul.f32 v62, v24  }
0x15a: {  	v24 =	vmul.f32 v28, v24;
	[tilespmem:s0+$0xFFFFFFE0] =	vst v26  }
0x15b: {  	v23 =	vmul.f32 v61, v23;
	[tilespmem:s0+$0x0] =	vst v25  }
0x15c: {  	[tilespmem:s0+$0x10] =	vst v24  }
0x15d: {  	[tilespmem:s0+$0xFFFFFFF0] =	vst v23  }
0x15e: {  	[spmem:s3] =	stream.indirect.scatter.add.f32 [tilespmem:s24], [sflag:$0x2], $0x40, s21, s22, $0xb8;
	v63 =	vld [tilespmem:$0x0]  }
0x15f: {  	s28 =	sadd.s32 $0x1, s28;
	_ =	swait.ge [sflag:s15], $0x1400  }
0x160: {  	p0 =	sne.s32 s28, $0xFA;
	[sflag:s15] =	ssyncset.done $0x0  }
.Ltmp1:
0x161: {  	[sflag:s15] =	ssyncadd.s32 $0xFFFFEC00;
	(pc) =	sbr.rel @p0 .LBB2_2-.Ltmp1, $4  }
0x162: {  	[spmem:s4] =	stream.indirect.scatter.add.f32 [tilespmem:s19], [sflag:$0x2], $0x8, s21, s22, $0xb8;
	v63 =	vld [tilespmem:$0x0]  }
0x163: {  	_ =	swait.ge [sflag:s15], $0x280  }
0x164: {  	[sflag:s15] =	ssyncset.done $0x0  }
0x165: {  	[sflag:s15] =	ssyncadd.s32 $0xFFFFFD80  }
0x166: {  	[bflag:$0x0] =	sbarrier.arrive $0xFFFF  }
0x167: {  	[hbm:s12], [sflag:s16] =	dma.local [spmem:s17], $0x1388  }
0x168: {  	s26 =	sadd.s32 $0x1, s26;
	_ =	swait.ge [sflag:s15], $0x1388  }
0x169: {  	p0 =	sne.s32 s26, s14;
	[sflag:s15] =	ssyncset.done $0x0  }
.Ltmp2:
0x16a: {  	[sflag:s15] =	ssyncadd.s32 $0xFFFFEC78;
	(pc) =	sbr.rel @p0 .LBB2_1-.Ltmp2, $4  }
0x16b: {  	[hbm:s13], [sflag:s16] =	dma.local [spmem:s18], $0x271  }
0x16c: {  	_ =	swait.ge [sflag:s15], $0x271  }
0x16d: {  	[sflag:s15] =	ssyncset.done $0x0  }
0x16e: {  	[sflag:s15] =	ssyncadd.s32 $0xFFFFFD8F  }
0x16f: {  	_ =	sfence.sel $0x180000  }
0x170: {  	[bflag:$0x0] =	sbarrier.arrive $0xFFFF  }
0x171: {  	_ =	strace $0x9000004D  }
0x172: {  	[bflag:$0x2] =	sbarrier.arrive $0xFFFF  }
0x173: {  	p0 =	sne.s32 s2, $0x0;
	s0 =	rddreg [dreg:$0x4]  }
0x174: {  	s0 =	sadd.s32 @!p0 $0x100000, s0  }
0x175: {  	[sflag:s0] =	ssyncadd.tile.s32 @!p0 $0x1;
	_ =	shalt  }
.Lfunc_end2:
_tile_overlayer_lowered:
.L_overlay_start_2:
0x176: {  	(tag) =	ssettag $0x2  }
0x177: {  	s0 =	rddreg [dreg:$0x0];
	s2 =	stileid.u32  }
0x178: {  	s1 =	rddreg [dreg:$0x1];
	p0 =	sne.s32 s2, $0x0  }
0x179: {  	s3 =	rddreg [dreg:$0x2];
	[bflag:$0x3] =	sbarrier.arrive $0xFFFF;
	s2 =	simm.s32 @!p0 $0x1C02  }
0x17a: {  	[timem:s3], [sflag:s2] =	dma.local @!p0 [hbm:s0], s1  }
0x17b: {  	s0 =	simm.s32 @!p0 $0x2  }
0x17c: {  	_ =	swait.ge @!p0 [sflag:s0], s1  }
0x17d: {  	s1 =	ssub.s32 @!p0 $0x0, s1;
	[sflag:s0] =	ssyncset.done @!p0 $0x0  }
0x17e: {  	[sflag:s0] =	ssyncadd.s32 @!p0 s1  }
0x17f: {  	[bflag:$0x3] =	sbarrier.arrive $0xFFFF  }
0x180: {  	_ =	shalt  }

// kernel: kernel.9.cloned.1.call-start
scs
__scs_entry_jumppad:
0x0: {  	(pc) =	sbr.rel $0x88, $3  }
0x1: {  	(tag) =	ssettag $0x0;
	lr =	simm.s32 $0x1  }
0x2: {  	[smem:$0x3F93] =	sst lr;
	_ =	strace $0xD0000000  }
0x3: {  	_ = 	snop  }
0x4: {  	_ = 	snop  }
0x5: {  	_ = 	snop  }
0x6: {  	_ = 	snop  }
0x7: {  	_ = 	snop  }
__scs_overlays_trampoline_lowered:
0x8: {  	[smem:$0x3FA2] =	sst s0  }
0x9: {  	[smem:$0x3FA3] =	sst s1  }
0xa: {  	[smem:$0x3FA4] =	sst s2  }
0xb: {  	[smem:$0x3FA5] =	sst s3  }
0xc: {  	[smem:$0x3FA6] =	sst s4  }
0xd: {  	[smem:$0x3FA7] =	sst s5  }
0xe: {  	[smem:$0x3FA8] =	sst s6  }
0xf: {  	[smem:$0x3FA9] =	sst s7  }
0x10: {  	[smem:$0x3FAA] =	sst s8  }
0x11: {  	[smem:$0x3FAB] =	sst s9;
	s0 =	simm.s32 @!p0 $0x0  }
0x12: {  	s1 =	sld [smem:$0x3F91];
	s0 =	simm.s32 @p0 $0x1  }
0x13: {  	[smem:$0x3FAC] =	sst s0;
	s0 =	simm.s32 @!p1 $0x0  }
0x14: {  	s2 =	sld [smem:$0x3F90];
	s0 =	simm.s32 @p1 $0x1  }
0x15: {  	[smem:$0x3FAD] =	sst s0;
	s0 =	simm.s32 @!p2 $0x0  }
0x16: {  	s3 =	sld [smem:$0x3FDB];
	s0 =	simm.s32 @p2 $0x1  }
0x17: {  	s4 =	simm.s32 $0x1BF5;
	[smem:$0x3FAF] =	sst s0  }
0x18: {  	s0 =	sld [smem:$0x3F92];
	_ =	swait.ge [sflag:s4], $0x0  }
0x19: {  	s7 =	sld [smem:$0x3F93]  }
0x1a: {  	s8 =	sadd.s32 $0xFFFFE003, lr  }
0x1b: {  	s9 =	sadd.s32 $0xFFFFFEF7, lr;
	s5 =	simm.s32 $0xFFFFFFFF;
	p2 =	slt.u32 s8, $0xFFFFF086  }
0x1c: {  	p1 =	slt.u32 s9, $0xF7A;
	s5 =	simm.s32 @!p2 $0x0  }
0x1d: {  	s5 =	simm.s32 @p1 $0x1;
	p0 =	seq.s32 s7, s2  }
0x1e: {  	s7 =	smul.u32 @!p0 $0xF7A, s2;
	p2 =	seq.s32 @!p0 s5, $0x0  }
0x1f: {  	s9 =	smul.u32 $0xF7A, s1;
	s8 =	simm.s32 @!p0 $0x1BF5;
	p2 =	por !p2, p0  }
0x20: {  	[sflag:s8] =	ssyncset.s32 @!p0 $0xFFFFF086;
	s6 =	sadd.s32 @!p0 s3, s7;
	s7 =	simm.s32 @!p0 $0x108  }
0x21: {  	s3 =	sadd.s32 s3, s9;
	s6 =	sadd.s32 @!p0 $0x88, s6;
	s7 =	simm.s32 @p2 $0x1082  }
0x22: {  	[simem:s7], [sflag:s8] =	dma.local @!p0 [hbm:s6], $0xF7A  }
0x23: {  	s9 =	sor.u32 $0xD0000000, s2;
	s6 =	simm.s32 $0x108;
	_ =	swait.ge @!p0 [sflag:s8], $0x0  }
0x24: {  	s3 =	sadd.s32 $0x88, s3;
	s6 =	simm.s32 @!p1 $0x1082;
	[sflag:s4] =	ssyncset.s32 $0xFFFFF086  }
0x25: {  	[simem:s6], [sflag:s4] =	dma.local [hbm:s3], $0xF7A  }
0x26: {  	[smem:$0x3F93] =	sst s1;
	(tag) =	ssettag s2;
	_ =	strace s9  }
0x27: {  	s1 =	sld [smem:$0x3FA3]  }
0x28: {  	s2 =	sld [smem:$0x3FA4]  }
0x29: {  	s4 =	sld [smem:$0x3FA6]  }
0x2a: {  	p0 =	seq.s32 s5, $0x0;
	s5 =	sld [smem:$0x3FA7]  }
0x2b: {  	s6 =	sld [smem:$0x3FA8]  }
0x2c: {  	s7 =	sld [smem:$0x3FA9]  }
0x2d: {  	s3 =	simm.s32 $0x108;
	s8 =	sld [smem:$0x3FAA]  }
0x2e: {  	s3 =	simm.s32 @!p0 $0x1082;
	s9 =	sld [smem:$0x3FAB]  }
0x2f: {  	lr =	sadd.s32 s0, s3;
	s0 =	sld [smem:$0x3FA2]  }
0x30: {  	s3 =	sld [smem:$0x3FA5]  }
0x31: {  	[smem:$0x3FAE] =	sst s10  }
0x32: {  	s10 =	sld [smem:$0x3FAC];
	_ =	sdelay $0x3  }
0x33: {  	p0 =	seq.s32 s10, $0x1;
	s10 =	sld [smem:$0x3FAE];
	_ =	sdelay $0x3  }
0x34: {  	[smem:$0x3FAE] =	sst s10  }
0x35: {  	s10 =	sld [smem:$0x3FAD];
	_ =	sdelay $0x3  }
0x36: {  	p1 =	seq.s32 s10, $0x1;
	s10 =	sld [smem:$0x3FAE];
	_ =	sdelay $0x3  }
0x37: {  	[smem:$0x3FAE] =	sst s10  }
0x38: {  	s10 =	sld [smem:$0x3FAF]  }
0x39: {  	_ = 	snop;
	(pc) =	sbr.ind lr, $3  }
0x3a: {  	_ = 	snop  }
0x3b: {  	_ = 	snop  }
0x3c: {  	p2 =	seq.s32 s10, $0x1;
	s10 =	sld [smem:$0x3FAE]  }
0x3d: {  	_ =	shalt  }
0x3e: {  	_ =	shalt  }
0x3f: {  	_ =	shalt  }
0x40: {  	_ =	shalt  }
0x41: {  	_ =	shalt  }
0x42: {  	_ =	shalt  }
0x43: {  	_ =	shalt  }
0x44: {  	_ =	shalt  }
0x45: {  	_ =	shalt  }
0x46: {  	_ =	shalt  }
0x47: {  	_ =	shalt  }
0x48: {  	_ =	shalt  }
0x49: {  	_ =	shalt  }
0x4a: {  	_ =	shalt  }
0x4b: {  	_ =	shalt  }
0x4c: {  	_ =	shalt  }
0x4d: {  	_ =	shalt  }
0x4e: {  	_ =	shalt  }
0x4f: {  	_ =	shalt  }
0x50: {  	_ =	shalt  }
0x51: {  	_ =	shalt  }
0x52: {  	_ =	shalt  }
0x53: {  	_ =	shalt  }
0x54: {  	_ =	shalt  }
0x55: {  	_ =	shalt  }
0x56: {  	_ =	shalt  }
0x57: {  	_ =	shalt  }
0x58: {  	_ =	shalt  }
0x59: {  	_ =	shalt  }
0x5a: {  	_ =	shalt  }
0x5b: {  	_ =	shalt  }
0x5c: {  	_ =	shalt  }
0x5d: {  	_ =	shalt  }
0x5e: {  	_ =	shalt  }
0x5f: {  	_ =	shalt  }
0x60: {  	_ =	shalt  }
0x61: {  	_ =	shalt  }
0x62: {  	_ =	shalt  }
0x63: {  	_ =	shalt  }
0x64: {  	_ =	shalt  }
0x65: {  	_ =	shalt  }
0x66: {  	_ =	shalt  }
0x67: {  	_ =	shalt  }
0x68: {  	_ =	shalt  }
0x69: {  	_ =	shalt  }
0x6a: {  	_ =	shalt  }
0x6b: {  	_ =	shalt  }
0x6c: {  	_ =	shalt  }
0x6d: {  	_ =	shalt  }
0x6e: {  	_ =	shalt  }
0x6f: {  	_ =	shalt  }
0x70: {  	_ =	shalt  }
0x71: {  	_ =	shalt  }
0x72: {  	_ =	shalt  }
0x73: {  	_ =	shalt  }
0x74: {  	_ =	shalt  }
0x75: {  	_ =	shalt  }
0x76: {  	_ =	shalt  }
0x77: {  	_ =	shalt  }
0x78: {  	_ =	shalt  }
0x79: {  	_ =	shalt  }
0x7a: {  	_ =	shalt  }
0x7b: {  	_ =	shalt  }
0x7c: {  	_ =	shalt  }
0x7d: {  	_ =	shalt  }
0x7e: {  	_ =	shalt  }
0x7f: {  	_ =	shalt  }
0x80: {  	_ =	shalt  }
0x81: {  	_ =	shalt  }
0x82: {  	_ =	shalt  }
0x83: {  	_ =	shalt  }
0x84: {  	_ =	shalt  }
0x85: {  	_ =	shalt  }
0x86: {  	_ =	shalt  }
0x87: {  	_ =	shalt  }
.Lfunc_end0:
.L_simem_size_0:
called_computation_lowered:
.L_overlay_start_0:
0x88: {  	s2 =	sld [smem:$0x3FD9]  }
0x89: {  	s3 =	sld [smem:$0x3FFE];
	_ =	sdelay $0x1  }
0x8a: {  	s1 =	srdreg.scid  }
0x8b: {  	s0 =	sand.u32 $0x1, s1  }
0x8c: {  	s17 =	sshll.u32 s0, $0xA;
	s2 =	sadd.s32 s3, s2  }
0x8d: {  	s2 =	sadd.s32 s2, s17  }
0x8e: {  	[smem:$0x3FBA] =	sst s2  }
0x8f: {  	_ = 	snop  }
0x90: {  	s2 =	sld [smem:$0x3FD0];
	(tm) =	ssettm $0x1  }
0x91: {  	s18 =	sld [smem:$0x3FFB];
	_ =	sdelay $0x3  }
0x92: {  	_ =	strace s18  }
0x93: {  	s3 =	sld [smem:$0x3FFC];
	_ =	sdelay $0x3  }
0x94: {  	_ =	strace s3  }
0x95: {  	s3 =	sld [smem:$0x3FFD];
	_ =	sdelay $0x3  }
0x96: {  	_ =	strace s3  }
0x97: {  	_ =	strace $0x8FFFFFFF  }
0x98: {  	s19 =	sld [smem:$0x3FDB];
	_ =	sdelay $0x1  }
0x99: {  	s4 =	simm.s32 $_scs_section_size  }
0x9a: {  	s5 =	simm.s32 $_size__tile_overlayer_lowered;
	s6 =	simm.s32 $_tile_overlayer_lowered  }
0x9b: {  	s22 =	simm.s32 $0x1BFF;
	s21 =	sshll.u32 s6, $0x1;
	s3 =	sadd.s32 s4, s19  }
0x9c: {  	s7 =	simm.s32 $0x0;
	s20 =	sshll.u32 s5, $0x1;
	s5 =	sadd.s32 s21, s3  }
0x9d: {  	[timem:s7], [sflag:s22] =	dma.local [hbm:s5], s20  }
0x9e: {  	_ =	swait.ge [sflag:s22], s20  }
0x9f: {  	s4 =	ssub.s32 $0x0, s20;
	[sflag:s22] =	ssyncset.done $0x0  }
0xa0: {  	[sflag:s22] =	ssyncadd.s32 s4;
	_ =	sdelay $0x1  }
0xa1: {  	s23 =	simm.s32 $0x1B8B  }
0xa2: {  	_ =	swait.ge [sflag:s23], $0x1  }
0xa3: {  	[sflag:s23] =	ssyncset.done $0x0  }
0xa4: {  	s25 =	simm.s32 $0x1B8E;
	s24 =	sld [smem:$0x3FFE];
	[sflag:s23] =	ssyncadd.s32 $0xFFFFFFFF  }
0xa5: {  	s26 =	simm.s32 $execute0_lowered;
	[smem:$0x3FD2] =	sst s25  }
0xa6: {  	s5 =	sshll.u32 s26, $0x1;
	_ =	strace $0x80000046;
	[dreg:$0x1] =	wrdreg $0xFFFFFFFF  }
0xa7: {  	s28 =	simm.s32 $_size_execute0_lowered;
	s3 =	sadd.s32 s3, s5;
	[dreg:$0x0] =	wrdreg $0x0  }
0xa8: {  	s5 =	sshll.u32 s28, $0x1;
	[dreg:$0x2] =	wrdreg s3  }
0xa9: {  	[dreg:$0x3] =	wrdreg s5  }
0xaa: {  	[dreg:$0x4] =	wrdreg $0xC0  }
0xab: {  	_ =	task [dreg:s7], $0x5FFFF  }
0xac: {  	[dreg:$0x1] =	wrdreg $0xFFFFFFFF  }
0xad: {  	[dreg:$0x0] =	wrdreg $0x60  }
0xae: {  	[dreg:$0x2] =	wrdreg s2  }
0xaf: {  	[dreg:$0x3] =	wrdreg s24  }
0xb0: {  	[dreg:$0x4] =	wrdreg $0x14FF00  }
0xb1: {  	[dreg:$0x5] =	wrdreg $0x1EC300  }
0xb2: {  	[dreg:$0x6] =	wrdreg $0x9  }
0xb3: {  	_ =	task.clear_ibuf [dreg:s7], $0x7FFFF;
	_ =	strace $0x90000046  }
0xb4: {  	s29 =	simm.s32 $0x9;
	_ =	strace $0x80000048  }
0xb5: {  	_ =	swait.ge [sflag:s29], $0x1  }
0xb6: {  	[sflag:s29] =	ssyncadd.s32 $0xFFFFFFFF  }
0xb7: {  	_ =	strace $0x90000048  }
0xb8: {  	_ =	sfence  }
0xb9: {  	s30 =	sld [smem:$0x0];
	_ =	sdelay $0x2  }
0xba: {  	s31 =	sshll.u32 s1, $0xD;
	s1 =	sshrl.u32 s1, $0x2  }
0xbb: {  	s3 =	sand.u32 $0x4000, s31;
	s1 =	sadd.s32 s1, s30  }
0xbc: {  	s0 =	sor.u32 s3, s0;
	s1 =	sshll.u32 s1, $0x11  }
0xbd: {  	s0 =	sor.u32 s1, s0  }
0xbe: {  	s0 =	sadd.s32 $0x8F2B, s0  }
0xbf: {  	[sflag:s0] =	ssyncadd.remote.s32 $0x1  }
0xc0: {  	_ =	sfence.sel $0xFFFF  }
0xc1: {  	[dreg:$0x0] =	wrdreg $0xFFFFFFFF;
	(pc) =	sbr.abs _section_cstart, $3  }
0xc2: {  	[dreg:$0x1] =	wrdreg $0xFFFFFFFF  }
0xc3: {  	_ =	task.clear_ibuf [dreg:s7], $0x2FFFF;
	_ =	strace $0x9FFFFFFF  }
0xc4: {  	(tm) =	ssettm $0x7FFFFFFF  }
0xc5: {  	_ =	shalt  }
tec
execute0_lowered:
.L_overlay_start_1:
0x0: {  	(tag) =	ssettag $0x1  }
0x1: {  	s1 =	rddreg [dreg:$0x0]  }
0x2: {  	s12 =	rddreg [dreg:$0x1]  }
0x3: {  	s3 =	rddreg [dreg:$0x2]  }
0x4: {  	s4 =	rddreg [dreg:$0x3];
	s6 =	srdreg.scid  }
0x5: {  	s2 =	stileid.u32;
	s5 =	simm.s32 $0x0;
	s20 =	simm.s32 $0x13880  }
0x6: {  	s21 =	simm.s32 $0x13920;
	s22 =	simm.s32 $0x50;
	s23 =	simm.s32 $0x138D0  }
0x7: {  	s24 =	simm.s32 $0x13970;
	s25 =	simm.s32 $0x1;
	s26 =	simm.s32 $0x0  }
0x8: {  	s13 =	sand.u32 $0x1, s6;
	s10 =	smul.u32 $0x271, s2;
	[smem:$0x7FF] =	sst s5  }
0x9: {  	v0 =	vlaneseq.u32;
	s6 =	sadd.s32 $0x3000, s12;
	s7 =	sadd.s32 $0xF600, s12;
	s17 =	smul.u32 $0x27100, s2  }
0xa: {  	v0 =	vmul.u32 $0x8, v0;
	s14 =	smul.u32 $0x2710, s13;
	s18 =	ssub.s32 $0x2, s13;
	s13 =	sshll.u32 s13, $0x1  }
0xb: {  	s8 =	sadd.s32 $0x5800, s12;
	s9 =	sadd.s32 $0x19400, s12;
	s11 =	smul.u32 $0x4E20, s2;
	v1 =	vmov s13  }
0xc: {  	s31 =	sshll.u32 s2, $0x6;
	_ =	strace $0x80000047;
	s28 =	sshrl.u32 s18, $0x1;
	v4 =	vor.u32 $0x1, v0;
	v5 =	vor.u32 $0x2, v0;
	v6 =	vor.u32 $0x3, v0  }
0xd: {  	s29 =	sshrl.u32 s17, $0x2;
	s30 =	sshrl.u32 s11, $0x2;
	v7 =	vor.u32 $0x80, v0;
	v8 =	vor.u32 $0x81, v0;
	v9 =	vor.u32 $0x82, v0;
	s15 =	sadd.s32 s10, s14  }
0xe: {  	v10 =	vor.u32 $0x83, v0;
	v11 =	vor.u32 $0x100, v0;
	v12 =	vor.u32 $0x101, v0;
	s10 =	sadd.s32 $0x1A800, s12;
	s18 =	ssub.s32 s18, s28;
	s17 =	sadd.s32 s29, s3  }
0xf: {  	v13 =	vor.u32 $0x102, v0;
	v14 =	vor.u32 $0x103, v0;
	v15 =	vor.u32 $0x180, v0;
	s19 =	sadd.s32 s30, s4;
	s16 =	sshll.u32 s15, $0x3;
	s15 =	sadd.s32 s15, s12  }
0x10: {  	v16 =	vor.u32 $0x181, v0;
	v17 =	vor.u32 $0x182, v0;
	v2 =	vmov s14;
	s14 =	smax.u32 s18, $0x1;
	s17 =	sshrl.u32 s17, $0x3;
	s18 =	sshrl.u32 s19, $0x3  }
0x11: {  	v18 =	vor.u32 $0x183, v0;
	v19 =	vor.u32 $0x200, v0;
	v20 =	vor.u32 $0x201, v0;
	s19 =	simm.s32 $0x14D70;
	s16 =	sadd.s32 s16, s12;
	s13 =	sadd.s32 $0x41E00, s15  }
0x12: {  	v21 =	vor.u32 $0x202, v0;
	v22 =	vor.u32 $0x203, v0;
	v3 =	vor.u32 $0x1, v1;
	s15 =	simm.s32 $0x2;
	s12 =	sadd.s32 $0x1AC00, s16;
	s16 =	sor.u32 $0x1C02, s31  }
.LBB2_1:
0x13: {  	[tilespmem:s5], [sflag:$0x2] =	stream.linear.gather [hbm4b:s6+s5], $0x13880, $0x38;
	v63 =	vld [tilespmem:$0x0]  }
0x14: {  	_ =	swait.ge [sflag:s15], $0x13880  }
0x15: {  	[sflag:s15] =	ssyncset.done $0x0  }
0x16: {  	[sflag:s15] =	ssyncadd.s32 $0xFFFEC780  }
0x17: {  	[spmem:s17], [sflag:s16] =	dma.local [hbm:s9], $0x1388  }
0x18: {  	_ =	swait.ge [sflag:s15], $0x1388  }
0x19: {  	[sflag:s15] =	ssyncset.done $0x0  }
0x1a: {  	[sflag:s15] =	ssyncadd.s32 $0xFFFFEC78  }
0x1b: {  	[spmem:s18], [sflag:s16] =	dma.local [hbm:s10], $0x271  }
0x1c: {  	_ =	swait.ge [sflag:s15], $0x271  }
0x1d: {  	[sflag:s15] =	ssyncset.done $0x0  }
0x1e: {  	[sflag:s15] =	ssyncadd.s32 $0xFFFFFD8F  }
0x1f: {  	[tilespmem:s19], [sflag:$0x2] =	stream.linear.gather [hbm4b:s10+s5], $0x280, $0x38;
	v63 =	vld [tilespmem:$0x0]  }
0x20: {  	_ =	swait.ge [sflag:s15], $0x280  }
0x21: {  	[sflag:s15] =	ssyncset.done $0x0  }
0x22: {  	[sflag:s15] =	ssyncadd.s32 $0xFFFFFD80  }
0x23: {  	s28 =	simm.s32 $0x0;
	[bflag:$0x0] =	sbarrier.arrive $0xFFFF  }
.LBB2_2:
0x24: {  	s29 =	smul.u32 $0x50, s28;
	_ =	sdelay $0x1  }
0x25: {  	s29 =	sadd.s32 s11, s29  }
0x26: {  	s30 =	sshrl.u32 s29, $0x3  }
0x27: {  	s29 =	simm.s32 $0x0;
	s31 =	sadd.s32 s7, s30  }
0x28: {  	[tilespmem:s20], [sflag:$0x2] =	stream.linear.gather [hbm4b:s31+s29], $0x50, $0x38;
	v63 =	vld [tilespmem:$0x0]  }
0x29: {  	_ =	swait.ge [sflag:s15], $0x50  }
0x2a: {  	[sflag:s15] =	ssyncset.done $0x0  }
0x2b: {  	s30 =	sadd.s32 s8, s30;
	[sflag:s15] =	ssyncadd.s32 $0xFFFFFFB0  }
0x2c: {  	[tilespmem:s21], [sflag:$0x2] =	stream.linear.gather [hbm4b:s30+s29], $0x50, $0x38;
	v63 =	vld [tilespmem:$0x0]  }
0x2d: {  	_ =	swait.ge [sflag:s15], $0x50  }
0x2e: {  	[sflag:s15] =	ssyncset.done $0x0  }
0x2f: {  	[sflag:s15] =	ssyncadd.s32 $0xFFFFFFB0  }
0x30: {  	v23 =	vld [tilespmem:$0x13880]  }
0x31: {  	v24 =	vld [tilespmem:$0x13890]  }
0x32: {  	v25 =	vld [tilespmem:$0x138A0]  }
0x33: {  	v26 =	vld [tilespmem:$0x138B0]  }
0x34: {  	v27 =	vld [tilespmem:$0x138C0]  }
0x35: {  	v23 =	vadd.s32 v2, v23  }
0x36: {  	[tilespmem:$0x138D0] =	vst v23;
	v23 =	vadd.s32 v2, v24  }
0x37: {  	[tilespmem:$0x138E0] =	vst v23;
	v23 =	vadd.s32 v2, v25  }
0x38: {  	[tilespmem:$0x138F0] =	vst v23;
	v23 =	vadd.s32 v2, v26  }
0x39: {  	[tilespmem:$0x13900] =	vst v23;
	v23 =	vadd.s32 v2, v27  }
0x3a: {  	[tilespmem:$0x13910] =	vst v23  }
0x3b: {  	[tilespmem:s24], [sflag:$0x1] =	stream.indirect.gather [hbm4b:s1+s22], $0x40, s23, s22, $0xb8;
	v63 =	vld [tilespmem:$0x0]  }
0x3c: {  	_ =	swait.ge [sflag:s25], $0x1400  }
0x3d: {  	[sflag:s25] =	ssyncset.done $0x0  }
0x3e: {  	[sflag:s25] =	ssyncadd.s32 $0xFFFFEC00  }
0x3f: {  	v23 =	vld [tilespmem:$0x13880]  }
0x40: {  	v24 =	vld [tilespmem:$0x13920];
	_ =	sdelay $0x4  }
0x41: {  	v23 =	vshll.u32 v23, $0x3;
	v24 =	vshll.u32 v24, $0x3  }
0x42: {  	v25 =	vor.u32 $0x4, v24;
	_ =	sdelay $0x3  }
0x43: {  	v26 =	vld.idx.msk [tilespmem:v23+s29+$0x0], $0xffff  }
0x44: {  	v25 =	vld.idx.msk [tilespmem:v25+s29+$0x0], $0xffff;
	_ =	sdelay $0x4  }
0x45: {  	v25 =	vadd.f32 v25, v26;
	_ =	sdelay $0x1  }
0x46: {  	v26 =	vmul.f32 $2.000000030e-01, v25  }
0x47: {  	vm0 =	vge.f32 v25, $0.0e+00  }
0x48: {  	v25 =	vsel vm0, v25, v26  }
0x49: {  	v25 =	vmul.f32 $1.442695020e+00, v25;
	_ =	sdelay $0x1  }
0x4a: {  	(erf) = vpow2.f32 v25;
	_ =	sdelay $0x5  }
0x4b: {  	v25 =	vor.u32 $0x1, v23  }
0x4c: {  	v26 =	vor.u32 $0x5, v24;
	_ =	sdelay $0x1  }
0x4d: {  	v27 =	vpop (erf)  }
0x4e: {  	[tilespmem:v0+s19+$0x0] =	vst.idx.msk $0xffff, v27  }
0x4f: {  	v25 =	vld.idx.msk [tilespmem:v25+s29+$0x0], $0xffff  }
0x50: {  	v26 =	vld.idx.msk [tilespmem:v26+s29+$0x0], $0xffff;
	_ =	sdelay $0x4  }
0x51: {  	v25 =	vadd.f32 v26, v25;
	_ =	sdelay $0x1  }
0x52: {  	v26 =	vmul.f32 $2.000000030e-01, v25  }
0x53: {  	vm9 =	vge.f32 v25, $0.0e+00  }
0x54: {  	v25 =	vsel vm9, v25, v26  }
0x55: {  	v25 =	vmul.f32 $1.442695020e+00, v25;
	_ =	sdelay $0x1  }
0x56: {  	(erf) = vpow2.f32 v25;
	_ =	sdelay $0x5  }
0x57: {  	v25 =	vor.u32 $0x2, v23  }
0x58: {  	v26 =	vor.u32 $0x6, v24;
	_ =	sdelay $0x1  }
0x59: {  	v27 =	vpop (erf)  }
0x5a: {  	[tilespmem:v4+s19+$0x0] =	vst.idx.msk $0xffff, v27  }
0x5b: {  	v25 =	vld.idx.msk [tilespmem:v25+s29+$0x0], $0xffff  }
0x5c: {  	v26 =	vld.idx.msk [tilespmem:v26+s29+$0x0], $0xffff;
	_ =	sdelay $0x4  }
0x5d: {  	v25 =	vadd.f32 v26, v25;
	_ =	sdelay $0x1  }
0x5e: {  	v26 =	vmul.f32 $2.000000030e-01, v25  }
0x5f: {  	vm10 =	vge.f32 v25, $0.0e+00  }
0x60: {  	v25 =	vsel vm10, v25, v26  }
0x61: {  	v25 =	vmul.f32 $1.442695020e+00, v25;
	_ =	sdelay $0x1  }
0x62: {  	(erf) = vpow2.f32 v25;
	_ =	sdelay $0x5  }
0x63: {  	v23 =	vor.u32 $0x3, v23  }
0x64: {  	v24 =	vor.u32 $0x7, v24;
	_ =	sdelay $0x1  }
0x65: {  	v25 =	vpop (erf)  }
0x66: {  	[tilespmem:v5+s19+$0x0] =	vst.idx.msk $0xffff, v25  }
0x67: {  	v23 =	vld.idx.msk [tilespmem:v23+s29+$0x0], $0xffff  }
0x68: {  	v24 =	vld.idx.msk [tilespmem:v24+s29+$0x0], $0xffff;
	_ =	sdelay $0x4  }
0x69: {  	v23 =	vadd.f32 v24, v23;
	_ =	sdelay $0x1  }
0x6a: {  	v24 =	vmul.f32 $2.000000030e-01, v23  }
0x6b: {  	vm11 =	vge.f32 v23, $0.0e+00  }
0x6c: {  	v23 =	vsel vm11, v23, v24  }
0x6d: {  	v23 =	vmul.f32 $1.442695020e+00, v23;
	_ =	sdelay $0x1  }
0x6e: {  	(erf) = vpow2.f32 v23;
	_ =	sdelay $0x8  }
0x6f: {  	v23 =	vpop (erf)  }
0x70: {  	[tilespmem:v6+s19+$0x0] =	vst.idx.msk $0xffff, v23  }
0x71: {  	v23 =	vld [tilespmem:$0x13890]  }
0x72: {  	v24 =	vld [tilespmem:$0x13930];
	_ =	sdelay $0x4  }
0x73: {  	v23 =	vshll.u32 v23, $0x3;
	v24 =	vshll.u32 v24, $0x3  }
0x74: {  	v25 =	vor.u32 $0x4, v24;
	_ =	sdelay $0x3  }
0x75: {  	v26 =	vld.idx.msk [tilespmem:v23+s29+$0x0], $0xffff  }
0x76: {  	v25 =	vld.idx.msk [tilespmem:v25+s29+$0x0], $0xffff;
	_ =	sdelay $0x4  }
0x77: {  	v25 =	vadd.f32 v25, v26;
	_ =	sdelay $0x1  }
0x78: {  	v26 =	vmul.f32 $2.000000030e-01, v25  }
0x79: {  	vm12 =	vge.f32 v25, $0.0e+00  }
0x7a: {  	v25 =	vsel vm12, v25, v26  }
0x7b: {  	v25 =	vmul.f32 $1.442695020e+00, v25;
	_ =	sdelay $0x1  }
0x7c: {  	(erf) = vpow2.f32 v25;
	_ =	sdelay $0x5  }
0x7d: {  	v25 =	vor.u32 $0x1, v23  }
0x7e: {  	v26 =	vor.u32 $0x5, v24;
	_ =	sdelay $0x1  }
0x7f: {  	v27 =	vpop (erf)  }
0x80: {  	[tilespmem:v7+s19+$0x0] =	vst.idx.msk $0xffff, v27  }
0x81: {  	v25 =	vld.idx.msk [tilespmem:v25+s29+$0x0], $0xffff  }
0x82: {  	v26 =	vld.idx.msk [tilespmem:v26+s29+$0x0], $0xffff;
	_ =	sdelay $0x4  }
0x83: {  	v25 =	vadd.f32 v26, v25;
	_ =	sdelay $0x1  }
0x84: {  	v26 =	vmul.f32 $2.000000030e-01, v25  }
0x85: {  	vm13 =	vge.f32 v25, $0.0e+00  }
0x86: {  	v25 =	vsel vm13, v25, v26  }
0x87: {  	v25 =	vmul.f32 $1.442695020e+00, v25;
	_ =	sdelay $0x1  }
0x88: {  	(erf) = vpow2.f32 v25;
	_ =	sdelay $0x5  }
0x89: {  	v25 =	vor.u32 $0x2, v23  }
0x8a: {  	v26 =	vor.u32 $0x6, v24;
	_ =	sdelay $0x1  }
0x8b: {  	v27 =	vpop (erf)  }
0x8c: {  	[tilespmem:v8+s19+$0x0] =	vst.idx.msk $0xffff, v27  }
0x8d: {  	v25 =	vld.idx.msk [tilespmem:v25+s29+$0x0], $0xffff  }
0x8e: {  	v26 =	vld.idx.msk [tilespmem:v26+s29+$0x0], $0xffff;
	_ =	sdelay $0x4  }
0x8f: {  	v25 =	vadd.f32 v26, v25;
	_ =	sdelay $0x1  }
0x90: {  	v26 =	vmul.f32 $2.000000030e-01, v25  }
0x91: {  	vm14 =	vge.f32 v25, $0.0e+00  }
0x92: {  	v25 =	vsel vm14, v25, v26  }
0x93: {  	v25 =	vmul.f32 $1.442695020e+00, v25;
	_ =	sdelay $0x1  }
0x94: {  	(erf) = vpow2.f32 v25;
	_ =	sdelay $0x5  }
0x95: {  	v23 =	vor.u32 $0x3, v23  }
0x96: {  	v24 =	vor.u32 $0x7, v24;
	_ =	sdelay $0x1  }
0x97: {  	v25 =	vpop (erf)  }
0x98: {  	[tilespmem:v9+s19+$0x0] =	vst.idx.msk $0xffff, v25  }
0x99: {  	v23 =	vld.idx.msk [tilespmem:v23+s29+$0x0], $0xffff  }
0x9a: {  	v24 =	vld.idx.msk [tilespmem:v24+s29+$0x0], $0xffff;
	_ =	sdelay $0x4  }
0x9b: {  	v23 =	vadd.f32 v24, v23;
	_ =	sdelay $0x1  }
0x9c: {  	v24 =	vmul.f32 $2.000000030e-01, v23  }
0x9d: {  	vm15 =	vge.f32 v23, $0.0e+00  }
0x9e: {  	v23 =	vsel vm15, v23, v24  }
0x9f: {  	v23 =	vmul.f32 $1.442695020e+00, v23;
	_ =	sdelay $0x1  }
0xa0: {  	(erf) = vpow2.f32 v23;
	_ =	sdelay $0x8  }
0xa1: {  	v23 =	vpop (erf)  }
0xa2: {  	[tilespmem:v10+s19+$0x0] =	vst.idx.msk $0xffff, v23  }
0xa3: {  	v23 =	vld [tilespmem:$0x138A0]  }
0xa4: {  	v24 =	vld [tilespmem:$0x13940];
	_ =	sdelay $0x4  }
0xa5: {  	v23 =	vshll.u32 v23, $0x3;
	v24 =	vshll.u32 v24, $0x3  }
0xa6: {  	v25 =	vor.u32 $0x4, v24;
	_ =	sdelay $0x3  }
0xa7: {  	v26 =	vld.idx.msk [tilespmem:v23+s29+$0x0], $0xffff  }
0xa8: {  	v25 =	vld.idx.msk [tilespmem:v25+s29+$0x0], $0xffff;
	_ =	sdelay $0x4  }
0xa9: {  	v25 =	vadd.f32 v25, v26;
	_ =	sdelay $0x1  }
0xaa: {  	v26 =	vmul.f32 $2.000000030e-01, v25  }
0xab: {  	vm4 =	vge.f32 v25, $0.0e+00  }
0xac: {  	v25 =	vsel vm4, v25, v26  }
0xad: {  	v25 =	vmul.f32 $1.442695020e+00, v25;
	_ =	sdelay $0x1  }
0xae: {  	(erf) = vpow2.f32 v25;
	_ =	sdelay $0x5  }
0xaf: {  	v25 =	vor.u32 $0x1, v23  }
0xb0: {  	v26 =	vor.u32 $0x5, v24;
	_ =	sdelay $0x1  }
0xb1: {  	v27 =	vpop (erf)  }
0xb2: {  	[tilespmem:v11+s19+$0x0] =	vst.idx.msk $0xffff, v27  }
0xb3: {  	v25 =	vld.idx.msk [tilespmem:v25+s29+$0x0], $0xffff  }
0xb4: {  	v26 =	vld.idx.msk [tilespmem:v26+s29+$0x0], $0xffff;
	_ =	sdelay $0x4  }
0xb5: {  	v25 =	vadd.f32 v26, v25;
	_ =	sdelay $0x1  }
0xb6: {  	v26 =	vmul.f32 $2.000000030e-01, v25  }
0xb7: {  	vm5 =	vge.f32 v25, $0.0e+00  }
0xb8: {  	v25 =	vsel vm5, v25, v26  }
0xb9: {  	v25 =	vmul.f32 $1.442695020e+00, v25;
	_ =	sdelay $0x1  }
0xba: {  	(erf) = vpow2.f32 v25;
	_ =	sdelay $0x5  }
0xbb: {  	v25 =	vor.u32 $0x2, v23  }
0xbc: {  	v26 =	vor.u32 $0x6, v24;
	_ =	sdelay $0x1  }
0xbd: {  	v27 =	vpop (erf)  }
0xbe: {  	[tilespmem:v12+s19+$0x0] =	vst.idx.msk $0xffff, v27  }
0xbf: {  	v25 =	vld.idx.msk [tilespmem:v25+s29+$0x0], $0xffff  }
0xc0: {  	v26 =	vld.idx.msk [tilespmem:v26+s29+$0x0], $0xffff;
	_ =	sdelay $0x4  }
0xc1: {  	v25 =	vadd.f32 v26, v25;
	_ =	sdelay $0x1  }
0xc2: {  	v26 =	vmul.f32 $2.000000030e-01, v25  }
0xc3: {  	vm6 =	vge.f32 v25, $0.0e+00  }
0xc4: {  	v25 =	vsel vm6, v25, v26  }
0xc5: {  	v25 =	vmul.f32 $1.442695020e+00, v25;
	_ =	sdelay $0x1  }
0xc6: {  	(erf) = vpow2.f32 v25;
	_ =	sdelay $0x5  }
0xc7: {  	v23 =	vor.u32 $0x3, v23  }
0xc8: {  	v24 =	vor.u32 $0x7, v24;
	_ =	sdelay $0x1  }
0xc9: {  	v25 =	vpop (erf)  }
0xca: {  	[tilespmem:v13+s19+$0x0] =	vst.idx.msk $0xffff, v25  }
0xcb: {  	v23 =	vld.idx.msk [tilespmem:v23+s29+$0x0], $0xffff  }
0xcc: {  	v24 =	vld.idx.msk [tilespmem:v24+s29+$0x0], $0xffff;
	_ =	sdelay $0x4  }
0xcd: {  	v23 =	vadd.f32 v24, v23;
	_ =	sdelay $0x1  }
0xce: {  	v24 =	vmul.f32 $2.000000030e-01, v23  }
0xcf: {  	vm7 =	vge.f32 v23, $0.0e+00  }
0xd0: {  	v23 =	vsel vm7, v23, v24  }
0xd1: {  	v23 =	vmul.f32 $1.442695020e+00, v23;
	_ =	sdelay $0x1  }
0xd2: {  	(erf) = vpow2.f32 v23;
	_ =	sdelay $0x8  }
0xd3: {  	v23 =	vpop (erf)  }
0xd4: {  	[tilespmem:v14+s19+$0x0] =	vst.idx.msk $0xffff, v23  }
0xd5: {  	v23 =	vld [tilespmem:$0x138B0]  }
0xd6: {  	v24 =	vld [tilespmem:$0x13950];
	_ =	sdelay $0x4  }
0xd7: {  	v23 =	vshll.u32 v23, $0x3;
	v24 =	vshll.u32 v24, $0x3  }
0xd8: {  	v25 =	vor.u32 $0x4, v24;
	_ =	sdelay $0x3  }
0xd9: {  	v26 =	vld.idx.msk [tilespmem:v23+s29+$0x0], $0xffff  }
0xda: {  	v25 =	vld.idx.msk [tilespmem:v25+s29+$0x0], $0xffff;
	_ =	sdelay $0x4  }
0xdb: {  	v25 =	vadd.f32 v25, v26;
	_ =	sdelay $0x1  }
0xdc: {  	v26 =	vmul.f32 $2.000000030e-01, v25  }
0xdd: {  	vm8 =	vge.f32 v25, $0.0e+00  }
0xde: {  	v25 =	vsel vm8, v25, v26  }
0xdf: {  	v25 =	vmul.f32 $1.442695020e+00, v25;
	_ =	sdelay $0x1  }
0xe0: {  	(erf) = vpow2.f32 v25;
	_ =	sdelay $0x5  }
0xe1: {  	v25 =	vor.u32 $0x1, v23  }
0xe2: {  	v26 =	vor.u32 $0x5, v24;
	_ =	sdelay $0x1  }
0xe3: {  	v27 =	vpop (erf)  }
0xe4: {  	[tilespmem:v15+s19+$0x0] =	vst.idx.msk $0xffff, v27  }
0xe5: {  	v25 =	vld.idx.msk [tilespmem:v25+s29+$0x0], $0xffff  }
0xe6: {  	v26 =	vld.idx.msk [tilespmem:v26+s29+$0x0], $0xffff;
	_ =	sdelay $0x4  }
0xe7: {  	v25 =	vadd.f32 v26, v25;
	_ =	sdelay $0x1  }
0xe8: {  	v26 =	vmul.f32 $2.000000030e-01, v25  }
0xe9: {  	vm9 =	vge.f32 v25, $0.0e+00  }
0xea: {  	v25 =	vsel vm9, v25, v26  }
0xeb: {  	v25 =	vmul.f32 $1.442695020e+00, v25;
	_ =	sdelay $0x1  }
0xec: {  	(erf) = vpow2.f32 v25;
	_ =	sdelay $0x5  }
0xed: {  	v25 =	vor.u32 $0x2, v23  }
0xee: {  	v26 =	vor.u32 $0x6, v24;
	_ =	sdelay $0x1  }
0xef: {  	v27 =	vpop (erf)  }
0xf0: {  	[tilespmem:v16+s19+$0x0] =	vst.idx.msk $0xffff, v27  }
0xf1: {  	v25 =	vld.idx.msk [tilespmem:v25+s29+$0x0], $0xffff  }
0xf2: {  	v26 =	vld.idx.msk [tilespmem:v26+s29+$0x0], $0xffff;
	_ =	sdelay $0x4  }
0xf3: {  	v25 =	vadd.f32 v26, v25;
	_ =	sdelay $0x1  }
0xf4: {  	v26 =	vmul.f32 $2.000000030e-01, v25  }
0xf5: {  	vm10 =	vge.f32 v25, $0.0e+00  }
0xf6: {  	v25 =	vsel vm10, v25, v26  }
0xf7: {  	v25 =	vmul.f32 $1.442695020e+00, v25;
	_ =	sdelay $0x1  }
0xf8: {  	(erf) = vpow2.f32 v25;
	_ =	sdelay $0x5  }
0xf9: {  	v23 =	vor.u32 $0x3, v23  }
0xfa: {  	v24 =	vor.u32 $0x7, v24;
	_ =	sdelay $0x1  }
0xfb: {  	v25 =	vpop (erf)  }
0xfc: {  	[tilespmem:v17+s19+$0x0] =	vst.idx.msk $0xffff, v25  }
0xfd: {  	v23 =	vld.idx.msk [tilespmem:v23+s29+$0x0], $0xffff  }
0xfe: {  	v24 =	vld.idx.msk [tilespmem:v24+s29+$0x0], $0xffff;
	_ =	sdelay $0x4  }
0xff: {  	v23 =	vadd.f32 v24, v23;
	_ =	sdelay $0x1  }
0x100: {  	v24 =	vmul.f32 $2.000000030e-01, v23  }
0x101: {  	vm11 =	vge.f32 v23, $0.0e+00  }
0x102: {  	v23 =	vsel vm11, v23, v24  }
0x103: {  	v23 =	vmul.f32 $1.442695020e+00, v23;
	_ =	sdelay $0x1  }
0x104: {  	(erf) = vpow2.f32 v23;
	_ =	sdelay $0x8  }
0x105: {  	v23 =	vpop (erf)  }
0x106: {  	[tilespmem:v18+s19+$0x0] =	vst.idx.msk $0xffff, v23  }
0x107: {  	v23 =	vld [tilespmem:$0x138C0]  }
0x108: {  	v24 =	vld [tilespmem:$0x13960];
	_ =	sdelay $0x4  }
0x109: {  	v23 =	vshll.u32 v23, $0x3;
	v24 =	vshll.u32 v24, $0x3  }
0x10a: {  	v25 =	vor.u32 $0x4, v24;
	_ =	sdelay $0x3  }
0x10b: {  	v26 =	vld.idx.msk [tilespmem:v23+s29+$0x0], $0xffff  }
0x10c: {  	v25 =	vld.idx.msk [tilespmem:v25+s29+$0x0], $0xffff;
	_ =	sdelay $0x4  }
0x10d: {  	v25 =	vadd.f32 v25, v26;
	_ =	sdelay $0x1  }
0x10e: {  	v26 =	vmul.f32 $2.000000030e-01, v25  }
0x10f: {  	vm12 =	vge.f32 v25, $0.0e+00  }
0x110: {  	v25 =	vsel vm12, v25, v26  }
0x111: {  	v25 =	vmul.f32 $1.442695020e+00, v25;
	_ =	sdelay $0x1  }
0x112: {  	(erf) = vpow2.f32 v25;
	_ =	sdelay $0x5  }
0x113: {  	v25 =	vor.u32 $0x1, v23  }
0x114: {  	v26 =	vor.u32 $0x5, v24;
	_ =	sdelay $0x1  }
0x115: {  	v27 =	vpop (erf)  }
0x116: {  	[tilespmem:v19+s19+$0x0] =	vst.idx.msk $0xffff, v27  }
0x117: {  	v25 =	vld.idx.msk [tilespmem:v25+s29+$0x0], $0xffff  }
0x118: {  	v26 =	vld.idx.msk [tilespmem:v26+s29+$0x0], $0xffff;
	_ =	sdelay $0x4  }
0x119: {  	v25 =	vadd.f32 v26, v25;
	_ =	sdelay $0x1  }
0x11a: {  	v26 =	vmul.f32 $2.000000030e-01, v25  }
0x11b: {  	vm13 =	vge.f32 v25, $0.0e+00  }
0x11c: {  	v25 =	vsel vm13, v25, v26  }
0x11d: {  	v25 =	vmul.f32 $1.442695020e+00, v25;
	_ =	sdelay $0x1  }
0x11e: {  	(erf) = vpow2.f32 v25;
	_ =	sdelay $0x5  }
0x11f: {  	v25 =	vor.u32 $0x2, v23  }
0x120: {  	v26 =	vor.u32 $0x6, v24;
	_ =	sdelay $0x1  }
0x121: {  	v27 =	vpop (erf)  }
0x122: {  	[tilespmem:v20+s19+$0x0] =	vst.idx.msk $0xffff, v27  }
0x123: {  	v25 =	vld.idx.msk [tilespmem:v25+s29+$0x0], $0xffff  }
0x124: {  	v26 =	vld.idx.msk [tilespmem:v26+s29+$0x0], $0xffff;
	_ =	sdelay $0x4  }
0x125: {  	v25 =	vadd.f32 v26, v25;
	_ =	sdelay $0x1  }
0x126: {  	v26 =	vmul.f32 $2.000000030e-01, v25  }
0x127: {  	vm14 =	vge.f32 v25, $0.0e+00  }
0x128: {  	v25 =	vsel vm14, v25, v26  }
0x129: {  	v25 =	vmul.f32 $1.442695020e+00, v25;
	_ =	sdelay $0x1  }
0x12a: {  	(erf) = vpow2.f32 v25;
	_ =	sdelay $0x5  }
0x12b: {  	v23 =	vor.u32 $0x3, v23  }
0x12c: {  	v24 =	vor.u32 $0x7, v24;
	_ =	sdelay $0x1  }
0x12d: {  	v25 =	vpop (erf)  }
0x12e: {  	[tilespmem:v21+s19+$0x0] =	vst.idx.msk $0xffff, v25  }
0x12f: {  	v23 =	vld.idx.msk [tilespmem:v23+s29+$0x0], $0xffff  }
0x130: {  	v24 =	vld.idx.msk [tilespmem:v24+s29+$0x0], $0xffff;
	_ =	sdelay $0x4  }
0x131: {  	v23 =	vadd.f32 v24, v23;
	_ =	sdelay $0x1  }
0x132: {  	v24 =	vmul.f32 $2.000000030e-01, v23  }
0x133: {  	vm15 =	vge.f32 v23, $0.0e+00  }
0x134: {  	v23 =	vsel vm15, v23, v24  }
0x135: {  	v23 =	vmul.f32 $1.442695020e+00, v23;
	_ =	sdelay $0x1  }
0x136: {  	(erf) = vpow2.f32 v23;
	_ =	sdelay $0x5  }
0x137: {  	s29 =	simm.s32 $0x0  }
0x138: {  	v23 =	vor.u32 s29, v1;
	_ =	sdelay $0x1  }
0x139: {  	v25 =	vor.u32 s29, v3;
	v24 =	vpop (erf)  }
0x13a: {  	s29 =	simm.s32 $0x13990;
	[tilespmem:v22+s19+$0x0] =	vst.idx.msk $0xffff, v24  }
0x13b: {  	v27 =	vld [tilespmem:s29+$0xFFFFFFE0]  }
0x13c: {  	v23 =	vld.idx.msk [tilespmem:v23+s19+$0x0], $0xffff  }
0x13d: {  	v24 =	vld [tilespmem:s29+$0xFFFFFFF0]  }
0x13e: {  	v26 =	vld.idx.msk [tilespmem:v25+s19+$0x0], $0xffff  }
0x13f: {  	v29 =	vld [tilespmem:s29+$0x0];
	_ =	sdelay $0x1  }
0x140: {  	v28 =	vmul.f32 v27, v23;
	v27 =	vld [tilespmem:s29+$0x10]  }
0x141: {  	s31 =	simm.s32 $0x8  }
0x142: {  	v25 =	vor.u32 s31, v1  }
0x143: {  	s30 =	simm.s32 $0x2;
	v23 =	vmul.f32 v24, v23;
	v24 =	vor.u32 s31, v3;
	v29 =	vmul.f32 v29, v26;
	s31 =	simm.s32 $0x13990  }
.LBB2_3:
0x144: {  	p0 =	sne.s32 s30, $0x4F  }
0x145: {  	[tilespmem:s29+$0xFFFFFFE0] =	vst v28;
	v26 =	vmul.f32 v27, v26;
	s31 =	sadd.s32 $0x40, s31;
	s0 =	smov.u32 s30;
	s30 =	sadd.s32 $0x1, s30  }
0x146: {  	[tilespmem:s29+$0x0] =	vst v29  }
0x147: {  	v29 =	vld [tilespmem:s31+$0xFFFFFFF0];
	[tilespmem:s29+$0x10] =	vst v26  }
0x148: {  	v28 =	vld [tilespmem:s31+$0xFFFFFFE0];
	[tilespmem:s29+$0xFFFFFFF0] =	vst v23;
	s29 =	smov.u32 s31  }
0x149: {  	v23 =	vld.idx.msk [tilespmem:v25+s19+$0x0], $0xffff  }
0x14a: {  	v26 =	vld.idx.msk [tilespmem:v24+s19+$0x0], $0xffff  }
0x14b: {  	v30 =	vld [tilespmem:s31+$0x0]  }
.Ltmp0:
0x14c: {  	v27 =	vld [tilespmem:s31+$0x10];
	(pc) =	sbr.rel @p0 .LBB2_3-.Ltmp0, $3  }
0x14d: {  	_ =	sdelay $0x1  }
0x14e: {  	s0 =	sshll.u32 s0, $0x3;
	v28 =	vmul.f32 v28, v23;
	v23 =	vmul.f32 v29, v23  }
0x14f: {  	v25 =	vor.u32 s0, v1;
	v24 =	vor.u32 s0, v3;
	v29 =	vmul.f32 v30, v26  }
0x150: {  	[tilespmem:s29+$0xFFFFFFE0] =	vst v28;
	v26 =	vmul.f32 v27, v26  }
0x151: {  	s0 =	sadd.s32 $0x40, s31;
	[tilespmem:s29+$0x0] =	vst v29  }
0x152: {  	v61 =	vld [tilespmem:s0+$0xFFFFFFF0];
	[tilespmem:s29+$0x10] =	vst v26  }
0x153: {  	v26 =	vld [tilespmem:s0+$0xFFFFFFE0];
	[tilespmem:s29+$0xFFFFFFF0] =	vst v23  }
0x154: {  	v23 =	vld.idx.msk [tilespmem:v25+s19+$0x0], $0xffff  }
0x155: {  	v24 =	vld.idx.msk [tilespmem:v24+s19+$0x0], $0xffff  }
0x156: {  	v62 =	vld [tilespmem:s0+$0x0]  }
0x157: {  	v28 =	vld [tilespmem:s0+$0x10];
	_ =	sdelay $0x2  }
0x158: {  	v26 =	vmul.f32 v26, v23  }
0x159: {  	v25 =	vmul.f32 v62, v24  }
0x15a: {  	v24 =	vmul.f32 v28, v24;
	[tilespmem:s0+$0xFFFFFFE0] =	vst v26  }
0x15b: {  	v23 =	vmul.f32 v61, v23;
	[tilespmem:s0+$0x0] =	vst v25  }
0x15c: {  	[tilespmem:s0+$0x10] =	vst v24  }
0x15d: {  	[tilespmem:s0+$0xFFFFFFF0] =	vst v23  }
0x15e: {  	[spmem:s3] =	stream.indirect.scatter.add.f32 [tilespmem:s24], [sflag:$0x2], $0x40, s21, s22, $0xb8;
	v63 =	vld [tilespmem:$0x0]  }
0x15f: {  	s28 =	sadd.s32 $0x1, s28;
	_ =	swait.ge [sflag:s15], $0x1400  }
0x160: {  	p0 =	sne.s32 s28, $0xFA;
	[sflag:s15] =	ssyncset.done $0x0  }
.Ltmp1:
0x161: {  	[sflag:s15] =	ssyncadd.s32 $0xFFFFEC00;
	(pc) =	sbr.rel @p0 .LBB2_2-.Ltmp1, $4  }
0x162: {  	[spmem:s4] =	stream.indirect.scatter.add.f32 [tilespmem:s19], [sflag:$0x2], $0x8, s21, s22, $0xb8;
	v63 =	vld [tilespmem:$0x0]  }
0x163: {  	_ =	swait.ge [sflag:s15], $0x280  }
0x164: {  	[sflag:s15] =	ssyncset.done $0x0  }
0x165: {  	[sflag:s15] =	ssyncadd.s32 $0xFFFFFD80  }
0x166: {  	[bflag:$0x0] =	sbarrier.arrive $0xFFFF  }
0x167: {  	[hbm:s12], [sflag:s16] =	dma.local [spmem:s17], $0x1388  }
0x168: {  	s26 =	sadd.s32 $0x1, s26;
	_ =	swait.ge [sflag:s15], $0x1388  }
0x169: {  	p0 =	sne.s32 s26, s14;
	[sflag:s15] =	ssyncset.done $0x0  }
.Ltmp2:
0x16a: {  	[sflag:s15] =	ssyncadd.s32 $0xFFFFEC78;
	(pc) =	sbr.rel @p0 .LBB2_1-.Ltmp2, $4  }
0x16b: {  	[hbm:s13], [sflag:s16] =	dma.local [spmem:s18], $0x271  }
0x16c: {  	_ =	swait.ge [sflag:s15], $0x271  }
0x16d: {  	[sflag:s15] =	ssyncset.done $0x0  }
0x16e: {  	[sflag:s15] =	ssyncadd.s32 $0xFFFFFD8F  }
0x16f: {  	_ =	sfence.sel $0x180000  }
0x170: {  	[bflag:$0x0] =	sbarrier.arrive $0xFFFF  }
0x171: {  	_ =	strace $0x90000047  }
0x172: {  	[bflag:$0x2] =	sbarrier.arrive $0xFFFF  }
0x173: {  	p0 =	sne.s32 s2, $0x0;
	s0 =	rddreg [dreg:$0x4]  }
0x174: {  	s0 =	sadd.s32 @!p0 $0x100000, s0  }
0x175: {  	[sflag:s0] =	ssyncadd.tile.s32 @!p0 $0x1;
	_ =	shalt  }
.Lfunc_end2:
_tile_overlayer_lowered:
.L_overlay_start_2:
0x176: {  	(tag) =	ssettag $0x2  }
0x177: {  	s0 =	rddreg [dreg:$0x0];
	s2 =	stileid.u32  }
0x178: {  	s1 =	rddreg [dreg:$0x1];
	p0 =	sne.s32 s2, $0x0  }
0x179: {  	s3 =	rddreg [dreg:$0x2];
	[bflag:$0x3] =	sbarrier.arrive $0xFFFF;
	s2 =	simm.s32 @!p0 $0x1C02  }
0x17a: {  	[timem:s3], [sflag:s2] =	dma.local @!p0 [hbm:s0], s1  }
0x17b: {  	s0 =	simm.s32 @!p0 $0x2  }
0x17c: {  	_ =	swait.ge @!p0 [sflag:s0], s1  }
0x17d: {  	s1 =	ssub.s32 @!p0 $0x0, s1;
	[sflag:s0] =	ssyncset.done @!p0 $0x0  }
0x17e: {  	[sflag:s0] =	ssyncadd.s32 @!p0 s1  }
0x17f: {  	[bflag:$0x3] =	sbarrier.arrive $0xFFFF  }
0x180: {  	_ =	shalt  }

</sc_bundles>
